<compile_context>
chip_gen: v7x
topology: tpu7x:2x2x1
jax: 0.10.2.dev20260603
libtpu: 0.0.44.dev20260713+nightly
codegen_flags: <defaults>
</compile_context>

<pallas_src>
import functools

import jax
import jax.numpy as jnp
from jax import lax
from jax.experimental import pallas as pl
from jax.experimental.pallas import tpu as pltpu
from jax.experimental.pallas import tpu_sc as plsc

N, E, D, PC, NH = 10000, 160000, 256, 256, 512
HALF = 128
NC, NS = 2, 16
K = 64
NBUF = 4
NPASS = 4
EPT = -(-E // (NS * K * NBUF * NPASS)) * K * NBUF * NPASS
EPAD = EPT * NS
NCHUNK = EPT // K
PCH = NCHUNK // NPASS
ROWS_PT = (N // NS) // 8 * 8
TAIL = N - ROWS_PT * NS
APAD = 8


def _sc_segment_sum(x2, x, gidx, didx):
    mesh = plsc.VectorSubcoreMesh(core_axis_name="c", subcore_axis_name="s")

    @functools.partial(
        pl.kernel,
        mesh=mesh,
        out_type=jax.ShapeDtypeStruct((NC, N, HALF), jnp.float32),
        scratch_types=[
            pltpu.VMEM((PCH, K), jnp.int32),
            pltpu.VMEM((PCH, K), jnp.int32),
            pltpu.VMEM((NBUF, K, HALF), jnp.float32),
            pltpu.VMEM_SHARED((N + APAD, HALF), jnp.float32),
        ] + [pltpu.SemaphoreType.DMA] * (2 * NBUF),
    )
    def k(x2_hbm, x_hbm, gidx_hbm, didx_hbm, out_hbm,
          gv, dv, rows, agg, *sems):
        gsem, ssem = sems[:NBUF], sems[NBUF:]
        c = lax.axis_index("c")
        s = lax.axis_index("s")
        r0 = s * ROWS_PT
        pltpu.sync_copy(x_hbm.at[pl.ds(r0, ROWS_PT), pl.ds(c * HALF, HALF)],
                        agg.at[pl.ds(r0, ROWS_PT)])

        @pl.when(s == 0)
        def _():
            pltpu.sync_copy(
                x_hbm.at[pl.ds(ROWS_PT * NS, TAIL), pl.ds(c * HALF, HALF)],
                agg.at[pl.ds(ROWS_PT * NS, TAIL)])

        plsc.subcore_barrier()

        def gather(j, b):
            pltpu.async_copy(x2_hbm.at[gv.at[j]], rows.at[b], gsem[b])

        def gather_wait(b):
            pltpu.make_async_copy(x2_hbm.at[gv.at[0]], rows.at[b],
                                  gsem[b]).wait()

        def scatter(j, b):
            pltpu.async_copy(rows.at[b], agg.at[dv.at[j]], ssem[b], add=True)

        def scatter_wait(b):
            pltpu.make_async_copy(rows.at[b], agg.at[dv.at[0]],
                                  ssem[b]).wait()

        G = NBUF - 1

        for p in range(NPASS):
            cb = s * NCHUNK + p * PCH
            pltpu.sync_copy(gidx_hbm.at[c, pl.ds(cb, PCH)], gv)
            pltpu.sync_copy(didx_hbm.at[pl.ds(cb, PCH)], dv)

            for b in range(G):
                gather(b, b)
            gather_wait(0)
            scatter(0, 0)
            gather(G, G)
            for b in range(1, NBUF):
                gather_wait(b)
                scatter(b, b)
                scatter_wait(b - 1)
                gather(b + G, b - 1)

            def outer(i, carry):
                for b in range(NBUF):
                    j = i * NBUF + b
                    t = (b + G) % NBUF
                    gather_wait(b)
                    scatter(j, b)
                    scatter_wait(t)
                    gather(j + G, t)
                return carry

            lax.fori_loop(1, PCH // NBUF - 1, outer, 0)
            jl = PCH - NBUF
            gather_wait(0)
            scatter(jl, 0)
            scatter_wait(G % NBUF)
            gather(jl + G, G % NBUF)
            for b in range(1, NBUF):
                gather_wait(b)
                scatter(jl + b, b)
                scatter_wait(b - 1)
            scatter_wait(NBUF - 1)
        plsc.subcore_barrier()
        pltpu.sync_copy(agg.at[pl.ds(r0, ROWS_PT)],
                        out_hbm.at[c, pl.ds(r0, ROWS_PT)])

        @pl.when(s == 0)
        def _():
            pltpu.sync_copy(agg.at[pl.ds(ROWS_PT * NS, TAIL)],
                            out_hbm.at[c, pl.ds(ROWS_PT * NS, TAIL)])

    return k(x2, x, gidx, didx)


BLK = 2000


def _tc_body(a_ref, wg_ref, bg_ref, w0_ref, b0_ref, w1_ref, b1_ref,
             emb_ref, dlt_ref):
    dn = (((1,), (0,)), ((), ()))
    h0 = a_ref[0]
    h1 = a_ref[1]
    acc = lax.dot_general(h0, wg_ref[:HALF, :], dn,
                          preferred_element_type=jnp.float32)
    acc = acc + lax.dot_general(h1, wg_ref[HALF:, :], dn,
                                preferred_element_type=jnp.float32)
    e = jnp.maximum(acc + bg_ref[...], 0.0)
    emb_ref[...] = e
    t = lax.dot_general(e, w0_ref[...], dn,
                        preferred_element_type=jnp.float32) + b0_ref[...]
    t = jnp.where(t >= 0.0, t, 0.01 * t)
    dlt_ref[...] = lax.dot_general(t, w1_ref[...], dn,
                                   preferred_element_type=jnp.float32) + b1_ref[...]


def _tc_dense(agg2, W_gcn, b_gcn, W0, b0, W1, b1):
    return pl.pallas_call(
        _tc_body,
        grid=(N // BLK,),
        in_specs=[
            pl.BlockSpec((NC, BLK, HALF), lambda i: (0, i, 0)),
            pl.BlockSpec((D, PC), lambda i: (0, 0)),
            pl.BlockSpec((1, PC), lambda i: (0, 0)),
            pl.BlockSpec((PC, NH), lambda i: (0, 0)),
            pl.BlockSpec((1, NH), lambda i: (0, 0)),
            pl.BlockSpec((NH, PC), lambda i: (0, 0)),
            pl.BlockSpec((1, PC), lambda i: (0, 0)),
        ],
        out_specs=(
            pl.BlockSpec((BLK, PC), lambda i: (i, 0)),
            pl.BlockSpec((BLK, PC), lambda i: (i, 0)),
        ),
        out_shape=(
            jax.ShapeDtypeStruct((N, PC), jnp.float32),
            jax.ShapeDtypeStruct((N, PC), jnp.float32),
        ),
    )(agg2, W_gcn, b_gcn.reshape(1, PC), W0, b0.reshape(1, NH),
      W1, b1.reshape(1, PC))


def kernel(x, edge_index, W_gcn, b_gcn, W0, b0, W1, b1):
    ei = edge_index.astype(jnp.int32)
    src, dst = ei[0], ei[1]
    pad = EPAD - E
    gidx = jnp.stack([2 * src, 2 * src + 1])
    gidx = jnp.pad(gidx, ((0, 0), (0, pad)))
    gidx = gidx.reshape(NC, NS * NCHUNK, K)
    didx = jnp.pad(dst, (0, pad), constant_values=N)
    didx = didx.reshape(NS * NCHUNK, K)
    x2 = x.reshape(2 * N, HALF)
    agg2 = _sc_segment_sum(x2, x, gidx, didx)
    x_embedding, x_delta_hat = _tc_dense(agg2, W_gcn, b_gcn, W0, b0, W1, b1)
    return (x_embedding, x_delta_hat)

# --- scband reference (transcript-rebuilt; emitter-appended) ---
"""Pipeline reference for scband-mol-opt-27900107555248 (READ-ONLY COPY).

The authoritative reference and input builder live on the scoring server;
editing this copy changes nothing except your own understanding.
"""

import jax, jax.numpy as jnp
import numpy as np

N, E, D, PC, NH = 10000, 160000, 256, 256, 512


def setup_inputs(seed: int = 0) -> dict:
    key = jax.random.key(seed)
    ks = jax.random.split(key, 8)
    x = jax.random.normal(ks[0], (N, D), dtype=jnp.float32)
    edge_index = jax.random.randint(ks[1], (2, E), 0, N, dtype=jnp.int64)
    W_gcn = jax.random.normal(ks[2], (D, PC), dtype=jnp.float32) * (1.0 / np.sqrt(D))
    b_gcn = jnp.zeros((PC,), dtype=jnp.float32)
    W0 = jax.random.normal(ks[3], (PC, NH), dtype=jnp.float32) * (1.0 / np.sqrt(PC))
    b0 = jnp.zeros((NH,), dtype=jnp.float32)
    W1 = jax.random.normal(ks[4], (NH, PC), dtype=jnp.float32) * (1.0 / np.sqrt(NH))
    b1 = jnp.zeros((PC,), dtype=jnp.float32)
    return {"x": x, "edge_index": edge_index, "W_gcn": W_gcn, "b_gcn": b_gcn,
            "W0": W0, "b0": b0, "W1": W1, "b1": b1}


def reference(x, edge_index, W_gcn, b_gcn, W0, b0, W1, b1):
    # encode: GCN over the flattened molecular batch.
    # message passing: gather source-node features, scatter-add into dst nodes.
    src = edge_index[0]
    dst = edge_index[1]
    msg = jnp.take(x, src, axis=0)                       # gather  [E, D]
    agg = jax.ops.segment_sum(msg, dst, num_segments=x.shape[0])  # scatter-add [N, D]
    h = agg + x                                           # self-loop
    x_embedding = jax.nn.relu(h @ W_gcn + b_gcn)          # [N, PC]
    # optimize: opt1(LeakyReLU(opt0(x_embedding)))
    hid = jax.nn.leaky_relu(x_embedding @ W0 + b0, negative_slope=0.01)
    x_delta_hat = hid @ W1 + b1                           # [N, PC]
    return (x_embedding, x_delta_hat)

if __name__ == "__main__":
    import jax
    _d = setup_inputs()
    print(jax.jit(kernel)(*tuple(_d.values())))

</pallas_src>

<mosaic_0001>
#map = affine_map<(d0, d1) -> (0, 0)>
#map1 = affine_map<(d0, d1) -> (0, 0, 0)>
module attributes {stable_mosaic.version = 14 : i64} {
  func.func @k(%arg0: i32, %arg1: i32, %arg2: memref<20000x128xf32, #tpu.memory_space<hbm>>, %arg3: memref<10000x256xf32, #tpu.memory_space<hbm>>, %arg4: memref<2x2560x64xi32, #tpu.memory_space<hbm>>, %arg5: memref<2560x64xi32, #tpu.memory_space<hbm>>, %arg6: memref<2x10000x128xf32, #tpu.memory_space<hbm>>, %arg7: memref<40x64xi32, #tpu.memory_space<vmem>>, %arg8: memref<40x64xi32, #tpu.memory_space<vmem>>, %arg9: memref<4x64x128xf32, #tpu.memory_space<vmem>>, %arg10: memref<10008x128xf32, #tpu.memory_space<vmem_shared>>, %arg11: memref<!tpu.dma_semaphore, #tpu.memory_space<semaphore_mem>>, %arg12: memref<!tpu.dma_semaphore, #tpu.memory_space<semaphore_mem>>, %arg13: memref<!tpu.dma_semaphore, #tpu.memory_space<semaphore_mem>>, %arg14: memref<!tpu.dma_semaphore, #tpu.memory_space<semaphore_mem>>, %arg15: memref<!tpu.dma_semaphore, #tpu.memory_space<semaphore_mem>>, %arg16: memref<!tpu.dma_semaphore, #tpu.memory_space<semaphore_mem>>, %arg17: memref<!tpu.dma_semaphore, #tpu.memory_space<semaphore_mem>>, %arg18: memref<!tpu.dma_semaphore, #tpu.memory_space<semaphore_mem>>) attributes {dimension_semantics = [#tpu.dimension_semantics<core_parallel>, #tpu.dimension_semantics<subcore_parallel>], iteration_bounds = array<i64: 2, 16>, scalar_prefetch = 0 : i64, scratch_operands = 12 : i64, tpu.core_type = #tpu.core_type<sc_vector_subcore>, window_params = [{transform_indices = #map}, {transform_indices = #map}, {transform_indices = #map1}, {transform_indices = #map}, {transform_indices = #map1}]} {
    %mul3A = arith.constant 624 : i32
    %mul3A_0 = arith.muli %arg1, %mul3A : i32
    %mul3A_1 = arith.constant 128 : i32
    %mul3A_2 = arith.muli %arg0, %mul3A_1 : i32
    "tpu.region"() ({
      %run_scoped3A = tpu.sem_alloc : memref<!tpu.dma_semaphore, #tpu.memory_space<semaphore_mem>>
      %dma_start3A_1583 = arith.constant 0 : i32
      %dma_start3A_1584 = tpu.memref_slice %arg10[%mul3A_0, %dma_start3A_1583] : memref<10008x128xf32, #tpu.memory_space<vmem_shared>> -> memref<624x128xf32, #tpu.memory_space<vmem_shared>>
      %dma_start3A_1585 = tpu.memref_slice %arg3[%mul3A_0, %mul3A_2] : memref<10000x256xf32, #tpu.memory_space<hbm>> -> memref<624x128xf32, #tpu.memory_space<hbm>>
      tpu.enqueue_dma source(%dma_start3A_1585 : memref<624x128xf32, #tpu.memory_space<hbm>>) target(%dma_start3A_1584 : memref<624x128xf32, #tpu.memory_space<vmem_shared>>) target_semaphore(%run_scoped3A : memref<!tpu.dma_semaphore, #tpu.memory_space<semaphore_mem>>)
      %dma_wait3A_1586 = arith.constant 0 : i32
      %dma_wait3A_1587 = tpu.memref_slice %arg10[%mul3A_0, %dma_wait3A_1586] : memref<10008x128xf32, #tpu.memory_space<vmem_shared>> -> memref<624x128xf32, #tpu.memory_space<vmem_shared>>
      %dma_wait3A_1588 = tpu.memref_slice %arg3[%mul3A_0, %mul3A_2] : memref<10000x256xf32, #tpu.memory_space<hbm>> -> memref<624x128xf32, #tpu.memory_space<hbm>>
      tpu.wait_dma2 semaphore(%run_scoped3A : memref<!tpu.dma_semaphore, #tpu.memory_space<semaphore_mem>>) src(%dma_wait3A_1588 : memref<624x128xf32, #tpu.memory_space<hbm>>) dst(%dma_wait3A_1587 : memref<624x128xf32, #tpu.memory_space<vmem_shared>>)
      tpu.yield
    }) : () -> ()
    %eq3A = arith.constant 0 : i32
    %eq3A_3 = arith.cmpi eq, %arg1, %eq3A : i32
    %convert_element_type3A = arith.extui %eq3A_3 : i1 to i32
    %cond3A = arith.constant 0 : i32
    %cond3A_4 = arith.cmpi ne, %convert_element_type3A, %cond3A : i32
    scf.if %cond3A_4 {
      %mul3A_1583 = arith.constant 128 : i32
      %mul3A_1584 = arith.muli %arg0, %mul3A_1583 : i32
      "tpu.region"() ({
        %run_scoped3A = tpu.sem_alloc : memref<!tpu.dma_semaphore, #tpu.memory_space<semaphore_mem>>
        %dma_start3A_1585 = arith.constant 9984 : i32
        %dma_start3A_1586 = arith.constant 0 : i32
        %dma_start3A_1587 = tpu.memref_slice %arg10[%dma_start3A_1585, %dma_start3A_1586] : memref<10008x128xf32, #tpu.memory_space<vmem_shared>> -> memref<16x128xf32, #tpu.memory_space<vmem_shared>>
        %dma_start3A_1588 = arith.constant 9984 : i32
        %dma_start3A_1589 = tpu.memref_slice %arg3[%dma_start3A_1588, %mul3A_1584] : memref<10000x256xf32, #tpu.memory_space<hbm>> -> memref<16x128xf32, #tpu.memory_space<hbm>>
        tpu.enqueue_dma source(%dma_start3A_1589 : memref<16x128xf32, #tpu.memory_space<hbm>>) target(%dma_start3A_1587 : memref<16x128xf32, #tpu.memory_space<vmem_shared>>) target_semaphore(%run_scoped3A : memref<!tpu.dma_semaphore, #tpu.memory_space<semaphore_mem>>)
        %dma_wait3A_1590 = arith.constant 9984 : i32
        %dma_wait3A_1591 = arith.constant 0 : i32
        %dma_wait3A_1592 = tpu.memref_slice %arg10[%dma_wait3A_1590, %dma_wait3A_1591] : memref<10008x128xf32, #tpu.memory_space<vmem_shared>> -> memref<16x128xf32, #tpu.memory_space<vmem_shared>>
        %dma_wait3A_1593 = arith.constant 9984 : i32
        %dma_wait3A_1594 = tpu.memref_slice %arg3[%dma_wait3A_1593, %mul3A_1584] : memref<10000x256xf32, #tpu.memory_space<hbm>> -> memref<16x128xf32, #tpu.memory_space<hbm>>
        tpu.wait_dma2 semaphore(%run_scoped3A : memref<!tpu.dma_semaphore, #tpu.memory_space<semaphore_mem>>) src(%dma_wait3A_1594 : memref<16x128xf32, #tpu.memory_space<hbm>>) dst(%dma_wait3A_1592 : memref<16x128xf32, #tpu.memory_space<vmem_shared>>)
        tpu.yield
      }) : () -> ()
    } else {
    }
    %barrier3A = arith.constant 0 : index
    tpu.barrier barrier_id(%barrier3A)
    %mul3A_5 = arith.constant 160 : i32
    %mul3A_6 = arith.muli %arg1, %mul3A_5 : i32
    %add3A = arith.constant 0 : i32
    %add3A_7 = arith.addi %mul3A_6, %add3A : i32
    "tpu.region"() ({
      %run_scoped3A = tpu.sem_alloc : memref<!tpu.dma_semaphore, #tpu.memory_space<semaphore_mem>>
      %dma_start3A_1583 = arith.constant 0 : i32
      %dma_start3A_1584 = tpu.memref_slice %arg4[%arg0, %add3A_7, %dma_start3A_1583] : memref<2x2560x64xi32, #tpu.memory_space<hbm>> -> memref<1x40x64xi32, #tpu.memory_space<hbm>>
      %dma_start3A_1585 = tpu.memref_squeeze %dma_start3A_1584 : memref<1x40x64xi32, #tpu.memory_space<hbm>> -> memref<40x64xi32, #tpu.memory_space<hbm>>
      %dma_start3A_1586 = arith.constant 0 : i32
      %dma_start3A_1587 = tpu.memref_slice %arg4[%arg0, %add3A_7, %dma_start3A_1586] : memref<2x2560x64xi32, #tpu.memory_space<hbm>> -> memref<1x40x64xi32, #tpu.memory_space<hbm>>
      %dma_start3A_1588 = tpu.memref_squeeze %dma_start3A_1587 : memref<1x40x64xi32, #tpu.memory_space<hbm>> -> memref<40x64xi32, #tpu.memory_space<hbm>>
      tpu.enqueue_dma source(%dma_start3A_1588 : memref<40x64xi32, #tpu.memory_space<hbm>>) target(%arg7 : memref<40x64xi32, #tpu.memory_space<vmem>>) target_semaphore(%run_scoped3A : memref<!tpu.dma_semaphore, #tpu.memory_space<semaphore_mem>>)
      %dma_wait3A_1589 = arith.constant 0 : i32
      %dma_wait3A_1590 = tpu.memref_slice %arg4[%arg0, %add3A_7, %dma_wait3A_1589] : memref<2x2560x64xi32, #tpu.memory_space<hbm>> -> memref<1x40x64xi32, #tpu.memory_space<hbm>>
      %dma_wait3A_1591 = tpu.memref_squeeze %dma_wait3A_1590 : memref<1x40x64xi32, #tpu.memory_space<hbm>> -> memref<40x64xi32, #tpu.memory_space<hbm>>
      %dma_wait3A_1592 = arith.constant 0 : i32
      %dma_wait3A_1593 = tpu.memref_slice %arg4[%arg0, %add3A_7, %dma_wait3A_1592] : memref<2x2560x64xi32, #tpu.memory_space<hbm>> -> memref<1x40x64xi32, #tpu.memory_space<hbm>>
      %dma_wait3A_1594 = tpu.memref_squeeze %dma_wait3A_1593 : memref<1x40x64xi32, #tpu.memory_space<hbm>> -> memref<40x64xi32, #tpu.memory_space<hbm>>
      tpu.wait_dma2 semaphore(%run_scoped3A : memref<!tpu.dma_semaphore, #tpu.memory_space<semaphore_mem>>) src(%dma_wait3A_1594 : memref<40x64xi32, #tpu.memory_space<hbm>>) dst(%arg7 : memref<40x64xi32, #tpu.memory_space<vmem>>)
      tpu.yield
    }) : () -> ()
    "tpu.region"() ({
      %run_scoped3A = tpu.sem_alloc : memref<!tpu.dma_semaphore, #tpu.memory_space<semaphore_mem>>
      %dma_start3A_1583 = arith.constant 0 : i32
      %dma_start3A_1584 = tpu.memref_slice %arg5[%add3A_7, %dma_start3A_1583] : memref<2560x64xi32, #tpu.memory_space<hbm>> -> memref<40x64xi32, #tpu.memory_space<hbm>>
      %dma_start3A_1585 = arith.constant 0 : i32
      %dma_start3A_1586 = tpu.memref_slice %arg5[%add3A_7, %dma_start3A_1585] : memref<2560x64xi32, #tpu.memory_space<hbm>> -> memref<40x64xi32, #tpu.memory_space<hbm>>
      tpu.enqueue_dma source(%dma_start3A_1586 : memref<40x64xi32, #tpu.memory_space<hbm>>) target(%arg8 : memref<40x64xi32, #tpu.memory_space<vmem>>) target_semaphore(%run_scoped3A : memref<!tpu.dma_semaphore, #tpu.memory_space<semaphore_mem>>)
      %dma_wait3A_1587 = arith.constant 0 : i32
      %dma_wait3A_1588 = tpu.memref_slice %arg5[%add3A_7, %dma_wait3A_1587] : memref<2560x64xi32, #tpu.memory_space<hbm>> -> memref<40x64xi32, #tpu.memory_space<hbm>>
      %dma_wait3A_1589 = arith.constant 0 : i32
      %dma_wait3A_1590 = tpu.memref_slice %arg5[%add3A_7, %dma_wait3A_1589] : memref<2560x64xi32, #tpu.memory_space<hbm>> -> memref<40x64xi32, #tpu.memory_space<hbm>>
      tpu.wait_dma2 semaphore(%run_scoped3A : memref<!tpu.dma_semaphore, #tpu.memory_space<semaphore_mem>>) src(%dma_wait3A_1590 : memref<40x64xi32, #tpu.memory_space<hbm>>) dst(%arg8 : memref<40x64xi32, #tpu.memory_space<vmem>>)
      tpu.yield
    }) : () -> ()
    %dma_start3A = arith.constant 0 : i32
    %dma_start3A_8 = arith.constant 0 : i32
    %dma_start3A_9 = arith.constant 0 : i32
    %dma_start3A_10 = arith.constant 0 : i32
    %dma_start3A_11 = tpu.memref_slice %arg9[%dma_start3A_8, %dma_start3A_9, %dma_start3A_10] : memref<4x64x128xf32, #tpu.memory_space<vmem>> -> memref<1x64x128xf32, #tpu.memory_space<vmem>>
    %dma_start3A_12 = tpu.memref_squeeze %dma_start3A_11 : memref<1x64x128xf32, #tpu.memory_space<vmem>> -> memref<64x128xf32, #tpu.memory_space<vmem>>
    %dma_start3A_13 = arith.constant 0 : i32
    %dma_start3A_14 = tpu.memref_slice %arg7[%dma_start3A, %dma_start3A_13] : memref<40x64xi32, #tpu.memory_space<vmem>> -> memref<1x64xi32, #tpu.memory_space<vmem>>
    %dma_start3A_15 = tpu.memref_squeeze %dma_start3A_14 : memref<1x64xi32, #tpu.memory_space<vmem>> -> memref<64xi32, #tpu.memory_space<vmem>>
    %dma_start3A_16 = arith.constant 0 : i32
    %dma_start3A_17 = arith.constant 0 : i32
    %dma_start3A_18 = tpu.memref_slice %arg2[%dma_start3A_16, %dma_start3A_17] : memref<20000x128xf32, #tpu.memory_space<hbm>> -> memref<20000x128xf32, #tpu.memory_space<hbm>>
    tpu.enqueue_indirect_dma source(%dma_start3A_18 : memref<20000x128xf32, #tpu.memory_space<hbm>>) target(%dma_start3A_12 : memref<64x128xf32, #tpu.memory_space<vmem>>) offsets(%dma_start3A_15 : memref<64xi32, #tpu.memory_space<vmem>>) semaphore(%arg11 : memref<!tpu.dma_semaphore, #tpu.memory_space<semaphore_mem>>)
    %dma_start3A_19 = arith.constant 1 : i32
    %dma_start3A_20 = arith.constant 1 : i32
    %dma_start3A_21 = arith.constant 0 : i32
    %dma_start3A_22 = arith.constant 0 : i32
    %dma_start3A_23 = tpu.memref_slice %arg9[%dma_start3A_20, %dma_start3A_21, %dma_start3A_22] : memref<4x64x128xf32, #tpu.memory_space<vmem>> -> memref<1x64x128xf32, #tpu.memory_space<vmem>>
    %dma_start3A_24 = tpu.memref_squeeze %dma_start3A_23 : memref<1x64x128xf32, #tpu.memory_space<vmem>> -> memref<64x128xf32, #tpu.memory_space<vmem>>
    %dma_start3A_25 = arith.constant 0 : i32
    %dma_start3A_26 = tpu.memref_slice %arg7[%dma_start3A_19, %dma_start3A_25] : memref<40x64xi32, #tpu.memory_space<vmem>> -> memref<1x64xi32, #tpu.memory_space<vmem>>
    %dma_start3A_27 = tpu.memref_squeeze %dma_start3A_26 : memref<1x64xi32, #tpu.memory_space<vmem>> -> memref<64xi32, #tpu.memory_space<vmem>>
    %dma_start3A_28 = arith.constant 0 : i32
    %dma_start3A_29 = arith.constant 0 : i32
    %dma_start3A_30 = tpu.memref_slice %arg2[%dma_start3A_28, %dma_start3A_29] : memref<20000x128xf32, #tpu.memory_space<hbm>> -> memref<20000x128xf32, #tpu.memory_space<hbm>>
    tpu.enqueue_indirect_dma source(%dma_start3A_30 : memref<20000x128xf32, #tpu.memory_space<hbm>>) target(%dma_start3A_24 : memref<64x128xf32, #tpu.memory_space<vmem>>) offsets(%dma_start3A_27 : memref<64xi32, #tpu.memory_space<vmem>>) semaphore(%arg12 : memref<!tpu.dma_semaphore, #tpu.memory_space<semaphore_mem>>)
    %dma_start3A_31 = arith.constant 2 : i32
    %dma_start3A_32 = arith.constant 2 : i32
    %dma_start3A_33 = arith.constant 0 : i32
    %dma_start3A_34 = arith.constant 0 : i32
    %dma_start3A_35 = tpu.memref_slice %arg9[%dma_start3A_32, %dma_start3A_33, %dma_start3A_34] : memref<4x64x128xf32, #tpu.memory_space<vmem>> -> memref<1x64x128xf32, #tpu.memory_space<vmem>>
    %dma_start3A_36 = tpu.memref_squeeze %dma_start3A_35 : memref<1x64x128xf32, #tpu.memory_space<vmem>> -> memref<64x128xf32, #tpu.memory_space<vmem>>
    %dma_start3A_37 = arith.constant 0 : i32
    %dma_start3A_38 = tpu.memref_slice %arg7[%dma_start3A_31, %dma_start3A_37] : memref<40x64xi32, #tpu.memory_space<vmem>> -> memref<1x64xi32, #tpu.memory_space<vmem>>
    %dma_start3A_39 = tpu.memref_squeeze %dma_start3A_38 : memref<1x64xi32, #tpu.memory_space<vmem>> -> memref<64xi32, #tpu.memory_space<vmem>>
    %dma_start3A_40 = arith.constant 0 : i32
    %dma_start3A_41 = arith.constant 0 : i32
    %dma_start3A_42 = tpu.memref_slice %arg2[%dma_start3A_40, %dma_start3A_41] : memref<20000x128xf32, #tpu.memory_space<hbm>> -> memref<20000x128xf32, #tpu.memory_space<hbm>>
    tpu.enqueue_indirect_dma source(%dma_start3A_42 : memref<20000x128xf32, #tpu.memory_space<hbm>>) target(%dma_start3A_36 : memref<64x128xf32, #tpu.memory_space<vmem>>) offsets(%dma_start3A_39 : memref<64xi32, #tpu.memory_space<vmem>>) semaphore(%arg13 : memref<!tpu.dma_semaphore, #tpu.memory_space<semaphore_mem>>)
    %dma_wait3A = arith.constant 0 : i32
    %dma_wait3A_43 = arith.constant 0 : i32
    %dma_wait3A_44 = arith.constant 0 : i32
    %dma_wait3A_45 = arith.constant 0 : i32
    %dma_wait3A_46 = tpu.memref_slice %arg9[%dma_wait3A_43, %dma_wait3A_44, %dma_wait3A_45] : memref<4x64x128xf32, #tpu.memory_space<vmem>> -> memref<1x64x128xf32, #tpu.memory_space<vmem>>
    %dma_wait3A_47 = tpu.memref_squeeze %dma_wait3A_46 : memref<1x64x128xf32, #tpu.memory_space<vmem>> -> memref<64x128xf32, #tpu.memory_space<vmem>>
    %dma_wait3A_48 = arith.constant 0 : i32
    %dma_wait3A_49 = tpu.memref_slice %arg7[%dma_wait3A, %dma_wait3A_48] : memref<40x64xi32, #tpu.memory_space<vmem>> -> memref<1x64xi32, #tpu.memory_space<vmem>>
    %dma_wait3A_50 = tpu.memref_squeeze %dma_wait3A_49 : memref<1x64xi32, #tpu.memory_space<vmem>> -> memref<64xi32, #tpu.memory_space<vmem>>
    %dma_wait3A_51 = arith.constant 0 : i32
    %dma_wait3A_52 = arith.constant 0 : i32
    %dma_wait3A_53 = tpu.memref_slice %arg2[%dma_wait3A_51, %dma_wait3A_52] : memref<20000x128xf32, #tpu.memory_space<hbm>> -> memref<20000x128xf32, #tpu.memory_space<hbm>>
    tpu.wait_indirect_dma semaphore(%arg11 : memref<!tpu.dma_semaphore, #tpu.memory_space<semaphore_mem>>) src(%dma_wait3A_53 : memref<20000x128xf32, #tpu.memory_space<hbm>>) dst(%dma_wait3A_47 : memref<64x128xf32, #tpu.memory_space<vmem>>)
    %dma_start3A_54 = arith.constant 0 : i32
    %dma_start3A_55 = arith.constant 0 : i32
    %dma_start3A_56 = arith.constant 0 : i32
    %dma_start3A_57 = arith.constant 0 : i32
    %dma_start3A_58 = tpu.memref_slice %arg9[%dma_start3A_54, %dma_start3A_56, %dma_start3A_57] : memref<4x64x128xf32, #tpu.memory_space<vmem>> -> memref<1x64x128xf32, #tpu.memory_space<vmem>>
    %dma_start3A_59 = tpu.memref_squeeze %dma_start3A_58 : memref<1x64x128xf32, #tpu.memory_space<vmem>> -> memref<64x128xf32, #tpu.memory_space<vmem>>
    %dma_start3A_60 = arith.constant 0 : i32
    %dma_start3A_61 = tpu.memref_slice %arg8[%dma_start3A_55, %dma_start3A_60] : memref<40x64xi32, #tpu.memory_space<vmem>> -> memref<1x64xi32, #tpu.memory_space<vmem>>
    %dma_start3A_62 = tpu.memref_squeeze %dma_start3A_61 : memref<1x64xi32, #tpu.memory_space<vmem>> -> memref<64xi32, #tpu.memory_space<vmem>>
    %dma_start3A_63 = arith.constant 0 : i32
    %dma_start3A_64 = arith.constant 0 : i32
    %dma_start3A_65 = tpu.memref_slice %arg10[%dma_start3A_63, %dma_start3A_64] : memref<10008x128xf32, #tpu.memory_space<vmem_shared>> -> memref<10008x128xf32, #tpu.memory_space<vmem_shared>>
    tpu.enqueue_indirect_dma source(%dma_start3A_59 : memref<64x128xf32, #tpu.memory_space<vmem>>) target(%dma_start3A_65 : memref<10008x128xf32, #tpu.memory_space<vmem_shared>>) offsets(%dma_start3A_62 : memref<64xi32, #tpu.memory_space<vmem>>) semaphore(%arg15 : memref<!tpu.dma_semaphore, #tpu.memory_space<semaphore_mem>>) {add = true}
    %dma_start3A_66 = arith.constant 3 : i32
    %dma_start3A_67 = arith.constant 3 : i32
    %dma_start3A_68 = arith.constant 0 : i32
    %dma_start3A_69 = arith.constant 0 : i32
    %dma_start3A_70 = tpu.memref_slice %arg9[%dma_start3A_67, %dma_start3A_68, %dma_start3A_69] : memref<4x64x128xf32, #tpu.memory_space<vmem>> -> memref<1x64x128xf32, #tpu.memory_space<vmem>>
    %dma_start3A_71 = tpu.memref_squeeze %dma_start3A_70 : memref<1x64x128xf32, #tpu.memory_space<vmem>> -> memref<64x128xf32, #tpu.memory_space<vmem>>
    %dma_start3A_72 = arith.constant 0 : i32
    %dma_start3A_73 = tpu.memref_slice %arg7[%dma_start3A_66, %dma_start3A_72] : memref<40x64xi32, #tpu.memory_space<vmem>> -> memref<1x64xi32, #tpu.memory_space<vmem>>
    %dma_start3A_74 = tpu.memref_squeeze %dma_start3A_73 : memref<1x64xi32, #tpu.memory_space<vmem>> -> memref<64xi32, #tpu.memory_space<vmem>>
    %dma_start3A_75 = arith.constant 0 : i32
    %dma_start3A_76 = arith.constant 0 : i32
    %dma_start3A_77 = tpu.memref_slice %arg2[%dma_start3A_75, %dma_start3A_76] : memref<20000x128xf32, #tpu.memory_space<hbm>> -> memref<20000x128xf32, #tpu.memory_space<hbm>>
    tpu.enqueue_indirect_dma source(%dma_start3A_77 : memref<20000x128xf32, #tpu.memory_space<hbm>>) target(%dma_start3A_71 : memref<64x128xf32, #tpu.memory_space<vmem>>) offsets(%dma_start3A_74 : memref<64xi32, #tpu.memory_space<vmem>>) semaphore(%arg14 : memref<!tpu.dma_semaphore, #tpu.memory_space<semaphore_mem>>)
    %dma_wait3A_78 = arith.constant 0 : i32
    %dma_wait3A_79 = arith.constant 1 : i32
    %dma_wait3A_80 = arith.constant 0 : i32
    %dma_wait3A_81 = arith.constant 0 : i32
    %dma_wait3A_82 = tpu.memref_slice %arg9[%dma_wait3A_79, %dma_wait3A_80, %dma_wait3A_81] : memref<4x64x128xf32, #tpu.memory_space<vmem>> -> memref<1x64x128xf32, #tpu.memory_space<vmem>>
    %dma_wait3A_83 = tpu.memref_squeeze %dma_wait3A_82 : memref<1x64x128xf32, #tpu.memory_space<vmem>> -> memref<64x128xf32, #tpu.memory_space<vmem>>
    %dma_wait3A_84 = arith.constant 0 : i32
    %dma_wait3A_85 = tpu.memref_slice %arg7[%dma_wait3A_78, %dma_wait3A_84] : memref<40x64xi32, #tpu.memory_space<vmem>> -> memref<1x64xi32, #tpu.memory_space<vmem>>
    %dma_wait3A_86 = tpu.memref_squeeze %dma_wait3A_85 : memref<1x64xi32, #tpu.memory_space<vmem>> -> memref<64xi32, #tpu.memory_space<vmem>>
    %dma_wait3A_87 = arith.constant 0 : i32
    %dma_wait3A_88 = arith.constant 0 : i32
    %dma_wait3A_89 = tpu.memref_slice %arg2[%dma_wait3A_87, %dma_wait3A_88] : memref<20000x128xf32, #tpu.memory_space<hbm>> -> memref<20000x128xf32, #tpu.memory_space<hbm>>
    tpu.wait_indirect_dma semaphore(%arg12 : memref<!tpu.dma_semaphore, #tpu.memory_space<semaphore_mem>>) src(%dma_wait3A_89 : memref<20000x128xf32, #tpu.memory_space<hbm>>) dst(%dma_wait3A_83 : memref<64x128xf32, #tpu.memory_space<vmem>>)
    %dma_start3A_90 = arith.constant 1 : i32
    %dma_start3A_91 = arith.constant 1 : i32
    %dma_start3A_92 = arith.constant 0 : i32
    %dma_start3A_93 = arith.constant 0 : i32
    %dma_start3A_94 = tpu.memref_slice %arg9[%dma_start3A_90, %dma_start3A_92, %dma_start3A_93] : memref<4x64x128xf32, #tpu.memory_space<vmem>> -> memref<1x64x128xf32, #tpu.memory_space<vmem>>
    %dma_start3A_95 = tpu.memref_squeeze %dma_start3A_94 : memref<1x64x128xf32, #tpu.memory_space<vmem>> -> memref<64x128xf32, #tpu.memory_space<vmem>>
    %dma_start3A_96 = arith.constant 0 : i32
    %dma_start3A_97 = tpu.memref_slice %arg8[%dma_start3A_91, %dma_start3A_96] : memref<40x64xi32, #tpu.memory_space<vmem>> -> memref<1x64xi32, #tpu.memory_space<vmem>>
    %dma_start3A_98 = tpu.memref_squeeze %dma_start3A_97 : memref<1x64xi32, #tpu.memory_space<vmem>> -> memref<64xi32, #tpu.memory_space<vmem>>
    %dma_start3A_99 = arith.constant 0 : i32
    %dma_start3A_100 = arith.constant 0 : i32
    %dma_start3A_101 = tpu.memref_slice %arg10[%dma_start3A_99, %dma_start3A_100] : memref<10008x128xf32, #tpu.memory_space<vmem_shared>> -> memref<10008x128xf32, #tpu.memory_space<vmem_shared>>
    tpu.enqueue_indirect_dma source(%dma_start3A_95 : memref<64x128xf32, #tpu.memory_space<vmem>>) target(%dma_start3A_101 : memref<10008x128xf32, #tpu.memory_space<vmem_shared>>) offsets(%dma_start3A_98 : memref<64xi32, #tpu.memory_space<vmem>>) semaphore(%arg16 : memref<!tpu.dma_semaphore, #tpu.memory_space<semaphore_mem>>) {add = true}
    %dma_wait3A_102 = arith.constant 0 : i32
    %dma_wait3A_103 = arith.constant 0 : i32
    %dma_wait3A_104 = arith.constant 0 : i32
    %dma_wait3A_105 = arith.constant 0 : i32
    %dma_wait3A_106 = tpu.memref_slice %arg9[%dma_wait3A_102, %dma_wait3A_104, %dma_wait3A_105] : memref<4x64x128xf32, #tpu.memory_space<vmem>> -> memref<1x64x128xf32, #tpu.memory_space<vmem>>
    %dma_wait3A_107 = tpu.memref_squeeze %dma_wait3A_106 : memref<1x64x128xf32, #tpu.memory_space<vmem>> -> memref<64x128xf32, #tpu.memory_space<vmem>>
    %dma_wait3A_108 = arith.constant 0 : i32
    %dma_wait3A_109 = tpu.memref_slice %arg8[%dma_wait3A_103, %dma_wait3A_108] : memref<40x64xi32, #tpu.memory_space<vmem>> -> memref<1x64xi32, #tpu.memory_space<vmem>>
    %dma_wait3A_110 = tpu.memref_squeeze %dma_wait3A_109 : memref<1x64xi32, #tpu.memory_space<vmem>> -> memref<64xi32, #tpu.memory_space<vmem>>
    %dma_wait3A_111 = arith.constant 0 : i32
    %dma_wait3A_112 = arith.constant 0 : i32
    %dma_wait3A_113 = tpu.memref_slice %arg10[%dma_wait3A_111, %dma_wait3A_112] : memref<10008x128xf32, #tpu.memory_space<vmem_shared>> -> memref<10008x128xf32, #tpu.memory_space<vmem_shared>>
    tpu.wait_indirect_dma semaphore(%arg15 : memref<!tpu.dma_semaphore, #tpu.memory_space<semaphore_mem>>) src(%dma_wait3A_107 : memref<64x128xf32, #tpu.memory_space<vmem>>) dst(%dma_wait3A_113 : memref<10008x128xf32, #tpu.memory_space<vmem_shared>>)
    %dma_start3A_114 = arith.constant 4 : i32
    %dma_start3A_115 = arith.constant 0 : i32
    %dma_start3A_116 = arith.constant 0 : i32
    %dma_start3A_117 = arith.constant 0 : i32
    %dma_start3A_118 = tpu.memref_slice %arg9[%dma_start3A_115, %dma_start3A_116, %dma_start3A_117] : memref<4x64x128xf32, #tpu.memory_space<vmem>> -> memref<1x64x128xf32, #tpu.memory_space<vmem>>
    %dma_start3A_119 = tpu.memref_squeeze %dma_start3A_118 : memref<1x64x128xf32, #tpu.memory_space<vmem>> -> memref<64x128xf32, #tpu.memory_space<vmem>>
    %dma_start3A_120 = arith.constant 0 : i32
    %dma_start3A_121 = tpu.memref_slice %arg7[%dma_start3A_114, %dma_start3A_120] : memref<40x64xi32, #tpu.memory_space<vmem>> -> memref<1x64xi32, #tpu.memory_space<vmem>>
    %dma_start3A_122 = tpu.memref_squeeze %dma_start3A_121 : memref<1x64xi32, #tpu.memory_space<vmem>> -> memref<64xi32, #tpu.memory_space<vmem>>
    %dma_start3A_123 = arith.constant 0 : i32
    %dma_start3A_124 = arith.constant 0 : i32
    %dma_start3A_125 = tpu.memref_slice %arg2[%dma_start3A_123, %dma_start3A_124] : memref<20000x128xf32, #tpu.memory_space<hbm>> -> memref<20000x128xf32, #tpu.memory_space<hbm>>
    tpu.enqueue_indirect_dma source(%dma_start3A_125 : memref<20000x128xf32, #tpu.memory_space<hbm>>) target(%dma_start3A_119 : memref<64x128xf32, #tpu.memory_space<vmem>>) offsets(%dma_start3A_122 : memref<64xi32, #tpu.memory_space<vmem>>) semaphore(%arg11 : memref<!tpu.dma_semaphore, #tpu.memory_space<semaphore_mem>>)
    %dma_wait3A_126 = arith.constant 0 : i32
    %dma_wait3A_127 = arith.constant 2 : i32
    %dma_wait3A_128 = arith.constant 0 : i32
    %dma_wait3A_129 = arith.constant 0 : i32
    %dma_wait3A_130 = tpu.memref_slice %arg9[%dma_wait3A_127, %dma_wait3A_128, %dma_wait3A_129] : memref<4x64x128xf32, #tpu.memory_space<vmem>> -> memref<1x64x128xf32, #tpu.memory_space<vmem>>
    %dma_wait3A_131 = tpu.memref_squeeze %dma_wait3A_130 : memref<1x64x128xf32, #tpu.memory_space<vmem>> -> memref<64x128xf32, #tpu.memory_space<vmem>>
    %dma_wait3A_132 = arith.constant 0 : i32
    %dma_wait3A_133 = tpu.memref_slice %arg7[%dma_wait3A_126, %dma_wait3A_132] : memref<40x64xi32, #tpu.memory_space<vmem>> -> memref<1x64xi32, #tpu.memory_space<vmem>>
    %dma_wait3A_134 = tpu.memref_squeeze %dma_wait3A_133 : memref<1x64xi32, #tpu.memory_space<vmem>> -> memref<64xi32, #tpu.memory_space<vmem>>
    %dma_wait3A_135 = arith.constant 0 : i32
    %dma_wait3A_136 = arith.constant 0 : i32
    %dma_wait3A_137 = tpu.memref_slice %arg2[%dma_wait3A_135, %dma_wait3A_136] : memref<20000x128xf32, #tpu.memory_space<hbm>> -> memref<20000x128xf32, #tpu.memory_space<hbm>>
    tpu.wait_indirect_dma semaphore(%arg13 : memref<!tpu.dma_semaphore, #tpu.memory_space<semaphore_mem>>) src(%dma_wait3A_137 : memref<20000x128xf32, #tpu.memory_space<hbm>>) dst(%dma_wait3A_131 : memref<64x128xf32, #tpu.memory_space<vmem>>)
    %dma_start3A_138 = arith.constant 2 : i32
    %dma_start3A_139 = arith.constant 2 : i32
    %dma_start3A_140 = arith.constant 0 : i32
    %dma_start3A_141 = arith.constant 0 : i32
    %dma_start3A_142 = tpu.memref_slice %arg9[%dma_start3A_138, %dma_start3A_140, %dma_start3A_141] : memref<4x64x128xf32, #tpu.memory_space<vmem>> -> memref<1x64x128xf32, #tpu.memory_space<vmem>>
    %dma_start3A_143 = tpu.memref_squeeze %dma_start3A_142 : memref<1x64x128xf32, #tpu.memory_space<vmem>> -> memref<64x128xf32, #tpu.memory_space<vmem>>
    %dma_start3A_144 = arith.constant 0 : i32
    %dma_start3A_145 = tpu.memref_slice %arg8[%dma_start3A_139, %dma_start3A_144] : memref<40x64xi32, #tpu.memory_space<vmem>> -> memref<1x64xi32, #tpu.memory_space<vmem>>
    %dma_start3A_146 = tpu.memref_squeeze %dma_start3A_145 : memref<1x64xi32, #tpu.memory_space<vmem>> -> memref<64xi32, #tpu.memory_space<vmem>>
    %dma_start3A_147 = arith.constant 0 : i32
    %dma_start3A_148 = arith.constant 0 : i32
    %dma_start3A_149 = tpu.memref_slice %arg10[%dma_start3A_147, %dma_start3A_148] : memref<10008x128xf32, #tpu.memory_space<vmem_shared>> -> memref<10008x128xf32, #tpu.memory_space<vmem_shared>>
    tpu.enqueue_indirect_dma source(%dma_start3A_143 : memref<64x128xf32, #tpu.memory_space<vmem>>) target(%dma_start3A_149 : memref<10008x128xf32, #tpu.memory_space<vmem_shared>>) offsets(%dma_start3A_146 : memref<64xi32, #tpu.memory_space<vmem>>) semaphore(%arg17 : memref<!tpu.dma_semaphore, #tpu.memory_space<semaphore_mem>>) {add = true}
    %dma_wait3A_150 = arith.constant 1 : i32
    %dma_wait3A_151 = arith.constant 0 : i32
    %dma_wait3A_152 = arith.constant 0 : i32
    %dma_wait3A_153 = arith.constant 0 : i32
    %dma_wait3A_154 = tpu.memref_slice %arg9[%dma_wait3A_150, %dma_wait3A_152, %dma_wait3A_153] : memref<4x64x128xf32, #tpu.memory_space<vmem>> -> memref<1x64x128xf32, #tpu.memory_space<vmem>>
    %dma_wait3A_155 = tpu.memref_squeeze %dma_wait3A_154 : memref<1x64x128xf32, #tpu.memory_space<vmem>> -> memref<64x128xf32, #tpu.memory_space<vmem>>
    %dma_wait3A_156 = arith.constant 0 : i32
    %dma_wait3A_157 = tpu.memref_slice %arg8[%dma_wait3A_151, %dma_wait3A_156] : memref<40x64xi32, #tpu.memory_space<vmem>> -> memref<1x64xi32, #tpu.memory_space<vmem>>
    %dma_wait3A_158 = tpu.memref_squeeze %dma_wait3A_157 : memref<1x64xi32, #tpu.memory_space<vmem>> -> memref<64xi32, #tpu.memory_space<vmem>>
    %dma_wait3A_159 = arith.constant 0 : i32
    %dma_wait3A_160 = arith.constant 0 : i32
    %dma_wait3A_161 = tpu.memref_slice %arg10[%dma_wait3A_159, %dma_wait3A_160] : memref<10008x128xf32, #tpu.memory_space<vmem_shared>> -> memref<10008x128xf32, #tpu.memory_space<vmem_shared>>
    tpu.wait_indirect_dma semaphore(%arg16 : memref<!tpu.dma_semaphore, #tpu.memory_space<semaphore_mem>>) src(%dma_wait3A_155 : memref<64x128xf32, #tpu.memory_space<vmem>>) dst(%dma_wait3A_161 : memref<10008x128xf32, #tpu.memory_space<vmem_shared>>)
    %dma_start3A_162 = arith.constant 5 : i32
    %dma_start3A_163 = arith.constant 1 : i32
    %dma_start3A_164 = arith.constant 0 : i32
    %dma_start3A_165 = arith.constant 0 : i32
    %dma_start3A_166 = tpu.memref_slice %arg9[%dma_start3A_163, %dma_start3A_164, %dma_start3A_165] : memref<4x64x128xf32, #tpu.memory_space<vmem>> -> memref<1x64x128xf32, #tpu.memory_space<vmem>>
    %dma_start3A_167 = tpu.memref_squeeze %dma_start3A_166 : memref<1x64x128xf32, #tpu.memory_space<vmem>> -> memref<64x128xf32, #tpu.memory_space<vmem>>
    %dma_start3A_168 = arith.constant 0 : i32
    %dma_start3A_169 = tpu.memref_slice %arg7[%dma_start3A_162, %dma_start3A_168] : memref<40x64xi32, #tpu.memory_space<vmem>> -> memref<1x64xi32, #tpu.memory_space<vmem>>
    %dma_start3A_170 = tpu.memref_squeeze %dma_start3A_169 : memref<1x64xi32, #tpu.memory_space<vmem>> -> memref<64xi32, #tpu.memory_space<vmem>>
    %dma_start3A_171 = arith.constant 0 : i32
    %dma_start3A_172 = arith.constant 0 : i32
    %dma_start3A_173 = tpu.memref_slice %arg2[%dma_start3A_171, %dma_start3A_172] : memref<20000x128xf32, #tpu.memory_space<hbm>> -> memref<20000x128xf32, #tpu.memory_space<hbm>>
    tpu.enqueue_indirect_dma source(%dma_start3A_173 : memref<20000x128xf32, #tpu.memory_space<hbm>>) target(%dma_start3A_167 : memref<64x128xf32, #tpu.memory_space<vmem>>) offsets(%dma_start3A_170 : memref<64xi32, #tpu.memory_space<vmem>>) semaphore(%arg12 : memref<!tpu.dma_semaphore, #tpu.memory_space<semaphore_mem>>)
    %dma_wait3A_174 = arith.constant 0 : i32
    %dma_wait3A_175 = arith.constant 3 : i32
    %dma_wait3A_176 = arith.constant 0 : i32
    %dma_wait3A_177 = arith.constant 0 : i32
    %dma_wait3A_178 = tpu.memref_slice %arg9[%dma_wait3A_175, %dma_wait3A_176, %dma_wait3A_177] : memref<4x64x128xf32, #tpu.memory_space<vmem>> -> memref<1x64x128xf32, #tpu.memory_space<vmem>>
    %dma_wait3A_179 = tpu.memref_squeeze %dma_wait3A_178 : memref<1x64x128xf32, #tpu.memory_space<vmem>> -> memref<64x128xf32, #tpu.memory_space<vmem>>
    %dma_wait3A_180 = arith.constant 0 : i32
    %dma_wait3A_181 = tpu.memref_slice %arg7[%dma_wait3A_174, %dma_wait3A_180] : memref<40x64xi32, #tpu.memory_space<vmem>> -> memref<1x64xi32, #tpu.memory_space<vmem>>
    %dma_wait3A_182 = tpu.memref_squeeze %dma_wait3A_181 : memref<1x64xi32, #tpu.memory_space<vmem>> -> memref<64xi32, #tpu.memory_space<vmem>>
    %dma_wait3A_183 = arith.constant 0 : i32
    %dma_wait3A_184 = arith.constant 0 : i32
    %dma_wait3A_185 = tpu.memref_slice %arg2[%dma_wait3A_183, %dma_wait3A_184] : memref<20000x128xf32, #tpu.memory_space<hbm>> -> memref<20000x128xf32, #tpu.memory_space<hbm>>
    tpu.wait_indirect_dma semaphore(%arg14 : memref<!tpu.dma_semaphore, #tpu.memory_space<semaphore_mem>>) src(%dma_wait3A_185 : memref<20000x128xf32, #tpu.memory_space<hbm>>) dst(%dma_wait3A_179 : memref<64x128xf32, #tpu.memory_space<vmem>>)
    %dma_start3A_186 = arith.constant 3 : i32
    %dma_start3A_187 = arith.constant 3 : i32
    %dma_start3A_188 = arith.constant 0 : i32
    %dma_start3A_189 = arith.constant 0 : i32
    %dma_start3A_190 = tpu.memref_slice %arg9[%dma_start3A_186, %dma_start3A_188, %dma_start3A_189] : memref<4x64x128xf32, #tpu.memory_space<vmem>> -> memref<1x64x128xf32, #tpu.memory_space<vmem>>
    %dma_start3A_191 = tpu.memref_squeeze %dma_start3A_190 : memref<1x64x128xf32, #tpu.memory_space<vmem>> -> memref<64x128xf32, #tpu.memory_space<vmem>>
    %dma_start3A_192 = arith.constant 0 : i32
    %dma_start3A_193 = tpu.memref_slice %arg8[%dma_start3A_187, %dma_start3A_192] : memref<40x64xi32, #tpu.memory_space<vmem>> -> memref<1x64xi32, #tpu.memory_space<vmem>>
    %dma_start3A_194 = tpu.memref_squeeze %dma_start3A_193 : memref<1x64xi32, #tpu.memory_space<vmem>> -> memref<64xi32, #tpu.memory_space<vmem>>
    %dma_start3A_195 = arith.constant 0 : i32
    %dma_start3A_196 = arith.constant 0 : i32
    %dma_start3A_197 = tpu.memref_slice %arg10[%dma_start3A_195, %dma_start3A_196] : memref<10008x128xf32, #tpu.memory_space<vmem_shared>> -> memref<10008x128xf32, #tpu.memory_space<vmem_shared>>
    tpu.enqueue_indirect_dma source(%dma_start3A_191 : memref<64x128xf32, #tpu.memory_space<vmem>>) target(%dma_start3A_197 : memref<10008x128xf32, #tpu.memory_space<vmem_shared>>) offsets(%dma_start3A_194 : memref<64xi32, #tpu.memory_space<vmem>>) semaphore(%arg18 : memref<!tpu.dma_semaphore, #tpu.memory_space<semaphore_mem>>) {add = true}
    %dma_wait3A_198 = arith.constant 2 : i32
    %dma_wait3A_199 = arith.constant 0 : i32
    %dma_wait3A_200 = arith.constant 0 : i32
    %dma_wait3A_201 = arith.constant 0 : i32
    %dma_wait3A_202 = tpu.memref_slice %arg9[%dma_wait3A_198, %dma_wait3A_200, %dma_wait3A_201] : memref<4x64x128xf32, #tpu.memory_space<vmem>> -> memref<1x64x128xf32, #tpu.memory_space<vmem>>
    %dma_wait3A_203 = tpu.memref_squeeze %dma_wait3A_202 : memref<1x64x128xf32, #tpu.memory_space<vmem>> -> memref<64x128xf32, #tpu.memory_space<vmem>>
    %dma_wait3A_204 = arith.constant 0 : i32
    %dma_wait3A_205 = tpu.memref_slice %arg8[%dma_wait3A_199, %dma_wait3A_204] : memref<40x64xi32, #tpu.memory_space<vmem>> -> memref<1x64xi32, #tpu.memory_space<vmem>>
    %dma_wait3A_206 = tpu.memref_squeeze %dma_wait3A_205 : memref<1x64xi32, #tpu.memory_space<vmem>> -> memref<64xi32, #tpu.memory_space<vmem>>
    %dma_wait3A_207 = arith.constant 0 : i32
    %dma_wait3A_208 = arith.constant 0 : i32
    %dma_wait3A_209 = tpu.memref_slice %arg10[%dma_wait3A_207, %dma_wait3A_208] : memref<10008x128xf32, #tpu.memory_space<vmem_shared>> -> memref<10008x128xf32, #tpu.memory_space<vmem_shared>>
    tpu.wait_indirect_dma semaphore(%arg17 : memref<!tpu.dma_semaphore, #tpu.memory_space<semaphore_mem>>) src(%dma_wait3A_203 : memref<64x128xf32, #tpu.memory_space<vmem>>) dst(%dma_wait3A_209 : memref<10008x128xf32, #tpu.memory_space<vmem_shared>>)
    %dma_start3A_210 = arith.constant 6 : i32
    %dma_start3A_211 = arith.constant 2 : i32
    %dma_start3A_212 = arith.constant 0 : i32
    %dma_start3A_213 = arith.constant 0 : i32
    %dma_start3A_214 = tpu.memref_slice %arg9[%dma_start3A_211, %dma_start3A_212, %dma_start3A_213] : memref<4x64x128xf32, #tpu.memory_space<vmem>> -> memref<1x64x128xf32, #tpu.memory_space<vmem>>
    %dma_start3A_215 = tpu.memref_squeeze %dma_start3A_214 : memref<1x64x128xf32, #tpu.memory_space<vmem>> -> memref<64x128xf32, #tpu.memory_space<vmem>>
    %dma_start3A_216 = arith.constant 0 : i32
    %dma_start3A_217 = tpu.memref_slice %arg7[%dma_start3A_210, %dma_start3A_216] : memref<40x64xi32, #tpu.memory_space<vmem>> -> memref<1x64xi32, #tpu.memory_space<vmem>>
    %dma_start3A_218 = tpu.memref_squeeze %dma_start3A_217 : memref<1x64xi32, #tpu.memory_space<vmem>> -> memref<64xi32, #tpu.memory_space<vmem>>
    %dma_start3A_219 = arith.constant 0 : i32
    %dma_start3A_220 = arith.constant 0 : i32
    %dma_start3A_221 = tpu.memref_slice %arg2[%dma_start3A_219, %dma_start3A_220] : memref<20000x128xf32, #tpu.memory_space<hbm>> -> memref<20000x128xf32, #tpu.memory_space<hbm>>
    tpu.enqueue_indirect_dma source(%dma_start3A_221 : memref<20000x128xf32, #tpu.memory_space<hbm>>) target(%dma_start3A_215 : memref<64x128xf32, #tpu.memory_space<vmem>>) offsets(%dma_start3A_218 : memref<64xi32, #tpu.memory_space<vmem>>) semaphore(%arg13 : memref<!tpu.dma_semaphore, #tpu.memory_space<semaphore_mem>>)
    %scan3A = arith.constant 0 : i32
    %scan3A_222 = arith.constant 1 : i32
    %scan3A_223 = arith.constant 8 : i32
    %scan3A_224 = arith.addi %scan3A_222, %scan3A_223 : i32
    %scan3A_225 = arith.constant 1 : i32
    scf.for %scan3A_1583 = %scan3A_222 to %scan3A_224 step %scan3A_225  : i32 {
      %mul3A_1584 = arith.constant 4 : i32
      %mul3A_1585 = arith.muli %scan3A_1583, %mul3A_1584 : i32
      %add3A_1586 = arith.constant 0 : i32
      %add3A_1587 = arith.addi %mul3A_1585, %add3A_1586 : i32
      %dma_wait3A_1588 = arith.constant 0 : i32
      %dma_wait3A_1589 = arith.constant 0 : i32
      %dma_wait3A_1590 = arith.constant 0 : i32
      %dma_wait3A_1591 = arith.constant 0 : i32
      %dma_wait3A_1592 = tpu.memref_slice %arg9[%dma_wait3A_1589, %dma_wait3A_1590, %dma_wait3A_1591] : memref<4x64x128xf32, #tpu.memory_space<vmem>> -> memref<1x64x128xf32, #tpu.memory_space<vmem>>
      %dma_wait3A_1593 = tpu.memref_squeeze %dma_wait3A_1592 : memref<1x64x128xf32, #tpu.memory_space<vmem>> -> memref<64x128xf32, #tpu.memory_space<vmem>>
      %dma_wait3A_1594 = arith.constant 0 : i32
      %dma_wait3A_1595 = tpu.memref_slice %arg7[%dma_wait3A_1588, %dma_wait3A_1594] : memref<40x64xi32, #tpu.memory_space<vmem>> -> memref<1x64xi32, #tpu.memory_space<vmem>>
      %dma_wait3A_1596 = tpu.memref_squeeze %dma_wait3A_1595 : memref<1x64xi32, #tpu.memory_space<vmem>> -> memref<64xi32, #tpu.memory_space<vmem>>
      %dma_wait3A_1597 = arith.constant 0 : i32
      %dma_wait3A_1598 = arith.constant 0 : i32
      %dma_wait3A_1599 = tpu.memref_slice %arg2[%dma_wait3A_1597, %dma_wait3A_1598] : memref<20000x128xf32, #tpu.memory_space<hbm>> -> memref<20000x128xf32, #tpu.memory_space<hbm>>
      tpu.wait_indirect_dma semaphore(%arg11 : memref<!tpu.dma_semaphore, #tpu.memory_space<semaphore_mem>>) src(%dma_wait3A_1599 : memref<20000x128xf32, #tpu.memory_space<hbm>>) dst(%dma_wait3A_1593 : memref<64x128xf32, #tpu.memory_space<vmem>>)
      %dma_start3A_1600 = arith.constant 0 : i32
      %dma_start3A_1601 = arith.constant 0 : i32
      %dma_start3A_1602 = arith.constant 0 : i32
      %dma_start3A_1603 = tpu.memref_slice %arg9[%dma_start3A_1600, %dma_start3A_1601, %dma_start3A_1602] : memref<4x64x128xf32, #tpu.memory_space<vmem>> -> memref<1x64x128xf32, #tpu.memory_space<vmem>>
      %dma_start3A_1604 = tpu.memref_squeeze %dma_start3A_1603 : memref<1x64x128xf32, #tpu.memory_space<vmem>> -> memref<64x128xf32, #tpu.memory_space<vmem>>
      %dma_start3A_1605 = arith.constant 0 : i32
      %dma_start3A_1606 = tpu.memref_slice %arg8[%add3A_1587, %dma_start3A_1605] : memref<40x64xi32, #tpu.memory_space<vmem>> -> memref<1x64xi32, #tpu.memory_space<vmem>>
      %dma_start3A_1607 = tpu.memref_squeeze %dma_start3A_1606 : memref<1x64xi32, #tpu.memory_space<vmem>> -> memref<64xi32, #tpu.memory_space<vmem>>
      %dma_start3A_1608 = arith.constant 0 : i32
      %dma_start3A_1609 = arith.constant 0 : i32
      %dma_start3A_1610 = tpu.memref_slice %arg10[%dma_start3A_1608, %dma_start3A_1609] : memref<10008x128xf32, #tpu.memory_space<vmem_shared>> -> memref<10008x128xf32, #tpu.memory_space<vmem_shared>>
      tpu.enqueue_indirect_dma source(%dma_start3A_1604 : memref<64x128xf32, #tpu.memory_space<vmem>>) target(%dma_start3A_1610 : memref<10008x128xf32, #tpu.memory_space<vmem_shared>>) offsets(%dma_start3A_1607 : memref<64xi32, #tpu.memory_space<vmem>>) semaphore(%arg15 : memref<!tpu.dma_semaphore, #tpu.memory_space<semaphore_mem>>) {add = true}
      %dma_wait3A_1611 = arith.constant 3 : i32
      %dma_wait3A_1612 = arith.constant 0 : i32
      %dma_wait3A_1613 = arith.constant 0 : i32
      %dma_wait3A_1614 = arith.constant 0 : i32
      %dma_wait3A_1615 = tpu.memref_slice %arg9[%dma_wait3A_1611, %dma_wait3A_1613, %dma_wait3A_1614] : memref<4x64x128xf32, #tpu.memory_space<vmem>> -> memref<1x64x128xf32, #tpu.memory_space<vmem>>
      %dma_wait3A_1616 = tpu.memref_squeeze %dma_wait3A_1615 : memref<1x64x128xf32, #tpu.memory_space<vmem>> -> memref<64x128xf32, #tpu.memory_space<vmem>>
      %dma_wait3A_1617 = arith.constant 0 : i32
      %dma_wait3A_1618 = tpu.memref_slice %arg8[%dma_wait3A_1612, %dma_wait3A_1617] : memref<40x64xi32, #tpu.memory_space<vmem>> -> memref<1x64xi32, #tpu.memory_space<vmem>>
      %dma_wait3A_1619 = tpu.memref_squeeze %dma_wait3A_1618 : memref<1x64xi32, #tpu.memory_space<vmem>> -> memref<64xi32, #tpu.memory_space<vmem>>
      %dma_wait3A_1620 = arith.constant 0 : i32
      %dma_wait3A_1621 = arith.constant 0 : i32
      %dma_wait3A_1622 = tpu.memref_slice %arg10[%dma_wait3A_1620, %dma_wait3A_1621] : memref<10008x128xf32, #tpu.memory_space<vmem_shared>> -> memref<10008x128xf32, #tpu.memory_space<vmem_shared>>
      tpu.wait_indirect_dma semaphore(%arg18 : memref<!tpu.dma_semaphore, #tpu.memory_space<semaphore_mem>>) src(%dma_wait3A_1616 : memref<64x128xf32, #tpu.memory_space<vmem>>) dst(%dma_wait3A_1622 : memref<10008x128xf32, #tpu.memory_space<vmem_shared>>)
      %add3A_1623 = arith.constant 3 : i32
      %add3A_1624 = arith.addi %add3A_1587, %add3A_1623 : i32
      %dma_start3A_1625 = arith.constant 3 : i32
      %dma_start3A_1626 = arith.constant 0 : i32
      %dma_start3A_1627 = arith.constant 0 : i32
      %dma_start3A_1628 = tpu.memref_slice %arg9[%dma_start3A_1625, %dma_start3A_1626, %dma_start3A_1627] : memref<4x64x128xf32, #tpu.memory_space<vmem>> -> memref<1x64x128xf32, #tpu.memory_space<vmem>>
      %dma_start3A_1629 = tpu.memref_squeeze %dma_start3A_1628 : memref<1x64x128xf32, #tpu.memory_space<vmem>> -> memref<64x128xf32, #tpu.memory_space<vmem>>
      %dma_start3A_1630 = arith.constant 0 : i32
      %dma_start3A_1631 = tpu.memref_slice %arg7[%add3A_1624, %dma_start3A_1630] : memref<40x64xi32, #tpu.memory_space<vmem>> -> memref<1x64xi32, #tpu.memory_space<vmem>>
      %dma_start3A_1632 = tpu.memref_squeeze %dma_start3A_1631 : memref<1x64xi32, #tpu.memory_space<vmem>> -> memref<64xi32, #tpu.memory_space<vmem>>
      %dma_start3A_1633 = arith.constant 0 : i32
      %dma_start3A_1634 = arith.constant 0 : i32
      %dma_start3A_1635 = tpu.memref_slice %arg2[%dma_start3A_1633, %dma_start3A_1634] : memref<20000x128xf32, #tpu.memory_space<hbm>> -> memref<20000x128xf32, #tpu.memory_space<hbm>>
      tpu.enqueue_indirect_dma source(%dma_start3A_1635 : memref<20000x128xf32, #tpu.memory_space<hbm>>) target(%dma_start3A_1629 : memref<64x128xf32, #tpu.memory_space<vmem>>) offsets(%dma_start3A_1632 : memref<64xi32, #tpu.memory_space<vmem>>) semaphore(%arg14 : memref<!tpu.dma_semaphore, #tpu.memory_space<semaphore_mem>>)
      %mul3A_1636 = arith.constant 4 : i32
      %mul3A_1637 = arith.muli %scan3A_1583, %mul3A_1636 : i32
      %add3A_1638 = arith.constant 1 : i32
      %add3A_1639 = arith.addi %mul3A_1637, %add3A_1638 : i32
      %dma_wait3A_1640 = arith.constant 0 : i32
      %dma_wait3A_1641 = arith.constant 1 : i32
      %dma_wait3A_1642 = arith.constant 0 : i32
      %dma_wait3A_1643 = arith.constant 0 : i32
      %dma_wait3A_1644 = tpu.memref_slice %arg9[%dma_wait3A_1641, %dma_wait3A_1642, %dma_wait3A_1643] : memref<4x64x128xf32, #tpu.memory_space<vmem>> -> memref<1x64x128xf32, #tpu.memory_space<vmem>>
      %dma_wait3A_1645 = tpu.memref_squeeze %dma_wait3A_1644 : memref<1x64x128xf32, #tpu.memory_space<vmem>> -> memref<64x128xf32, #tpu.memory_space<vmem>>
      %dma_wait3A_1646 = arith.constant 0 : i32
      %dma_wait3A_1647 = tpu.memref_slice %arg7[%dma_wait3A_1640, %dma_wait3A_1646] : memref<40x64xi32, #tpu.memory_space<vmem>> -> memref<1x64xi32, #tpu.memory_space<vmem>>
      %dma_wait3A_1648 = tpu.memref_squeeze %dma_wait3A_1647 : memref<1x64xi32, #tpu.memory_space<vmem>> -> memref<64xi32, #tpu.memory_space<vmem>>
      %dma_wait3A_1649 = arith.constant 0 : i32
      %dma_wait3A_1650 = arith.constant 0 : i32
      %dma_wait3A_1651 = tpu.memref_slice %arg2[%dma_wait3A_1649, %dma_wait3A_1650] : memref<20000x128xf32, #tpu.memory_space<hbm>> -> memref<20000x128xf32, #tpu.memory_space<hbm>>
      tpu.wait_indirect_dma semaphore(%arg12 : memref<!tpu.dma_semaphore, #tpu.memory_space<semaphore_mem>>) src(%dma_wait3A_1651 : memref<20000x128xf32, #tpu.memory_space<hbm>>) dst(%dma_wait3A_1645 : memref<64x128xf32, #tpu.memory_space<vmem>>)
      %dma_start3A_1652 = arith.constant 1 : i32
      %dma_start3A_1653 = arith.constant 0 : i32
      %dma_start3A_1654 = arith.constant 0 : i32
      %dma_start3A_1655 = tpu.memref_slice %arg9[%dma_start3A_1652, %dma_start3A_1653, %dma_start3A_1654] : memref<4x64x128xf32, #tpu.memory_space<vmem>> -> memref<1x64x128xf32, #tpu.memory_space<vmem>>
      %dma_start3A_1656 = tpu.memref_squeeze %dma_start3A_1655 : memref<1x64x128xf32, #tpu.memory_space<vmem>> -> memref<64x128xf32, #tpu.memory_space<vmem>>
      %dma_start3A_1657 = arith.constant 0 : i32
      %dma_start3A_1658 = tpu.memref_slice %arg8[%add3A_1639, %dma_start3A_1657] : memref<40x64xi32, #tpu.memory_space<vmem>> -> memref<1x64xi32, #tpu.memory_space<vmem>>
      %dma_start3A_1659 = tpu.memref_squeeze %dma_start3A_1658 : memref<1x64xi32, #tpu.memory_space<vmem>> -> memref<64xi32, #tpu.memory_space<vmem>>
      %dma_start3A_1660 = arith.constant 0 : i32
      %dma_start3A_1661 = arith.constant 0 : i32
      %dma_start3A_1662 = tpu.memref_slice %arg10[%dma_start3A_1660, %dma_start3A_1661] : memref<10008x128xf32, #tpu.memory_space<vmem_shared>> -> memref<10008x128xf32, #tpu.memory_space<vmem_shared>>
      tpu.enqueue_indirect_dma source(%dma_start3A_1656 : memref<64x128xf32, #tpu.memory_space<vmem>>) target(%dma_start3A_1662 : memref<10008x128xf32, #tpu.memory_space<vmem_shared>>) offsets(%dma_start3A_1659 : memref<64xi32, #tpu.memory_space<vmem>>) semaphore(%arg16 : memref<!tpu.dma_semaphore, #tpu.memory_space<semaphore_mem>>) {add = true}
      %dma_wait3A_1663 = arith.constant 0 : i32
      %dma_wait3A_1664 = arith.constant 0 : i32
      %dma_wait3A_1665 = arith.constant 0 : i32
      %dma_wait3A_1666 = arith.constant 0 : i32
      %dma_wait3A_1667 = tpu.memref_slice %arg9[%dma_wait3A_1663, %dma_wait3A_1665, %dma_wait3A_1666] : memref<4x64x128xf32, #tpu.memory_space<vmem>> -> memref<1x64x128xf32, #tpu.memory_space<vmem>>
      %dma_wait3A_1668 = tpu.memref_squeeze %dma_wait3A_1667 : memref<1x64x128xf32, #tpu.memory_space<vmem>> -> memref<64x128xf32, #tpu.memory_space<vmem>>
      %dma_wait3A_1669 = arith.constant 0 : i32
      %dma_wait3A_1670 = tpu.memref_slice %arg8[%dma_wait3A_1664, %dma_wait3A_1669] : memref<40x64xi32, #tpu.memory_space<vmem>> -> memref<1x64xi32, #tpu.memory_space<vmem>>
      %dma_wait3A_1671 = tpu.memref_squeeze %dma_wait3A_1670 : memref<1x64xi32, #tpu.memory_space<vmem>> -> memref<64xi32, #tpu.memory_space<vmem>>
      %dma_wait3A_1672 = arith.constant 0 : i32
      %dma_wait3A_1673 = arith.constant 0 : i32
      %dma_wait3A_1674 = tpu.memref_slice %arg10[%dma_wait3A_1672, %dma_wait3A_1673] : memref<10008x128xf32, #tpu.memory_space<vmem_shared>> -> memref<10008x128xf32, #tpu.memory_space<vmem_shared>>
      tpu.wait_indirect_dma semaphore(%arg15 : memref<!tpu.dma_semaphore, #tpu.memory_space<semaphore_mem>>) src(%dma_wait3A_1668 : memref<64x128xf32, #tpu.memory_space<vmem>>) dst(%dma_wait3A_1674 : memref<10008x128xf32, #tpu.memory_space<vmem_shared>>)
      %add3A_1675 = arith.constant 3 : i32
      %add3A_1676 = arith.addi %add3A_1639, %add3A_1675 : i32
      %dma_start3A_1677 = arith.constant 0 : i32
      %dma_start3A_1678 = arith.constant 0 : i32
      %dma_start3A_1679 = arith.constant 0 : i32
      %dma_start3A_1680 = tpu.memref_slice %arg9[%dma_start3A_1677, %dma_start3A_1678, %dma_start3A_1679] : memref<4x64x128xf32, #tpu.memory_space<vmem>> -> memref<1x64x128xf32, #tpu.memory_space<vmem>>
      %dma_start3A_1681 = tpu.memref_squeeze %dma_start3A_1680 : memref<1x64x128xf32, #tpu.memory_space<vmem>> -> memref<64x128xf32, #tpu.memory_space<vmem>>
      %dma_start3A_1682 = arith.constant 0 : i32
      %dma_start3A_1683 = tpu.memref_slice %arg7[%add3A_1676, %dma_start3A_1682] : memref<40x64xi32, #tpu.memory_space<vmem>> -> memref<1x64xi32, #tpu.memory_space<vmem>>
      %dma_start3A_1684 = tpu.memref_squeeze %dma_start3A_1683 : memref<1x64xi32, #tpu.memory_space<vmem>> -> memref<64xi32, #tpu.memory_space<vmem>>
      %dma_start3A_1685 = arith.constant 0 : i32
      %dma_start3A_1686 = arith.constant 0 : i32
      %dma_start3A_1687 = tpu.memref_slice %arg2[%dma_start3A_1685, %dma_start3A_1686] : memref<20000x128xf32, #tpu.memory_space<hbm>> -> memref<20000x128xf32, #tpu.memory_space<hbm>>
      tpu.enqueue_indirect_dma source(%dma_start3A_1687 : memref<20000x128xf32, #tpu.memory_space<hbm>>) target(%dma_start3A_1681 : memref<64x128xf32, #tpu.memory_space<vmem>>) offsets(%dma_start3A_1684 : memref<64xi32, #tpu.memory_space<vmem>>) semaphore(%arg11 : memref<!tpu.dma_semaphore, #tpu.memory_space<semaphore_mem>>)
      %mul3A_1688 = arith.constant 4 : i32
      %mul3A_1689 = arith.muli %scan3A_1583, %mul3A_1688 : i32
      %add3A_1690 = arith.constant 2 : i32
      %add3A_1691 = arith.addi %mul3A_1689, %add3A_1690 : i32
      %dma_wait3A_1692 = arith.constant 0 : i32
      %dma_wait3A_1693 = arith.constant 2 : i32
      %dma_wait3A_1694 = arith.constant 0 : i32
      %dma_wait3A_1695 = arith.constant 0 : i32
      %dma_wait3A_1696 = tpu.memref_slice %arg9[%dma_wait3A_1693, %dma_wait3A_1694, %dma_wait3A_1695] : memref<4x64x128xf32, #tpu.memory_space<vmem>> -> memref<1x64x128xf32, #tpu.memory_space<vmem>>
      %dma_wait3A_1697 = tpu.memref_squeeze %dma_wait3A_1696 : memref<1x64x128xf32, #tpu.memory_space<vmem>> -> memref<64x128xf32, #tpu.memory_space<vmem>>
      %dma_wait3A_1698 = arith.constant 0 : i32
      %dma_wait3A_1699 = tpu.memref_slice %arg7[%dma_wait3A_1692, %dma_wait3A_1698] : memref<40x64xi32, #tpu.memory_space<vmem>> -> memref<1x64xi32, #tpu.memory_space<vmem>>
      %dma_wait3A_1700 = tpu.memref_squeeze %dma_wait3A_1699 : memref<1x64xi32, #tpu.memory_space<vmem>> -> memref<64xi32, #tpu.memory_space<vmem>>
      %dma_wait3A_1701 = arith.constant 0 : i32
      %dma_wait3A_1702 = arith.constant 0 : i32
      %dma_wait3A_1703 = tpu.memref_slice %arg2[%dma_wait3A_1701, %dma_wait3A_1702] : memref<20000x128xf32, #tpu.memory_space<hbm>> -> memref<20000x128xf32, #tpu.memory_space<hbm>>
      tpu.wait_indirect_dma semaphore(%arg13 : memref<!tpu.dma_semaphore, #tpu.memory_space<semaphore_mem>>) src(%dma_wait3A_1703 : memref<20000x128xf32, #tpu.memory_space<hbm>>) dst(%dma_wait3A_1697 : memref<64x128xf32, #tpu.memory_space<vmem>>)
      %dma_start3A_1704 = arith.constant 2 : i32
      %dma_start3A_1705 = arith.constant 0 : i32
      %dma_start3A_1706 = arith.constant 0 : i32
      %dma_start3A_1707 = tpu.memref_slice %arg9[%dma_start3A_1704, %dma_start3A_1705, %dma_start3A_1706] : memref<4x64x128xf32, #tpu.memory_space<vmem>> -> memref<1x64x128xf32, #tpu.memory_space<vmem>>
      %dma_start3A_1708 = tpu.memref_squeeze %dma_start3A_1707 : memref<1x64x128xf32, #tpu.memory_space<vmem>> -> memref<64x128xf32, #tpu.memory_space<vmem>>
      %dma_start3A_1709 = arith.constant 0 : i32
      %dma_start3A_1710 = tpu.memref_slice %arg8[%add3A_1691, %dma_start3A_1709] : memref<40x64xi32, #tpu.memory_space<vmem>> -> memref<1x64xi32, #tpu.memory_space<vmem>>
      %dma_start3A_1711 = tpu.memref_squeeze %dma_start3A_1710 : memref<1x64xi32, #tpu.memory_space<vmem>> -> memref<64xi32, #tpu.memory_space<vmem>>
      %dma_start3A_1712 = arith.constant 0 : i32
      %dma_start3A_1713 = arith.constant 0 : i32
      %dma_start3A_1714 = tpu.memref_slice %arg10[%dma_start3A_1712, %dma_start3A_1713] : memref<10008x128xf32, #tpu.memory_space<vmem_shared>> -> memref<10008x128xf32, #tpu.memory_space<vmem_shared>>
      tpu.enqueue_indirect_dma source(%dma_start3A_1708 : memref<64x128xf32, #tpu.memory_space<vmem>>) target(%dma_start3A_1714 : memref<10008x128xf32, #tpu.memory_space<vmem_shared>>) offsets(%dma_start3A_1711 : memref<64xi32, #tpu.memory_space<vmem>>) semaphore(%arg17 : memref<!tpu.dma_semaphore, #tpu.memory_space<semaphore_mem>>) {add = true}
      %dma_wait3A_1715 = arith.constant 1 : i32
      %dma_wait3A_1716 = arith.constant 0 : i32
      %dma_wait3A_1717 = arith.constant 0 : i32
      %dma_wait3A_1718 = arith.constant 0 : i32
      %dma_wait3A_1719 = tpu.memref_slice %arg9[%dma_wait3A_1715, %dma_wait3A_1717, %dma_wait3A_1718] : memref<4x64x128xf32, #tpu.memory_space<vmem>> -> memref<1x64x128xf32, #tpu.memory_space<vmem>>
      %dma_wait3A_1720 = tpu.memref_squeeze %dma_wait3A_1719 : memref<1x64x128xf32, #tpu.memory_space<vmem>> -> memref<64x128xf32, #tpu.memory_space<vmem>>
      %dma_wait3A_1721 = arith.constant 0 : i32
      %dma_wait3A_1722 = tpu.memref_slice %arg8[%dma_wait3A_1716, %dma_wait3A_1721] : memref<40x64xi32, #tpu.memory_space<vmem>> -> memref<1x64xi32, #tpu.memory_space<vmem>>
      %dma_wait3A_1723 = tpu.memref_squeeze %dma_wait3A_1722 : memref<1x64xi32, #tpu.memory_space<vmem>> -> memref<64xi32, #tpu.memory_space<vmem>>
      %dma_wait3A_1724 = arith.constant 0 : i32
      %dma_wait3A_1725 = arith.constant 0 : i32
      %dma_wait3A_1726 = tpu.memref_slice %arg10[%dma_wait3A_1724, %dma_wait3A_1725] : memref<10008x128xf32, #tpu.memory_space<vmem_shared>> -> memref<10008x128xf32, #tpu.memory_space<vmem_shared>>
      tpu.wait_indirect_dma semaphore(%arg16 : memref<!tpu.dma_semaphore, #tpu.memory_space<semaphore_mem>>) src(%dma_wait3A_1720 : memref<64x128xf32, #tpu.memory_space<vmem>>) dst(%dma_wait3A_1726 : memref<10008x128xf32, #tpu.memory_space<vmem_shared>>)
      %add3A_1727 = arith.constant 3 : i32
      %add3A_1728 = arith.addi %add3A_1691, %add3A_1727 : i32
      %dma_start3A_1729 = arith.constant 1 : i32
      %dma_start3A_1730 = arith.constant 0 : i32
      %dma_start3A_1731 = arith.constant 0 : i32
      %dma_start3A_1732 = tpu.memref_slice %arg9[%dma_start3A_1729, %dma_start3A_1730, %dma_start3A_1731] : memref<4x64x128xf32, #tpu.memory_space<vmem>> -> memref<1x64x128xf32, #tpu.memory_space<vmem>>
      %dma_start3A_1733 = tpu.memref_squeeze %dma_start3A_1732 : memref<1x64x128xf32, #tpu.memory_space<vmem>> -> memref<64x128xf32, #tpu.memory_space<vmem>>
      %dma_start3A_1734 = arith.constant 0 : i32
      %dma_start3A_1735 = tpu.memref_slice %arg7[%add3A_1728, %dma_start3A_1734] : memref<40x64xi32, #tpu.memory_space<vmem>> -> memref<1x64xi32, #tpu.memory_space<vmem>>
      %dma_start3A_1736 = tpu.memref_squeeze %dma_start3A_1735 : memref<1x64xi32, #tpu.memory_space<vmem>> -> memref<64xi32, #tpu.memory_space<vmem>>
      %dma_start3A_1737 = arith.constant 0 : i32
      %dma_start3A_1738 = arith.constant 0 : i32
      %dma_start3A_1739 = tpu.memref_slice %arg2[%dma_start3A_1737, %dma_start3A_1738] : memref<20000x128xf32, #tpu.memory_space<hbm>> -> memref<20000x128xf32, #tpu.memory_space<hbm>>
      tpu.enqueue_indirect_dma source(%dma_start3A_1739 : memref<20000x128xf32, #tpu.memory_space<hbm>>) target(%dma_start3A_1733 : memref<64x128xf32, #tpu.memory_space<vmem>>) offsets(%dma_start3A_1736 : memref<64xi32, #tpu.memory_space<vmem>>) semaphore(%arg12 : memref<!tpu.dma_semaphore, #tpu.memory_space<semaphore_mem>>)
      %mul3A_1740 = arith.constant 4 : i32
      %mul3A_1741 = arith.muli %scan3A_1583, %mul3A_1740 : i32
      %add3A_1742 = arith.constant 3 : i32
      %add3A_1743 = arith.addi %mul3A_1741, %add3A_1742 : i32
      %dma_wait3A_1744 = arith.constant 0 : i32
      %dma_wait3A_1745 = arith.constant 3 : i32
      %dma_wait3A_1746 = arith.constant 0 : i32
      %dma_wait3A_1747 = arith.constant 0 : i32
      %dma_wait3A_1748 = tpu.memref_slice %arg9[%dma_wait3A_1745, %dma_wait3A_1746, %dma_wait3A_1747] : memref<4x64x128xf32, #tpu.memory_space<vmem>> -> memref<1x64x128xf32, #tpu.memory_space<vmem>>
      %dma_wait3A_1749 = tpu.memref_squeeze %dma_wait3A_1748 : memref<1x64x128xf32, #tpu.memory_space<vmem>> -> memref<64x128xf32, #tpu.memory_space<vmem>>
      %dma_wait3A_1750 = arith.constant 0 : i32
      %dma_wait3A_1751 = tpu.memref_slice %arg7[%dma_wait3A_1744, %dma_wait3A_1750] : memref<40x64xi32, #tpu.memory_space<vmem>> -> memref<1x64xi32, #tpu.memory_space<vmem>>
      %dma_wait3A_1752 = tpu.memref_squeeze %dma_wait3A_1751 : memref<1x64xi32, #tpu.memory_space<vmem>> -> memref<64xi32, #tpu.memory_space<vmem>>
      %dma_wait3A_1753 = arith.constant 0 : i32
      %dma_wait3A_1754 = arith.constant 0 : i32
      %dma_wait3A_1755 = tpu.memref_slice %arg2[%dma_wait3A_1753, %dma_wait3A_1754] : memref<20000x128xf32, #tpu.memory_space<hbm>> -> memref<20000x128xf32, #tpu.memory_space<hbm>>
      tpu.wait_indirect_dma semaphore(%arg14 : memref<!tpu.dma_semaphore, #tpu.memory_space<semaphore_mem>>) src(%dma_wait3A_1755 : memref<20000x128xf32, #tpu.memory_space<hbm>>) dst(%dma_wait3A_1749 : memref<64x128xf32, #tpu.memory_space<vmem>>)
      %dma_start3A_1756 = arith.constant 3 : i32
      %dma_start3A_1757 = arith.constant 0 : i32
      %dma_start3A_1758 = arith.constant 0 : i32
      %dma_start3A_1759 = tpu.memref_slice %arg9[%dma_start3A_1756, %dma_start3A_1757, %dma_start3A_1758] : memref<4x64x128xf32, #tpu.memory_space<vmem>> -> memref<1x64x128xf32, #tpu.memory_space<vmem>>
      %dma_start3A_1760 = tpu.memref_squeeze %dma_start3A_1759 : memref<1x64x128xf32, #tpu.memory_space<vmem>> -> memref<64x128xf32, #tpu.memory_space<vmem>>
      %dma_start3A_1761 = arith.constant 0 : i32
      %dma_start3A_1762 = tpu.memref_slice %arg8[%add3A_1743, %dma_start3A_1761] : memref<40x64xi32, #tpu.memory_space<vmem>> -> memref<1x64xi32, #tpu.memory_space<vmem>>
      %dma_start3A_1763 = tpu.memref_squeeze %dma_start3A_1762 : memref<1x64xi32, #tpu.memory_space<vmem>> -> memref<64xi32, #tpu.memory_space<vmem>>
      %dma_start3A_1764 = arith.constant 0 : i32
      %dma_start3A_1765 = arith.constant 0 : i32
      %dma_start3A_1766 = tpu.memref_slice %arg10[%dma_start3A_1764, %dma_start3A_1765] : memref<10008x128xf32, #tpu.memory_space<vmem_shared>> -> memref<10008x128xf32, #tpu.memory_space<vmem_shared>>
      tpu.enqueue_indirect_dma source(%dma_start3A_1760 : memref<64x128xf32, #tpu.memory_space<vmem>>) target(%dma_start3A_1766 : memref<10008x128xf32, #tpu.memory_space<vmem_shared>>) offsets(%dma_start3A_1763 : memref<64xi32, #tpu.memory_space<vmem>>) semaphore(%arg18 : memref<!tpu.dma_semaphore, #tpu.memory_space<semaphore_mem>>) {add = true}
      %dma_wait3A_1767 = arith.constant 2 : i32
      %dma_wait3A_1768 = arith.constant 0 : i32
      %dma_wait3A_1769 = arith.constant 0 : i32
      %dma_wait3A_1770 = arith.constant 0 : i32
      %dma_wait3A_1771 = tpu.memref_slice %arg9[%dma_wait3A_1767, %dma_wait3A_1769, %dma_wait3A_1770] : memref<4x64x128xf32, #tpu.memory_space<vmem>> -> memref<1x64x128xf32, #tpu.memory_space<vmem>>
      %dma_wait3A_1772 = tpu.memref_squeeze %dma_wait3A_1771 : memref<1x64x128xf32, #tpu.memory_space<vmem>> -> memref<64x128xf32, #tpu.memory_space<vmem>>
      %dma_wait3A_1773 = arith.constant 0 : i32
      %dma_wait3A_1774 = tpu.memref_slice %arg8[%dma_wait3A_1768, %dma_wait3A_1773] : memref<40x64xi32, #tpu.memory_space<vmem>> -> memref<1x64xi32, #tpu.memory_space<vmem>>
      %dma_wait3A_1775 = tpu.memref_squeeze %dma_wait3A_1774 : memref<1x64xi32, #tpu.memory_space<vmem>> -> memref<64xi32, #tpu.memory_space<vmem>>
      %dma_wait3A_1776 = arith.constant 0 : i32
      %dma_wait3A_1777 = arith.constant 0 : i32
      %dma_wait3A_1778 = tpu.memref_slice %arg10[%dma_wait3A_1776, %dma_wait3A_1777] : memref<10008x128xf32, #tpu.memory_space<vmem_shared>> -> memref<10008x128xf32, #tpu.memory_space<vmem_shared>>
      tpu.wait_indirect_dma semaphore(%arg17 : memref<!tpu.dma_semaphore, #tpu.memory_space<semaphore_mem>>) src(%dma_wait3A_1772 : memref<64x128xf32, #tpu.memory_space<vmem>>) dst(%dma_wait3A_1778 : memref<10008x128xf32, #tpu.memory_space<vmem_shared>>)
      %add3A_1779 = arith.constant 3 : i32
      %add3A_1780 = arith.addi %add3A_1743, %add3A_1779 : i32
      %dma_start3A_1781 = arith.constant 2 : i32
      %dma_start3A_1782 = arith.constant 0 : i32
      %dma_start3A_1783 = arith.constant 0 : i32
      %dma_start3A_1784 = tpu.memref_slice %arg9[%dma_start3A_1781, %dma_start3A_1782, %dma_start3A_1783] : memref<4x64x128xf32, #tpu.memory_space<vmem>> -> memref<1x64x128xf32, #tpu.memory_space<vmem>>
      %dma_start3A_1785 = tpu.memref_squeeze %dma_start3A_1784 : memref<1x64x128xf32, #tpu.memory_space<vmem>> -> memref<64x128xf32, #tpu.memory_space<vmem>>
      %dma_start3A_1786 = arith.constant 0 : i32
      %dma_start3A_1787 = tpu.memref_slice %arg7[%add3A_1780, %dma_start3A_1786] : memref<40x64xi32, #tpu.memory_space<vmem>> -> memref<1x64xi32, #tpu.memory_space<vmem>>
      %dma_start3A_1788 = tpu.memref_squeeze %dma_start3A_1787 : memref<1x64xi32, #tpu.memory_space<vmem>> -> memref<64xi32, #tpu.memory_space<vmem>>
      %dma_start3A_1789 = arith.constant 0 : i32
      %dma_start3A_1790 = arith.constant 0 : i32
      %dma_start3A_1791 = tpu.memref_slice %arg2[%dma_start3A_1789, %dma_start3A_1790] : memref<20000x128xf32, #tpu.memory_space<hbm>> -> memref<20000x128xf32, #tpu.memory_space<hbm>>
      tpu.enqueue_indirect_dma source(%dma_start3A_1791 : memref<20000x128xf32, #tpu.memory_space<hbm>>) target(%dma_start3A_1785 : memref<64x128xf32, #tpu.memory_space<vmem>>) offsets(%dma_start3A_1788 : memref<64xi32, #tpu.memory_space<vmem>>) semaphore(%arg13 : memref<!tpu.dma_semaphore, #tpu.memory_space<semaphore_mem>>)
    }
    %scan3A_226 = arith.constant 8 : i32
    %dma_wait3A_227 = arith.constant 0 : i32
    %dma_wait3A_228 = arith.constant 0 : i32
    %dma_wait3A_229 = arith.constant 0 : i32
    %dma_wait3A_230 = arith.constant 0 : i32
    %dma_wait3A_231 = tpu.memref_slice %arg9[%dma_wait3A_228, %dma_wait3A_229, %dma_wait3A_230] : memref<4x64x128xf32, #tpu.memory_space<vmem>> -> memref<1x64x128xf32, #tpu.memory_space<vmem>>
    %dma_wait3A_232 = tpu.memref_squeeze %dma_wait3A_231 : memref<1x64x128xf32, #tpu.memory_space<vmem>> -> memref<64x128xf32, #tpu.memory_space<vmem>>
    %dma_wait3A_233 = arith.constant 0 : i32
    %dma_wait3A_234 = tpu.memref_slice %arg7[%dma_wait3A_227, %dma_wait3A_233] : memref<40x64xi32, #tpu.memory_space<vmem>> -> memref<1x64xi32, #tpu.memory_space<vmem>>
    %dma_wait3A_235 = tpu.memref_squeeze %dma_wait3A_234 : memref<1x64xi32, #tpu.memory_space<vmem>> -> memref<64xi32, #tpu.memory_space<vmem>>
    %dma_wait3A_236 = arith.constant 0 : i32
    %dma_wait3A_237 = arith.constant 0 : i32
    %dma_wait3A_238 = tpu.memref_slice %arg2[%dma_wait3A_236, %dma_wait3A_237] : memref<20000x128xf32, #tpu.memory_space<hbm>> -> memref<20000x128xf32, #tpu.memory_space<hbm>>
    tpu.wait_indirect_dma semaphore(%arg11 : memref<!tpu.dma_semaphore, #tpu.memory_space<semaphore_mem>>) src(%dma_wait3A_238 : memref<20000x128xf32, #tpu.memory_space<hbm>>) dst(%dma_wait3A_232 : memref<64x128xf32, #tpu.memory_space<vmem>>)
    %dma_start3A_239 = arith.constant 0 : i32
    %dma_start3A_240 = arith.constant 36 : i32
    %dma_start3A_241 = arith.constant 0 : i32
    %dma_start3A_242 = arith.constant 0 : i32
    %dma_start3A_243 = tpu.memref_slice %arg9[%dma_start3A_239, %dma_start3A_241, %dma_start3A_242] : memref<4x64x128xf32, #tpu.memory_space<vmem>> -> memref<1x64x128xf32, #tpu.memory_space<vmem>>
    %dma_start3A_244 = tpu.memref_squeeze %dma_start3A_243 : memref<1x64x128xf32, #tpu.memory_space<vmem>> -> memref<64x128xf32, #tpu.memory_space<vmem>>
    %dma_start3A_245 = arith.constant 0 : i32
    %dma_start3A_246 = tpu.memref_slice %arg8[%dma_start3A_240, %dma_start3A_245] : memref<40x64xi32, #tpu.memory_space<vmem>> -> memref<1x64xi32, #tpu.memory_space<vmem>>
    %dma_start3A_247 = tpu.memref_squeeze %dma_start3A_246 : memref<1x64xi32, #tpu.memory_space<vmem>> -> memref<64xi32, #tpu.memory_space<vmem>>
    %dma_start3A_248 = arith.constant 0 : i32
    %dma_start3A_249 = arith.constant 0 : i32
    %dma_start3A_250 = tpu.memref_slice %arg10[%dma_start3A_248, %dma_start3A_249] : memref<10008x128xf32, #tpu.memory_space<vmem_shared>> -> memref<10008x128xf32, #tpu.memory_space<vmem_shared>>
    tpu.enqueue_indirect_dma source(%dma_start3A_244 : memref<64x128xf32, #tpu.memory_space<vmem>>) target(%dma_start3A_250 : memref<10008x128xf32, #tpu.memory_space<vmem_shared>>) offsets(%dma_start3A_247 : memref<64xi32, #tpu.memory_space<vmem>>) semaphore(%arg15 : memref<!tpu.dma_semaphore, #tpu.memory_space<semaphore_mem>>) {add = true}
    %dma_wait3A_251 = arith.constant 3 : i32
    %dma_wait3A_252 = arith.constant 0 : i32
    %dma_wait3A_253 = arith.constant 0 : i32
    %dma_wait3A_254 = arith.constant 0 : i32
    %dma_wait3A_255 = tpu.memref_slice %arg9[%dma_wait3A_251, %dma_wait3A_253, %dma_wait3A_254] : memref<4x64x128xf32, #tpu.memory_space<vmem>> -> memref<1x64x128xf32, #tpu.memory_space<vmem>>
    %dma_wait3A_256 = tpu.memref_squeeze %dma_wait3A_255 : memref<1x64x128xf32, #tpu.memory_space<vmem>> -> memref<64x128xf32, #tpu.memory_space<vmem>>
    %dma_wait3A_257 = arith.constant 0 : i32
    %dma_wait3A_258 = tpu.memref_slice %arg8[%dma_wait3A_252, %dma_wait3A_257] : memref<40x64xi32, #tpu.memory_space<vmem>> -> memref<1x64xi32, #tpu.memory_space<vmem>>
    %dma_wait3A_259 = tpu.memref_squeeze %dma_wait3A_258 : memref<1x64xi32, #tpu.memory_space<vmem>> -> memref<64xi32, #tpu.memory_space<vmem>>
    %dma_wait3A_260 = arith.constant 0 : i32
    %dma_wait3A_261 = arith.constant 0 : i32
    %dma_wait3A_262 = tpu.memref_slice %arg10[%dma_wait3A_260, %dma_wait3A_261] : memref<10008x128xf32, #tpu.memory_space<vmem_shared>> -> memref<10008x128xf32, #tpu.memory_space<vmem_shared>>
    tpu.wait_indirect_dma semaphore(%arg18 : memref<!tpu.dma_semaphore, #tpu.memory_space<semaphore_mem>>) src(%dma_wait3A_256 : memref<64x128xf32, #tpu.memory_space<vmem>>) dst(%dma_wait3A_262 : memref<10008x128xf32, #tpu.memory_space<vmem_shared>>)
    %dma_start3A_263 = arith.constant 39 : i32
    %dma_start3A_264 = arith.constant 3 : i32
    %dma_start3A_265 = arith.constant 0 : i32
    %dma_start3A_266 = arith.constant 0 : i32
    %dma_start3A_267 = tpu.memref_slice %arg9[%dma_start3A_264, %dma_start3A_265, %dma_start3A_266] : memref<4x64x128xf32, #tpu.memory_space<vmem>> -> memref<1x64x128xf32, #tpu.memory_space<vmem>>
    %dma_start3A_268 = tpu.memref_squeeze %dma_start3A_267 : memref<1x64x128xf32, #tpu.memory_space<vmem>> -> memref<64x128xf32, #tpu.memory_space<vmem>>
    %dma_start3A_269 = arith.constant 0 : i32
    %dma_start3A_270 = tpu.memref_slice %arg7[%dma_start3A_263, %dma_start3A_269] : memref<40x64xi32, #tpu.memory_space<vmem>> -> memref<1x64xi32, #tpu.memory_space<vmem>>
    %dma_start3A_271 = tpu.memref_squeeze %dma_start3A_270 : memref<1x64xi32, #tpu.memory_space<vmem>> -> memref<64xi32, #tpu.memory_space<vmem>>
    %dma_start3A_272 = arith.constant 0 : i32
    %dma_start3A_273 = arith.constant 0 : i32
    %dma_start3A_274 = tpu.memref_slice %arg2[%dma_start3A_272, %dma_start3A_273] : memref<20000x128xf32, #tpu.memory_space<hbm>> -> memref<20000x128xf32, #tpu.memory_space<hbm>>
    tpu.enqueue_indirect_dma source(%dma_start3A_274 : memref<20000x128xf32, #tpu.memory_space<hbm>>) target(%dma_start3A_268 : memref<64x128xf32, #tpu.memory_space<vmem>>) offsets(%dma_start3A_271 : memref<64xi32, #tpu.memory_space<vmem>>) semaphore(%arg14 : memref<!tpu.dma_semaphore, #tpu.memory_space<semaphore_mem>>)
    %dma_wait3A_275 = arith.constant 0 : i32
    %dma_wait3A_276 = arith.constant 1 : i32
    %dma_wait3A_277 = arith.constant 0 : i32
    %dma_wait3A_278 = arith.constant 0 : i32
    %dma_wait3A_279 = tpu.memref_slice %arg9[%dma_wait3A_276, %dma_wait3A_277, %dma_wait3A_278] : memref<4x64x128xf32, #tpu.memory_space<vmem>> -> memref<1x64x128xf32, #tpu.memory_space<vmem>>
    %dma_wait3A_280 = tpu.memref_squeeze %dma_wait3A_279 : memref<1x64x128xf32, #tpu.memory_space<vmem>> -> memref<64x128xf32, #tpu.memory_space<vmem>>
    %dma_wait3A_281 = arith.constant 0 : i32
    %dma_wait3A_282 = tpu.memref_slice %arg7[%dma_wait3A_275, %dma_wait3A_281] : memref<40x64xi32, #tpu.memory_space<vmem>> -> memref<1x64xi32, #tpu.memory_space<vmem>>
    %dma_wait3A_283 = tpu.memref_squeeze %dma_wait3A_282 : memref<1x64xi32, #tpu.memory_space<vmem>> -> memref<64xi32, #tpu.memory_space<vmem>>
    %dma_wait3A_284 = arith.constant 0 : i32
    %dma_wait3A_285 = arith.constant 0 : i32
    %dma_wait3A_286 = tpu.memref_slice %arg2[%dma_wait3A_284, %dma_wait3A_285] : memref<20000x128xf32, #tpu.memory_space<hbm>> -> memref<20000x128xf32, #tpu.memory_space<hbm>>
    tpu.wait_indirect_dma semaphore(%arg12 : memref<!tpu.dma_semaphore, #tpu.memory_space<semaphore_mem>>) src(%dma_wait3A_286 : memref<20000x128xf32, #tpu.memory_space<hbm>>) dst(%dma_wait3A_280 : memref<64x128xf32, #tpu.memory_space<vmem>>)
    %dma_start3A_287 = arith.constant 1 : i32
    %dma_start3A_288 = arith.constant 37 : i32
    %dma_start3A_289 = arith.constant 0 : i32
    %dma_start3A_290 = arith.constant 0 : i32
    %dma_start3A_291 = tpu.memref_slice %arg9[%dma_start3A_287, %dma_start3A_289, %dma_start3A_290] : memref<4x64x128xf32, #tpu.memory_space<vmem>> -> memref<1x64x128xf32, #tpu.memory_space<vmem>>
    %dma_start3A_292 = tpu.memref_squeeze %dma_start3A_291 : memref<1x64x128xf32, #tpu.memory_space<vmem>> -> memref<64x128xf32, #tpu.memory_space<vmem>>
    %dma_start3A_293 = arith.constant 0 : i32
    %dma_start3A_294 = tpu.memref_slice %arg8[%dma_start3A_288, %dma_start3A_293] : memref<40x64xi32, #tpu.memory_space<vmem>> -> memref<1x64xi32, #tpu.memory_space<vmem>>
    %dma_start3A_295 = tpu.memref_squeeze %dma_start3A_294 : memref<1x64xi32, #tpu.memory_space<vmem>> -> memref<64xi32, #tpu.memory_space<vmem>>
    %dma_start3A_296 = arith.constant 0 : i32
    %dma_start3A_297 = arith.constant 0 : i32
    %dma_start3A_298 = tpu.memref_slice %arg10[%dma_start3A_296, %dma_start3A_297] : memref<10008x128xf32, #tpu.memory_space<vmem_shared>> -> memref<10008x128xf32, #tpu.memory_space<vmem_shared>>
    tpu.enqueue_indirect_dma source(%dma_start3A_292 : memref<64x128xf32, #tpu.memory_space<vmem>>) target(%dma_start3A_298 : memref<10008x128xf32, #tpu.memory_space<vmem_shared>>) offsets(%dma_start3A_295 : memref<64xi32, #tpu.memory_space<vmem>>) semaphore(%arg16 : memref<!tpu.dma_semaphore, #tpu.memory_space<semaphore_mem>>) {add = true}
    %dma_wait3A_299 = arith.constant 0 : i32
    %dma_wait3A_300 = arith.constant 0 : i32
    %dma_wait3A_301 = arith.constant 0 : i32
    %dma_wait3A_302 = arith.constant 0 : i32
    %dma_wait3A_303 = tpu.memref_slice %arg9[%dma_wait3A_299, %dma_wait3A_301, %dma_wait3A_302] : memref<4x64x128xf32, #tpu.memory_space<vmem>> -> memref<1x64x128xf32, #tpu.memory_space<vmem>>
    %dma_wait3A_304 = tpu.memref_squeeze %dma_wait3A_303 : memref<1x64x128xf32, #tpu.memory_space<vmem>> -> memref<64x128xf32, #tpu.memory_space<vmem>>
    %dma_wait3A_305 = arith.constant 0 : i32
    %dma_wait3A_306 = tpu.memref_slice %arg8[%dma_wait3A_300, %dma_wait3A_305] : memref<40x64xi32, #tpu.memory_space<vmem>> -> memref<1x64xi32, #tpu.memory_space<vmem>>
    %dma_wait3A_307 = tpu.memref_squeeze %dma_wait3A_306 : memref<1x64xi32, #tpu.memory_space<vmem>> -> memref<64xi32, #tpu.memory_space<vmem>>
    %dma_wait3A_308 = arith.constant 0 : i32
    %dma_wait3A_309 = arith.constant 0 : i32
    %dma_wait3A_310 = tpu.memref_slice %arg10[%dma_wait3A_308, %dma_wait3A_309] : memref<10008x128xf32, #tpu.memory_space<vmem_shared>> -> memref<10008x128xf32, #tpu.memory_space<vmem_shared>>
    tpu.wait_indirect_dma semaphore(%arg15 : memref<!tpu.dma_semaphore, #tpu.memory_space<semaphore_mem>>) src(%dma_wait3A_304 : memref<64x128xf32, #tpu.memory_space<vmem>>) dst(%dma_wait3A_310 : memref<10008x128xf32, #tpu.memory_space<vmem_shared>>)
    %dma_wait3A_311 = arith.constant 0 : i32
    %dma_wait3A_312 = arith.constant 2 : i32
    %dma_wait3A_313 = arith.constant 0 : i32
    %dma_wait3A_314 = arith.constant 0 : i32
    %dma_wait3A_315 = tpu.memref_slice %arg9[%dma_wait3A_312, %dma_wait3A_313, %dma_wait3A_314] : memref<4x64x128xf32, #tpu.memory_space<vmem>> -> memref<1x64x128xf32, #tpu.memory_space<vmem>>
    %dma_wait3A_316 = tpu.memref_squeeze %dma_wait3A_315 : memref<1x64x128xf32, #tpu.memory_space<vmem>> -> memref<64x128xf32, #tpu.memory_space<vmem>>
    %dma_wait3A_317 = arith.constant 0 : i32
    %dma_wait3A_318 = tpu.memref_slice %arg7[%dma_wait3A_311, %dma_wait3A_317] : memref<40x64xi32, #tpu.memory_space<vmem>> -> memref<1x64xi32, #tpu.memory_space<vmem>>
    %dma_wait3A_319 = tpu.memref_squeeze %dma_wait3A_318 : memref<1x64xi32, #tpu.memory_space<vmem>> -> memref<64xi32, #tpu.memory_space<vmem>>
    %dma_wait3A_320 = arith.constant 0 : i32
    %dma_wait3A_321 = arith.constant 0 : i32
    %dma_wait3A_322 = tpu.memref_slice %arg2[%dma_wait3A_320, %dma_wait3A_321] : memref<20000x128xf32, #tpu.memory_space<hbm>> -> memref<20000x128xf32, #tpu.memory_space<hbm>>
    tpu.wait_indirect_dma semaphore(%arg13 : memref<!tpu.dma_semaphore, #tpu.memory_space<semaphore_mem>>) src(%dma_wait3A_322 : memref<20000x128xf32, #tpu.memory_space<hbm>>) dst(%dma_wait3A_316 : memref<64x128xf32, #tpu.memory_space<vmem>>)
    %dma_start3A_323 = arith.constant 2 : i32
    %dma_start3A_324 = arith.constant 38 : i32
    %dma_start3A_325 = arith.constant 0 : i32
    %dma_start3A_326 = arith.constant 0 : i32
    %dma_start3A_327 = tpu.memref_slice %arg9[%dma_start3A_323, %dma_start3A_325, %dma_start3A_326] : memref<4x64x128xf32, #tpu.memory_space<vmem>> -> memref<1x64x128xf32, #tpu.memory_space<vmem>>
    %dma_start3A_328 = tpu.memref_squeeze %dma_start3A_327 : memref<1x64x128xf32, #tpu.memory_space<vmem>> -> memref<64x128xf32, #tpu.memory_space<vmem>>
    %dma_start3A_329 = arith.constant 0 : i32
    %dma_start3A_330 = tpu.memref_slice %arg8[%dma_start3A_324, %dma_start3A_329] : memref<40x64xi32, #tpu.memory_space<vmem>> -> memref<1x64xi32, #tpu.memory_space<vmem>>
    %dma_start3A_331 = tpu.memref_squeeze %dma_start3A_330 : memref<1x64xi32, #tpu.memory_space<vmem>> -> memref<64xi32, #tpu.memory_space<vmem>>
    %dma_start3A_332 = arith.constant 0 : i32
    %dma_start3A_333 = arith.constant 0 : i32
    %dma_start3A_334 = tpu.memref_slice %arg10[%dma_start3A_332, %dma_start3A_333] : memref<10008x128xf32, #tpu.memory_space<vmem_shared>> -> memref<10008x128xf32, #tpu.memory_space<vmem_shared>>
    tpu.enqueue_indirect_dma source(%dma_start3A_328 : memref<64x128xf32, #tpu.memory_space<vmem>>) target(%dma_start3A_334 : memref<10008x128xf32, #tpu.memory_space<vmem_shared>>) offsets(%dma_start3A_331 : memref<64xi32, #tpu.memory_space<vmem>>) semaphore(%arg17 : memref<!tpu.dma_semaphore, #tpu.memory_space<semaphore_mem>>) {add = true}
    %dma_wait3A_335 = arith.constant 1 : i32
    %dma_wait3A_336 = arith.constant 0 : i32
    %dma_wait3A_337 = arith.constant 0 : i32
    %dma_wait3A_338 = arith.constant 0 : i32
    %dma_wait3A_339 = tpu.memref_slice %arg9[%dma_wait3A_335, %dma_wait3A_337, %dma_wait3A_338] : memref<4x64x128xf32, #tpu.memory_space<vmem>> -> memref<1x64x128xf32, #tpu.memory_space<vmem>>
    %dma_wait3A_340 = tpu.memref_squeeze %dma_wait3A_339 : memref<1x64x128xf32, #tpu.memory_space<vmem>> -> memref<64x128xf32, #tpu.memory_space<vmem>>
    %dma_wait3A_341 = arith.constant 0 : i32
    %dma_wait3A_342 = tpu.memref_slice %arg8[%dma_wait3A_336, %dma_wait3A_341] : memref<40x64xi32, #tpu.memory_space<vmem>> -> memref<1x64xi32, #tpu.memory_space<vmem>>
    %dma_wait3A_343 = tpu.memref_squeeze %dma_wait3A_342 : memref<1x64xi32, #tpu.memory_space<vmem>> -> memref<64xi32, #tpu.memory_space<vmem>>
    %dma_wait3A_344 = arith.constant 0 : i32
    %dma_wait3A_345 = arith.constant 0 : i32
    %dma_wait3A_346 = tpu.memref_slice %arg10[%dma_wait3A_344, %dma_wait3A_345] : memref<10008x128xf32, #tpu.memory_space<vmem_shared>> -> memref<10008x128xf32, #tpu.memory_space<vmem_shared>>
    tpu.wait_indirect_dma semaphore(%arg16 : memref<!tpu.dma_semaphore, #tpu.memory_space<semaphore_mem>>) src(%dma_wait3A_340 : memref<64x128xf32, #tpu.memory_space<vmem>>) dst(%dma_wait3A_346 : memref<10008x128xf32, #tpu.memory_space<vmem_shared>>)
    %dma_wait3A_347 = arith.constant 0 : i32
    %dma_wait3A_348 = arith.constant 3 : i32
    %dma_wait3A_349 = arith.constant 0 : i32
    %dma_wait3A_350 = arith.constant 0 : i32
    %dma_wait3A_351 = tpu.memref_slice %arg9[%dma_wait3A_348, %dma_wait3A_349, %dma_wait3A_350] : memref<4x64x128xf32, #tpu.memory_space<vmem>> -> memref<1x64x128xf32, #tpu.memory_space<vmem>>
    %dma_wait3A_352 = tpu.memref_squeeze %dma_wait3A_351 : memref<1x64x128xf32, #tpu.memory_space<vmem>> -> memref<64x128xf32, #tpu.memory_space<vmem>>
    %dma_wait3A_353 = arith.constant 0 : i32
    %dma_wait3A_354 = tpu.memref_slice %arg7[%dma_wait3A_347, %dma_wait3A_353] : memref<40x64xi32, #tpu.memory_space<vmem>> -> memref<1x64xi32, #tpu.memory_space<vmem>>
    %dma_wait3A_355 = tpu.memref_squeeze %dma_wait3A_354 : memref<1x64xi32, #tpu.memory_space<vmem>> -> memref<64xi32, #tpu.memory_space<vmem>>
    %dma_wait3A_356 = arith.constant 0 : i32
    %dma_wait3A_357 = arith.constant 0 : i32
    %dma_wait3A_358 = tpu.memref_slice %arg2[%dma_wait3A_356, %dma_wait3A_357] : memref<20000x128xf32, #tpu.memory_space<hbm>> -> memref<20000x128xf32, #tpu.memory_space<hbm>>
    tpu.wait_indirect_dma semaphore(%arg14 : memref<!tpu.dma_semaphore, #tpu.memory_space<semaphore_mem>>) src(%dma_wait3A_358 : memref<20000x128xf32, #tpu.memory_space<hbm>>) dst(%dma_wait3A_352 : memref<64x128xf32, #tpu.memory_space<vmem>>)
    %dma_start3A_359 = arith.constant 3 : i32
    %dma_start3A_360 = arith.constant 39 : i32
    %dma_start3A_361 = arith.constant 0 : i32
    %dma_start3A_362 = arith.constant 0 : i32
    %dma_start3A_363 = tpu.memref_slice %arg9[%dma_start3A_359, %dma_start3A_361, %dma_start3A_362] : memref<4x64x128xf32, #tpu.memory_space<vmem>> -> memref<1x64x128xf32, #tpu.memory_space<vmem>>
    %dma_start3A_364 = tpu.memref_squeeze %dma_start3A_363 : memref<1x64x128xf32, #tpu.memory_space<vmem>> -> memref<64x128xf32, #tpu.memory_space<vmem>>
    %dma_start3A_365 = arith.constant 0 : i32
    %dma_start3A_366 = tpu.memref_slice %arg8[%dma_start3A_360, %dma_start3A_365] : memref<40x64xi32, #tpu.memory_space<vmem>> -> memref<1x64xi32, #tpu.memory_space<vmem>>
    %dma_start3A_367 = tpu.memref_squeeze %dma_start3A_366 : memref<1x64xi32, #tpu.memory_space<vmem>> -> memref<64xi32, #tpu.memory_space<vmem>>
    %dma_start3A_368 = arith.constant 0 : i32
    %dma_start3A_369 = arith.constant 0 : i32
    %dma_start3A_370 = tpu.memref_slice %arg10[%dma_start3A_368, %dma_start3A_369] : memref<10008x128xf32, #tpu.memory_space<vmem_shared>> -> memref<10008x128xf32, #tpu.memory_space<vmem_shared>>
    tpu.enqueue_indirect_dma source(%dma_start3A_364 : memref<64x128xf32, #tpu.memory_space<vmem>>) target(%dma_start3A_370 : memref<10008x128xf32, #tpu.memory_space<vmem_shared>>) offsets(%dma_start3A_367 : memref<64xi32, #tpu.memory_space<vmem>>) semaphore(%arg18 : memref<!tpu.dma_semaphore, #tpu.memory_space<semaphore_mem>>) {add = true}
    %dma_wait3A_371 = arith.constant 2 : i32
    %dma_wait3A_372 = arith.constant 0 : i32
    %dma_wait3A_373 = arith.constant 0 : i32
    %dma_wait3A_374 = arith.constant 0 : i32
    %dma_wait3A_375 = tpu.memref_slice %arg9[%dma_wait3A_371, %dma_wait3A_373, %dma_wait3A_374] : memref<4x64x128xf32, #tpu.memory_space<vmem>> -> memref<1x64x128xf32, #tpu.memory_space<vmem>>
    %dma_wait3A_376 = tpu.memref_squeeze %dma_wait3A_375 : memref<1x64x128xf32, #tpu.memory_space<vmem>> -> memref<64x128xf32, #tpu.memory_space<vmem>>
    %dma_wait3A_377 = arith.constant 0 : i32
    %dma_wait3A_378 = tpu.memref_slice %arg8[%dma_wait3A_372, %dma_wait3A_377] : memref<40x64xi32, #tpu.memory_space<vmem>> -> memref<1x64xi32, #tpu.memory_space<vmem>>
    %dma_wait3A_379 = tpu.memref_squeeze %dma_wait3A_378 : memref<1x64xi32, #tpu.memory_space<vmem>> -> memref<64xi32, #tpu.memory_space<vmem>>
    %dma_wait3A_380 = arith.constant 0 : i32
    %dma_wait3A_381 = arith.constant 0 : i32
    %dma_wait3A_382 = tpu.memref_slice %arg10[%dma_wait3A_380, %dma_wait3A_381] : memref<10008x128xf32, #tpu.memory_space<vmem_shared>> -> memref<10008x128xf32, #tpu.memory_space<vmem_shared>>
    tpu.wait_indirect_dma semaphore(%arg17 : memref<!tpu.dma_semaphore, #tpu.memory_space<semaphore_mem>>) src(%dma_wait3A_376 : memref<64x128xf32, #tpu.memory_space<vmem>>) dst(%dma_wait3A_382 : memref<10008x128xf32, #tpu.memory_space<vmem_shared>>)
    %dma_wait3A_383 = arith.constant 3 : i32
    %dma_wait3A_384 = arith.constant 0 : i32
    %dma_wait3A_385 = arith.constant 0 : i32
    %dma_wait3A_386 = arith.constant 0 : i32
    %dma_wait3A_387 = tpu.memref_slice %arg9[%dma_wait3A_383, %dma_wait3A_385, %dma_wait3A_386] : memref<4x64x128xf32, #tpu.memory_space<vmem>> -> memref<1x64x128xf32, #tpu.memory_space<vmem>>
    %dma_wait3A_388 = tpu.memref_squeeze %dma_wait3A_387 : memref<1x64x128xf32, #tpu.memory_space<vmem>> -> memref<64x128xf32, #tpu.memory_space<vmem>>
    %dma_wait3A_389 = arith.constant 0 : i32
    %dma_wait3A_390 = tpu.memref_slice %arg8[%dma_wait3A_384, %dma_wait3A_389] : memref<40x64xi32, #tpu.memory_space<vmem>> -> memref<1x64xi32, #tpu.memory_space<vmem>>
    %dma_wait3A_391 = tpu.memref_squeeze %dma_wait3A_390 : memref<1x64xi32, #tpu.memory_space<vmem>> -> memref<64xi32, #tpu.memory_space<vmem>>
    %dma_wait3A_392 = arith.constant 0 : i32
    %dma_wait3A_393 = arith.constant 0 : i32
    %dma_wait3A_394 = tpu.memref_slice %arg10[%dma_wait3A_392, %dma_wait3A_393] : memref<10008x128xf32, #tpu.memory_space<vmem_shared>> -> memref<10008x128xf32, #tpu.memory_space<vmem_shared>>
    tpu.wait_indirect_dma semaphore(%arg18 : memref<!tpu.dma_semaphore, #tpu.memory_space<semaphore_mem>>) src(%dma_wait3A_388 : memref<64x128xf32, #tpu.memory_space<vmem>>) dst(%dma_wait3A_394 : memref<10008x128xf32, #tpu.memory_space<vmem_shared>>)
    %mul3A_395 = arith.constant 160 : i32
    %mul3A_396 = arith.muli %arg1, %mul3A_395 : i32
    %add3A_397 = arith.constant 40 : i32
    %add3A_398 = arith.addi %mul3A_396, %add3A_397 : i32
    "tpu.region"() ({
      %run_scoped3A = tpu.sem_alloc : memref<!tpu.dma_semaphore, #tpu.memory_space<semaphore_mem>>
      %dma_start3A_1583 = arith.constant 0 : i32
      %dma_start3A_1584 = tpu.memref_slice %arg4[%arg0, %add3A_398, %dma_start3A_1583] : memref<2x2560x64xi32, #tpu.memory_space<hbm>> -> memref<1x40x64xi32, #tpu.memory_space<hbm>>
      %dma_start3A_1585 = tpu.memref_squeeze %dma_start3A_1584 : memref<1x40x64xi32, #tpu.memory_space<hbm>> -> memref<40x64xi32, #tpu.memory_space<hbm>>
      %dma_start3A_1586 = arith.constant 0 : i32
      %dma_start3A_1587 = tpu.memref_slice %arg4[%arg0, %add3A_398, %dma_start3A_1586] : memref<2x2560x64xi32, #tpu.memory_space<hbm>> -> memref<1x40x64xi32, #tpu.memory_space<hbm>>
      %dma_start3A_1588 = tpu.memref_squeeze %dma_start3A_1587 : memref<1x40x64xi32, #tpu.memory_space<hbm>> -> memref<40x64xi32, #tpu.memory_space<hbm>>
      tpu.enqueue_dma source(%dma_start3A_1588 : memref<40x64xi32, #tpu.memory_space<hbm>>) target(%arg7 : memref<40x64xi32, #tpu.memory_space<vmem>>) target_semaphore(%run_scoped3A : memref<!tpu.dma_semaphore, #tpu.memory_space<semaphore_mem>>)
      %dma_wait3A_1589 = arith.constant 0 : i32
      %dma_wait3A_1590 = tpu.memref_slice %arg4[%arg0, %add3A_398, %dma_wait3A_1589] : memref<2x2560x64xi32, #tpu.memory_space<hbm>> -> memref<1x40x64xi32, #tpu.memory_space<hbm>>
      %dma_wait3A_1591 = tpu.memref_squeeze %dma_wait3A_1590 : memref<1x40x64xi32, #tpu.memory_space<hbm>> -> memref<40x64xi32, #tpu.memory_space<hbm>>
      %dma_wait3A_1592 = arith.constant 0 : i32
      %dma_wait3A_1593 = tpu.memref_slice %arg4[%arg0, %add3A_398, %dma_wait3A_1592] : memref<2x2560x64xi32, #tpu.memory_space<hbm>> -> memref<1x40x64xi32, #tpu.memory_space<hbm>>
      %dma_wait3A_1594 = tpu.memref_squeeze %dma_wait3A_1593 : memref<1x40x64xi32, #tpu.memory_space<hbm>> -> memref<40x64xi32, #tpu.memory_space<hbm>>
      tpu.wait_dma2 semaphore(%run_scoped3A : memref<!tpu.dma_semaphore, #tpu.memory_space<semaphore_mem>>) src(%dma_wait3A_1594 : memref<40x64xi32, #tpu.memory_space<hbm>>) dst(%arg7 : memref<40x64xi32, #tpu.memory_space<vmem>>)
      tpu.yield
    }) : () -> ()
    "tpu.region"() ({
      %run_scoped3A = tpu.sem_alloc : memref<!tpu.dma_semaphore, #tpu.memory_space<semaphore_mem>>
      %dma_start3A_1583 = arith.constant 0 : i32
      %dma_start3A_1584 = tpu.memref_slice %arg5[%add3A_398, %dma_start3A_1583] : memref<2560x64xi32, #tpu.memory_space<hbm>> -> memref<40x64xi32, #tpu.memory_space<hbm>>
      %dma_start3A_1585 = arith.constant 0 : i32
      %dma_start3A_1586 = tpu.memref_slice %arg5[%add3A_398, %dma_start3A_1585] : memref<2560x64xi32, #tpu.memory_space<hbm>> -> memref<40x64xi32, #tpu.memory_space<hbm>>
      tpu.enqueue_dma source(%dma_start3A_1586 : memref<40x64xi32, #tpu.memory_space<hbm>>) target(%arg8 : memref<40x64xi32, #tpu.memory_space<vmem>>) target_semaphore(%run_scoped3A : memref<!tpu.dma_semaphore, #tpu.memory_space<semaphore_mem>>)
      %dma_wait3A_1587 = arith.constant 0 : i32
      %dma_wait3A_1588 = tpu.memref_slice %arg5[%add3A_398, %dma_wait3A_1587] : memref<2560x64xi32, #tpu.memory_space<hbm>> -> memref<40x64xi32, #tpu.memory_space<hbm>>
      %dma_wait3A_1589 = arith.constant 0 : i32
      %dma_wait3A_1590 = tpu.memref_slice %arg5[%add3A_398, %dma_wait3A_1589] : memref<2560x64xi32, #tpu.memory_space<hbm>> -> memref<40x64xi32, #tpu.memory_space<hbm>>
      tpu.wait_dma2 semaphore(%run_scoped3A : memref<!tpu.dma_semaphore, #tpu.memory_space<semaphore_mem>>) src(%dma_wait3A_1590 : memref<40x64xi32, #tpu.memory_space<hbm>>) dst(%arg8 : memref<40x64xi32, #tpu.memory_space<vmem>>)
      tpu.yield
    }) : () -> ()
    %dma_start3A_399 = arith.constant 0 : i32
    %dma_start3A_400 = arith.constant 0 : i32
    %dma_start3A_401 = arith.constant 0 : i32
    %dma_start3A_402 = arith.constant 0 : i32
    %dma_start3A_403 = tpu.memref_slice %arg9[%dma_start3A_400, %dma_start3A_401, %dma_start3A_402] : memref<4x64x128xf32, #tpu.memory_space<vmem>> -> memref<1x64x128xf32, #tpu.memory_space<vmem>>
    %dma_start3A_404 = tpu.memref_squeeze %dma_start3A_403 : memref<1x64x128xf32, #tpu.memory_space<vmem>> -> memref<64x128xf32, #tpu.memory_space<vmem>>
    %dma_start3A_405 = arith.constant 0 : i32
    %dma_start3A_406 = tpu.memref_slice %arg7[%dma_start3A_399, %dma_start3A_405] : memref<40x64xi32, #tpu.memory_space<vmem>> -> memref<1x64xi32, #tpu.memory_space<vmem>>
    %dma_start3A_407 = tpu.memref_squeeze %dma_start3A_406 : memref<1x64xi32, #tpu.memory_space<vmem>> -> memref<64xi32, #tpu.memory_space<vmem>>
    %dma_start3A_408 = arith.constant 0 : i32
    %dma_start3A_409 = arith.constant 0 : i32
    %dma_start3A_410 = tpu.memref_slice %arg2[%dma_start3A_408, %dma_start3A_409] : memref<20000x128xf32, #tpu.memory_space<hbm>> -> memref<20000x128xf32, #tpu.memory_space<hbm>>
    tpu.enqueue_indirect_dma source(%dma_start3A_410 : memref<20000x128xf32, #tpu.memory_space<hbm>>) target(%dma_start3A_404 : memref<64x128xf32, #tpu.memory_space<vmem>>) offsets(%dma_start3A_407 : memref<64xi32, #tpu.memory_space<vmem>>) semaphore(%arg11 : memref<!tpu.dma_semaphore, #tpu.memory_space<semaphore_mem>>)
    %dma_start3A_411 = arith.constant 1 : i32
    %dma_start3A_412 = arith.constant 1 : i32
    %dma_start3A_413 = arith.constant 0 : i32
    %dma_start3A_414 = arith.constant 0 : i32
    %dma_start3A_415 = tpu.memref_slice %arg9[%dma_start3A_412, %dma_start3A_413, %dma_start3A_414] : memref<4x64x128xf32, #tpu.memory_space<vmem>> -> memref<1x64x128xf32, #tpu.memory_space<vmem>>
    %dma_start3A_416 = tpu.memref_squeeze %dma_start3A_415 : memref<1x64x128xf32, #tpu.memory_space<vmem>> -> memref<64x128xf32, #tpu.memory_space<vmem>>
    %dma_start3A_417 = arith.constant 0 : i32
    %dma_start3A_418 = tpu.memref_slice %arg7[%dma_start3A_411, %dma_start3A_417] : memref<40x64xi32, #tpu.memory_space<vmem>> -> memref<1x64xi32, #tpu.memory_space<vmem>>
    %dma_start3A_419 = tpu.memref_squeeze %dma_start3A_418 : memref<1x64xi32, #tpu.memory_space<vmem>> -> memref<64xi32, #tpu.memory_space<vmem>>
    %dma_start3A_420 = arith.constant 0 : i32
    %dma_start3A_421 = arith.constant 0 : i32
    %dma_start3A_422 = tpu.memref_slice %arg2[%dma_start3A_420, %dma_start3A_421] : memref<20000x128xf32, #tpu.memory_space<hbm>> -> memref<20000x128xf32, #tpu.memory_space<hbm>>
    tpu.enqueue_indirect_dma source(%dma_start3A_422 : memref<20000x128xf32, #tpu.memory_space<hbm>>) target(%dma_start3A_416 : memref<64x128xf32, #tpu.memory_space<vmem>>) offsets(%dma_start3A_419 : memref<64xi32, #tpu.memory_space<vmem>>) semaphore(%arg12 : memref<!tpu.dma_semaphore, #tpu.memory_space<semaphore_mem>>)
    %dma_start3A_423 = arith.constant 2 : i32
    %dma_start3A_424 = arith.constant 2 : i32
    %dma_start3A_425 = arith.constant 0 : i32
    %dma_start3A_426 = arith.constant 0 : i32
    %dma_start3A_427 = tpu.memref_slice %arg9[%dma_start3A_424, %dma_start3A_425, %dma_start3A_426] : memref<4x64x128xf32, #tpu.memory_space<vmem>> -> memref<1x64x128xf32, #tpu.memory_space<vmem>>
    %dma_start3A_428 = tpu.memref_squeeze %dma_start3A_427 : memref<1x64x128xf32, #tpu.memory_space<vmem>> -> memref<64x128xf32, #tpu.memory_space<vmem>>
    %dma_start3A_429 = arith.constant 0 : i32
    %dma_start3A_430 = tpu.memref_slice %arg7[%dma_start3A_423, %dma_start3A_429] : memref<40x64xi32, #tpu.memory_space<vmem>> -> memref<1x64xi32, #tpu.memory_space<vmem>>
    %dma_start3A_431 = tpu.memref_squeeze %dma_start3A_430 : memref<1x64xi32, #tpu.memory_space<vmem>> -> memref<64xi32, #tpu.memory_space<vmem>>
    %dma_start3A_432 = arith.constant 0 : i32
    %dma_start3A_433 = arith.constant 0 : i32
    %dma_start3A_434 = tpu.memref_slice %arg2[%dma_start3A_432, %dma_start3A_433] : memref<20000x128xf32, #tpu.memory_space<hbm>> -> memref<20000x128xf32, #tpu.memory_space<hbm>>
    tpu.enqueue_indirect_dma source(%dma_start3A_434 : memref<20000x128xf32, #tpu.memory_space<hbm>>) target(%dma_start3A_428 : memref<64x128xf32, #tpu.memory_space<vmem>>) offsets(%dma_start3A_431 : memref<64xi32, #tpu.memory_space<vmem>>) semaphore(%arg13 : memref<!tpu.dma_semaphore, #tpu.memory_space<semaphore_mem>>)
    %dma_wait3A_435 = arith.constant 0 : i32
    %dma_wait3A_436 = arith.constant 0 : i32
    %dma_wait3A_437 = arith.constant 0 : i32
    %dma_wait3A_438 = arith.constant 0 : i32
    %dma_wait3A_439 = tpu.memref_slice %arg9[%dma_wait3A_436, %dma_wait3A_437, %dma_wait3A_438] : memref<4x64x128xf32, #tpu.memory_space<vmem>> -> memref<1x64x128xf32, #tpu.memory_space<vmem>>
    %dma_wait3A_440 = tpu.memref_squeeze %dma_wait3A_439 : memref<1x64x128xf32, #tpu.memory_space<vmem>> -> memref<64x128xf32, #tpu.memory_space<vmem>>
    %dma_wait3A_441 = arith.constant 0 : i32
    %dma_wait3A_442 = tpu.memref_slice %arg7[%dma_wait3A_435, %dma_wait3A_441] : memref<40x64xi32, #tpu.memory_space<vmem>> -> memref<1x64xi32, #tpu.memory_space<vmem>>
    %dma_wait3A_443 = tpu.memref_squeeze %dma_wait3A_442 : memref<1x64xi32, #tpu.memory_space<vmem>> -> memref<64xi32, #tpu.memory_space<vmem>>
    %dma_wait3A_444 = arith.constant 0 : i32
    %dma_wait3A_445 = arith.constant 0 : i32
    %dma_wait3A_446 = tpu.memref_slice %arg2[%dma_wait3A_444, %dma_wait3A_445] : memref<20000x128xf32, #tpu.memory_space<hbm>> -> memref<20000x128xf32, #tpu.memory_space<hbm>>
    tpu.wait_indirect_dma semaphore(%arg11 : memref<!tpu.dma_semaphore, #tpu.memory_space<semaphore_mem>>) src(%dma_wait3A_446 : memref<20000x128xf32, #tpu.memory_space<hbm>>) dst(%dma_wait3A_440 : memref<64x128xf32, #tpu.memory_space<vmem>>)
    %dma_start3A_447 = arith.constant 0 : i32
    %dma_start3A_448 = arith.constant 0 : i32
    %dma_start3A_449 = arith.constant 0 : i32
    %dma_start3A_450 = arith.constant 0 : i32
    %dma_start3A_451 = tpu.memref_slice %arg9[%dma_start3A_447, %dma_start3A_449, %dma_start3A_450] : memref<4x64x128xf32, #tpu.memory_space<vmem>> -> memref<1x64x128xf32, #tpu.memory_space<vmem>>
    %dma_start3A_452 = tpu.memref_squeeze %dma_start3A_451 : memref<1x64x128xf32, #tpu.memory_space<vmem>> -> memref<64x128xf32, #tpu.memory_space<vmem>>
    %dma_start3A_453 = arith.constant 0 : i32
    %dma_start3A_454 = tpu.memref_slice %arg8[%dma_start3A_448, %dma_start3A_453] : memref<40x64xi32, #tpu.memory_space<vmem>> -> memref<1x64xi32, #tpu.memory_space<vmem>>
    %dma_start3A_455 = tpu.memref_squeeze %dma_start3A_454 : memref<1x64xi32, #tpu.memory_space<vmem>> -> memref<64xi32, #tpu.memory_space<vmem>>
    %dma_start3A_456 = arith.constant 0 : i32
    %dma_start3A_457 = arith.constant 0 : i32
    %dma_start3A_458 = tpu.memref_slice %arg10[%dma_start3A_456, %dma_start3A_457] : memref<10008x128xf32, #tpu.memory_space<vmem_shared>> -> memref<10008x128xf32, #tpu.memory_space<vmem_shared>>
    tpu.enqueue_indirect_dma source(%dma_start3A_452 : memref<64x128xf32, #tpu.memory_space<vmem>>) target(%dma_start3A_458 : memref<10008x128xf32, #tpu.memory_space<vmem_shared>>) offsets(%dma_start3A_455 : memref<64xi32, #tpu.memory_space<vmem>>) semaphore(%arg15 : memref<!tpu.dma_semaphore, #tpu.memory_space<semaphore_mem>>) {add = true}
    %dma_start3A_459 = arith.constant 3 : i32
    %dma_start3A_460 = arith.constant 3 : i32
    %dma_start3A_461 = arith.constant 0 : i32
    %dma_start3A_462 = arith.constant 0 : i32
    %dma_start3A_463 = tpu.memref_slice %arg9[%dma_start3A_460, %dma_start3A_461, %dma_start3A_462] : memref<4x64x128xf32, #tpu.memory_space<vmem>> -> memref<1x64x128xf32, #tpu.memory_space<vmem>>
    %dma_start3A_464 = tpu.memref_squeeze %dma_start3A_463 : memref<1x64x128xf32, #tpu.memory_space<vmem>> -> memref<64x128xf32, #tpu.memory_space<vmem>>
    %dma_start3A_465 = arith.constant 0 : i32
    %dma_start3A_466 = tpu.memref_slice %arg7[%dma_start3A_459, %dma_start3A_465] : memref<40x64xi32, #tpu.memory_space<vmem>> -> memref<1x64xi32, #tpu.memory_space<vmem>>
    %dma_start3A_467 = tpu.memref_squeeze %dma_start3A_466 : memref<1x64xi32, #tpu.memory_space<vmem>> -> memref<64xi32, #tpu.memory_space<vmem>>
    %dma_start3A_468 = arith.constant 0 : i32
    %dma_start3A_469 = arith.constant 0 : i32
    %dma_start3A_470 = tpu.memref_slice %arg2[%dma_start3A_468, %dma_start3A_469] : memref<20000x128xf32, #tpu.memory_space<hbm>> -> memref<20000x128xf32, #tpu.memory_space<hbm>>
    tpu.enqueue_indirect_dma source(%dma_start3A_470 : memref<20000x128xf32, #tpu.memory_space<hbm>>) target(%dma_start3A_464 : memref<64x128xf32, #tpu.memory_space<vmem>>) offsets(%dma_start3A_467 : memref<64xi32, #tpu.memory_space<vmem>>) semaphore(%arg14 : memref<!tpu.dma_semaphore, #tpu.memory_space<semaphore_mem>>)
    %dma_wait3A_471 = arith.constant 0 : i32
    %dma_wait3A_472 = arith.constant 1 : i32
    %dma_wait3A_473 = arith.constant 0 : i32
    %dma_wait3A_474 = arith.constant 0 : i32
    %dma_wait3A_475 = tpu.memref_slice %arg9[%dma_wait3A_472, %dma_wait3A_473, %dma_wait3A_474] : memref<4x64x128xf32, #tpu.memory_space<vmem>> -> memref<1x64x128xf32, #tpu.memory_space<vmem>>
    %dma_wait3A_476 = tpu.memref_squeeze %dma_wait3A_475 : memref<1x64x128xf32, #tpu.memory_space<vmem>> -> memref<64x128xf32, #tpu.memory_space<vmem>>
    %dma_wait3A_477 = arith.constant 0 : i32
    %dma_wait3A_478 = tpu.memref_slice %arg7[%dma_wait3A_471, %dma_wait3A_477] : memref<40x64xi32, #tpu.memory_space<vmem>> -> memref<1x64xi32, #tpu.memory_space<vmem>>
    %dma_wait3A_479 = tpu.memref_squeeze %dma_wait3A_478 : memref<1x64xi32, #tpu.memory_space<vmem>> -> memref<64xi32, #tpu.memory_space<vmem>>
    %dma_wait3A_480 = arith.constant 0 : i32
    %dma_wait3A_481 = arith.constant 0 : i32
    %dma_wait3A_482 = tpu.memref_slice %arg2[%dma_wait3A_480, %dma_wait3A_481] : memref<20000x128xf32, #tpu.memory_space<hbm>> -> memref<20000x128xf32, #tpu.memory_space<hbm>>
    tpu.wait_indirect_dma semaphore(%arg12 : memref<!tpu.dma_semaphore, #tpu.memory_space<semaphore_mem>>) src(%dma_wait3A_482 : memref<20000x128xf32, #tpu.memory_space<hbm>>) dst(%dma_wait3A_476 : memref<64x128xf32, #tpu.memory_space<vmem>>)
    %dma_start3A_483 = arith.constant 1 : i32
    %dma_start3A_484 = arith.constant 1 : i32
    %dma_start3A_485 = arith.constant 0 : i32
    %dma_start3A_486 = arith.constant 0 : i32
    %dma_start3A_487 = tpu.memref_slice %arg9[%dma_start3A_483, %dma_start3A_485, %dma_start3A_486] : memref<4x64x128xf32, #tpu.memory_space<vmem>> -> memref<1x64x128xf32, #tpu.memory_space<vmem>>
    %dma_start3A_488 = tpu.memref_squeeze %dma_start3A_487 : memref<1x64x128xf32, #tpu.memory_space<vmem>> -> memref<64x128xf32, #tpu.memory_space<vmem>>
    %dma_start3A_489 = arith.constant 0 : i32
    %dma_start3A_490 = tpu.memref_slice %arg8[%dma_start3A_484, %dma_start3A_489] : memref<40x64xi32, #tpu.memory_space<vmem>> -> memref<1x64xi32, #tpu.memory_space<vmem>>
    %dma_start3A_491 = tpu.memref_squeeze %dma_start3A_490 : memref<1x64xi32, #tpu.memory_space<vmem>> -> memref<64xi32, #tpu.memory_space<vmem>>
    %dma_start3A_492 = arith.constant 0 : i32
    %dma_start3A_493 = arith.constant 0 : i32
    %dma_start3A_494 = tpu.memref_slice %arg10[%dma_start3A_492, %dma_start3A_493] : memref<10008x128xf32, #tpu.memory_space<vmem_shared>> -> memref<10008x128xf32, #tpu.memory_space<vmem_shared>>
    tpu.enqueue_indirect_dma source(%dma_start3A_488 : memref<64x128xf32, #tpu.memory_space<vmem>>) target(%dma_start3A_494 : memref<10008x128xf32, #tpu.memory_space<vmem_shared>>) offsets(%dma_start3A_491 : memref<64xi32, #tpu.memory_space<vmem>>) semaphore(%arg16 : memref<!tpu.dma_semaphore, #tpu.memory_space<semaphore_mem>>) {add = true}
    %dma_wait3A_495 = arith.constant 0 : i32
    %dma_wait3A_496 = arith.constant 0 : i32
    %dma_wait3A_497 = arith.constant 0 : i32
    %dma_wait3A_498 = arith.constant 0 : i32
    %dma_wait3A_499 = tpu.memref_slice %arg9[%dma_wait3A_495, %dma_wait3A_497, %dma_wait3A_498] : memref<4x64x128xf32, #tpu.memory_space<vmem>> -> memref<1x64x128xf32, #tpu.memory_space<vmem>>
    %dma_wait3A_500 = tpu.memref_squeeze %dma_wait3A_499 : memref<1x64x128xf32, #tpu.memory_space<vmem>> -> memref<64x128xf32, #tpu.memory_space<vmem>>
    %dma_wait3A_501 = arith.constant 0 : i32
    %dma_wait3A_502 = tpu.memref_slice %arg8[%dma_wait3A_496, %dma_wait3A_501] : memref<40x64xi32, #tpu.memory_space<vmem>> -> memref<1x64xi32, #tpu.memory_space<vmem>>
    %dma_wait3A_503 = tpu.memref_squeeze %dma_wait3A_502 : memref<1x64xi32, #tpu.memory_space<vmem>> -> memref<64xi32, #tpu.memory_space<vmem>>
    %dma_wait3A_504 = arith.constant 0 : i32
    %dma_wait3A_505 = arith.constant 0 : i32
    %dma_wait3A_506 = tpu.memref_slice %arg10[%dma_wait3A_504, %dma_wait3A_505] : memref<10008x128xf32, #tpu.memory_space<vmem_shared>> -> memref<10008x128xf32, #tpu.memory_space<vmem_shared>>
    tpu.wait_indirect_dma semaphore(%arg15 : memref<!tpu.dma_semaphore, #tpu.memory_space<semaphore_mem>>) src(%dma_wait3A_500 : memref<64x128xf32, #tpu.memory_space<vmem>>) dst(%dma_wait3A_506 : memref<10008x128xf32, #tpu.memory_space<vmem_shared>>)
    %dma_start3A_507 = arith.constant 4 : i32
    %dma_start3A_508 = arith.constant 0 : i32
    %dma_start3A_509 = arith.constant 0 : i32
    %dma_start3A_510 = arith.constant 0 : i32
    %dma_start3A_511 = tpu.memref_slice %arg9[%dma_start3A_508, %dma_start3A_509, %dma_start3A_510] : memref<4x64x128xf32, #tpu.memory_space<vmem>> -> memref<1x64x128xf32, #tpu.memory_space<vmem>>
    %dma_start3A_512 = tpu.memref_squeeze %dma_start3A_511 : memref<1x64x128xf32, #tpu.memory_space<vmem>> -> memref<64x128xf32, #tpu.memory_space<vmem>>
    %dma_start3A_513 = arith.constant 0 : i32
    %dma_start3A_514 = tpu.memref_slice %arg7[%dma_start3A_507, %dma_start3A_513] : memref<40x64xi32, #tpu.memory_space<vmem>> -> memref<1x64xi32, #tpu.memory_space<vmem>>
    %dma_start3A_515 = tpu.memref_squeeze %dma_start3A_514 : memref<1x64xi32, #tpu.memory_space<vmem>> -> memref<64xi32, #tpu.memory_space<vmem>>
    %dma_start3A_516 = arith.constant 0 : i32
    %dma_start3A_517 = arith.constant 0 : i32
    %dma_start3A_518 = tpu.memref_slice %arg2[%dma_start3A_516, %dma_start3A_517] : memref<20000x128xf32, #tpu.memory_space<hbm>> -> memref<20000x128xf32, #tpu.memory_space<hbm>>
    tpu.enqueue_indirect_dma source(%dma_start3A_518 : memref<20000x128xf32, #tpu.memory_space<hbm>>) target(%dma_start3A_512 : memref<64x128xf32, #tpu.memory_space<vmem>>) offsets(%dma_start3A_515 : memref<64xi32, #tpu.memory_space<vmem>>) semaphore(%arg11 : memref<!tpu.dma_semaphore, #tpu.memory_space<semaphore_mem>>)
    %dma_wait3A_519 = arith.constant 0 : i32
    %dma_wait3A_520 = arith.constant 2 : i32
    %dma_wait3A_521 = arith.constant 0 : i32
    %dma_wait3A_522 = arith.constant 0 : i32
    %dma_wait3A_523 = tpu.memref_slice %arg9[%dma_wait3A_520, %dma_wait3A_521, %dma_wait3A_522] : memref<4x64x128xf32, #tpu.memory_space<vmem>> -> memref<1x64x128xf32, #tpu.memory_space<vmem>>
    %dma_wait3A_524 = tpu.memref_squeeze %dma_wait3A_523 : memref<1x64x128xf32, #tpu.memory_space<vmem>> -> memref<64x128xf32, #tpu.memory_space<vmem>>
    %dma_wait3A_525 = arith.constant 0 : i32
    %dma_wait3A_526 = tpu.memref_slice %arg7[%dma_wait3A_519, %dma_wait3A_525] : memref<40x64xi32, #tpu.memory_space<vmem>> -> memref<1x64xi32, #tpu.memory_space<vmem>>
    %dma_wait3A_527 = tpu.memref_squeeze %dma_wait3A_526 : memref<1x64xi32, #tpu.memory_space<vmem>> -> memref<64xi32, #tpu.memory_space<vmem>>
    %dma_wait3A_528 = arith.constant 0 : i32
    %dma_wait3A_529 = arith.constant 0 : i32
    %dma_wait3A_530 = tpu.memref_slice %arg2[%dma_wait3A_528, %dma_wait3A_529] : memref<20000x128xf32, #tpu.memory_space<hbm>> -> memref<20000x128xf32, #tpu.memory_space<hbm>>
    tpu.wait_indirect_dma semaphore(%arg13 : memref<!tpu.dma_semaphore, #tpu.memory_space<semaphore_mem>>) src(%dma_wait3A_530 : memref<20000x128xf32, #tpu.memory_space<hbm>>) dst(%dma_wait3A_524 : memref<64x128xf32, #tpu.memory_space<vmem>>)
    %dma_start3A_531 = arith.constant 2 : i32
    %dma_start3A_532 = arith.constant 2 : i32
    %dma_start3A_533 = arith.constant 0 : i32
    %dma_start3A_534 = arith.constant 0 : i32
    %dma_start3A_535 = tpu.memref_slice %arg9[%dma_start3A_531, %dma_start3A_533, %dma_start3A_534] : memref<4x64x128xf32, #tpu.memory_space<vmem>> -> memref<1x64x128xf32, #tpu.memory_space<vmem>>
    %dma_start3A_536 = tpu.memref_squeeze %dma_start3A_535 : memref<1x64x128xf32, #tpu.memory_space<vmem>> -> memref<64x128xf32, #tpu.memory_space<vmem>>
    %dma_start3A_537 = arith.constant 0 : i32
    %dma_start3A_538 = tpu.memref_slice %arg8[%dma_start3A_532, %dma_start3A_537] : memref<40x64xi32, #tpu.memory_space<vmem>> -> memref<1x64xi32, #tpu.memory_space<vmem>>
    %dma_start3A_539 = tpu.memref_squeeze %dma_start3A_538 : memref<1x64xi32, #tpu.memory_space<vmem>> -> memref<64xi32, #tpu.memory_space<vmem>>
    %dma_start3A_540 = arith.constant 0 : i32
    %dma_start3A_541 = arith.constant 0 : i32
    %dma_start3A_542 = tpu.memref_slice %arg10[%dma_start3A_540, %dma_start3A_541] : memref<10008x128xf32, #tpu.memory_space<vmem_shared>> -> memref<10008x128xf32, #tpu.memory_space<vmem_shared>>
    tpu.enqueue_indirect_dma source(%dma_start3A_536 : memref<64x128xf32, #tpu.memory_space<vmem>>) target(%dma_start3A_542 : memref<10008x128xf32, #tpu.memory_space<vmem_shared>>) offsets(%dma_start3A_539 : memref<64xi32, #tpu.memory_space<vmem>>) semaphore(%arg17 : memref<!tpu.dma_semaphore, #tpu.memory_space<semaphore_mem>>) {add = true}
    %dma_wait3A_543 = arith.constant 1 : i32
    %dma_wait3A_544 = arith.constant 0 : i32
    %dma_wait3A_545 = arith.constant 0 : i32
    %dma_wait3A_546 = arith.constant 0 : i32
    %dma_wait3A_547 = tpu.memref_slice %arg9[%dma_wait3A_543, %dma_wait3A_545, %dma_wait3A_546] : memref<4x64x128xf32, #tpu.memory_space<vmem>> -> memref<1x64x128xf32, #tpu.memory_space<vmem>>
    %dma_wait3A_548 = tpu.memref_squeeze %dma_wait3A_547 : memref<1x64x128xf32, #tpu.memory_space<vmem>> -> memref<64x128xf32, #tpu.memory_space<vmem>>
    %dma_wait3A_549 = arith.constant 0 : i32
    %dma_wait3A_550 = tpu.memref_slice %arg8[%dma_wait3A_544, %dma_wait3A_549] : memref<40x64xi32, #tpu.memory_space<vmem>> -> memref<1x64xi32, #tpu.memory_space<vmem>>
    %dma_wait3A_551 = tpu.memref_squeeze %dma_wait3A_550 : memref<1x64xi32, #tpu.memory_space<vmem>> -> memref<64xi32, #tpu.memory_space<vmem>>
    %dma_wait3A_552 = arith.constant 0 : i32
    %dma_wait3A_553 = arith.constant 0 : i32
    %dma_wait3A_554 = tpu.memref_slice %arg10[%dma_wait3A_552, %dma_wait3A_553] : memref<10008x128xf32, #tpu.memory_space<vmem_shared>> -> memref<10008x128xf32, #tpu.memory_space<vmem_shared>>
    tpu.wait_indirect_dma semaphore(%arg16 : memref<!tpu.dma_semaphore, #tpu.memory_space<semaphore_mem>>) src(%dma_wait3A_548 : memref<64x128xf32, #tpu.memory_space<vmem>>) dst(%dma_wait3A_554 : memref<10008x128xf32, #tpu.memory_space<vmem_shared>>)
    %dma_start3A_555 = arith.constant 5 : i32
    %dma_start3A_556 = arith.constant 1 : i32
    %dma_start3A_557 = arith.constant 0 : i32
    %dma_start3A_558 = arith.constant 0 : i32
    %dma_start3A_559 = tpu.memref_slice %arg9[%dma_start3A_556, %dma_start3A_557, %dma_start3A_558] : memref<4x64x128xf32, #tpu.memory_space<vmem>> -> memref<1x64x128xf32, #tpu.memory_space<vmem>>
    %dma_start3A_560 = tpu.memref_squeeze %dma_start3A_559 : memref<1x64x128xf32, #tpu.memory_space<vmem>> -> memref<64x128xf32, #tpu.memory_space<vmem>>
    %dma_start3A_561 = arith.constant 0 : i32
    %dma_start3A_562 = tpu.memref_slice %arg7[%dma_start3A_555, %dma_start3A_561] : memref<40x64xi32, #tpu.memory_space<vmem>> -> memref<1x64xi32, #tpu.memory_space<vmem>>
    %dma_start3A_563 = tpu.memref_squeeze %dma_start3A_562 : memref<1x64xi32, #tpu.memory_space<vmem>> -> memref<64xi32, #tpu.memory_space<vmem>>
    %dma_start3A_564 = arith.constant 0 : i32
    %dma_start3A_565 = arith.constant 0 : i32
    %dma_start3A_566 = tpu.memref_slice %arg2[%dma_start3A_564, %dma_start3A_565] : memref<20000x128xf32, #tpu.memory_space<hbm>> -> memref<20000x128xf32, #tpu.memory_space<hbm>>
    tpu.enqueue_indirect_dma source(%dma_start3A_566 : memref<20000x128xf32, #tpu.memory_space<hbm>>) target(%dma_start3A_560 : memref<64x128xf32, #tpu.memory_space<vmem>>) offsets(%dma_start3A_563 : memref<64xi32, #tpu.memory_space<vmem>>) semaphore(%arg12 : memref<!tpu.dma_semaphore, #tpu.memory_space<semaphore_mem>>)
    %dma_wait3A_567 = arith.constant 0 : i32
    %dma_wait3A_568 = arith.constant 3 : i32
    %dma_wait3A_569 = arith.constant 0 : i32
    %dma_wait3A_570 = arith.constant 0 : i32
    %dma_wait3A_571 = tpu.memref_slice %arg9[%dma_wait3A_568, %dma_wait3A_569, %dma_wait3A_570] : memref<4x64x128xf32, #tpu.memory_space<vmem>> -> memref<1x64x128xf32, #tpu.memory_space<vmem>>
    %dma_wait3A_572 = tpu.memref_squeeze %dma_wait3A_571 : memref<1x64x128xf32, #tpu.memory_space<vmem>> -> memref<64x128xf32, #tpu.memory_space<vmem>>
    %dma_wait3A_573 = arith.constant 0 : i32
    %dma_wait3A_574 = tpu.memref_slice %arg7[%dma_wait3A_567, %dma_wait3A_573] : memref<40x64xi32, #tpu.memory_space<vmem>> -> memref<1x64xi32, #tpu.memory_space<vmem>>
    %dma_wait3A_575 = tpu.memref_squeeze %dma_wait3A_574 : memref<1x64xi32, #tpu.memory_space<vmem>> -> memref<64xi32, #tpu.memory_space<vmem>>
    %dma_wait3A_576 = arith.constant 0 : i32
    %dma_wait3A_577 = arith.constant 0 : i32
    %dma_wait3A_578 = tpu.memref_slice %arg2[%dma_wait3A_576, %dma_wait3A_577] : memref<20000x128xf32, #tpu.memory_space<hbm>> -> memref<20000x128xf32, #tpu.memory_space<hbm>>
    tpu.wait_indirect_dma semaphore(%arg14 : memref<!tpu.dma_semaphore, #tpu.memory_space<semaphore_mem>>) src(%dma_wait3A_578 : memref<20000x128xf32, #tpu.memory_space<hbm>>) dst(%dma_wait3A_572 : memref<64x128xf32, #tpu.memory_space<vmem>>)
    %dma_start3A_579 = arith.constant 3 : i32
    %dma_start3A_580 = arith.constant 3 : i32
    %dma_start3A_581 = arith.constant 0 : i32
    %dma_start3A_582 = arith.constant 0 : i32
    %dma_start3A_583 = tpu.memref_slice %arg9[%dma_start3A_579, %dma_start3A_581, %dma_start3A_582] : memref<4x64x128xf32, #tpu.memory_space<vmem>> -> memref<1x64x128xf32, #tpu.memory_space<vmem>>
    %dma_start3A_584 = tpu.memref_squeeze %dma_start3A_583 : memref<1x64x128xf32, #tpu.memory_space<vmem>> -> memref<64x128xf32, #tpu.memory_space<vmem>>
    %dma_start3A_585 = arith.constant 0 : i32
    %dma_start3A_586 = tpu.memref_slice %arg8[%dma_start3A_580, %dma_start3A_585] : memref<40x64xi32, #tpu.memory_space<vmem>> -> memref<1x64xi32, #tpu.memory_space<vmem>>
    %dma_start3A_587 = tpu.memref_squeeze %dma_start3A_586 : memref<1x64xi32, #tpu.memory_space<vmem>> -> memref<64xi32, #tpu.memory_space<vmem>>
    %dma_start3A_588 = arith.constant 0 : i32
    %dma_start3A_589 = arith.constant 0 : i32
    %dma_start3A_590 = tpu.memref_slice %arg10[%dma_start3A_588, %dma_start3A_589] : memref<10008x128xf32, #tpu.memory_space<vmem_shared>> -> memref<10008x128xf32, #tpu.memory_space<vmem_shared>>
    tpu.enqueue_indirect_dma source(%dma_start3A_584 : memref<64x128xf32, #tpu.memory_space<vmem>>) target(%dma_start3A_590 : memref<10008x128xf32, #tpu.memory_space<vmem_shared>>) offsets(%dma_start3A_587 : memref<64xi32, #tpu.memory_space<vmem>>) semaphore(%arg18 : memref<!tpu.dma_semaphore, #tpu.memory_space<semaphore_mem>>) {add = true}
    %dma_wait3A_591 = arith.constant 2 : i32
    %dma_wait3A_592 = arith.constant 0 : i32
    %dma_wait3A_593 = arith.constant 0 : i32
    %dma_wait3A_594 = arith.constant 0 : i32
    %dma_wait3A_595 = tpu.memref_slice %arg9[%dma_wait3A_591, %dma_wait3A_593, %dma_wait3A_594] : memref<4x64x128xf32, #tpu.memory_space<vmem>> -> memref<1x64x128xf32, #tpu.memory_space<vmem>>
    %dma_wait3A_596 = tpu.memref_squeeze %dma_wait3A_595 : memref<1x64x128xf32, #tpu.memory_space<vmem>> -> memref<64x128xf32, #tpu.memory_space<vmem>>
    %dma_wait3A_597 = arith.constant 0 : i32
    %dma_wait3A_598 = tpu.memref_slice %arg8[%dma_wait3A_592, %dma_wait3A_597] : memref<40x64xi32, #tpu.memory_space<vmem>> -> memref<1x64xi32, #tpu.memory_space<vmem>>
    %dma_wait3A_599 = tpu.memref_squeeze %dma_wait3A_598 : memref<1x64xi32, #tpu.memory_space<vmem>> -> memref<64xi32, #tpu.memory_space<vmem>>
    %dma_wait3A_600 = arith.constant 0 : i32
    %dma_wait3A_601 = arith.constant 0 : i32
    %dma_wait3A_602 = tpu.memref_slice %arg10[%dma_wait3A_600, %dma_wait3A_601] : memref<10008x128xf32, #tpu.memory_space<vmem_shared>> -> memref<10008x128xf32, #tpu.memory_space<vmem_shared>>
    tpu.wait_indirect_dma semaphore(%arg17 : memref<!tpu.dma_semaphore, #tpu.memory_space<semaphore_mem>>) src(%dma_wait3A_596 : memref<64x128xf32, #tpu.memory_space<vmem>>) dst(%dma_wait3A_602 : memref<10008x128xf32, #tpu.memory_space<vmem_shared>>)
    %dma_start3A_603 = arith.constant 6 : i32
    %dma_start3A_604 = arith.constant 2 : i32
    %dma_start3A_605 = arith.constant 0 : i32
    %dma_start3A_606 = arith.constant 0 : i32
    %dma_start3A_607 = tpu.memref_slice %arg9[%dma_start3A_604, %dma_start3A_605, %dma_start3A_606] : memref<4x64x128xf32, #tpu.memory_space<vmem>> -> memref<1x64x128xf32, #tpu.memory_space<vmem>>
    %dma_start3A_608 = tpu.memref_squeeze %dma_start3A_607 : memref<1x64x128xf32, #tpu.memory_space<vmem>> -> memref<64x128xf32, #tpu.memory_space<vmem>>
    %dma_start3A_609 = arith.constant 0 : i32
    %dma_start3A_610 = tpu.memref_slice %arg7[%dma_start3A_603, %dma_start3A_609] : memref<40x64xi32, #tpu.memory_space<vmem>> -> memref<1x64xi32, #tpu.memory_space<vmem>>
    %dma_start3A_611 = tpu.memref_squeeze %dma_start3A_610 : memref<1x64xi32, #tpu.memory_space<vmem>> -> memref<64xi32, #tpu.memory_space<vmem>>
    %dma_start3A_612 = arith.constant 0 : i32
    %dma_start3A_613 = arith.constant 0 : i32
    %dma_start3A_614 = tpu.memref_slice %arg2[%dma_start3A_612, %dma_start3A_613] : memref<20000x128xf32, #tpu.memory_space<hbm>> -> memref<20000x128xf32, #tpu.memory_space<hbm>>
    tpu.enqueue_indirect_dma source(%dma_start3A_614 : memref<20000x128xf32, #tpu.memory_space<hbm>>) target(%dma_start3A_608 : memref<64x128xf32, #tpu.memory_space<vmem>>) offsets(%dma_start3A_611 : memref<64xi32, #tpu.memory_space<vmem>>) semaphore(%arg13 : memref<!tpu.dma_semaphore, #tpu.memory_space<semaphore_mem>>)
    %scan3A_615 = arith.constant 0 : i32
    %scan3A_616 = arith.constant 1 : i32
    %scan3A_617 = arith.constant 8 : i32
    %scan3A_618 = arith.addi %scan3A_616, %scan3A_617 : i32
    %scan3A_619 = arith.constant 1 : i32
    scf.for %scan3A_1583 = %scan3A_616 to %scan3A_618 step %scan3A_619  : i32 {
      %mul3A_1584 = arith.constant 4 : i32
      %mul3A_1585 = arith.muli %scan3A_1583, %mul3A_1584 : i32
      %add3A_1586 = arith.constant 0 : i32
      %add3A_1587 = arith.addi %mul3A_1585, %add3A_1586 : i32
      %dma_wait3A_1588 = arith.constant 0 : i32
      %dma_wait3A_1589 = arith.constant 0 : i32
      %dma_wait3A_1590 = arith.constant 0 : i32
      %dma_wait3A_1591 = arith.constant 0 : i32
      %dma_wait3A_1592 = tpu.memref_slice %arg9[%dma_wait3A_1589, %dma_wait3A_1590, %dma_wait3A_1591] : memref<4x64x128xf32, #tpu.memory_space<vmem>> -> memref<1x64x128xf32, #tpu.memory_space<vmem>>
      %dma_wait3A_1593 = tpu.memref_squeeze %dma_wait3A_1592 : memref<1x64x128xf32, #tpu.memory_space<vmem>> -> memref<64x128xf32, #tpu.memory_space<vmem>>
      %dma_wait3A_1594 = arith.constant 0 : i32
      %dma_wait3A_1595 = tpu.memref_slice %arg7[%dma_wait3A_1588, %dma_wait3A_1594] : memref<40x64xi32, #tpu.memory_space<vmem>> -> memref<1x64xi32, #tpu.memory_space<vmem>>
      %dma_wait3A_1596 = tpu.memref_squeeze %dma_wait3A_1595 : memref<1x64xi32, #tpu.memory_space<vmem>> -> memref<64xi32, #tpu.memory_space<vmem>>
      %dma_wait3A_1597 = arith.constant 0 : i32
      %dma_wait3A_1598 = arith.constant 0 : i32
      %dma_wait3A_1599 = tpu.memref_slice %arg2[%dma_wait3A_1597, %dma_wait3A_1598] : memref<20000x128xf32, #tpu.memory_space<hbm>> -> memref<20000x128xf32, #tpu.memory_space<hbm>>
      tpu.wait_indirect_dma semaphore(%arg11 : memref<!tpu.dma_semaphore, #tpu.memory_space<semaphore_mem>>) src(%dma_wait3A_1599 : memref<20000x128xf32, #tpu.memory_space<hbm>>) dst(%dma_wait3A_1593 : memref<64x128xf32, #tpu.memory_space<vmem>>)
      %dma_start3A_1600 = arith.constant 0 : i32
      %dma_start3A_1601 = arith.constant 0 : i32
      %dma_start3A_1602 = arith.constant 0 : i32
      %dma_start3A_1603 = tpu.memref_slice %arg9[%dma_start3A_1600, %dma_start3A_1601, %dma_start3A_1602] : memref<4x64x128xf32, #tpu.memory_space<vmem>> -> memref<1x64x128xf32, #tpu.memory_space<vmem>>
      %dma_start3A_1604 = tpu.memref_squeeze %dma_start3A_1603 : memref<1x64x128xf32, #tpu.memory_space<vmem>> -> memref<64x128xf32, #tpu.memory_space<vmem>>
      %dma_start3A_1605 = arith.constant 0 : i32
      %dma_start3A_1606 = tpu.memref_slice %arg8[%add3A_1587, %dma_start3A_1605] : memref<40x64xi32, #tpu.memory_space<vmem>> -> memref<1x64xi32, #tpu.memory_space<vmem>>
      %dma_start3A_1607 = tpu.memref_squeeze %dma_start3A_1606 : memref<1x64xi32, #tpu.memory_space<vmem>> -> memref<64xi32, #tpu.memory_space<vmem>>
      %dma_start3A_1608 = arith.constant 0 : i32
      %dma_start3A_1609 = arith.constant 0 : i32
      %dma_start3A_1610 = tpu.memref_slice %arg10[%dma_start3A_1608, %dma_start3A_1609] : memref<10008x128xf32, #tpu.memory_space<vmem_shared>> -> memref<10008x128xf32, #tpu.memory_space<vmem_shared>>
      tpu.enqueue_indirect_dma source(%dma_start3A_1604 : memref<64x128xf32, #tpu.memory_space<vmem>>) target(%dma_start3A_1610 : memref<10008x128xf32, #tpu.memory_space<vmem_shared>>) offsets(%dma_start3A_1607 : memref<64xi32, #tpu.memory_space<vmem>>) semaphore(%arg15 : memref<!tpu.dma_semaphore, #tpu.memory_space<semaphore_mem>>) {add = true}
      %dma_wait3A_1611 = arith.constant 3 : i32
      %dma_wait3A_1612 = arith.constant 0 : i32
      %dma_wait3A_1613 = arith.constant 0 : i32
      %dma_wait3A_1614 = arith.constant 0 : i32
      %dma_wait3A_1615 = tpu.memref_slice %arg9[%dma_wait3A_1611, %dma_wait3A_1613, %dma_wait3A_1614] : memref<4x64x128xf32, #tpu.memory_space<vmem>> -> memref<1x64x128xf32, #tpu.memory_space<vmem>>
      %dma_wait3A_1616 = tpu.memref_squeeze %dma_wait3A_1615 : memref<1x64x128xf32, #tpu.memory_space<vmem>> -> memref<64x128xf32, #tpu.memory_space<vmem>>
      %dma_wait3A_1617 = arith.constant 0 : i32
      %dma_wait3A_1618 = tpu.memref_slice %arg8[%dma_wait3A_1612, %dma_wait3A_1617] : memref<40x64xi32, #tpu.memory_space<vmem>> -> memref<1x64xi32, #tpu.memory_space<vmem>>
      %dma_wait3A_1619 = tpu.memref_squeeze %dma_wait3A_1618 : memref<1x64xi32, #tpu.memory_space<vmem>> -> memref<64xi32, #tpu.memory_space<vmem>>
      %dma_wait3A_1620 = arith.constant 0 : i32
      %dma_wait3A_1621 = arith.constant 0 : i32
      %dma_wait3A_1622 = tpu.memref_slice %arg10[%dma_wait3A_1620, %dma_wait3A_1621] : memref<10008x128xf32, #tpu.memory_space<vmem_shared>> -> memref<10008x128xf32, #tpu.memory_space<vmem_shared>>
      tpu.wait_indirect_dma semaphore(%arg18 : memref<!tpu.dma_semaphore, #tpu.memory_space<semaphore_mem>>) src(%dma_wait3A_1616 : memref<64x128xf32, #tpu.memory_space<vmem>>) dst(%dma_wait3A_1622 : memref<10008x128xf32, #tpu.memory_space<vmem_shared>>)
      %add3A_1623 = arith.constant 3 : i32
      %add3A_1624 = arith.addi %add3A_1587, %add3A_1623 : i32
      %dma_start3A_1625 = arith.constant 3 : i32
      %dma_start3A_1626 = arith.constant 0 : i32
      %dma_start3A_1627 = arith.constant 0 : i32
      %dma_start3A_1628 = tpu.memref_slice %arg9[%dma_start3A_1625, %dma_start3A_1626, %dma_start3A_1627] : memref<4x64x128xf32, #tpu.memory_space<vmem>> -> memref<1x64x128xf32, #tpu.memory_space<vmem>>
      %dma_start3A_1629 = tpu.memref_squeeze %dma_start3A_1628 : memref<1x64x128xf32, #tpu.memory_space<vmem>> -> memref<64x128xf32, #tpu.memory_space<vmem>>
      %dma_start3A_1630 = arith.constant 0 : i32
      %dma_start3A_1631 = tpu.memref_slice %arg7[%add3A_1624, %dma_start3A_1630] : memref<40x64xi32, #tpu.memory_space<vmem>> -> memref<1x64xi32, #tpu.memory_space<vmem>>
      %dma_start3A_1632 = tpu.memref_squeeze %dma_start3A_1631 : memref<1x64xi32, #tpu.memory_space<vmem>> -> memref<64xi32, #tpu.memory_space<vmem>>
      %dma_start3A_1633 = arith.constant 0 : i32
      %dma_start3A_1634 = arith.constant 0 : i32
      %dma_start3A_1635 = tpu.memref_slice %arg2[%dma_start3A_1633, %dma_start3A_1634] : memref<20000x128xf32, #tpu.memory_space<hbm>> -> memref<20000x128xf32, #tpu.memory_space<hbm>>
      tpu.enqueue_indirect_dma source(%dma_start3A_1635 : memref<20000x128xf32, #tpu.memory_space<hbm>>) target(%dma_start3A_1629 : memref<64x128xf32, #tpu.memory_space<vmem>>) offsets(%dma_start3A_1632 : memref<64xi32, #tpu.memory_space<vmem>>) semaphore(%arg14 : memref<!tpu.dma_semaphore, #tpu.memory_space<semaphore_mem>>)
      %mul3A_1636 = arith.constant 4 : i32
      %mul3A_1637 = arith.muli %scan3A_1583, %mul3A_1636 : i32
      %add3A_1638 = arith.constant 1 : i32
      %add3A_1639 = arith.addi %mul3A_1637, %add3A_1638 : i32
      %dma_wait3A_1640 = arith.constant 0 : i32
      %dma_wait3A_1641 = arith.constant 1 : i32
      %dma_wait3A_1642 = arith.constant 0 : i32
      %dma_wait3A_1643 = arith.constant 0 : i32
      %dma_wait3A_1644 = tpu.memref_slice %arg9[%dma_wait3A_1641, %dma_wait3A_1642, %dma_wait3A_1643] : memref<4x64x128xf32, #tpu.memory_space<vmem>> -> memref<1x64x128xf32, #tpu.memory_space<vmem>>
      %dma_wait3A_1645 = tpu.memref_squeeze %dma_wait3A_1644 : memref<1x64x128xf32, #tpu.memory_space<vmem>> -> memref<64x128xf32, #tpu.memory_space<vmem>>
      %dma_wait3A_1646 = arith.constant 0 : i32
      %dma_wait3A_1647 = tpu.memref_slice %arg7[%dma_wait3A_1640, %dma_wait3A_1646] : memref<40x64xi32, #tpu.memory_space<vmem>> -> memref<1x64xi32, #tpu.memory_space<vmem>>
      %dma_wait3A_1648 = tpu.memref_squeeze %dma_wait3A_1647 : memref<1x64xi32, #tpu.memory_space<vmem>> -> memref<64xi32, #tpu.memory_space<vmem>>
      %dma_wait3A_1649 = arith.constant 0 : i32
      %dma_wait3A_1650 = arith.constant 0 : i32
      %dma_wait3A_1651 = tpu.memref_slice %arg2[%dma_wait3A_1649, %dma_wait3A_1650] : memref<20000x128xf32, #tpu.memory_space<hbm>> -> memref<20000x128xf32, #tpu.memory_space<hbm>>
      tpu.wait_indirect_dma semaphore(%arg12 : memref<!tpu.dma_semaphore, #tpu.memory_space<semaphore_mem>>) src(%dma_wait3A_1651 : memref<20000x128xf32, #tpu.memory_space<hbm>>) dst(%dma_wait3A_1645 : memref<64x128xf32, #tpu.memory_space<vmem>>)
      %dma_start3A_1652 = arith.constant 1 : i32
      %dma_start3A_1653 = arith.constant 0 : i32
      %dma_start3A_1654 = arith.constant 0 : i32
      %dma_start3A_1655 = tpu.memref_slice %arg9[%dma_start3A_1652, %dma_start3A_1653, %dma_start3A_1654] : memref<4x64x128xf32, #tpu.memory_space<vmem>> -> memref<1x64x128xf32, #tpu.memory_space<vmem>>
      %dma_start3A_1656 = tpu.memref_squeeze %dma_start3A_1655 : memref<1x64x128xf32, #tpu.memory_space<vmem>> -> memref<64x128xf32, #tpu.memory_space<vmem>>
      %dma_start3A_1657 = arith.constant 0 : i32
      %dma_start3A_1658 = tpu.memref_slice %arg8[%add3A_1639, %dma_start3A_1657] : memref<40x64xi32, #tpu.memory_space<vmem>> -> memref<1x64xi32, #tpu.memory_space<vmem>>
      %dma_start3A_1659 = tpu.memref_squeeze %dma_start3A_1658 : memref<1x64xi32, #tpu.memory_space<vmem>> -> memref<64xi32, #tpu.memory_space<vmem>>
      %dma_start3A_1660 = arith.constant 0 : i32
      %dma_start3A_1661 = arith.constant 0 : i32
      %dma_start3A_1662 = tpu.memref_slice %arg10[%dma_start3A_1660, %dma_start3A_1661] : memref<10008x128xf32, #tpu.memory_space<vmem_shared>> -> memref<10008x128xf32, #tpu.memory_space<vmem_shared>>
      tpu.enqueue_indirect_dma source(%dma_start3A_1656 : memref<64x128xf32, #tpu.memory_space<vmem>>) target(%dma_start3A_1662 : memref<10008x128xf32, #tpu.memory_space<vmem_shared>>) offsets(%dma_start3A_1659 : memref<64xi32, #tpu.memory_space<vmem>>) semaphore(%arg16 : memref<!tpu.dma_semaphore, #tpu.memory_space<semaphore_mem>>) {add = true}
      %dma_wait3A_1663 = arith.constant 0 : i32
      %dma_wait3A_1664 = arith.constant 0 : i32
      %dma_wait3A_1665 = arith.constant 0 : i32
      %dma_wait3A_1666 = arith.constant 0 : i32
      %dma_wait3A_1667 = tpu.memref_slice %arg9[%dma_wait3A_1663, %dma_wait3A_1665, %dma_wait3A_1666] : memref<4x64x128xf32, #tpu.memory_space<vmem>> -> memref<1x64x128xf32, #tpu.memory_space<vmem>>
      %dma_wait3A_1668 = tpu.memref_squeeze %dma_wait3A_1667 : memref<1x64x128xf32, #tpu.memory_space<vmem>> -> memref<64x128xf32, #tpu.memory_space<vmem>>
      %dma_wait3A_1669 = arith.constant 0 : i32
      %dma_wait3A_1670 = tpu.memref_slice %arg8[%dma_wait3A_1664, %dma_wait3A_1669] : memref<40x64xi32, #tpu.memory_space<vmem>> -> memref<1x64xi32, #tpu.memory_space<vmem>>
      %dma_wait3A_1671 = tpu.memref_squeeze %dma_wait3A_1670 : memref<1x64xi32, #tpu.memory_space<vmem>> -> memref<64xi32, #tpu.memory_space<vmem>>
      %dma_wait3A_1672 = arith.constant 0 : i32
      %dma_wait3A_1673 = arith.constant 0 : i32
      %dma_wait3A_1674 = tpu.memref_slice %arg10[%dma_wait3A_1672, %dma_wait3A_1673] : memref<10008x128xf32, #tpu.memory_space<vmem_shared>> -> memref<10008x128xf32, #tpu.memory_space<vmem_shared>>
      tpu.wait_indirect_dma semaphore(%arg15 : memref<!tpu.dma_semaphore, #tpu.memory_space<semaphore_mem>>) src(%dma_wait3A_1668 : memref<64x128xf32, #tpu.memory_space<vmem>>) dst(%dma_wait3A_1674 : memref<10008x128xf32, #tpu.memory_space<vmem_shared>>)
      %add3A_1675 = arith.constant 3 : i32
      %add3A_1676 = arith.addi %add3A_1639, %add3A_1675 : i32
      %dma_start3A_1677 = arith.constant 0 : i32
      %dma_start3A_1678 = arith.constant 0 : i32
      %dma_start3A_1679 = arith.constant 0 : i32
      %dma_start3A_1680 = tpu.memref_slice %arg9[%dma_start3A_1677, %dma_start3A_1678, %dma_start3A_1679] : memref<4x64x128xf32, #tpu.memory_space<vmem>> -> memref<1x64x128xf32, #tpu.memory_space<vmem>>
      %dma_start3A_1681 = tpu.memref_squeeze %dma_start3A_1680 : memref<1x64x128xf32, #tpu.memory_space<vmem>> -> memref<64x128xf32, #tpu.memory_space<vmem>>
      %dma_start3A_1682 = arith.constant 0 : i32
      %dma_start3A_1683 = tpu.memref_slice %arg7[%add3A_1676, %dma_start3A_1682] : memref<40x64xi32, #tpu.memory_space<vmem>> -> memref<1x64xi32, #tpu.memory_space<vmem>>
      %dma_start3A_1684 = tpu.memref_squeeze %dma_start3A_1683 : memref<1x64xi32, #tpu.memory_space<vmem>> -> memref<64xi32, #tpu.memory_space<vmem>>
      %dma_start3A_1685 = arith.constant 0 : i32
      %dma_start3A_1686 = arith.constant 0 : i32
      %dma_start3A_1687 = tpu.memref_slice %arg2[%dma_start3A_1685, %dma_start3A_1686] : memref<20000x128xf32, #tpu.memory_space<hbm>> -> memref<20000x128xf32, #tpu.memory_space<hbm>>
      tpu.enqueue_indirect_dma source(%dma_start3A_1687 : memref<20000x128xf32, #tpu.memory_space<hbm>>) target(%dma_start3A_1681 : memref<64x128xf32, #tpu.memory_space<vmem>>) offsets(%dma_start3A_1684 : memref<64xi32, #tpu.memory_space<vmem>>) semaphore(%arg11 : memref<!tpu.dma_semaphore, #tpu.memory_space<semaphore_mem>>)
      %mul3A_1688 = arith.constant 4 : i32
      %mul3A_1689 = arith.muli %scan3A_1583, %mul3A_1688 : i32
      %add3A_1690 = arith.constant 2 : i32
      %add3A_1691 = arith.addi %mul3A_1689, %add3A_1690 : i32
      %dma_wait3A_1692 = arith.constant 0 : i32
      %dma_wait3A_1693 = arith.constant 2 : i32
      %dma_wait3A_1694 = arith.constant 0 : i32
      %dma_wait3A_1695 = arith.constant 0 : i32
      %dma_wait3A_1696 = tpu.memref_slice %arg9[%dma_wait3A_1693, %dma_wait3A_1694, %dma_wait3A_1695] : memref<4x64x128xf32, #tpu.memory_space<vmem>> -> memref<1x64x128xf32, #tpu.memory_space<vmem>>
      %dma_wait3A_1697 = tpu.memref_squeeze %dma_wait3A_1696 : memref<1x64x128xf32, #tpu.memory_space<vmem>> -> memref<64x128xf32, #tpu.memory_space<vmem>>
      %dma_wait3A_1698 = arith.constant 0 : i32
      %dma_wait3A_1699 = tpu.memref_slice %arg7[%dma_wait3A_1692, %dma_wait3A_1698] : memref<40x64xi32, #tpu.memory_space<vmem>> -> memref<1x64xi32, #tpu.memory_space<vmem>>
      %dma_wait3A_1700 = tpu.memref_squeeze %dma_wait3A_1699 : memref<1x64xi32, #tpu.memory_space<vmem>> -> memref<64xi32, #tpu.memory_space<vmem>>
      %dma_wait3A_1701 = arith.constant 0 : i32
      %dma_wait3A_1702 = arith.constant 0 : i32
      %dma_wait3A_1703 = tpu.memref_slice %arg2[%dma_wait3A_1701, %dma_wait3A_1702] : memref<20000x128xf32, #tpu.memory_space<hbm>> -> memref<20000x128xf32, #tpu.memory_space<hbm>>
      tpu.wait_indirect_dma semaphore(%arg13 : memref<!tpu.dma_semaphore, #tpu.memory_space<semaphore_mem>>) src(%dma_wait3A_1703 : memref<20000x128xf32, #tpu.memory_space<hbm>>) dst(%dma_wait3A_1697 : memref<64x128xf32, #tpu.memory_space<vmem>>)
      %dma_start3A_1704 = arith.constant 2 : i32
      %dma_start3A_1705 = arith.constant 0 : i32
      %dma_start3A_1706 = arith.constant 0 : i32
      %dma_start3A_1707 = tpu.memref_slice %arg9[%dma_start3A_1704, %dma_start3A_1705, %dma_start3A_1706] : memref<4x64x128xf32, #tpu.memory_space<vmem>> -> memref<1x64x128xf32, #tpu.memory_space<vmem>>
      %dma_start3A_1708 = tpu.memref_squeeze %dma_start3A_1707 : memref<1x64x128xf32, #tpu.memory_space<vmem>> -> memref<64x128xf32, #tpu.memory_space<vmem>>
      %dma_start3A_1709 = arith.constant 0 : i32
      %dma_start3A_1710 = tpu.memref_slice %arg8[%add3A_1691, %dma_start3A_1709] : memref<40x64xi32, #tpu.memory_space<vmem>> -> memref<1x64xi32, #tpu.memory_space<vmem>>
      %dma_start3A_1711 = tpu.memref_squeeze %dma_start3A_1710 : memref<1x64xi32, #tpu.memory_space<vmem>> -> memref<64xi32, #tpu.memory_space<vmem>>
      %dma_start3A_1712 = arith.constant 0 : i32
      %dma_start3A_1713 = arith.constant 0 : i32
      %dma_start3A_1714 = tpu.memref_slice %arg10[%dma_start3A_1712, %dma_start3A_1713] : memref<10008x128xf32, #tpu.memory_space<vmem_shared>> -> memref<10008x128xf32, #tpu.memory_space<vmem_shared>>
      tpu.enqueue_indirect_dma source(%dma_start3A_1708 : memref<64x128xf32, #tpu.memory_space<vmem>>) target(%dma_start3A_1714 : memref<10008x128xf32, #tpu.memory_space<vmem_shared>>) offsets(%dma_start3A_1711 : memref<64xi32, #tpu.memory_space<vmem>>) semaphore(%arg17 : memref<!tpu.dma_semaphore, #tpu.memory_space<semaphore_mem>>) {add = true}
      %dma_wait3A_1715 = arith.constant 1 : i32
      %dma_wait3A_1716 = arith.constant 0 : i32
      %dma_wait3A_1717 = arith.constant 0 : i32
      %dma_wait3A_1718 = arith.constant 0 : i32
      %dma_wait3A_1719 = tpu.memref_slice %arg9[%dma_wait3A_1715, %dma_wait3A_1717, %dma_wait3A_1718] : memref<4x64x128xf32, #tpu.memory_space<vmem>> -> memref<1x64x128xf32, #tpu.memory_space<vmem>>
      %dma_wait3A_1720 = tpu.memref_squeeze %dma_wait3A_1719 : memref<1x64x128xf32, #tpu.memory_space<vmem>> -> memref<64x128xf32, #tpu.memory_space<vmem>>
      %dma_wait3A_1721 = arith.constant 0 : i32
      %dma_wait3A_1722 = tpu.memref_slice %arg8[%dma_wait3A_1716, %dma_wait3A_1721] : memref<40x64xi32, #tpu.memory_space<vmem>> -> memref<1x64xi32, #tpu.memory_space<vmem>>
      %dma_wait3A_1723 = tpu.memref_squeeze %dma_wait3A_1722 : memref<1x64xi32, #tpu.memory_space<vmem>> -> memref<64xi32, #tpu.memory_space<vmem>>
      %dma_wait3A_1724 = arith.constant 0 : i32
      %dma_wait3A_1725 = arith.constant 0 : i32
      %dma_wait3A_1726 = tpu.memref_slice %arg10[%dma_wait3A_1724, %dma_wait3A_1725] : memref<10008x128xf32, #tpu.memory_space<vmem_shared>> -> memref<10008x128xf32, #tpu.memory_space<vmem_shared>>
      tpu.wait_indirect_dma semaphore(%arg16 : memref<!tpu.dma_semaphore, #tpu.memory_space<semaphore_mem>>) src(%dma_wait3A_1720 : memref<64x128xf32, #tpu.memory_space<vmem>>) dst(%dma_wait3A_1726 : memref<10008x128xf32, #tpu.memory_space<vmem_shared>>)
      %add3A_1727 = arith.constant 3 : i32
      %add3A_1728 = arith.addi %add3A_1691, %add3A_1727 : i32
      %dma_start3A_1729 = arith.constant 1 : i32
      %dma_start3A_1730 = arith.constant 0 : i32
      %dma_start3A_1731 = arith.constant 0 : i32
      %dma_start3A_1732 = tpu.memref_slice %arg9[%dma_start3A_1729, %dma_start3A_1730, %dma_start3A_1731] : memref<4x64x128xf32, #tpu.memory_space<vmem>> -> memref<1x64x128xf32, #tpu.memory_space<vmem>>
      %dma_start3A_1733 = tpu.memref_squeeze %dma_start3A_1732 : memref<1x64x128xf32, #tpu.memory_space<vmem>> -> memref<64x128xf32, #tpu.memory_space<vmem>>
      %dma_start3A_1734 = arith.constant 0 : i32
      %dma_start3A_1735 = tpu.memref_slice %arg7[%add3A_1728, %dma_start3A_1734] : memref<40x64xi32, #tpu.memory_space<vmem>> -> memref<1x64xi32, #tpu.memory_space<vmem>>
      %dma_start3A_1736 = tpu.memref_squeeze %dma_start3A_1735 : memref<1x64xi32, #tpu.memory_space<vmem>> -> memref<64xi32, #tpu.memory_space<vmem>>
      %dma_start3A_1737 = arith.constant 0 : i32
      %dma_start3A_1738 = arith.constant 0 : i32
      %dma_start3A_1739 = tpu.memref_slice %arg2[%dma_start3A_1737, %dma_start3A_1738] : memref<20000x128xf32, #tpu.memory_space<hbm>> -> memref<20000x128xf32, #tpu.memory_space<hbm>>
      tpu.enqueue_indirect_dma source(%dma_start3A_1739 : memref<20000x128xf32, #tpu.memory_space<hbm>>) target(%dma_start3A_1733 : memref<64x128xf32, #tpu.memory_space<vmem>>) offsets(%dma_start3A_1736 : memref<64xi32, #tpu.memory_space<vmem>>) semaphore(%arg12 : memref<!tpu.dma_semaphore, #tpu.memory_space<semaphore_mem>>)
      %mul3A_1740 = arith.constant 4 : i32
      %mul3A_1741 = arith.muli %scan3A_1583, %mul3A_1740 : i32
      %add3A_1742 = arith.constant 3 : i32
      %add3A_1743 = arith.addi %mul3A_1741, %add3A_1742 : i32
      %dma_wait3A_1744 = arith.constant 0 : i32
      %dma_wait3A_1745 = arith.constant 3 : i32
      %dma_wait3A_1746 = arith.constant 0 : i32
      %dma_wait3A_1747 = arith.constant 0 : i32
      %dma_wait3A_1748 = tpu.memref_slice %arg9[%dma_wait3A_1745, %dma_wait3A_1746, %dma_wait3A_1747] : memref<4x64x128xf32, #tpu.memory_space<vmem>> -> memref<1x64x128xf32, #tpu.memory_space<vmem>>
      %dma_wait3A_1749 = tpu.memref_squeeze %dma_wait3A_1748 : memref<1x64x128xf32, #tpu.memory_space<vmem>> -> memref<64x128xf32, #tpu.memory_space<vmem>>
      %dma_wait3A_1750 = arith.constant 0 : i32
      %dma_wait3A_1751 = tpu.memref_slice %arg7[%dma_wait3A_1744, %dma_wait3A_1750] : memref<40x64xi32, #tpu.memory_space<vmem>> -> memref<1x64xi32, #tpu.memory_space<vmem>>
      %dma_wait3A_1752 = tpu.memref_squeeze %dma_wait3A_1751 : memref<1x64xi32, #tpu.memory_space<vmem>> -> memref<64xi32, #tpu.memory_space<vmem>>
      %dma_wait3A_1753 = arith.constant 0 : i32
      %dma_wait3A_1754 = arith.constant 0 : i32
      %dma_wait3A_1755 = tpu.memref_slice %arg2[%dma_wait3A_1753, %dma_wait3A_1754] : memref<20000x128xf32, #tpu.memory_space<hbm>> -> memref<20000x128xf32, #tpu.memory_space<hbm>>
      tpu.wait_indirect_dma semaphore(%arg14 : memref<!tpu.dma_semaphore, #tpu.memory_space<semaphore_mem>>) src(%dma_wait3A_1755 : memref<20000x128xf32, #tpu.memory_space<hbm>>) dst(%dma_wait3A_1749 : memref<64x128xf32, #tpu.memory_space<vmem>>)
      %dma_start3A_1756 = arith.constant 3 : i32
      %dma_start3A_1757 = arith.constant 0 : i32
      %dma_start3A_1758 = arith.constant 0 : i32
      %dma_start3A_1759 = tpu.memref_slice %arg9[%dma_start3A_1756, %dma_start3A_1757, %dma_start3A_1758] : memref<4x64x128xf32, #tpu.memory_space<vmem>> -> memref<1x64x128xf32, #tpu.memory_space<vmem>>
      %dma_start3A_1760 = tpu.memref_squeeze %dma_start3A_1759 : memref<1x64x128xf32, #tpu.memory_space<vmem>> -> memref<64x128xf32, #tpu.memory_space<vmem>>
      %dma_start3A_1761 = arith.constant 0 : i32
      %dma_start3A_1762 = tpu.memref_slice %arg8[%add3A_1743, %dma_start3A_1761] : memref<40x64xi32, #tpu.memory_space<vmem>> -> memref<1x64xi32, #tpu.memory_space<vmem>>
      %dma_start3A_1763 = tpu.memref_squeeze %dma_start3A_1762 : memref<1x64xi32, #tpu.memory_space<vmem>> -> memref<64xi32, #tpu.memory_space<vmem>>
      %dma_start3A_1764 = arith.constant 0 : i32
      %dma_start3A_1765 = arith.constant 0 : i32
      %dma_start3A_1766 = tpu.memref_slice %arg10[%dma_start3A_1764, %dma_start3A_1765] : memref<10008x128xf32, #tpu.memory_space<vmem_shared>> -> memref<10008x128xf32, #tpu.memory_space<vmem_shared>>
      tpu.enqueue_indirect_dma source(%dma_start3A_1760 : memref<64x128xf32, #tpu.memory_space<vmem>>) target(%dma_start3A_1766 : memref<10008x128xf32, #tpu.memory_space<vmem_shared>>) offsets(%dma_start3A_1763 : memref<64xi32, #tpu.memory_space<vmem>>) semaphore(%arg18 : memref<!tpu.dma_semaphore, #tpu.memory_space<semaphore_mem>>) {add = true}
      %dma_wait3A_1767 = arith.constant 2 : i32
      %dma_wait3A_1768 = arith.constant 0 : i32
      %dma_wait3A_1769 = arith.constant 0 : i32
      %dma_wait3A_1770 = arith.constant 0 : i32
      %dma_wait3A_1771 = tpu.memref_slice %arg9[%dma_wait3A_1767, %dma_wait3A_1769, %dma_wait3A_1770] : memref<4x64x128xf32, #tpu.memory_space<vmem>> -> memref<1x64x128xf32, #tpu.memory_space<vmem>>
      %dma_wait3A_1772 = tpu.memref_squeeze %dma_wait3A_1771 : memref<1x64x128xf32, #tpu.memory_space<vmem>> -> memref<64x128xf32, #tpu.memory_space<vmem>>
      %dma_wait3A_1773 = arith.constant 0 : i32
      %dma_wait3A_1774 = tpu.memref_slice %arg8[%dma_wait3A_1768, %dma_wait3A_1773] : memref<40x64xi32, #tpu.memory_space<vmem>> -> memref<1x64xi32, #tpu.memory_space<vmem>>
      %dma_wait3A_1775 = tpu.memref_squeeze %dma_wait3A_1774 : memref<1x64xi32, #tpu.memory_space<vmem>> -> memref<64xi32, #tpu.memory_space<vmem>>
      %dma_wait3A_1776 = arith.constant 0 : i32
      %dma_wait3A_1777 = arith.constant 0 : i32
      %dma_wait3A_1778 = tpu.memref_slice %arg10[%dma_wait3A_1776, %dma_wait3A_1777] : memref<10008x128xf32, #tpu.memory_space<vmem_shared>> -> memref<10008x128xf32, #tpu.memory_space<vmem_shared>>
      tpu.wait_indirect_dma semaphore(%arg17 : memref<!tpu.dma_semaphore, #tpu.memory_space<semaphore_mem>>) src(%dma_wait3A_1772 : memref<64x128xf32, #tpu.memory_space<vmem>>) dst(%dma_wait3A_1778 : memref<10008x128xf32, #tpu.memory_space<vmem_shared>>)
      %add3A_1779 = arith.constant 3 : i32
      %add3A_1780 = arith.addi %add3A_1743, %add3A_1779 : i32
      %dma_start3A_1781 = arith.constant 2 : i32
      %dma_start3A_1782 = arith.constant 0 : i32
      %dma_start3A_1783 = arith.constant 0 : i32
      %dma_start3A_1784 = tpu.memref_slice %arg9[%dma_start3A_1781, %dma_start3A_1782, %dma_start3A_1783] : memref<4x64x128xf32, #tpu.memory_space<vmem>> -> memref<1x64x128xf32, #tpu.memory_space<vmem>>
      %dma_start3A_1785 = tpu.memref_squeeze %dma_start3A_1784 : memref<1x64x128xf32, #tpu.memory_space<vmem>> -> memref<64x128xf32, #tpu.memory_space<vmem>>
      %dma_start3A_1786 = arith.constant 0 : i32
      %dma_start3A_1787 = tpu.memref_slice %arg7[%add3A_1780, %dma_start3A_1786] : memref<40x64xi32, #tpu.memory_space<vmem>> -> memref<1x64xi32, #tpu.memory_space<vmem>>
      %dma_start3A_1788 = tpu.memref_squeeze %dma_start3A_1787 : memref<1x64xi32, #tpu.memory_space<vmem>> -> memref<64xi32, #tpu.memory_space<vmem>>
      %dma_start3A_1789 = arith.constant 0 : i32
      %dma_start3A_1790 = arith.constant 0 : i32
      %dma_start3A_1791 = tpu.memref_slice %arg2[%dma_start3A_1789, %dma_start3A_1790] : memref<20000x128xf32, #tpu.memory_space<hbm>> -> memref<20000x128xf32, #tpu.memory_space<hbm>>
      tpu.enqueue_indirect_dma source(%dma_start3A_1791 : memref<20000x128xf32, #tpu.memory_space<hbm>>) target(%dma_start3A_1785 : memref<64x128xf32, #tpu.memory_space<vmem>>) offsets(%dma_start3A_1788 : memref<64xi32, #tpu.memory_space<vmem>>) semaphore(%arg13 : memref<!tpu.dma_semaphore, #tpu.memory_space<semaphore_mem>>)
    }
    %scan3A_620 = arith.constant 8 : i32
    %dma_wait3A_621 = arith.constant 0 : i32
    %dma_wait3A_622 = arith.constant 0 : i32
    %dma_wait3A_623 = arith.constant 0 : i32
    %dma_wait3A_624 = arith.constant 0 : i32
    %dma_wait3A_625 = tpu.memref_slice %arg9[%dma_wait3A_622, %dma_wait3A_623, %dma_wait3A_624] : memref<4x64x128xf32, #tpu.memory_space<vmem>> -> memref<1x64x128xf32, #tpu.memory_space<vmem>>
    %dma_wait3A_626 = tpu.memref_squeeze %dma_wait3A_625 : memref<1x64x128xf32, #tpu.memory_space<vmem>> -> memref<64x128xf32, #tpu.memory_space<vmem>>
    %dma_wait3A_627 = arith.constant 0 : i32
    %dma_wait3A_628 = tpu.memref_slice %arg7[%dma_wait3A_621, %dma_wait3A_627] : memref<40x64xi32, #tpu.memory_space<vmem>> -> memref<1x64xi32, #tpu.memory_space<vmem>>
    %dma_wait3A_629 = tpu.memref_squeeze %dma_wait3A_628 : memref<1x64xi32, #tpu.memory_space<vmem>> -> memref<64xi32, #tpu.memory_space<vmem>>
    %dma_wait3A_630 = arith.constant 0 : i32
    %dma_wait3A_631 = arith.constant 0 : i32
    %dma_wait3A_632 = tpu.memref_slice %arg2[%dma_wait3A_630, %dma_wait3A_631] : memref<20000x128xf32, #tpu.memory_space<hbm>> -> memref<20000x128xf32, #tpu.memory_space<hbm>>
    tpu.wait_indirect_dma semaphore(%arg11 : memref<!tpu.dma_semaphore, #tpu.memory_space<semaphore_mem>>) src(%dma_wait3A_632 : memref<20000x128xf32, #tpu.memory_space<hbm>>) dst(%dma_wait3A_626 : memref<64x128xf32, #tpu.memory_space<vmem>>)
    %dma_start3A_633 = arith.constant 0 : i32
    %dma_start3A_634 = arith.constant 36 : i32
    %dma_start3A_635 = arith.constant 0 : i32
    %dma_start3A_636 = arith.constant 0 : i32
    %dma_start3A_637 = tpu.memref_slice %arg9[%dma_start3A_633, %dma_start3A_635, %dma_start3A_636] : memref<4x64x128xf32, #tpu.memory_space<vmem>> -> memref<1x64x128xf32, #tpu.memory_space<vmem>>
    %dma_start3A_638 = tpu.memref_squeeze %dma_start3A_637 : memref<1x64x128xf32, #tpu.memory_space<vmem>> -> memref<64x128xf32, #tpu.memory_space<vmem>>
    %dma_start3A_639 = arith.constant 0 : i32
    %dma_start3A_640 = tpu.memref_slice %arg8[%dma_start3A_634, %dma_start3A_639] : memref<40x64xi32, #tpu.memory_space<vmem>> -> memref<1x64xi32, #tpu.memory_space<vmem>>
    %dma_start3A_641 = tpu.memref_squeeze %dma_start3A_640 : memref<1x64xi32, #tpu.memory_space<vmem>> -> memref<64xi32, #tpu.memory_space<vmem>>
    %dma_start3A_642 = arith.constant 0 : i32
    %dma_start3A_643 = arith.constant 0 : i32
    %dma_start3A_644 = tpu.memref_slice %arg10[%dma_start3A_642, %dma_start3A_643] : memref<10008x128xf32, #tpu.memory_space<vmem_shared>> -> memref<10008x128xf32, #tpu.memory_space<vmem_shared>>
    tpu.enqueue_indirect_dma source(%dma_start3A_638 : memref<64x128xf32, #tpu.memory_space<vmem>>) target(%dma_start3A_644 : memref<10008x128xf32, #tpu.memory_space<vmem_shared>>) offsets(%dma_start3A_641 : memref<64xi32, #tpu.memory_space<vmem>>) semaphore(%arg15 : memref<!tpu.dma_semaphore, #tpu.memory_space<semaphore_mem>>) {add = true}
    %dma_wait3A_645 = arith.constant 3 : i32
    %dma_wait3A_646 = arith.constant 0 : i32
    %dma_wait3A_647 = arith.constant 0 : i32
    %dma_wait3A_648 = arith.constant 0 : i32
    %dma_wait3A_649 = tpu.memref_slice %arg9[%dma_wait3A_645, %dma_wait3A_647, %dma_wait3A_648] : memref<4x64x128xf32, #tpu.memory_space<vmem>> -> memref<1x64x128xf32, #tpu.memory_space<vmem>>
    %dma_wait3A_650 = tpu.memref_squeeze %dma_wait3A_649 : memref<1x64x128xf32, #tpu.memory_space<vmem>> -> memref<64x128xf32, #tpu.memory_space<vmem>>
    %dma_wait3A_651 = arith.constant 0 : i32
    %dma_wait3A_652 = tpu.memref_slice %arg8[%dma_wait3A_646, %dma_wait3A_651] : memref<40x64xi32, #tpu.memory_space<vmem>> -> memref<1x64xi32, #tpu.memory_space<vmem>>
    %dma_wait3A_653 = tpu.memref_squeeze %dma_wait3A_652 : memref<1x64xi32, #tpu.memory_space<vmem>> -> memref<64xi32, #tpu.memory_space<vmem>>
    %dma_wait3A_654 = arith.constant 0 : i32
    %dma_wait3A_655 = arith.constant 0 : i32
    %dma_wait3A_656 = tpu.memref_slice %arg10[%dma_wait3A_654, %dma_wait3A_655] : memref<10008x128xf32, #tpu.memory_space<vmem_shared>> -> memref<10008x128xf32, #tpu.memory_space<vmem_shared>>
    tpu.wait_indirect_dma semaphore(%arg18 : memref<!tpu.dma_semaphore, #tpu.memory_space<semaphore_mem>>) src(%dma_wait3A_650 : memref<64x128xf32, #tpu.memory_space<vmem>>) dst(%dma_wait3A_656 : memref<10008x128xf32, #tpu.memory_space<vmem_shared>>)
    %dma_start3A_657 = arith.constant 39 : i32
    %dma_start3A_658 = arith.constant 3 : i32
    %dma_start3A_659 = arith.constant 0 : i32
    %dma_start3A_660 = arith.constant 0 : i32
    %dma_start3A_661 = tpu.memref_slice %arg9[%dma_start3A_658, %dma_start3A_659, %dma_start3A_660] : memref<4x64x128xf32, #tpu.memory_space<vmem>> -> memref<1x64x128xf32, #tpu.memory_space<vmem>>
    %dma_start3A_662 = tpu.memref_squeeze %dma_start3A_661 : memref<1x64x128xf32, #tpu.memory_space<vmem>> -> memref<64x128xf32, #tpu.memory_space<vmem>>
    %dma_start3A_663 = arith.constant 0 : i32
    %dma_start3A_664 = tpu.memref_slice %arg7[%dma_start3A_657, %dma_start3A_663] : memref<40x64xi32, #tpu.memory_space<vmem>> -> memref<1x64xi32, #tpu.memory_space<vmem>>
    %dma_start3A_665 = tpu.memref_squeeze %dma_start3A_664 : memref<1x64xi32, #tpu.memory_space<vmem>> -> memref<64xi32, #tpu.memory_space<vmem>>
    %dma_start3A_666 = arith.constant 0 : i32
    %dma_start3A_667 = arith.constant 0 : i32
    %dma_start3A_668 = tpu.memref_slice %arg2[%dma_start3A_666, %dma_start3A_667] : memref<20000x128xf32, #tpu.memory_space<hbm>> -> memref<20000x128xf32, #tpu.memory_space<hbm>>
    tpu.enqueue_indirect_dma source(%dma_start3A_668 : memref<20000x128xf32, #tpu.memory_space<hbm>>) target(%dma_start3A_662 : memref<64x128xf32, #tpu.memory_space<vmem>>) offsets(%dma_start3A_665 : memref<64xi32, #tpu.memory_space<vmem>>) semaphore(%arg14 : memref<!tpu.dma_semaphore, #tpu.memory_space<semaphore_mem>>)
    %dma_wait3A_669 = arith.constant 0 : i32
    %dma_wait3A_670 = arith.constant 1 : i32
    %dma_wait3A_671 = arith.constant 0 : i32
    %dma_wait3A_672 = arith.constant 0 : i32
    %dma_wait3A_673 = tpu.memref_slice %arg9[%dma_wait3A_670, %dma_wait3A_671, %dma_wait3A_672] : memref<4x64x128xf32, #tpu.memory_space<vmem>> -> memref<1x64x128xf32, #tpu.memory_space<vmem>>
    %dma_wait3A_674 = tpu.memref_squeeze %dma_wait3A_673 : memref<1x64x128xf32, #tpu.memory_space<vmem>> -> memref<64x128xf32, #tpu.memory_space<vmem>>
    %dma_wait3A_675 = arith.constant 0 : i32
    %dma_wait3A_676 = tpu.memref_slice %arg7[%dma_wait3A_669, %dma_wait3A_675] : memref<40x64xi32, #tpu.memory_space<vmem>> -> memref<1x64xi32, #tpu.memory_space<vmem>>
    %dma_wait3A_677 = tpu.memref_squeeze %dma_wait3A_676 : memref<1x64xi32, #tpu.memory_space<vmem>> -> memref<64xi32, #tpu.memory_space<vmem>>
    %dma_wait3A_678 = arith.constant 0 : i32
    %dma_wait3A_679 = arith.constant 0 : i32
    %dma_wait3A_680 = tpu.memref_slice %arg2[%dma_wait3A_678, %dma_wait3A_679] : memref<20000x128xf32, #tpu.memory_space<hbm>> -> memref<20000x128xf32, #tpu.memory_space<hbm>>
    tpu.wait_indirect_dma semaphore(%arg12 : memref<!tpu.dma_semaphore, #tpu.memory_space<semaphore_mem>>) src(%dma_wait3A_680 : memref<20000x128xf32, #tpu.memory_space<hbm>>) dst(%dma_wait3A_674 : memref<64x128xf32, #tpu.memory_space<vmem>>)
    %dma_start3A_681 = arith.constant 1 : i32
    %dma_start3A_682 = arith.constant 37 : i32
    %dma_start3A_683 = arith.constant 0 : i32
    %dma_start3A_684 = arith.constant 0 : i32
    %dma_start3A_685 = tpu.memref_slice %arg9[%dma_start3A_681, %dma_start3A_683, %dma_start3A_684] : memref<4x64x128xf32, #tpu.memory_space<vmem>> -> memref<1x64x128xf32, #tpu.memory_space<vmem>>
    %dma_start3A_686 = tpu.memref_squeeze %dma_start3A_685 : memref<1x64x128xf32, #tpu.memory_space<vmem>> -> memref<64x128xf32, #tpu.memory_space<vmem>>
    %dma_start3A_687 = arith.constant 0 : i32
    %dma_start3A_688 = tpu.memref_slice %arg8[%dma_start3A_682, %dma_start3A_687] : memref<40x64xi32, #tpu.memory_space<vmem>> -> memref<1x64xi32, #tpu.memory_space<vmem>>
    %dma_start3A_689 = tpu.memref_squeeze %dma_start3A_688 : memref<1x64xi32, #tpu.memory_space<vmem>> -> memref<64xi32, #tpu.memory_space<vmem>>
    %dma_start3A_690 = arith.constant 0 : i32
    %dma_start3A_691 = arith.constant 0 : i32
    %dma_start3A_692 = tpu.memref_slice %arg10[%dma_start3A_690, %dma_start3A_691] : memref<10008x128xf32, #tpu.memory_space<vmem_shared>> -> memref<10008x128xf32, #tpu.memory_space<vmem_shared>>
    tpu.enqueue_indirect_dma source(%dma_start3A_686 : memref<64x128xf32, #tpu.memory_space<vmem>>) target(%dma_start3A_692 : memref<10008x128xf32, #tpu.memory_space<vmem_shared>>) offsets(%dma_start3A_689 : memref<64xi32, #tpu.memory_space<vmem>>) semaphore(%arg16 : memref<!tpu.dma_semaphore, #tpu.memory_space<semaphore_mem>>) {add = true}
    %dma_wait3A_693 = arith.constant 0 : i32
    %dma_wait3A_694 = arith.constant 0 : i32
    %dma_wait3A_695 = arith.constant 0 : i32
    %dma_wait3A_696 = arith.constant 0 : i32
    %dma_wait3A_697 = tpu.memref_slice %arg9[%dma_wait3A_693, %dma_wait3A_695, %dma_wait3A_696] : memref<4x64x128xf32, #tpu.memory_space<vmem>> -> memref<1x64x128xf32, #tpu.memory_space<vmem>>
    %dma_wait3A_698 = tpu.memref_squeeze %dma_wait3A_697 : memref<1x64x128xf32, #tpu.memory_space<vmem>> -> memref<64x128xf32, #tpu.memory_space<vmem>>
    %dma_wait3A_699 = arith.constant 0 : i32
    %dma_wait3A_700 = tpu.memref_slice %arg8[%dma_wait3A_694, %dma_wait3A_699] : memref<40x64xi32, #tpu.memory_space<vmem>> -> memref<1x64xi32, #tpu.memory_space<vmem>>
    %dma_wait3A_701 = tpu.memref_squeeze %dma_wait3A_700 : memref<1x64xi32, #tpu.memory_space<vmem>> -> memref<64xi32, #tpu.memory_space<vmem>>
    %dma_wait3A_702 = arith.constant 0 : i32
    %dma_wait3A_703 = arith.constant 0 : i32
    %dma_wait3A_704 = tpu.memref_slice %arg10[%dma_wait3A_702, %dma_wait3A_703] : memref<10008x128xf32, #tpu.memory_space<vmem_shared>> -> memref<10008x128xf32, #tpu.memory_space<vmem_shared>>
    tpu.wait_indirect_dma semaphore(%arg15 : memref<!tpu.dma_semaphore, #tpu.memory_space<semaphore_mem>>) src(%dma_wait3A_698 : memref<64x128xf32, #tpu.memory_space<vmem>>) dst(%dma_wait3A_704 : memref<10008x128xf32, #tpu.memory_space<vmem_shared>>)
    %dma_wait3A_705 = arith.constant 0 : i32
    %dma_wait3A_706 = arith.constant 2 : i32
    %dma_wait3A_707 = arith.constant 0 : i32
    %dma_wait3A_708 = arith.constant 0 : i32
    %dma_wait3A_709 = tpu.memref_slice %arg9[%dma_wait3A_706, %dma_wait3A_707, %dma_wait3A_708] : memref<4x64x128xf32, #tpu.memory_space<vmem>> -> memref<1x64x128xf32, #tpu.memory_space<vmem>>
    %dma_wait3A_710 = tpu.memref_squeeze %dma_wait3A_709 : memref<1x64x128xf32, #tpu.memory_space<vmem>> -> memref<64x128xf32, #tpu.memory_space<vmem>>
    %dma_wait3A_711 = arith.constant 0 : i32
    %dma_wait3A_712 = tpu.memref_slice %arg7[%dma_wait3A_705, %dma_wait3A_711] : memref<40x64xi32, #tpu.memory_space<vmem>> -> memref<1x64xi32, #tpu.memory_space<vmem>>
    %dma_wait3A_713 = tpu.memref_squeeze %dma_wait3A_712 : memref<1x64xi32, #tpu.memory_space<vmem>> -> memref<64xi32, #tpu.memory_space<vmem>>
    %dma_wait3A_714 = arith.constant 0 : i32
    %dma_wait3A_715 = arith.constant 0 : i32
    %dma_wait3A_716 = tpu.memref_slice %arg2[%dma_wait3A_714, %dma_wait3A_715] : memref<20000x128xf32, #tpu.memory_space<hbm>> -> memref<20000x128xf32, #tpu.memory_space<hbm>>
    tpu.wait_indirect_dma semaphore(%arg13 : memref<!tpu.dma_semaphore, #tpu.memory_space<semaphore_mem>>) src(%dma_wait3A_716 : memref<20000x128xf32, #tpu.memory_space<hbm>>) dst(%dma_wait3A_710 : memref<64x128xf32, #tpu.memory_space<vmem>>)
    %dma_start3A_717 = arith.constant 2 : i32
    %dma_start3A_718 = arith.constant 38 : i32
    %dma_start3A_719 = arith.constant 0 : i32
    %dma_start3A_720 = arith.constant 0 : i32
    %dma_start3A_721 = tpu.memref_slice %arg9[%dma_start3A_717, %dma_start3A_719, %dma_start3A_720] : memref<4x64x128xf32, #tpu.memory_space<vmem>> -> memref<1x64x128xf32, #tpu.memory_space<vmem>>
    %dma_start3A_722 = tpu.memref_squeeze %dma_start3A_721 : memref<1x64x128xf32, #tpu.memory_space<vmem>> -> memref<64x128xf32, #tpu.memory_space<vmem>>
    %dma_start3A_723 = arith.constant 0 : i32
    %dma_start3A_724 = tpu.memref_slice %arg8[%dma_start3A_718, %dma_start3A_723] : memref<40x64xi32, #tpu.memory_space<vmem>> -> memref<1x64xi32, #tpu.memory_space<vmem>>
    %dma_start3A_725 = tpu.memref_squeeze %dma_start3A_724 : memref<1x64xi32, #tpu.memory_space<vmem>> -> memref<64xi32, #tpu.memory_space<vmem>>
    %dma_start3A_726 = arith.constant 0 : i32
    %dma_start3A_727 = arith.constant 0 : i32
    %dma_start3A_728 = tpu.memref_slice %arg10[%dma_start3A_726, %dma_start3A_727] : memref<10008x128xf32, #tpu.memory_space<vmem_shared>> -> memref<10008x128xf32, #tpu.memory_space<vmem_shared>>
    tpu.enqueue_indirect_dma source(%dma_start3A_722 : memref<64x128xf32, #tpu.memory_space<vmem>>) target(%dma_start3A_728 : memref<10008x128xf32, #tpu.memory_space<vmem_shared>>) offsets(%dma_start3A_725 : memref<64xi32, #tpu.memory_space<vmem>>) semaphore(%arg17 : memref<!tpu.dma_semaphore, #tpu.memory_space<semaphore_mem>>) {add = true}
    %dma_wait3A_729 = arith.constant 1 : i32
    %dma_wait3A_730 = arith.constant 0 : i32
    %dma_wait3A_731 = arith.constant 0 : i32
    %dma_wait3A_732 = arith.constant 0 : i32
    %dma_wait3A_733 = tpu.memref_slice %arg9[%dma_wait3A_729, %dma_wait3A_731, %dma_wait3A_732] : memref<4x64x128xf32, #tpu.memory_space<vmem>> -> memref<1x64x128xf32, #tpu.memory_space<vmem>>
    %dma_wait3A_734 = tpu.memref_squeeze %dma_wait3A_733 : memref<1x64x128xf32, #tpu.memory_space<vmem>> -> memref<64x128xf32, #tpu.memory_space<vmem>>
    %dma_wait3A_735 = arith.constant 0 : i32
    %dma_wait3A_736 = tpu.memref_slice %arg8[%dma_wait3A_730, %dma_wait3A_735] : memref<40x64xi32, #tpu.memory_space<vmem>> -> memref<1x64xi32, #tpu.memory_space<vmem>>
    %dma_wait3A_737 = tpu.memref_squeeze %dma_wait3A_736 : memref<1x64xi32, #tpu.memory_space<vmem>> -> memref<64xi32, #tpu.memory_space<vmem>>
    %dma_wait3A_738 = arith.constant 0 : i32
    %dma_wait3A_739 = arith.constant 0 : i32
    %dma_wait3A_740 = tpu.memref_slice %arg10[%dma_wait3A_738, %dma_wait3A_739] : memref<10008x128xf32, #tpu.memory_space<vmem_shared>> -> memref<10008x128xf32, #tpu.memory_space<vmem_shared>>
    tpu.wait_indirect_dma semaphore(%arg16 : memref<!tpu.dma_semaphore, #tpu.memory_space<semaphore_mem>>) src(%dma_wait3A_734 : memref<64x128xf32, #tpu.memory_space<vmem>>) dst(%dma_wait3A_740 : memref<10008x128xf32, #tpu.memory_space<vmem_shared>>)
    %dma_wait3A_741 = arith.constant 0 : i32
    %dma_wait3A_742 = arith.constant 3 : i32
    %dma_wait3A_743 = arith.constant 0 : i32
    %dma_wait3A_744 = arith.constant 0 : i32
    %dma_wait3A_745 = tpu.memref_slice %arg9[%dma_wait3A_742, %dma_wait3A_743, %dma_wait3A_744] : memref<4x64x128xf32, #tpu.memory_space<vmem>> -> memref<1x64x128xf32, #tpu.memory_space<vmem>>
    %dma_wait3A_746 = tpu.memref_squeeze %dma_wait3A_745 : memref<1x64x128xf32, #tpu.memory_space<vmem>> -> memref<64x128xf32, #tpu.memory_space<vmem>>
    %dma_wait3A_747 = arith.constant 0 : i32
    %dma_wait3A_748 = tpu.memref_slice %arg7[%dma_wait3A_741, %dma_wait3A_747] : memref<40x64xi32, #tpu.memory_space<vmem>> -> memref<1x64xi32, #tpu.memory_space<vmem>>
    %dma_wait3A_749 = tpu.memref_squeeze %dma_wait3A_748 : memref<1x64xi32, #tpu.memory_space<vmem>> -> memref<64xi32, #tpu.memory_space<vmem>>
    %dma_wait3A_750 = arith.constant 0 : i32
    %dma_wait3A_751 = arith.constant 0 : i32
    %dma_wait3A_752 = tpu.memref_slice %arg2[%dma_wait3A_750, %dma_wait3A_751] : memref<20000x128xf32, #tpu.memory_space<hbm>> -> memref<20000x128xf32, #tpu.memory_space<hbm>>
    tpu.wait_indirect_dma semaphore(%arg14 : memref<!tpu.dma_semaphore, #tpu.memory_space<semaphore_mem>>) src(%dma_wait3A_752 : memref<20000x128xf32, #tpu.memory_space<hbm>>) dst(%dma_wait3A_746 : memref<64x128xf32, #tpu.memory_space<vmem>>)
    %dma_start3A_753 = arith.constant 3 : i32
    %dma_start3A_754 = arith.constant 39 : i32
    %dma_start3A_755 = arith.constant 0 : i32
    %dma_start3A_756 = arith.constant 0 : i32
    %dma_start3A_757 = tpu.memref_slice %arg9[%dma_start3A_753, %dma_start3A_755, %dma_start3A_756] : memref<4x64x128xf32, #tpu.memory_space<vmem>> -> memref<1x64x128xf32, #tpu.memory_space<vmem>>
    %dma_start3A_758 = tpu.memref_squeeze %dma_start3A_757 : memref<1x64x128xf32, #tpu.memory_space<vmem>> -> memref<64x128xf32, #tpu.memory_space<vmem>>
    %dma_start3A_759 = arith.constant 0 : i32
    %dma_start3A_760 = tpu.memref_slice %arg8[%dma_start3A_754, %dma_start3A_759] : memref<40x64xi32, #tpu.memory_space<vmem>> -> memref<1x64xi32, #tpu.memory_space<vmem>>
    %dma_start3A_761 = tpu.memref_squeeze %dma_start3A_760 : memref<1x64xi32, #tpu.memory_space<vmem>> -> memref<64xi32, #tpu.memory_space<vmem>>
    %dma_start3A_762 = arith.constant 0 : i32
    %dma_start3A_763 = arith.constant 0 : i32
    %dma_start3A_764 = tpu.memref_slice %arg10[%dma_start3A_762, %dma_start3A_763] : memref<10008x128xf32, #tpu.memory_space<vmem_shared>> -> memref<10008x128xf32, #tpu.memory_space<vmem_shared>>
    tpu.enqueue_indirect_dma source(%dma_start3A_758 : memref<64x128xf32, #tpu.memory_space<vmem>>) target(%dma_start3A_764 : memref<10008x128xf32, #tpu.memory_space<vmem_shared>>) offsets(%dma_start3A_761 : memref<64xi32, #tpu.memory_space<vmem>>) semaphore(%arg18 : memref<!tpu.dma_semaphore, #tpu.memory_space<semaphore_mem>>) {add = true}
    %dma_wait3A_765 = arith.constant 2 : i32
    %dma_wait3A_766 = arith.constant 0 : i32
    %dma_wait3A_767 = arith.constant 0 : i32
    %dma_wait3A_768 = arith.constant 0 : i32
    %dma_wait3A_769 = tpu.memref_slice %arg9[%dma_wait3A_765, %dma_wait3A_767, %dma_wait3A_768] : memref<4x64x128xf32, #tpu.memory_space<vmem>> -> memref<1x64x128xf32, #tpu.memory_space<vmem>>
    %dma_wait3A_770 = tpu.memref_squeeze %dma_wait3A_769 : memref<1x64x128xf32, #tpu.memory_space<vmem>> -> memref<64x128xf32, #tpu.memory_space<vmem>>
    %dma_wait3A_771 = arith.constant 0 : i32
    %dma_wait3A_772 = tpu.memref_slice %arg8[%dma_wait3A_766, %dma_wait3A_771] : memref<40x64xi32, #tpu.memory_space<vmem>> -> memref<1x64xi32, #tpu.memory_space<vmem>>
    %dma_wait3A_773 = tpu.memref_squeeze %dma_wait3A_772 : memref<1x64xi32, #tpu.memory_space<vmem>> -> memref<64xi32, #tpu.memory_space<vmem>>
    %dma_wait3A_774 = arith.constant 0 : i32
    %dma_wait3A_775 = arith.constant 0 : i32
    %dma_wait3A_776 = tpu.memref_slice %arg10[%dma_wait3A_774, %dma_wait3A_775] : memref<10008x128xf32, #tpu.memory_space<vmem_shared>> -> memref<10008x128xf32, #tpu.memory_space<vmem_shared>>
    tpu.wait_indirect_dma semaphore(%arg17 : memref<!tpu.dma_semaphore, #tpu.memory_space<semaphore_mem>>) src(%dma_wait3A_770 : memref<64x128xf32, #tpu.memory_space<vmem>>) dst(%dma_wait3A_776 : memref<10008x128xf32, #tpu.memory_space<vmem_shared>>)
    %dma_wait3A_777 = arith.constant 3 : i32
    %dma_wait3A_778 = arith.constant 0 : i32
    %dma_wait3A_779 = arith.constant 0 : i32
    %dma_wait3A_780 = arith.constant 0 : i32
    %dma_wait3A_781 = tpu.memref_slice %arg9[%dma_wait3A_777, %dma_wait3A_779, %dma_wait3A_780] : memref<4x64x128xf32, #tpu.memory_space<vmem>> -> memref<1x64x128xf32, #tpu.memory_space<vmem>>
    %dma_wait3A_782 = tpu.memref_squeeze %dma_wait3A_781 : memref<1x64x128xf32, #tpu.memory_space<vmem>> -> memref<64x128xf32, #tpu.memory_space<vmem>>
    %dma_wait3A_783 = arith.constant 0 : i32
    %dma_wait3A_784 = tpu.memref_slice %arg8[%dma_wait3A_778, %dma_wait3A_783] : memref<40x64xi32, #tpu.memory_space<vmem>> -> memref<1x64xi32, #tpu.memory_space<vmem>>
    %dma_wait3A_785 = tpu.memref_squeeze %dma_wait3A_784 : memref<1x64xi32, #tpu.memory_space<vmem>> -> memref<64xi32, #tpu.memory_space<vmem>>
    %dma_wait3A_786 = arith.constant 0 : i32
    %dma_wait3A_787 = arith.constant 0 : i32
    %dma_wait3A_788 = tpu.memref_slice %arg10[%dma_wait3A_786, %dma_wait3A_787] : memref<10008x128xf32, #tpu.memory_space<vmem_shared>> -> memref<10008x128xf32, #tpu.memory_space<vmem_shared>>
    tpu.wait_indirect_dma semaphore(%arg18 : memref<!tpu.dma_semaphore, #tpu.memory_space<semaphore_mem>>) src(%dma_wait3A_782 : memref<64x128xf32, #tpu.memory_space<vmem>>) dst(%dma_wait3A_788 : memref<10008x128xf32, #tpu.memory_space<vmem_shared>>)
    %mul3A_789 = arith.constant 160 : i32
    %mul3A_790 = arith.muli %arg1, %mul3A_789 : i32
    %add3A_791 = arith.constant 80 : i32
    %add3A_792 = arith.addi %mul3A_790, %add3A_791 : i32
    "tpu.region"() ({
      %run_scoped3A = tpu.sem_alloc : memref<!tpu.dma_semaphore, #tpu.memory_space<semaphore_mem>>
      %dma_start3A_1583 = arith.constant 0 : i32
      %dma_start3A_1584 = tpu.memref_slice %arg4[%arg0, %add3A_792, %dma_start3A_1583] : memref<2x2560x64xi32, #tpu.memory_space<hbm>> -> memref<1x40x64xi32, #tpu.memory_space<hbm>>
      %dma_start3A_1585 = tpu.memref_squeeze %dma_start3A_1584 : memref<1x40x64xi32, #tpu.memory_space<hbm>> -> memref<40x64xi32, #tpu.memory_space<hbm>>
      %dma_start3A_1586 = arith.constant 0 : i32
      %dma_start3A_1587 = tpu.memref_slice %arg4[%arg0, %add3A_792, %dma_start3A_1586] : memref<2x2560x64xi32, #tpu.memory_space<hbm>> -> memref<1x40x64xi32, #tpu.memory_space<hbm>>
      %dma_start3A_1588 = tpu.memref_squeeze %dma_start3A_1587 : memref<1x40x64xi32, #tpu.memory_space<hbm>> -> memref<40x64xi32, #tpu.memory_space<hbm>>
      tpu.enqueue_dma source(%dma_start3A_1588 : memref<40x64xi32, #tpu.memory_space<hbm>>) target(%arg7 : memref<40x64xi32, #tpu.memory_space<vmem>>) target_semaphore(%run_scoped3A : memref<!tpu.dma_semaphore, #tpu.memory_space<semaphore_mem>>)
      %dma_wait3A_1589 = arith.constant 0 : i32
      %dma_wait3A_1590 = tpu.memref_slice %arg4[%arg0, %add3A_792, %dma_wait3A_1589] : memref<2x2560x64xi32, #tpu.memory_space<hbm>> -> memref<1x40x64xi32, #tpu.memory_space<hbm>>
      %dma_wait3A_1591 = tpu.memref_squeeze %dma_wait3A_1590 : memref<1x40x64xi32, #tpu.memory_space<hbm>> -> memref<40x64xi32, #tpu.memory_space<hbm>>
      %dma_wait3A_1592 = arith.constant 0 : i32
      %dma_wait3A_1593 = tpu.memref_slice %arg4[%arg0, %add3A_792, %dma_wait3A_1592] : memref<2x2560x64xi32, #tpu.memory_space<hbm>> -> memref<1x40x64xi32, #tpu.memory_space<hbm>>
      %dma_wait3A_1594 = tpu.memref_squeeze %dma_wait3A_1593 : memref<1x40x64xi32, #tpu.memory_space<hbm>> -> memref<40x64xi32, #tpu.memory_space<hbm>>
      tpu.wait_dma2 semaphore(%run_scoped3A : memref<!tpu.dma_semaphore, #tpu.memory_space<semaphore_mem>>) src(%dma_wait3A_1594 : memref<40x64xi32, #tpu.memory_space<hbm>>) dst(%arg7 : memref<40x64xi32, #tpu.memory_space<vmem>>)
      tpu.yield
    }) : () -> ()
    "tpu.region"() ({
      %run_scoped3A = tpu.sem_alloc : memref<!tpu.dma_semaphore, #tpu.memory_space<semaphore_mem>>
      %dma_start3A_1583 = arith.constant 0 : i32
      %dma_start3A_1584 = tpu.memref_slice %arg5[%add3A_792, %dma_start3A_1583] : memref<2560x64xi32, #tpu.memory_space<hbm>> -> memref<40x64xi32, #tpu.memory_space<hbm>>
      %dma_start3A_1585 = arith.constant 0 : i32
      %dma_start3A_1586 = tpu.memref_slice %arg5[%add3A_792, %dma_start3A_1585] : memref<2560x64xi32, #tpu.memory_space<hbm>> -> memref<40x64xi32, #tpu.memory_space<hbm>>
      tpu.enqueue_dma source(%dma_start3A_1586 : memref<40x64xi32, #tpu.memory_space<hbm>>) target(%arg8 : memref<40x64xi32, #tpu.memory_space<vmem>>) target_semaphore(%run_scoped3A : memref<!tpu.dma_semaphore, #tpu.memory_space<semaphore_mem>>)
      %dma_wait3A_1587 = arith.constant 0 : i32
      %dma_wait3A_1588 = tpu.memref_slice %arg5[%add3A_792, %dma_wait3A_1587] : memref<2560x64xi32, #tpu.memory_space<hbm>> -> memref<40x64xi32, #tpu.memory_space<hbm>>
      %dma_wait3A_1589 = arith.constant 0 : i32
      %dma_wait3A_1590 = tpu.memref_slice %arg5[%add3A_792, %dma_wait3A_1589] : memref<2560x64xi32, #tpu.memory_space<hbm>> -> memref<40x64xi32, #tpu.memory_space<hbm>>
      tpu.wait_dma2 semaphore(%run_scoped3A : memref<!tpu.dma_semaphore, #tpu.memory_space<semaphore_mem>>) src(%dma_wait3A_1590 : memref<40x64xi32, #tpu.memory_space<hbm>>) dst(%arg8 : memref<40x64xi32, #tpu.memory_space<vmem>>)
      tpu.yield
    }) : () -> ()
    %dma_start3A_793 = arith.constant 0 : i32
    %dma_start3A_794 = arith.constant 0 : i32
    %dma_start3A_795 = arith.constant 0 : i32
    %dma_start3A_796 = arith.constant 0 : i32
    %dma_start3A_797 = tpu.memref_slice %arg9[%dma_start3A_794, %dma_start3A_795, %dma_start3A_796] : memref<4x64x128xf32, #tpu.memory_space<vmem>> -> memref<1x64x128xf32, #tpu.memory_space<vmem>>
    %dma_start3A_798 = tpu.memref_squeeze %dma_start3A_797 : memref<1x64x128xf32, #tpu.memory_space<vmem>> -> memref<64x128xf32, #tpu.memory_space<vmem>>
    %dma_start3A_799 = arith.constant 0 : i32
    %dma_start3A_800 = tpu.memref_slice %arg7[%dma_start3A_793, %dma_start3A_799] : memref<40x64xi32, #tpu.memory_space<vmem>> -> memref<1x64xi32, #tpu.memory_space<vmem>>
    %dma_start3A_801 = tpu.memref_squeeze %dma_start3A_800 : memref<1x64xi32, #tpu.memory_space<vmem>> -> memref<64xi32, #tpu.memory_space<vmem>>
    %dma_start3A_802 = arith.constant 0 : i32
    %dma_start3A_803 = arith.constant 0 : i32
    %dma_start3A_804 = tpu.memref_slice %arg2[%dma_start3A_802, %dma_start3A_803] : memref<20000x128xf32, #tpu.memory_space<hbm>> -> memref<20000x128xf32, #tpu.memory_space<hbm>>
    tpu.enqueue_indirect_dma source(%dma_start3A_804 : memref<20000x128xf32, #tpu.memory_space<hbm>>) target(%dma_start3A_798 : memref<64x128xf32, #tpu.memory_space<vmem>>) offsets(%dma_start3A_801 : memref<64xi32, #tpu.memory_space<vmem>>) semaphore(%arg11 : memref<!tpu.dma_semaphore, #tpu.memory_space<semaphore_mem>>)
    %dma_start3A_805 = arith.constant 1 : i32
    %dma_start3A_806 = arith.constant 1 : i32
    %dma_start3A_807 = arith.constant 0 : i32
    %dma_start3A_808 = arith.constant 0 : i32
    %dma_start3A_809 = tpu.memref_slice %arg9[%dma_start3A_806, %dma_start3A_807, %dma_start3A_808] : memref<4x64x128xf32, #tpu.memory_space<vmem>> -> memref<1x64x128xf32, #tpu.memory_space<vmem>>
    %dma_start3A_810 = tpu.memref_squeeze %dma_start3A_809 : memref<1x64x128xf32, #tpu.memory_space<vmem>> -> memref<64x128xf32, #tpu.memory_space<vmem>>
    %dma_start3A_811 = arith.constant 0 : i32
    %dma_start3A_812 = tpu.memref_slice %arg7[%dma_start3A_805, %dma_start3A_811] : memref<40x64xi32, #tpu.memory_space<vmem>> -> memref<1x64xi32, #tpu.memory_space<vmem>>
    %dma_start3A_813 = tpu.memref_squeeze %dma_start3A_812 : memref<1x64xi32, #tpu.memory_space<vmem>> -> memref<64xi32, #tpu.memory_space<vmem>>
    %dma_start3A_814 = arith.constant 0 : i32
    %dma_start3A_815 = arith.constant 0 : i32
    %dma_start3A_816 = tpu.memref_slice %arg2[%dma_start3A_814, %dma_start3A_815] : memref<20000x128xf32, #tpu.memory_space<hbm>> -> memref<20000x128xf32, #tpu.memory_space<hbm>>
    tpu.enqueue_indirect_dma source(%dma_start3A_816 : memref<20000x128xf32, #tpu.memory_space<hbm>>) target(%dma_start3A_810 : memref<64x128xf32, #tpu.memory_space<vmem>>) offsets(%dma_start3A_813 : memref<64xi32, #tpu.memory_space<vmem>>) semaphore(%arg12 : memref<!tpu.dma_semaphore, #tpu.memory_space<semaphore_mem>>)
    %dma_start3A_817 = arith.constant 2 : i32
    %dma_start3A_818 = arith.constant 2 : i32
    %dma_start3A_819 = arith.constant 0 : i32
    %dma_start3A_820 = arith.constant 0 : i32
    %dma_start3A_821 = tpu.memref_slice %arg9[%dma_start3A_818, %dma_start3A_819, %dma_start3A_820] : memref<4x64x128xf32, #tpu.memory_space<vmem>> -> memref<1x64x128xf32, #tpu.memory_space<vmem>>
    %dma_start3A_822 = tpu.memref_squeeze %dma_start3A_821 : memref<1x64x128xf32, #tpu.memory_space<vmem>> -> memref<64x128xf32, #tpu.memory_space<vmem>>
    %dma_start3A_823 = arith.constant 0 : i32
    %dma_start3A_824 = tpu.memref_slice %arg7[%dma_start3A_817, %dma_start3A_823] : memref<40x64xi32, #tpu.memory_space<vmem>> -> memref<1x64xi32, #tpu.memory_space<vmem>>
    %dma_start3A_825 = tpu.memref_squeeze %dma_start3A_824 : memref<1x64xi32, #tpu.memory_space<vmem>> -> memref<64xi32, #tpu.memory_space<vmem>>
    %dma_start3A_826 = arith.constant 0 : i32
    %dma_start3A_827 = arith.constant 0 : i32
    %dma_start3A_828 = tpu.memref_slice %arg2[%dma_start3A_826, %dma_start3A_827] : memref<20000x128xf32, #tpu.memory_space<hbm>> -> memref<20000x128xf32, #tpu.memory_space<hbm>>
    tpu.enqueue_indirect_dma source(%dma_start3A_828 : memref<20000x128xf32, #tpu.memory_space<hbm>>) target(%dma_start3A_822 : memref<64x128xf32, #tpu.memory_space<vmem>>) offsets(%dma_start3A_825 : memref<64xi32, #tpu.memory_space<vmem>>) semaphore(%arg13 : memref<!tpu.dma_semaphore, #tpu.memory_space<semaphore_mem>>)
    %dma_wait3A_829 = arith.constant 0 : i32
    %dma_wait3A_830 = arith.constant 0 : i32
    %dma_wait3A_831 = arith.constant 0 : i32
    %dma_wait3A_832 = arith.constant 0 : i32
    %dma_wait3A_833 = tpu.memref_slice %arg9[%dma_wait3A_830, %dma_wait3A_831, %dma_wait3A_832] : memref<4x64x128xf32, #tpu.memory_space<vmem>> -> memref<1x64x128xf32, #tpu.memory_space<vmem>>
    %dma_wait3A_834 = tpu.memref_squeeze %dma_wait3A_833 : memref<1x64x128xf32, #tpu.memory_space<vmem>> -> memref<64x128xf32, #tpu.memory_space<vmem>>
    %dma_wait3A_835 = arith.constant 0 : i32
    %dma_wait3A_836 = tpu.memref_slice %arg7[%dma_wait3A_829, %dma_wait3A_835] : memref<40x64xi32, #tpu.memory_space<vmem>> -> memref<1x64xi32, #tpu.memory_space<vmem>>
    %dma_wait3A_837 = tpu.memref_squeeze %dma_wait3A_836 : memref<1x64xi32, #tpu.memory_space<vmem>> -> memref<64xi32, #tpu.memory_space<vmem>>
    %dma_wait3A_838 = arith.constant 0 : i32
    %dma_wait3A_839 = arith.constant 0 : i32
    %dma_wait3A_840 = tpu.memref_slice %arg2[%dma_wait3A_838, %dma_wait3A_839] : memref<20000x128xf32, #tpu.memory_space<hbm>> -> memref<20000x128xf32, #tpu.memory_space<hbm>>
    tpu.wait_indirect_dma semaphore(%arg11 : memref<!tpu.dma_semaphore, #tpu.memory_space<semaphore_mem>>) src(%dma_wait3A_840 : memref<20000x128xf32, #tpu.memory_space<hbm>>) dst(%dma_wait3A_834 : memref<64x128xf32, #tpu.memory_space<vmem>>)
    %dma_start3A_841 = arith.constant 0 : i32
    %dma_start3A_842 = arith.constant 0 : i32
    %dma_start3A_843 = arith.constant 0 : i32
    %dma_start3A_844 = arith.constant 0 : i32
    %dma_start3A_845 = tpu.memref_slice %arg9[%dma_start3A_841, %dma_start3A_843, %dma_start3A_844] : memref<4x64x128xf32, #tpu.memory_space<vmem>> -> memref<1x64x128xf32, #tpu.memory_space<vmem>>
    %dma_start3A_846 = tpu.memref_squeeze %dma_start3A_845 : memref<1x64x128xf32, #tpu.memory_space<vmem>> -> memref<64x128xf32, #tpu.memory_space<vmem>>
    %dma_start3A_847 = arith.constant 0 : i32
    %dma_start3A_848 = tpu.memref_slice %arg8[%dma_start3A_842, %dma_start3A_847] : memref<40x64xi32, #tpu.memory_space<vmem>> -> memref<1x64xi32, #tpu.memory_space<vmem>>
    %dma_start3A_849 = tpu.memref_squeeze %dma_start3A_848 : memref<1x64xi32, #tpu.memory_space<vmem>> -> memref<64xi32, #tpu.memory_space<vmem>>
    %dma_start3A_850 = arith.constant 0 : i32
    %dma_start3A_851 = arith.constant 0 : i32
    %dma_start3A_852 = tpu.memref_slice %arg10[%dma_start3A_850, %dma_start3A_851] : memref<10008x128xf32, #tpu.memory_space<vmem_shared>> -> memref<10008x128xf32, #tpu.memory_space<vmem_shared>>
    tpu.enqueue_indirect_dma source(%dma_start3A_846 : memref<64x128xf32, #tpu.memory_space<vmem>>) target(%dma_start3A_852 : memref<10008x128xf32, #tpu.memory_space<vmem_shared>>) offsets(%dma_start3A_849 : memref<64xi32, #tpu.memory_space<vmem>>) semaphore(%arg15 : memref<!tpu.dma_semaphore, #tpu.memory_space<semaphore_mem>>) {add = true}
    %dma_start3A_853 = arith.constant 3 : i32
    %dma_start3A_854 = arith.constant 3 : i32
    %dma_start3A_855 = arith.constant 0 : i32
    %dma_start3A_856 = arith.constant 0 : i32
    %dma_start3A_857 = tpu.memref_slice %arg9[%dma_start3A_854, %dma_start3A_855, %dma_start3A_856] : memref<4x64x128xf32, #tpu.memory_space<vmem>> -> memref<1x64x128xf32, #tpu.memory_space<vmem>>
    %dma_start3A_858 = tpu.memref_squeeze %dma_start3A_857 : memref<1x64x128xf32, #tpu.memory_space<vmem>> -> memref<64x128xf32, #tpu.memory_space<vmem>>
    %dma_start3A_859 = arith.constant 0 : i32
    %dma_start3A_860 = tpu.memref_slice %arg7[%dma_start3A_853, %dma_start3A_859] : memref<40x64xi32, #tpu.memory_space<vmem>> -> memref<1x64xi32, #tpu.memory_space<vmem>>
    %dma_start3A_861 = tpu.memref_squeeze %dma_start3A_860 : memref<1x64xi32, #tpu.memory_space<vmem>> -> memref<64xi32, #tpu.memory_space<vmem>>
    %dma_start3A_862 = arith.constant 0 : i32
    %dma_start3A_863 = arith.constant 0 : i32
    %dma_start3A_864 = tpu.memref_slice %arg2[%dma_start3A_862, %dma_start3A_863] : memref<20000x128xf32, #tpu.memory_space<hbm>> -> memref<20000x128xf32, #tpu.memory_space<hbm>>
    tpu.enqueue_indirect_dma source(%dma_start3A_864 : memref<20000x128xf32, #tpu.memory_space<hbm>>) target(%dma_start3A_858 : memref<64x128xf32, #tpu.memory_space<vmem>>) offsets(%dma_start3A_861 : memref<64xi32, #tpu.memory_space<vmem>>) semaphore(%arg14 : memref<!tpu.dma_semaphore, #tpu.memory_space<semaphore_mem>>)
    %dma_wait3A_865 = arith.constant 0 : i32
    %dma_wait3A_866 = arith.constant 1 : i32
    %dma_wait3A_867 = arith.constant 0 : i32
    %dma_wait3A_868 = arith.constant 0 : i32
    %dma_wait3A_869 = tpu.memref_slice %arg9[%dma_wait3A_866, %dma_wait3A_867, %dma_wait3A_868] : memref<4x64x128xf32, #tpu.memory_space<vmem>> -> memref<1x64x128xf32, #tpu.memory_space<vmem>>
    %dma_wait3A_870 = tpu.memref_squeeze %dma_wait3A_869 : memref<1x64x128xf32, #tpu.memory_space<vmem>> -> memref<64x128xf32, #tpu.memory_space<vmem>>
    %dma_wait3A_871 = arith.constant 0 : i32
    %dma_wait3A_872 = tpu.memref_slice %arg7[%dma_wait3A_865, %dma_wait3A_871] : memref<40x64xi32, #tpu.memory_space<vmem>> -> memref<1x64xi32, #tpu.memory_space<vmem>>
    %dma_wait3A_873 = tpu.memref_squeeze %dma_wait3A_872 : memref<1x64xi32, #tpu.memory_space<vmem>> -> memref<64xi32, #tpu.memory_space<vmem>>
    %dma_wait3A_874 = arith.constant 0 : i32
    %dma_wait3A_875 = arith.constant 0 : i32
    %dma_wait3A_876 = tpu.memref_slice %arg2[%dma_wait3A_874, %dma_wait3A_875] : memref<20000x128xf32, #tpu.memory_space<hbm>> -> memref<20000x128xf32, #tpu.memory_space<hbm>>
    tpu.wait_indirect_dma semaphore(%arg12 : memref<!tpu.dma_semaphore, #tpu.memory_space<semaphore_mem>>) src(%dma_wait3A_876 : memref<20000x128xf32, #tpu.memory_space<hbm>>) dst(%dma_wait3A_870 : memref<64x128xf32, #tpu.memory_space<vmem>>)
    %dma_start3A_877 = arith.constant 1 : i32
    %dma_start3A_878 = arith.constant 1 : i32
    %dma_start3A_879 = arith.constant 0 : i32
    %dma_start3A_880 = arith.constant 0 : i32
    %dma_start3A_881 = tpu.memref_slice %arg9[%dma_start3A_877, %dma_start3A_879, %dma_start3A_880] : memref<4x64x128xf32, #tpu.memory_space<vmem>> -> memref<1x64x128xf32, #tpu.memory_space<vmem>>
    %dma_start3A_882 = tpu.memref_squeeze %dma_start3A_881 : memref<1x64x128xf32, #tpu.memory_space<vmem>> -> memref<64x128xf32, #tpu.memory_space<vmem>>
    %dma_start3A_883 = arith.constant 0 : i32
    %dma_start3A_884 = tpu.memref_slice %arg8[%dma_start3A_878, %dma_start3A_883] : memref<40x64xi32, #tpu.memory_space<vmem>> -> memref<1x64xi32, #tpu.memory_space<vmem>>
    %dma_start3A_885 = tpu.memref_squeeze %dma_start3A_884 : memref<1x64xi32, #tpu.memory_space<vmem>> -> memref<64xi32, #tpu.memory_space<vmem>>
    %dma_start3A_886 = arith.constant 0 : i32
    %dma_start3A_887 = arith.constant 0 : i32
    %dma_start3A_888 = tpu.memref_slice %arg10[%dma_start3A_886, %dma_start3A_887] : memref<10008x128xf32, #tpu.memory_space<vmem_shared>> -> memref<10008x128xf32, #tpu.memory_space<vmem_shared>>
    tpu.enqueue_indirect_dma source(%dma_start3A_882 : memref<64x128xf32, #tpu.memory_space<vmem>>) target(%dma_start3A_888 : memref<10008x128xf32, #tpu.memory_space<vmem_shared>>) offsets(%dma_start3A_885 : memref<64xi32, #tpu.memory_space<vmem>>) semaphore(%arg16 : memref<!tpu.dma_semaphore, #tpu.memory_space<semaphore_mem>>) {add = true}
    %dma_wait3A_889 = arith.constant 0 : i32
    %dma_wait3A_890 = arith.constant 0 : i32
    %dma_wait3A_891 = arith.constant 0 : i32
    %dma_wait3A_892 = arith.constant 0 : i32
    %dma_wait3A_893 = tpu.memref_slice %arg9[%dma_wait3A_889, %dma_wait3A_891, %dma_wait3A_892] : memref<4x64x128xf32, #tpu.memory_space<vmem>> -> memref<1x64x128xf32, #tpu.memory_space<vmem>>
    %dma_wait3A_894 = tpu.memref_squeeze %dma_wait3A_893 : memref<1x64x128xf32, #tpu.memory_space<vmem>> -> memref<64x128xf32, #tpu.memory_space<vmem>>
    %dma_wait3A_895 = arith.constant 0 : i32
    %dma_wait3A_896 = tpu.memref_slice %arg8[%dma_wait3A_890, %dma_wait3A_895] : memref<40x64xi32, #tpu.memory_space<vmem>> -> memref<1x64xi32, #tpu.memory_space<vmem>>
    %dma_wait3A_897 = tpu.memref_squeeze %dma_wait3A_896 : memref<1x64xi32, #tpu.memory_space<vmem>> -> memref<64xi32, #tpu.memory_space<vmem>>
    %dma_wait3A_898 = arith.constant 0 : i32
    %dma_wait3A_899 = arith.constant 0 : i32
    %dma_wait3A_900 = tpu.memref_slice %arg10[%dma_wait3A_898, %dma_wait3A_899] : memref<10008x128xf32, #tpu.memory_space<vmem_shared>> -> memref<10008x128xf32, #tpu.memory_space<vmem_shared>>
    tpu.wait_indirect_dma semaphore(%arg15 : memref<!tpu.dma_semaphore, #tpu.memory_space<semaphore_mem>>) src(%dma_wait3A_894 : memref<64x128xf32, #tpu.memory_space<vmem>>) dst(%dma_wait3A_900 : memref<10008x128xf32, #tpu.memory_space<vmem_shared>>)
    %dma_start3A_901 = arith.constant 4 : i32
    %dma_start3A_902 = arith.constant 0 : i32
    %dma_start3A_903 = arith.constant 0 : i32
    %dma_start3A_904 = arith.constant 0 : i32
    %dma_start3A_905 = tpu.memref_slice %arg9[%dma_start3A_902, %dma_start3A_903, %dma_start3A_904] : memref<4x64x128xf32, #tpu.memory_space<vmem>> -> memref<1x64x128xf32, #tpu.memory_space<vmem>>
    %dma_start3A_906 = tpu.memref_squeeze %dma_start3A_905 : memref<1x64x128xf32, #tpu.memory_space<vmem>> -> memref<64x128xf32, #tpu.memory_space<vmem>>
    %dma_start3A_907 = arith.constant 0 : i32
    %dma_start3A_908 = tpu.memref_slice %arg7[%dma_start3A_901, %dma_start3A_907] : memref<40x64xi32, #tpu.memory_space<vmem>> -> memref<1x64xi32, #tpu.memory_space<vmem>>
    %dma_start3A_909 = tpu.memref_squeeze %dma_start3A_908 : memref<1x64xi32, #tpu.memory_space<vmem>> -> memref<64xi32, #tpu.memory_space<vmem>>
    %dma_start3A_910 = arith.constant 0 : i32
    %dma_start3A_911 = arith.constant 0 : i32
    %dma_start3A_912 = tpu.memref_slice %arg2[%dma_start3A_910, %dma_start3A_911] : memref<20000x128xf32, #tpu.memory_space<hbm>> -> memref<20000x128xf32, #tpu.memory_space<hbm>>
    tpu.enqueue_indirect_dma source(%dma_start3A_912 : memref<20000x128xf32, #tpu.memory_space<hbm>>) target(%dma_start3A_906 : memref<64x128xf32, #tpu.memory_space<vmem>>) offsets(%dma_start3A_909 : memref<64xi32, #tpu.memory_space<vmem>>) semaphore(%arg11 : memref<!tpu.dma_semaphore, #tpu.memory_space<semaphore_mem>>)
    %dma_wait3A_913 = arith.constant 0 : i32
    %dma_wait3A_914 = arith.constant 2 : i32
    %dma_wait3A_915 = arith.constant 0 : i32
    %dma_wait3A_916 = arith.constant 0 : i32
    %dma_wait3A_917 = tpu.memref_slice %arg9[%dma_wait3A_914, %dma_wait3A_915, %dma_wait3A_916] : memref<4x64x128xf32, #tpu.memory_space<vmem>> -> memref<1x64x128xf32, #tpu.memory_space<vmem>>
    %dma_wait3A_918 = tpu.memref_squeeze %dma_wait3A_917 : memref<1x64x128xf32, #tpu.memory_space<vmem>> -> memref<64x128xf32, #tpu.memory_space<vmem>>
    %dma_wait3A_919 = arith.constant 0 : i32
    %dma_wait3A_920 = tpu.memref_slice %arg7[%dma_wait3A_913, %dma_wait3A_919] : memref<40x64xi32, #tpu.memory_space<vmem>> -> memref<1x64xi32, #tpu.memory_space<vmem>>
    %dma_wait3A_921 = tpu.memref_squeeze %dma_wait3A_920 : memref<1x64xi32, #tpu.memory_space<vmem>> -> memref<64xi32, #tpu.memory_space<vmem>>
    %dma_wait3A_922 = arith.constant 0 : i32
    %dma_wait3A_923 = arith.constant 0 : i32
    %dma_wait3A_924 = tpu.memref_slice %arg2[%dma_wait3A_922, %dma_wait3A_923] : memref<20000x128xf32, #tpu.memory_space<hbm>> -> memref<20000x128xf32, #tpu.memory_space<hbm>>
    tpu.wait_indirect_dma semaphore(%arg13 : memref<!tpu.dma_semaphore, #tpu.memory_space<semaphore_mem>>) src(%dma_wait3A_924 : memref<20000x128xf32, #tpu.memory_space<hbm>>) dst(%dma_wait3A_918 : memref<64x128xf32, #tpu.memory_space<vmem>>)
    %dma_start3A_925 = arith.constant 2 : i32
    %dma_start3A_926 = arith.constant 2 : i32
    %dma_start3A_927 = arith.constant 0 : i32
    %dma_start3A_928 = arith.constant 0 : i32
    %dma_start3A_929 = tpu.memref_slice %arg9[%dma_start3A_925, %dma_start3A_927, %dma_start3A_928] : memref<4x64x128xf32, #tpu.memory_space<vmem>> -> memref<1x64x128xf32, #tpu.memory_space<vmem>>
    %dma_start3A_930 = tpu.memref_squeeze %dma_start3A_929 : memref<1x64x128xf32, #tpu.memory_space<vmem>> -> memref<64x128xf32, #tpu.memory_space<vmem>>
    %dma_start3A_931 = arith.constant 0 : i32
    %dma_start3A_932 = tpu.memref_slice %arg8[%dma_start3A_926, %dma_start3A_931] : memref<40x64xi32, #tpu.memory_space<vmem>> -> memref<1x64xi32, #tpu.memory_space<vmem>>
    %dma_start3A_933 = tpu.memref_squeeze %dma_start3A_932 : memref<1x64xi32, #tpu.memory_space<vmem>> -> memref<64xi32, #tpu.memory_space<vmem>>
    %dma_start3A_934 = arith.constant 0 : i32
    %dma_start3A_935 = arith.constant 0 : i32
    %dma_start3A_936 = tpu.memref_slice %arg10[%dma_start3A_934, %dma_start3A_935] : memref<10008x128xf32, #tpu.memory_space<vmem_shared>> -> memref<10008x128xf32, #tpu.memory_space<vmem_shared>>
    tpu.enqueue_indirect_dma source(%dma_start3A_930 : memref<64x128xf32, #tpu.memory_space<vmem>>) target(%dma_start3A_936 : memref<10008x128xf32, #tpu.memory_space<vmem_shared>>) offsets(%dma_start3A_933 : memref<64xi32, #tpu.memory_space<vmem>>) semaphore(%arg17 : memref<!tpu.dma_semaphore, #tpu.memory_space<semaphore_mem>>) {add = true}
    %dma_wait3A_937 = arith.constant 1 : i32
    %dma_wait3A_938 = arith.constant 0 : i32
    %dma_wait3A_939 = arith.constant 0 : i32
    %dma_wait3A_940 = arith.constant 0 : i32
    %dma_wait3A_941 = tpu.memref_slice %arg9[%dma_wait3A_937, %dma_wait3A_939, %dma_wait3A_940] : memref<4x64x128xf32, #tpu.memory_space<vmem>> -> memref<1x64x128xf32, #tpu.memory_space<vmem>>
    %dma_wait3A_942 = tpu.memref_squeeze %dma_wait3A_941 : memref<1x64x128xf32, #tpu.memory_space<vmem>> -> memref<64x128xf32, #tpu.memory_space<vmem>>
    %dma_wait3A_943 = arith.constant 0 : i32
    %dma_wait3A_944 = tpu.memref_slice %arg8[%dma_wait3A_938, %dma_wait3A_943] : memref<40x64xi32, #tpu.memory_space<vmem>> -> memref<1x64xi32, #tpu.memory_space<vmem>>
    %dma_wait3A_945 = tpu.memref_squeeze %dma_wait3A_944 : memref<1x64xi32, #tpu.memory_space<vmem>> -> memref<64xi32, #tpu.memory_space<vmem>>
    %dma_wait3A_946 = arith.constant 0 : i32
    %dma_wait3A_947 = arith.constant 0 : i32
    %dma_wait3A_948 = tpu.memref_slice %arg10[%dma_wait3A_946, %dma_wait3A_947] : memref<10008x128xf32, #tpu.memory_space<vmem_shared>> -> memref<10008x128xf32, #tpu.memory_space<vmem_shared>>
    tpu.wait_indirect_dma semaphore(%arg16 : memref<!tpu.dma_semaphore, #tpu.memory_space<semaphore_mem>>) src(%dma_wait3A_942 : memref<64x128xf32, #tpu.memory_space<vmem>>) dst(%dma_wait3A_948 : memref<10008x128xf32, #tpu.memory_space<vmem_shared>>)
    %dma_start3A_949 = arith.constant 5 : i32
    %dma_start3A_950 = arith.constant 1 : i32
    %dma_start3A_951 = arith.constant 0 : i32
    %dma_start3A_952 = arith.constant 0 : i32
    %dma_start3A_953 = tpu.memref_slice %arg9[%dma_start3A_950, %dma_start3A_951, %dma_start3A_952] : memref<4x64x128xf32, #tpu.memory_space<vmem>> -> memref<1x64x128xf32, #tpu.memory_space<vmem>>
    %dma_start3A_954 = tpu.memref_squeeze %dma_start3A_953 : memref<1x64x128xf32, #tpu.memory_space<vmem>> -> memref<64x128xf32, #tpu.memory_space<vmem>>
    %dma_start3A_955 = arith.constant 0 : i32
    %dma_start3A_956 = tpu.memref_slice %arg7[%dma_start3A_949, %dma_start3A_955] : memref<40x64xi32, #tpu.memory_space<vmem>> -> memref<1x64xi32, #tpu.memory_space<vmem>>
    %dma_start3A_957 = tpu.memref_squeeze %dma_start3A_956 : memref<1x64xi32, #tpu.memory_space<vmem>> -> memref<64xi32, #tpu.memory_space<vmem>>
    %dma_start3A_958 = arith.constant 0 : i32
    %dma_start3A_959 = arith.constant 0 : i32
    %dma_start3A_960 = tpu.memref_slice %arg2[%dma_start3A_958, %dma_start3A_959] : memref<20000x128xf32, #tpu.memory_space<hbm>> -> memref<20000x128xf32, #tpu.memory_space<hbm>>
    tpu.enqueue_indirect_dma source(%dma_start3A_960 : memref<20000x128xf32, #tpu.memory_space<hbm>>) target(%dma_start3A_954 : memref<64x128xf32, #tpu.memory_space<vmem>>) offsets(%dma_start3A_957 : memref<64xi32, #tpu.memory_space<vmem>>) semaphore(%arg12 : memref<!tpu.dma_semaphore, #tpu.memory_space<semaphore_mem>>)
    %dma_wait3A_961 = arith.constant 0 : i32
    %dma_wait3A_962 = arith.constant 3 : i32
    %dma_wait3A_963 = arith.constant 0 : i32
    %dma_wait3A_964 = arith.constant 0 : i32
    %dma_wait3A_965 = tpu.memref_slice %arg9[%dma_wait3A_962, %dma_wait3A_963, %dma_wait3A_964] : memref<4x64x128xf32, #tpu.memory_space<vmem>> -> memref<1x64x128xf32, #tpu.memory_space<vmem>>
    %dma_wait3A_966 = tpu.memref_squeeze %dma_wait3A_965 : memref<1x64x128xf32, #tpu.memory_space<vmem>> -> memref<64x128xf32, #tpu.memory_space<vmem>>
    %dma_wait3A_967 = arith.constant 0 : i32
    %dma_wait3A_968 = tpu.memref_slice %arg7[%dma_wait3A_961, %dma_wait3A_967] : memref<40x64xi32, #tpu.memory_space<vmem>> -> memref<1x64xi32, #tpu.memory_space<vmem>>
    %dma_wait3A_969 = tpu.memref_squeeze %dma_wait3A_968 : memref<1x64xi32, #tpu.memory_space<vmem>> -> memref<64xi32, #tpu.memory_space<vmem>>
    %dma_wait3A_970 = arith.constant 0 : i32
    %dma_wait3A_971 = arith.constant 0 : i32
    %dma_wait3A_972 = tpu.memref_slice %arg2[%dma_wait3A_970, %dma_wait3A_971] : memref<20000x128xf32, #tpu.memory_space<hbm>> -> memref<20000x128xf32, #tpu.memory_space<hbm>>
    tpu.wait_indirect_dma semaphore(%arg14 : memref<!tpu.dma_semaphore, #tpu.memory_space<semaphore_mem>>) src(%dma_wait3A_972 : memref<20000x128xf32, #tpu.memory_space<hbm>>) dst(%dma_wait3A_966 : memref<64x128xf32, #tpu.memory_space<vmem>>)
    %dma_start3A_973 = arith.constant 3 : i32
    %dma_start3A_974 = arith.constant 3 : i32
    %dma_start3A_975 = arith.constant 0 : i32
    %dma_start3A_976 = arith.constant 0 : i32
    %dma_start3A_977 = tpu.memref_slice %arg9[%dma_start3A_973, %dma_start3A_975, %dma_start3A_976] : memref<4x64x128xf32, #tpu.memory_space<vmem>> -> memref<1x64x128xf32, #tpu.memory_space<vmem>>
    %dma_start3A_978 = tpu.memref_squeeze %dma_start3A_977 : memref<1x64x128xf32, #tpu.memory_space<vmem>> -> memref<64x128xf32, #tpu.memory_space<vmem>>
    %dma_start3A_979 = arith.constant 0 : i32
    %dma_start3A_980 = tpu.memref_slice %arg8[%dma_start3A_974, %dma_start3A_979] : memref<40x64xi32, #tpu.memory_space<vmem>> -> memref<1x64xi32, #tpu.memory_space<vmem>>
    %dma_start3A_981 = tpu.memref_squeeze %dma_start3A_980 : memref<1x64xi32, #tpu.memory_space<vmem>> -> memref<64xi32, #tpu.memory_space<vmem>>
    %dma_start3A_982 = arith.constant 0 : i32
    %dma_start3A_983 = arith.constant 0 : i32
    %dma_start3A_984 = tpu.memref_slice %arg10[%dma_start3A_982, %dma_start3A_983] : memref<10008x128xf32, #tpu.memory_space<vmem_shared>> -> memref<10008x128xf32, #tpu.memory_space<vmem_shared>>
    tpu.enqueue_indirect_dma source(%dma_start3A_978 : memref<64x128xf32, #tpu.memory_space<vmem>>) target(%dma_start3A_984 : memref<10008x128xf32, #tpu.memory_space<vmem_shared>>) offsets(%dma_start3A_981 : memref<64xi32, #tpu.memory_space<vmem>>) semaphore(%arg18 : memref<!tpu.dma_semaphore, #tpu.memory_space<semaphore_mem>>) {add = true}
    %dma_wait3A_985 = arith.constant 2 : i32
    %dma_wait3A_986 = arith.constant 0 : i32
    %dma_wait3A_987 = arith.constant 0 : i32
    %dma_wait3A_988 = arith.constant 0 : i32
    %dma_wait3A_989 = tpu.memref_slice %arg9[%dma_wait3A_985, %dma_wait3A_987, %dma_wait3A_988] : memref<4x64x128xf32, #tpu.memory_space<vmem>> -> memref<1x64x128xf32, #tpu.memory_space<vmem>>
    %dma_wait3A_990 = tpu.memref_squeeze %dma_wait3A_989 : memref<1x64x128xf32, #tpu.memory_space<vmem>> -> memref<64x128xf32, #tpu.memory_space<vmem>>
    %dma_wait3A_991 = arith.constant 0 : i32
    %dma_wait3A_992 = tpu.memref_slice %arg8[%dma_wait3A_986, %dma_wait3A_991] : memref<40x64xi32, #tpu.memory_space<vmem>> -> memref<1x64xi32, #tpu.memory_space<vmem>>
    %dma_wait3A_993 = tpu.memref_squeeze %dma_wait3A_992 : memref<1x64xi32, #tpu.memory_space<vmem>> -> memref<64xi32, #tpu.memory_space<vmem>>
    %dma_wait3A_994 = arith.constant 0 : i32
    %dma_wait3A_995 = arith.constant 0 : i32
    %dma_wait3A_996 = tpu.memref_slice %arg10[%dma_wait3A_994, %dma_wait3A_995] : memref<10008x128xf32, #tpu.memory_space<vmem_shared>> -> memref<10008x128xf32, #tpu.memory_space<vmem_shared>>
    tpu.wait_indirect_dma semaphore(%arg17 : memref<!tpu.dma_semaphore, #tpu.memory_space<semaphore_mem>>) src(%dma_wait3A_990 : memref<64x128xf32, #tpu.memory_space<vmem>>) dst(%dma_wait3A_996 : memref<10008x128xf32, #tpu.memory_space<vmem_shared>>)
    %dma_start3A_997 = arith.constant 6 : i32
    %dma_start3A_998 = arith.constant 2 : i32
    %dma_start3A_999 = arith.constant 0 : i32
    %dma_start3A_1000 = arith.constant 0 : i32
    %dma_start3A_1001 = tpu.memref_slice %arg9[%dma_start3A_998, %dma_start3A_999, %dma_start3A_1000] : memref<4x64x128xf32, #tpu.memory_space<vmem>> -> memref<1x64x128xf32, #tpu.memory_space<vmem>>
    %dma_start3A_1002 = tpu.memref_squeeze %dma_start3A_1001 : memref<1x64x128xf32, #tpu.memory_space<vmem>> -> memref<64x128xf32, #tpu.memory_space<vmem>>
    %dma_start3A_1003 = arith.constant 0 : i32
    %dma_start3A_1004 = tpu.memref_slice %arg7[%dma_start3A_997, %dma_start3A_1003] : memref<40x64xi32, #tpu.memory_space<vmem>> -> memref<1x64xi32, #tpu.memory_space<vmem>>
    %dma_start3A_1005 = tpu.memref_squeeze %dma_start3A_1004 : memref<1x64xi32, #tpu.memory_space<vmem>> -> memref<64xi32, #tpu.memory_space<vmem>>
    %dma_start3A_1006 = arith.constant 0 : i32
    %dma_start3A_1007 = arith.constant 0 : i32
    %dma_start3A_1008 = tpu.memref_slice %arg2[%dma_start3A_1006, %dma_start3A_1007] : memref<20000x128xf32, #tpu.memory_space<hbm>> -> memref<20000x128xf32, #tpu.memory_space<hbm>>
    tpu.enqueue_indirect_dma source(%dma_start3A_1008 : memref<20000x128xf32, #tpu.memory_space<hbm>>) target(%dma_start3A_1002 : memref<64x128xf32, #tpu.memory_space<vmem>>) offsets(%dma_start3A_1005 : memref<64xi32, #tpu.memory_space<vmem>>) semaphore(%arg13 : memref<!tpu.dma_semaphore, #tpu.memory_space<semaphore_mem>>)
    %scan3A_1009 = arith.constant 0 : i32
    %scan3A_1010 = arith.constant 1 : i32
    %scan3A_1011 = arith.constant 8 : i32
    %scan3A_1012 = arith.addi %scan3A_1010, %scan3A_1011 : i32
    %scan3A_1013 = arith.constant 1 : i32
    scf.for %scan3A_1583 = %scan3A_1010 to %scan3A_1012 step %scan3A_1013  : i32 {
      %mul3A_1584 = arith.constant 4 : i32
      %mul3A_1585 = arith.muli %scan3A_1583, %mul3A_1584 : i32
      %add3A_1586 = arith.constant 0 : i32
      %add3A_1587 = arith.addi %mul3A_1585, %add3A_1586 : i32
      %dma_wait3A_1588 = arith.constant 0 : i32
      %dma_wait3A_1589 = arith.constant 0 : i32
      %dma_wait3A_1590 = arith.constant 0 : i32
      %dma_wait3A_1591 = arith.constant 0 : i32
      %dma_wait3A_1592 = tpu.memref_slice %arg9[%dma_wait3A_1589, %dma_wait3A_1590, %dma_wait3A_1591] : memref<4x64x128xf32, #tpu.memory_space<vmem>> -> memref<1x64x128xf32, #tpu.memory_space<vmem>>
      %dma_wait3A_1593 = tpu.memref_squeeze %dma_wait3A_1592 : memref<1x64x128xf32, #tpu.memory_space<vmem>> -> memref<64x128xf32, #tpu.memory_space<vmem>>
      %dma_wait3A_1594 = arith.constant 0 : i32
      %dma_wait3A_1595 = tpu.memref_slice %arg7[%dma_wait3A_1588, %dma_wait3A_1594] : memref<40x64xi32, #tpu.memory_space<vmem>> -> memref<1x64xi32, #tpu.memory_space<vmem>>
      %dma_wait3A_1596 = tpu.memref_squeeze %dma_wait3A_1595 : memref<1x64xi32, #tpu.memory_space<vmem>> -> memref<64xi32, #tpu.memory_space<vmem>>
      %dma_wait3A_1597 = arith.constant 0 : i32
      %dma_wait3A_1598 = arith.constant 0 : i32
      %dma_wait3A_1599 = tpu.memref_slice %arg2[%dma_wait3A_1597, %dma_wait3A_1598] : memref<20000x128xf32, #tpu.memory_space<hbm>> -> memref<20000x128xf32, #tpu.memory_space<hbm>>
      tpu.wait_indirect_dma semaphore(%arg11 : memref<!tpu.dma_semaphore, #tpu.memory_space<semaphore_mem>>) src(%dma_wait3A_1599 : memref<20000x128xf32, #tpu.memory_space<hbm>>) dst(%dma_wait3A_1593 : memref<64x128xf32, #tpu.memory_space<vmem>>)
      %dma_start3A_1600 = arith.constant 0 : i32
      %dma_start3A_1601 = arith.constant 0 : i32
      %dma_start3A_1602 = arith.constant 0 : i32
      %dma_start3A_1603 = tpu.memref_slice %arg9[%dma_start3A_1600, %dma_start3A_1601, %dma_start3A_1602] : memref<4x64x128xf32, #tpu.memory_space<vmem>> -> memref<1x64x128xf32, #tpu.memory_space<vmem>>
      %dma_start3A_1604 = tpu.memref_squeeze %dma_start3A_1603 : memref<1x64x128xf32, #tpu.memory_space<vmem>> -> memref<64x128xf32, #tpu.memory_space<vmem>>
      %dma_start3A_1605 = arith.constant 0 : i32
      %dma_start3A_1606 = tpu.memref_slice %arg8[%add3A_1587, %dma_start3A_1605] : memref<40x64xi32, #tpu.memory_space<vmem>> -> memref<1x64xi32, #tpu.memory_space<vmem>>
      %dma_start3A_1607 = tpu.memref_squeeze %dma_start3A_1606 : memref<1x64xi32, #tpu.memory_space<vmem>> -> memref<64xi32, #tpu.memory_space<vmem>>
      %dma_start3A_1608 = arith.constant 0 : i32
      %dma_start3A_1609 = arith.constant 0 : i32
      %dma_start3A_1610 = tpu.memref_slice %arg10[%dma_start3A_1608, %dma_start3A_1609] : memref<10008x128xf32, #tpu.memory_space<vmem_shared>> -> memref<10008x128xf32, #tpu.memory_space<vmem_shared>>
      tpu.enqueue_indirect_dma source(%dma_start3A_1604 : memref<64x128xf32, #tpu.memory_space<vmem>>) target(%dma_start3A_1610 : memref<10008x128xf32, #tpu.memory_space<vmem_shared>>) offsets(%dma_start3A_1607 : memref<64xi32, #tpu.memory_space<vmem>>) semaphore(%arg15 : memref<!tpu.dma_semaphore, #tpu.memory_space<semaphore_mem>>) {add = true}
      %dma_wait3A_1611 = arith.constant 3 : i32
      %dma_wait3A_1612 = arith.constant 0 : i32
      %dma_wait3A_1613 = arith.constant 0 : i32
      %dma_wait3A_1614 = arith.constant 0 : i32
      %dma_wait3A_1615 = tpu.memref_slice %arg9[%dma_wait3A_1611, %dma_wait3A_1613, %dma_wait3A_1614] : memref<4x64x128xf32, #tpu.memory_space<vmem>> -> memref<1x64x128xf32, #tpu.memory_space<vmem>>
      %dma_wait3A_1616 = tpu.memref_squeeze %dma_wait3A_1615 : memref<1x64x128xf32, #tpu.memory_space<vmem>> -> memref<64x128xf32, #tpu.memory_space<vmem>>
      %dma_wait3A_1617 = arith.constant 0 : i32
      %dma_wait3A_1618 = tpu.memref_slice %arg8[%dma_wait3A_1612, %dma_wait3A_1617] : memref<40x64xi32, #tpu.memory_space<vmem>> -> memref<1x64xi32, #tpu.memory_space<vmem>>
      %dma_wait3A_1619 = tpu.memref_squeeze %dma_wait3A_1618 : memref<1x64xi32, #tpu.memory_space<vmem>> -> memref<64xi32, #tpu.memory_space<vmem>>
      %dma_wait3A_1620 = arith.constant 0 : i32
      %dma_wait3A_1621 = arith.constant 0 : i32
      %dma_wait3A_1622 = tpu.memref_slice %arg10[%dma_wait3A_1620, %dma_wait3A_1621] : memref<10008x128xf32, #tpu.memory_space<vmem_shared>> -> memref<10008x128xf32, #tpu.memory_space<vmem_shared>>
      tpu.wait_indirect_dma semaphore(%arg18 : memref<!tpu.dma_semaphore, #tpu.memory_space<semaphore_mem>>) src(%dma_wait3A_1616 : memref<64x128xf32, #tpu.memory_space<vmem>>) dst(%dma_wait3A_1622 : memref<10008x128xf32, #tpu.memory_space<vmem_shared>>)
      %add3A_1623 = arith.constant 3 : i32
      %add3A_1624 = arith.addi %add3A_1587, %add3A_1623 : i32
      %dma_start3A_1625 = arith.constant 3 : i32
      %dma_start3A_1626 = arith.constant 0 : i32
      %dma_start3A_1627 = arith.constant 0 : i32
      %dma_start3A_1628 = tpu.memref_slice %arg9[%dma_start3A_1625, %dma_start3A_1626, %dma_start3A_1627] : memref<4x64x128xf32, #tpu.memory_space<vmem>> -> memref<1x64x128xf32, #tpu.memory_space<vmem>>
      %dma_start3A_1629 = tpu.memref_squeeze %dma_start3A_1628 : memref<1x64x128xf32, #tpu.memory_space<vmem>> -> memref<64x128xf32, #tpu.memory_space<vmem>>
      %dma_start3A_1630 = arith.constant 0 : i32
      %dma_start3A_1631 = tpu.memref_slice %arg7[%add3A_1624, %dma_start3A_1630] : memref<40x64xi32, #tpu.memory_space<vmem>> -> memref<1x64xi32, #tpu.memory_space<vmem>>
      %dma_start3A_1632 = tpu.memref_squeeze %dma_start3A_1631 : memref<1x64xi32, #tpu.memory_space<vmem>> -> memref<64xi32, #tpu.memory_space<vmem>>
      %dma_start3A_1633 = arith.constant 0 : i32
      %dma_start3A_1634 = arith.constant 0 : i32
      %dma_start3A_1635 = tpu.memref_slice %arg2[%dma_start3A_1633, %dma_start3A_1634] : memref<20000x128xf32, #tpu.memory_space<hbm>> -> memref<20000x128xf32, #tpu.memory_space<hbm>>
      tpu.enqueue_indirect_dma source(%dma_start3A_1635 : memref<20000x128xf32, #tpu.memory_space<hbm>>) target(%dma_start3A_1629 : memref<64x128xf32, #tpu.memory_space<vmem>>) offsets(%dma_start3A_1632 : memref<64xi32, #tpu.memory_space<vmem>>) semaphore(%arg14 : memref<!tpu.dma_semaphore, #tpu.memory_space<semaphore_mem>>)
      %mul3A_1636 = arith.constant 4 : i32
      %mul3A_1637 = arith.muli %scan3A_1583, %mul3A_1636 : i32
      %add3A_1638 = arith.constant 1 : i32
      %add3A_1639 = arith.addi %mul3A_1637, %add3A_1638 : i32
      %dma_wait3A_1640 = arith.constant 0 : i32
      %dma_wait3A_1641 = arith.constant 1 : i32
      %dma_wait3A_1642 = arith.constant 0 : i32
      %dma_wait3A_1643 = arith.constant 0 : i32
      %dma_wait3A_1644 = tpu.memref_slice %arg9[%dma_wait3A_1641, %dma_wait3A_1642, %dma_wait3A_1643] : memref<4x64x128xf32, #tpu.memory_space<vmem>> -> memref<1x64x128xf32, #tpu.memory_space<vmem>>
      %dma_wait3A_1645 = tpu.memref_squeeze %dma_wait3A_1644 : memref<1x64x128xf32, #tpu.memory_space<vmem>> -> memref<64x128xf32, #tpu.memory_space<vmem>>
      %dma_wait3A_1646 = arith.constant 0 : i32
      %dma_wait3A_1647 = tpu.memref_slice %arg7[%dma_wait3A_1640, %dma_wait3A_1646] : memref<40x64xi32, #tpu.memory_space<vmem>> -> memref<1x64xi32, #tpu.memory_space<vmem>>
      %dma_wait3A_1648 = tpu.memref_squeeze %dma_wait3A_1647 : memref<1x64xi32, #tpu.memory_space<vmem>> -> memref<64xi32, #tpu.memory_space<vmem>>
      %dma_wait3A_1649 = arith.constant 0 : i32
      %dma_wait3A_1650 = arith.constant 0 : i32
      %dma_wait3A_1651 = tpu.memref_slice %arg2[%dma_wait3A_1649, %dma_wait3A_1650] : memref<20000x128xf32, #tpu.memory_space<hbm>> -> memref<20000x128xf32, #tpu.memory_space<hbm>>
      tpu.wait_indirect_dma semaphore(%arg12 : memref<!tpu.dma_semaphore, #tpu.memory_space<semaphore_mem>>) src(%dma_wait3A_1651 : memref<20000x128xf32, #tpu.memory_space<hbm>>) dst(%dma_wait3A_1645 : memref<64x128xf32, #tpu.memory_space<vmem>>)
      %dma_start3A_1652 = arith.constant 1 : i32
      %dma_start3A_1653 = arith.constant 0 : i32
      %dma_start3A_1654 = arith.constant 0 : i32
      %dma_start3A_1655 = tpu.memref_slice %arg9[%dma_start3A_1652, %dma_start3A_1653, %dma_start3A_1654] : memref<4x64x128xf32, #tpu.memory_space<vmem>> -> memref<1x64x128xf32, #tpu.memory_space<vmem>>
      %dma_start3A_1656 = tpu.memref_squeeze %dma_start3A_1655 : memref<1x64x128xf32, #tpu.memory_space<vmem>> -> memref<64x128xf32, #tpu.memory_space<vmem>>
      %dma_start3A_1657 = arith.constant 0 : i32
      %dma_start3A_1658 = tpu.memref_slice %arg8[%add3A_1639, %dma_start3A_1657] : memref<40x64xi32, #tpu.memory_space<vmem>> -> memref<1x64xi32, #tpu.memory_space<vmem>>
      %dma_start3A_1659 = tpu.memref_squeeze %dma_start3A_1658 : memref<1x64xi32, #tpu.memory_space<vmem>> -> memref<64xi32, #tpu.memory_space<vmem>>
      %dma_start3A_1660 = arith.constant 0 : i32
      %dma_start3A_1661 = arith.constant 0 : i32
      %dma_start3A_1662 = tpu.memref_slice %arg10[%dma_start3A_1660, %dma_start3A_1661] : memref<10008x128xf32, #tpu.memory_space<vmem_shared>> -> memref<10008x128xf32, #tpu.memory_space<vmem_shared>>
      tpu.enqueue_indirect_dma source(%dma_start3A_1656 : memref<64x128xf32, #tpu.memory_space<vmem>>) target(%dma_start3A_1662 : memref<10008x128xf32, #tpu.memory_space<vmem_shared>>) offsets(%dma_start3A_1659 : memref<64xi32, #tpu.memory_space<vmem>>) semaphore(%arg16 : memref<!tpu.dma_semaphore, #tpu.memory_space<semaphore_mem>>) {add = true}
      %dma_wait3A_1663 = arith.constant 0 : i32
      %dma_wait3A_1664 = arith.constant 0 : i32
      %dma_wait3A_1665 = arith.constant 0 : i32
      %dma_wait3A_1666 = arith.constant 0 : i32
      %dma_wait3A_1667 = tpu.memref_slice %arg9[%dma_wait3A_1663, %dma_wait3A_1665, %dma_wait3A_1666] : memref<4x64x128xf32, #tpu.memory_space<vmem>> -> memref<1x64x128xf32, #tpu.memory_space<vmem>>
      %dma_wait3A_1668 = tpu.memref_squeeze %dma_wait3A_1667 : memref<1x64x128xf32, #tpu.memory_space<vmem>> -> memref<64x128xf32, #tpu.memory_space<vmem>>
      %dma_wait3A_1669 = arith.constant 0 : i32
      %dma_wait3A_1670 = tpu.memref_slice %arg8[%dma_wait3A_1664, %dma_wait3A_1669] : memref<40x64xi32, #tpu.memory_space<vmem>> -> memref<1x64xi32, #tpu.memory_space<vmem>>
      %dma_wait3A_1671 = tpu.memref_squeeze %dma_wait3A_1670 : memref<1x64xi32, #tpu.memory_space<vmem>> -> memref<64xi32, #tpu.memory_space<vmem>>
      %dma_wait3A_1672 = arith.constant 0 : i32
      %dma_wait3A_1673 = arith.constant 0 : i32
      %dma_wait3A_1674 = tpu.memref_slice %arg10[%dma_wait3A_1672, %dma_wait3A_1673] : memref<10008x128xf32, #tpu.memory_space<vmem_shared>> -> memref<10008x128xf32, #tpu.memory_space<vmem_shared>>
      tpu.wait_indirect_dma semaphore(%arg15 : memref<!tpu.dma_semaphore, #tpu.memory_space<semaphore_mem>>) src(%dma_wait3A_1668 : memref<64x128xf32, #tpu.memory_space<vmem>>) dst(%dma_wait3A_1674 : memref<10008x128xf32, #tpu.memory_space<vmem_shared>>)
      %add3A_1675 = arith.constant 3 : i32
      %add3A_1676 = arith.addi %add3A_1639, %add3A_1675 : i32
      %dma_start3A_1677 = arith.constant 0 : i32
      %dma_start3A_1678 = arith.constant 0 : i32
      %dma_start3A_1679 = arith.constant 0 : i32
      %dma_start3A_1680 = tpu.memref_slice %arg9[%dma_start3A_1677, %dma_start3A_1678, %dma_start3A_1679] : memref<4x64x128xf32, #tpu.memory_space<vmem>> -> memref<1x64x128xf32, #tpu.memory_space<vmem>>
      %dma_start3A_1681 = tpu.memref_squeeze %dma_start3A_1680 : memref<1x64x128xf32, #tpu.memory_space<vmem>> -> memref<64x128xf32, #tpu.memory_space<vmem>>
      %dma_start3A_1682 = arith.constant 0 : i32
      %dma_start3A_1683 = tpu.memref_slice %arg7[%add3A_1676, %dma_start3A_1682] : memref<40x64xi32, #tpu.memory_space<vmem>> -> memref<1x64xi32, #tpu.memory_space<vmem>>
      %dma_start3A_1684 = tpu.memref_squeeze %dma_start3A_1683 : memref<1x64xi32, #tpu.memory_space<vmem>> -> memref<64xi32, #tpu.memory_space<vmem>>
      %dma_start3A_1685 = arith.constant 0 : i32
      %dma_start3A_1686 = arith.constant 0 : i32
      %dma_start3A_1687 = tpu.memref_slice %arg2[%dma_start3A_1685, %dma_start3A_1686] : memref<20000x128xf32, #tpu.memory_space<hbm>> -> memref<20000x128xf32, #tpu.memory_space<hbm>>
      tpu.enqueue_indirect_dma source(%dma_start3A_1687 : memref<20000x128xf32, #tpu.memory_space<hbm>>) target(%dma_start3A_1681 : memref<64x128xf32, #tpu.memory_space<vmem>>) offsets(%dma_start3A_1684 : memref<64xi32, #tpu.memory_space<vmem>>) semaphore(%arg11 : memref<!tpu.dma_semaphore, #tpu.memory_space<semaphore_mem>>)
      %mul3A_1688 = arith.constant 4 : i32
      %mul3A_1689 = arith.muli %scan3A_1583, %mul3A_1688 : i32
      %add3A_1690 = arith.constant 2 : i32
      %add3A_1691 = arith.addi %mul3A_1689, %add3A_1690 : i32
      %dma_wait3A_1692 = arith.constant 0 : i32
      %dma_wait3A_1693 = arith.constant 2 : i32
      %dma_wait3A_1694 = arith.constant 0 : i32
      %dma_wait3A_1695 = arith.constant 0 : i32
      %dma_wait3A_1696 = tpu.memref_slice %arg9[%dma_wait3A_1693, %dma_wait3A_1694, %dma_wait3A_1695] : memref<4x64x128xf32, #tpu.memory_space<vmem>> -> memref<1x64x128xf32, #tpu.memory_space<vmem>>
      %dma_wait3A_1697 = tpu.memref_squeeze %dma_wait3A_1696 : memref<1x64x128xf32, #tpu.memory_space<vmem>> -> memref<64x128xf32, #tpu.memory_space<vmem>>
      %dma_wait3A_1698 = arith.constant 0 : i32
      %dma_wait3A_1699 = tpu.memref_slice %arg7[%dma_wait3A_1692, %dma_wait3A_1698] : memref<40x64xi32, #tpu.memory_space<vmem>> -> memref<1x64xi32, #tpu.memory_space<vmem>>
      %dma_wait3A_1700 = tpu.memref_squeeze %dma_wait3A_1699 : memref<1x64xi32, #tpu.memory_space<vmem>> -> memref<64xi32, #tpu.memory_space<vmem>>
      %dma_wait3A_1701 = arith.constant 0 : i32
      %dma_wait3A_1702 = arith.constant 0 : i32
      %dma_wait3A_1703 = tpu.memref_slice %arg2[%dma_wait3A_1701, %dma_wait3A_1702] : memref<20000x128xf32, #tpu.memory_space<hbm>> -> memref<20000x128xf32, #tpu.memory_space<hbm>>
      tpu.wait_indirect_dma semaphore(%arg13 : memref<!tpu.dma_semaphore, #tpu.memory_space<semaphore_mem>>) src(%dma_wait3A_1703 : memref<20000x128xf32, #tpu.memory_space<hbm>>) dst(%dma_wait3A_1697 : memref<64x128xf32, #tpu.memory_space<vmem>>)
      %dma_start3A_1704 = arith.constant 2 : i32
      %dma_start3A_1705 = arith.constant 0 : i32
      %dma_start3A_1706 = arith.constant 0 : i32
      %dma_start3A_1707 = tpu.memref_slice %arg9[%dma_start3A_1704, %dma_start3A_1705, %dma_start3A_1706] : memref<4x64x128xf32, #tpu.memory_space<vmem>> -> memref<1x64x128xf32, #tpu.memory_space<vmem>>
      %dma_start3A_1708 = tpu.memref_squeeze %dma_start3A_1707 : memref<1x64x128xf32, #tpu.memory_space<vmem>> -> memref<64x128xf32, #tpu.memory_space<vmem>>
      %dma_start3A_1709 = arith.constant 0 : i32
      %dma_start3A_1710 = tpu.memref_slice %arg8[%add3A_1691, %dma_start3A_1709] : memref<40x64xi32, #tpu.memory_space<vmem>> -> memref<1x64xi32, #tpu.memory_space<vmem>>
      %dma_start3A_1711 = tpu.memref_squeeze %dma_start3A_1710 : memref<1x64xi32, #tpu.memory_space<vmem>> -> memref<64xi32, #tpu.memory_space<vmem>>
      %dma_start3A_1712 = arith.constant 0 : i32
      %dma_start3A_1713 = arith.constant 0 : i32
      %dma_start3A_1714 = tpu.memref_slice %arg10[%dma_start3A_1712, %dma_start3A_1713] : memref<10008x128xf32, #tpu.memory_space<vmem_shared>> -> memref<10008x128xf32, #tpu.memory_space<vmem_shared>>
      tpu.enqueue_indirect_dma source(%dma_start3A_1708 : memref<64x128xf32, #tpu.memory_space<vmem>>) target(%dma_start3A_1714 : memref<10008x128xf32, #tpu.memory_space<vmem_shared>>) offsets(%dma_start3A_1711 : memref<64xi32, #tpu.memory_space<vmem>>) semaphore(%arg17 : memref<!tpu.dma_semaphore, #tpu.memory_space<semaphore_mem>>) {add = true}
      %dma_wait3A_1715 = arith.constant 1 : i32
      %dma_wait3A_1716 = arith.constant 0 : i32
      %dma_wait3A_1717 = arith.constant 0 : i32
      %dma_wait3A_1718 = arith.constant 0 : i32
      %dma_wait3A_1719 = tpu.memref_slice %arg9[%dma_wait3A_1715, %dma_wait3A_1717, %dma_wait3A_1718] : memref<4x64x128xf32, #tpu.memory_space<vmem>> -> memref<1x64x128xf32, #tpu.memory_space<vmem>>
      %dma_wait3A_1720 = tpu.memref_squeeze %dma_wait3A_1719 : memref<1x64x128xf32, #tpu.memory_space<vmem>> -> memref<64x128xf32, #tpu.memory_space<vmem>>
      %dma_wait3A_1721 = arith.constant 0 : i32
      %dma_wait3A_1722 = tpu.memref_slice %arg8[%dma_wait3A_1716, %dma_wait3A_1721] : memref<40x64xi32, #tpu.memory_space<vmem>> -> memref<1x64xi32, #tpu.memory_space<vmem>>
      %dma_wait3A_1723 = tpu.memref_squeeze %dma_wait3A_1722 : memref<1x64xi32, #tpu.memory_space<vmem>> -> memref<64xi32, #tpu.memory_space<vmem>>
      %dma_wait3A_1724 = arith.constant 0 : i32
      %dma_wait3A_1725 = arith.constant 0 : i32
      %dma_wait3A_1726 = tpu.memref_slice %arg10[%dma_wait3A_1724, %dma_wait3A_1725] : memref<10008x128xf32, #tpu.memory_space<vmem_shared>> -> memref<10008x128xf32, #tpu.memory_space<vmem_shared>>
      tpu.wait_indirect_dma semaphore(%arg16 : memref<!tpu.dma_semaphore, #tpu.memory_space<semaphore_mem>>) src(%dma_wait3A_1720 : memref<64x128xf32, #tpu.memory_space<vmem>>) dst(%dma_wait3A_1726 : memref<10008x128xf32, #tpu.memory_space<vmem_shared>>)
      %add3A_1727 = arith.constant 3 : i32
      %add3A_1728 = arith.addi %add3A_1691, %add3A_1727 : i32
      %dma_start3A_1729 = arith.constant 1 : i32
      %dma_start3A_1730 = arith.constant 0 : i32
      %dma_start3A_1731 = arith.constant 0 : i32
      %dma_start3A_1732 = tpu.memref_slice %arg9[%dma_start3A_1729, %dma_start3A_1730, %dma_start3A_1731] : memref<4x64x128xf32, #tpu.memory_space<vmem>> -> memref<1x64x128xf32, #tpu.memory_space<vmem>>
      %dma_start3A_1733 = tpu.memref_squeeze %dma_start3A_1732 : memref<1x64x128xf32, #tpu.memory_space<vmem>> -> memref<64x128xf32, #tpu.memory_space<vmem>>
      %dma_start3A_1734 = arith.constant 0 : i32
      %dma_start3A_1735 = tpu.memref_slice %arg7[%add3A_1728, %dma_start3A_1734] : memref<40x64xi32, #tpu.memory_space<vmem>> -> memref<1x64xi32, #tpu.memory_space<vmem>>
      %dma_start3A_1736 = tpu.memref_squeeze %dma_start3A_1735 : memref<1x64xi32, #tpu.memory_space<vmem>> -> memref<64xi32, #tpu.memory_space<vmem>>
      %dma_start3A_1737 = arith.constant 0 : i32
      %dma_start3A_1738 = arith.constant 0 : i32
      %dma_start3A_1739 = tpu.memref_slice %arg2[%dma_start3A_1737, %dma_start3A_1738] : memref<20000x128xf32, #tpu.memory_space<hbm>> -> memref<20000x128xf32, #tpu.memory_space<hbm>>
      tpu.enqueue_indirect_dma source(%dma_start3A_1739 : memref<20000x128xf32, #tpu.memory_space<hbm>>) target(%dma_start3A_1733 : memref<64x128xf32, #tpu.memory_space<vmem>>) offsets(%dma_start3A_1736 : memref<64xi32, #tpu.memory_space<vmem>>) semaphore(%arg12 : memref<!tpu.dma_semaphore, #tpu.memory_space<semaphore_mem>>)
      %mul3A_1740 = arith.constant 4 : i32
      %mul3A_1741 = arith.muli %scan3A_1583, %mul3A_1740 : i32
      %add3A_1742 = arith.constant 3 : i32
      %add3A_1743 = arith.addi %mul3A_1741, %add3A_1742 : i32
      %dma_wait3A_1744 = arith.constant 0 : i32
      %dma_wait3A_1745 = arith.constant 3 : i32
      %dma_wait3A_1746 = arith.constant 0 : i32
      %dma_wait3A_1747 = arith.constant 0 : i32
      %dma_wait3A_1748 = tpu.memref_slice %arg9[%dma_wait3A_1745, %dma_wait3A_1746, %dma_wait3A_1747] : memref<4x64x128xf32, #tpu.memory_space<vmem>> -> memref<1x64x128xf32, #tpu.memory_space<vmem>>
      %dma_wait3A_1749 = tpu.memref_squeeze %dma_wait3A_1748 : memref<1x64x128xf32, #tpu.memory_space<vmem>> -> memref<64x128xf32, #tpu.memory_space<vmem>>
      %dma_wait3A_1750 = arith.constant 0 : i32
      %dma_wait3A_1751 = tpu.memref_slice %arg7[%dma_wait3A_1744, %dma_wait3A_1750] : memref<40x64xi32, #tpu.memory_space<vmem>> -> memref<1x64xi32, #tpu.memory_space<vmem>>
      %dma_wait3A_1752 = tpu.memref_squeeze %dma_wait3A_1751 : memref<1x64xi32, #tpu.memory_space<vmem>> -> memref<64xi32, #tpu.memory_space<vmem>>
      %dma_wait3A_1753 = arith.constant 0 : i32
      %dma_wait3A_1754 = arith.constant 0 : i32
      %dma_wait3A_1755 = tpu.memref_slice %arg2[%dma_wait3A_1753, %dma_wait3A_1754] : memref<20000x128xf32, #tpu.memory_space<hbm>> -> memref<20000x128xf32, #tpu.memory_space<hbm>>
      tpu.wait_indirect_dma semaphore(%arg14 : memref<!tpu.dma_semaphore, #tpu.memory_space<semaphore_mem>>) src(%dma_wait3A_1755 : memref<20000x128xf32, #tpu.memory_space<hbm>>) dst(%dma_wait3A_1749 : memref<64x128xf32, #tpu.memory_space<vmem>>)
      %dma_start3A_1756 = arith.constant 3 : i32
      %dma_start3A_1757 = arith.constant 0 : i32
      %dma_start3A_1758 = arith.constant 0 : i32
      %dma_start3A_1759 = tpu.memref_slice %arg9[%dma_start3A_1756, %dma_start3A_1757, %dma_start3A_1758] : memref<4x64x128xf32, #tpu.memory_space<vmem>> -> memref<1x64x128xf32, #tpu.memory_space<vmem>>
      %dma_start3A_1760 = tpu.memref_squeeze %dma_start3A_1759 : memref<1x64x128xf32, #tpu.memory_space<vmem>> -> memref<64x128xf32, #tpu.memory_space<vmem>>
      %dma_start3A_1761 = arith.constant 0 : i32
      %dma_start3A_1762 = tpu.memref_slice %arg8[%add3A_1743, %dma_start3A_1761] : memref<40x64xi32, #tpu.memory_space<vmem>> -> memref<1x64xi32, #tpu.memory_space<vmem>>
      %dma_start3A_1763 = tpu.memref_squeeze %dma_start3A_1762 : memref<1x64xi32, #tpu.memory_space<vmem>> -> memref<64xi32, #tpu.memory_space<vmem>>
      %dma_start3A_1764 = arith.constant 0 : i32
      %dma_start3A_1765 = arith.constant 0 : i32
      %dma_start3A_1766 = tpu.memref_slice %arg10[%dma_start3A_1764, %dma_start3A_1765] : memref<10008x128xf32, #tpu.memory_space<vmem_shared>> -> memref<10008x128xf32, #tpu.memory_space<vmem_shared>>
      tpu.enqueue_indirect_dma source(%dma_start3A_1760 : memref<64x128xf32, #tpu.memory_space<vmem>>) target(%dma_start3A_1766 : memref<10008x128xf32, #tpu.memory_space<vmem_shared>>) offsets(%dma_start3A_1763 : memref<64xi32, #tpu.memory_space<vmem>>) semaphore(%arg18 : memref<!tpu.dma_semaphore, #tpu.memory_space<semaphore_mem>>) {add = true}
      %dma_wait3A_1767 = arith.constant 2 : i32
      %dma_wait3A_1768 = arith.constant 0 : i32
      %dma_wait3A_1769 = arith.constant 0 : i32
      %dma_wait3A_1770 = arith.constant 0 : i32
      %dma_wait3A_1771 = tpu.memref_slice %arg9[%dma_wait3A_1767, %dma_wait3A_1769, %dma_wait3A_1770] : memref<4x64x128xf32, #tpu.memory_space<vmem>> -> memref<1x64x128xf32, #tpu.memory_space<vmem>>
      %dma_wait3A_1772 = tpu.memref_squeeze %dma_wait3A_1771 : memref<1x64x128xf32, #tpu.memory_space<vmem>> -> memref<64x128xf32, #tpu.memory_space<vmem>>
      %dma_wait3A_1773 = arith.constant 0 : i32
      %dma_wait3A_1774 = tpu.memref_slice %arg8[%dma_wait3A_1768, %dma_wait3A_1773] : memref<40x64xi32, #tpu.memory_space<vmem>> -> memref<1x64xi32, #tpu.memory_space<vmem>>
      %dma_wait3A_1775 = tpu.memref_squeeze %dma_wait3A_1774 : memref<1x64xi32, #tpu.memory_space<vmem>> -> memref<64xi32, #tpu.memory_space<vmem>>
      %dma_wait3A_1776 = arith.constant 0 : i32
      %dma_wait3A_1777 = arith.constant 0 : i32
      %dma_wait3A_1778 = tpu.memref_slice %arg10[%dma_wait3A_1776, %dma_wait3A_1777] : memref<10008x128xf32, #tpu.memory_space<vmem_shared>> -> memref<10008x128xf32, #tpu.memory_space<vmem_shared>>
      tpu.wait_indirect_dma semaphore(%arg17 : memref<!tpu.dma_semaphore, #tpu.memory_space<semaphore_mem>>) src(%dma_wait3A_1772 : memref<64x128xf32, #tpu.memory_space<vmem>>) dst(%dma_wait3A_1778 : memref<10008x128xf32, #tpu.memory_space<vmem_shared>>)
      %add3A_1779 = arith.constant 3 : i32
      %add3A_1780 = arith.addi %add3A_1743, %add3A_1779 : i32
      %dma_start3A_1781 = arith.constant 2 : i32
      %dma_start3A_1782 = arith.constant 0 : i32
      %dma_start3A_1783 = arith.constant 0 : i32
      %dma_start3A_1784 = tpu.memref_slice %arg9[%dma_start3A_1781, %dma_start3A_1782, %dma_start3A_1783] : memref<4x64x128xf32, #tpu.memory_space<vmem>> -> memref<1x64x128xf32, #tpu.memory_space<vmem>>
      %dma_start3A_1785 = tpu.memref_squeeze %dma_start3A_1784 : memref<1x64x128xf32, #tpu.memory_space<vmem>> -> memref<64x128xf32, #tpu.memory_space<vmem>>
      %dma_start3A_1786 = arith.constant 0 : i32
      %dma_start3A_1787 = tpu.memref_slice %arg7[%add3A_1780, %dma_start3A_1786] : memref<40x64xi32, #tpu.memory_space<vmem>> -> memref<1x64xi32, #tpu.memory_space<vmem>>
      %dma_start3A_1788 = tpu.memref_squeeze %dma_start3A_1787 : memref<1x64xi32, #tpu.memory_space<vmem>> -> memref<64xi32, #tpu.memory_space<vmem>>
      %dma_start3A_1789 = arith.constant 0 : i32
      %dma_start3A_1790 = arith.constant 0 : i32
      %dma_start3A_1791 = tpu.memref_slice %arg2[%dma_start3A_1789, %dma_start3A_1790] : memref<20000x128xf32, #tpu.memory_space<hbm>> -> memref<20000x128xf32, #tpu.memory_space<hbm>>
      tpu.enqueue_indirect_dma source(%dma_start3A_1791 : memref<20000x128xf32, #tpu.memory_space<hbm>>) target(%dma_start3A_1785 : memref<64x128xf32, #tpu.memory_space<vmem>>) offsets(%dma_start3A_1788 : memref<64xi32, #tpu.memory_space<vmem>>) semaphore(%arg13 : memref<!tpu.dma_semaphore, #tpu.memory_space<semaphore_mem>>)
    }
    %scan3A_1014 = arith.constant 8 : i32
    %dma_wait3A_1015 = arith.constant 0 : i32
    %dma_wait3A_1016 = arith.constant 0 : i32
    %dma_wait3A_1017 = arith.constant 0 : i32
    %dma_wait3A_1018 = arith.constant 0 : i32
    %dma_wait3A_1019 = tpu.memref_slice %arg9[%dma_wait3A_1016, %dma_wait3A_1017, %dma_wait3A_1018] : memref<4x64x128xf32, #tpu.memory_space<vmem>> -> memref<1x64x128xf32, #tpu.memory_space<vmem>>
    %dma_wait3A_1020 = tpu.memref_squeeze %dma_wait3A_1019 : memref<1x64x128xf32, #tpu.memory_space<vmem>> -> memref<64x128xf32, #tpu.memory_space<vmem>>
    %dma_wait3A_1021 = arith.constant 0 : i32
    %dma_wait3A_1022 = tpu.memref_slice %arg7[%dma_wait3A_1015, %dma_wait3A_1021] : memref<40x64xi32, #tpu.memory_space<vmem>> -> memref<1x64xi32, #tpu.memory_space<vmem>>
    %dma_wait3A_1023 = tpu.memref_squeeze %dma_wait3A_1022 : memref<1x64xi32, #tpu.memory_space<vmem>> -> memref<64xi32, #tpu.memory_space<vmem>>
    %dma_wait3A_1024 = arith.constant 0 : i32
    %dma_wait3A_1025 = arith.constant 0 : i32
    %dma_wait3A_1026 = tpu.memref_slice %arg2[%dma_wait3A_1024, %dma_wait3A_1025] : memref<20000x128xf32, #tpu.memory_space<hbm>> -> memref<20000x128xf32, #tpu.memory_space<hbm>>
    tpu.wait_indirect_dma semaphore(%arg11 : memref<!tpu.dma_semaphore, #tpu.memory_space<semaphore_mem>>) src(%dma_wait3A_1026 : memref<20000x128xf32, #tpu.memory_space<hbm>>) dst(%dma_wait3A_1020 : memref<64x128xf32, #tpu.memory_space<vmem>>)
    %dma_start3A_1027 = arith.constant 0 : i32
    %dma_start3A_1028 = arith.constant 36 : i32
    %dma_start3A_1029 = arith.constant 0 : i32
    %dma_start3A_1030 = arith.constant 0 : i32
    %dma_start3A_1031 = tpu.memref_slice %arg9[%dma_start3A_1027, %dma_start3A_1029, %dma_start3A_1030] : memref<4x64x128xf32, #tpu.memory_space<vmem>> -> memref<1x64x128xf32, #tpu.memory_space<vmem>>
    %dma_start3A_1032 = tpu.memref_squeeze %dma_start3A_1031 : memref<1x64x128xf32, #tpu.memory_space<vmem>> -> memref<64x128xf32, #tpu.memory_space<vmem>>
    %dma_start3A_1033 = arith.constant 0 : i32
    %dma_start3A_1034 = tpu.memref_slice %arg8[%dma_start3A_1028, %dma_start3A_1033] : memref<40x64xi32, #tpu.memory_space<vmem>> -> memref<1x64xi32, #tpu.memory_space<vmem>>
    %dma_start3A_1035 = tpu.memref_squeeze %dma_start3A_1034 : memref<1x64xi32, #tpu.memory_space<vmem>> -> memref<64xi32, #tpu.memory_space<vmem>>
    %dma_start3A_1036 = arith.constant 0 : i32
    %dma_start3A_1037 = arith.constant 0 : i32
    %dma_start3A_1038 = tpu.memref_slice %arg10[%dma_start3A_1036, %dma_start3A_1037] : memref<10008x128xf32, #tpu.memory_space<vmem_shared>> -> memref<10008x128xf32, #tpu.memory_space<vmem_shared>>
    tpu.enqueue_indirect_dma source(%dma_start3A_1032 : memref<64x128xf32, #tpu.memory_space<vmem>>) target(%dma_start3A_1038 : memref<10008x128xf32, #tpu.memory_space<vmem_shared>>) offsets(%dma_start3A_1035 : memref<64xi32, #tpu.memory_space<vmem>>) semaphore(%arg15 : memref<!tpu.dma_semaphore, #tpu.memory_space<semaphore_mem>>) {add = true}
    %dma_wait3A_1039 = arith.constant 3 : i32
    %dma_wait3A_1040 = arith.constant 0 : i32
    %dma_wait3A_1041 = arith.constant 0 : i32
    %dma_wait3A_1042 = arith.constant 0 : i32
    %dma_wait3A_1043 = tpu.memref_slice %arg9[%dma_wait3A_1039, %dma_wait3A_1041, %dma_wait3A_1042] : memref<4x64x128xf32, #tpu.memory_space<vmem>> -> memref<1x64x128xf32, #tpu.memory_space<vmem>>
    %dma_wait3A_1044 = tpu.memref_squeeze %dma_wait3A_1043 : memref<1x64x128xf32, #tpu.memory_space<vmem>> -> memref<64x128xf32, #tpu.memory_space<vmem>>
    %dma_wait3A_1045 = arith.constant 0 : i32
    %dma_wait3A_1046 = tpu.memref_slice %arg8[%dma_wait3A_1040, %dma_wait3A_1045] : memref<40x64xi32, #tpu.memory_space<vmem>> -> memref<1x64xi32, #tpu.memory_space<vmem>>
    %dma_wait3A_1047 = tpu.memref_squeeze %dma_wait3A_1046 : memref<1x64xi32, #tpu.memory_space<vmem>> -> memref<64xi32, #tpu.memory_space<vmem>>
    %dma_wait3A_1048 = arith.constant 0 : i32
    %dma_wait3A_1049 = arith.constant 0 : i32
    %dma_wait3A_1050 = tpu.memref_slice %arg10[%dma_wait3A_1048, %dma_wait3A_1049] : memref<10008x128xf32, #tpu.memory_space<vmem_shared>> -> memref<10008x128xf32, #tpu.memory_space<vmem_shared>>
    tpu.wait_indirect_dma semaphore(%arg18 : memref<!tpu.dma_semaphore, #tpu.memory_space<semaphore_mem>>) src(%dma_wait3A_1044 : memref<64x128xf32, #tpu.memory_space<vmem>>) dst(%dma_wait3A_1050 : memref<10008x128xf32, #tpu.memory_space<vmem_shared>>)
    %dma_start3A_1051 = arith.constant 39 : i32
    %dma_start3A_1052 = arith.constant 3 : i32
    %dma_start3A_1053 = arith.constant 0 : i32
    %dma_start3A_1054 = arith.constant 0 : i32
    %dma_start3A_1055 = tpu.memref_slice %arg9[%dma_start3A_1052, %dma_start3A_1053, %dma_start3A_1054] : memref<4x64x128xf32, #tpu.memory_space<vmem>> -> memref<1x64x128xf32, #tpu.memory_space<vmem>>
    %dma_start3A_1056 = tpu.memref_squeeze %dma_start3A_1055 : memref<1x64x128xf32, #tpu.memory_space<vmem>> -> memref<64x128xf32, #tpu.memory_space<vmem>>
    %dma_start3A_1057 = arith.constant 0 : i32
    %dma_start3A_1058 = tpu.memref_slice %arg7[%dma_start3A_1051, %dma_start3A_1057] : memref<40x64xi32, #tpu.memory_space<vmem>> -> memref<1x64xi32, #tpu.memory_space<vmem>>
    %dma_start3A_1059 = tpu.memref_squeeze %dma_start3A_1058 : memref<1x64xi32, #tpu.memory_space<vmem>> -> memref<64xi32, #tpu.memory_space<vmem>>
    %dma_start3A_1060 = arith.constant 0 : i32
    %dma_start3A_1061 = arith.constant 0 : i32
    %dma_start3A_1062 = tpu.memref_slice %arg2[%dma_start3A_1060, %dma_start3A_1061] : memref<20000x128xf32, #tpu.memory_space<hbm>> -> memref<20000x128xf32, #tpu.memory_space<hbm>>
    tpu.enqueue_indirect_dma source(%dma_start3A_1062 : memref<20000x128xf32, #tpu.memory_space<hbm>>) target(%dma_start3A_1056 : memref<64x128xf32, #tpu.memory_space<vmem>>) offsets(%dma_start3A_1059 : memref<64xi32, #tpu.memory_space<vmem>>) semaphore(%arg14 : memref<!tpu.dma_semaphore, #tpu.memory_space<semaphore_mem>>)
    %dma_wait3A_1063 = arith.constant 0 : i32
    %dma_wait3A_1064 = arith.constant 1 : i32
    %dma_wait3A_1065 = arith.constant 0 : i32
    %dma_wait3A_1066 = arith.constant 0 : i32
    %dma_wait3A_1067 = tpu.memref_slice %arg9[%dma_wait3A_1064, %dma_wait3A_1065, %dma_wait3A_1066] : memref<4x64x128xf32, #tpu.memory_space<vmem>> -> memref<1x64x128xf32, #tpu.memory_space<vmem>>
    %dma_wait3A_1068 = tpu.memref_squeeze %dma_wait3A_1067 : memref<1x64x128xf32, #tpu.memory_space<vmem>> -> memref<64x128xf32, #tpu.memory_space<vmem>>
    %dma_wait3A_1069 = arith.constant 0 : i32
    %dma_wait3A_1070 = tpu.memref_slice %arg7[%dma_wait3A_1063, %dma_wait3A_1069] : memref<40x64xi32, #tpu.memory_space<vmem>> -> memref<1x64xi32, #tpu.memory_space<vmem>>
    %dma_wait3A_1071 = tpu.memref_squeeze %dma_wait3A_1070 : memref<1x64xi32, #tpu.memory_space<vmem>> -> memref<64xi32, #tpu.memory_space<vmem>>
    %dma_wait3A_1072 = arith.constant 0 : i32
    %dma_wait3A_1073 = arith.constant 0 : i32
    %dma_wait3A_1074 = tpu.memref_slice %arg2[%dma_wait3A_1072, %dma_wait3A_1073] : memref<20000x128xf32, #tpu.memory_space<hbm>> -> memref<20000x128xf32, #tpu.memory_space<hbm>>
    tpu.wait_indirect_dma semaphore(%arg12 : memref<!tpu.dma_semaphore, #tpu.memory_space<semaphore_mem>>) src(%dma_wait3A_1074 : memref<20000x128xf32, #tpu.memory_space<hbm>>) dst(%dma_wait3A_1068 : memref<64x128xf32, #tpu.memory_space<vmem>>)
    %dma_start3A_1075 = arith.constant 1 : i32
    %dma_start3A_1076 = arith.constant 37 : i32
    %dma_start3A_1077 = arith.constant 0 : i32
    %dma_start3A_1078 = arith.constant 0 : i32
    %dma_start3A_1079 = tpu.memref_slice %arg9[%dma_start3A_1075, %dma_start3A_1077, %dma_start3A_1078] : memref<4x64x128xf32, #tpu.memory_space<vmem>> -> memref<1x64x128xf32, #tpu.memory_space<vmem>>
    %dma_start3A_1080 = tpu.memref_squeeze %dma_start3A_1079 : memref<1x64x128xf32, #tpu.memory_space<vmem>> -> memref<64x128xf32, #tpu.memory_space<vmem>>
    %dma_start3A_1081 = arith.constant 0 : i32
    %dma_start3A_1082 = tpu.memref_slice %arg8[%dma_start3A_1076, %dma_start3A_1081] : memref<40x64xi32, #tpu.memory_space<vmem>> -> memref<1x64xi32, #tpu.memory_space<vmem>>
    %dma_start3A_1083 = tpu.memref_squeeze %dma_start3A_1082 : memref<1x64xi32, #tpu.memory_space<vmem>> -> memref<64xi32, #tpu.memory_space<vmem>>
    %dma_start3A_1084 = arith.constant 0 : i32
    %dma_start3A_1085 = arith.constant 0 : i32
    %dma_start3A_1086 = tpu.memref_slice %arg10[%dma_start3A_1084, %dma_start3A_1085] : memref<10008x128xf32, #tpu.memory_space<vmem_shared>> -> memref<10008x128xf32, #tpu.memory_space<vmem_shared>>
    tpu.enqueue_indirect_dma source(%dma_start3A_1080 : memref<64x128xf32, #tpu.memory_space<vmem>>) target(%dma_start3A_1086 : memref<10008x128xf32, #tpu.memory_space<vmem_shared>>) offsets(%dma_start3A_1083 : memref<64xi32, #tpu.memory_space<vmem>>) semaphore(%arg16 : memref<!tpu.dma_semaphore, #tpu.memory_space<semaphore_mem>>) {add = true}
    %dma_wait3A_1087 = arith.constant 0 : i32
    %dma_wait3A_1088 = arith.constant 0 : i32
    %dma_wait3A_1089 = arith.constant 0 : i32
    %dma_wait3A_1090 = arith.constant 0 : i32
    %dma_wait3A_1091 = tpu.memref_slice %arg9[%dma_wait3A_1087, %dma_wait3A_1089, %dma_wait3A_1090] : memref<4x64x128xf32, #tpu.memory_space<vmem>> -> memref<1x64x128xf32, #tpu.memory_space<vmem>>
    %dma_wait3A_1092 = tpu.memref_squeeze %dma_wait3A_1091 : memref<1x64x128xf32, #tpu.memory_space<vmem>> -> memref<64x128xf32, #tpu.memory_space<vmem>>
    %dma_wait3A_1093 = arith.constant 0 : i32
    %dma_wait3A_1094 = tpu.memref_slice %arg8[%dma_wait3A_1088, %dma_wait3A_1093] : memref<40x64xi32, #tpu.memory_space<vmem>> -> memref<1x64xi32, #tpu.memory_space<vmem>>
    %dma_wait3A_1095 = tpu.memref_squeeze %dma_wait3A_1094 : memref<1x64xi32, #tpu.memory_space<vmem>> -> memref<64xi32, #tpu.memory_space<vmem>>
    %dma_wait3A_1096 = arith.constant 0 : i32
    %dma_wait3A_1097 = arith.constant 0 : i32
    %dma_wait3A_1098 = tpu.memref_slice %arg10[%dma_wait3A_1096, %dma_wait3A_1097] : memref<10008x128xf32, #tpu.memory_space<vmem_shared>> -> memref<10008x128xf32, #tpu.memory_space<vmem_shared>>
    tpu.wait_indirect_dma semaphore(%arg15 : memref<!tpu.dma_semaphore, #tpu.memory_space<semaphore_mem>>) src(%dma_wait3A_1092 : memref<64x128xf32, #tpu.memory_space<vmem>>) dst(%dma_wait3A_1098 : memref<10008x128xf32, #tpu.memory_space<vmem_shared>>)
    %dma_wait3A_1099 = arith.constant 0 : i32
    %dma_wait3A_1100 = arith.constant 2 : i32
    %dma_wait3A_1101 = arith.constant 0 : i32
    %dma_wait3A_1102 = arith.constant 0 : i32
    %dma_wait3A_1103 = tpu.memref_slice %arg9[%dma_wait3A_1100, %dma_wait3A_1101, %dma_wait3A_1102] : memref<4x64x128xf32, #tpu.memory_space<vmem>> -> memref<1x64x128xf32, #tpu.memory_space<vmem>>
    %dma_wait3A_1104 = tpu.memref_squeeze %dma_wait3A_1103 : memref<1x64x128xf32, #tpu.memory_space<vmem>> -> memref<64x128xf32, #tpu.memory_space<vmem>>
    %dma_wait3A_1105 = arith.constant 0 : i32
    %dma_wait3A_1106 = tpu.memref_slice %arg7[%dma_wait3A_1099, %dma_wait3A_1105] : memref<40x64xi32, #tpu.memory_space<vmem>> -> memref<1x64xi32, #tpu.memory_space<vmem>>
    %dma_wait3A_1107 = tpu.memref_squeeze %dma_wait3A_1106 : memref<1x64xi32, #tpu.memory_space<vmem>> -> memref<64xi32, #tpu.memory_space<vmem>>
    %dma_wait3A_1108 = arith.constant 0 : i32
    %dma_wait3A_1109 = arith.constant 0 : i32
    %dma_wait3A_1110 = tpu.memref_slice %arg2[%dma_wait3A_1108, %dma_wait3A_1109] : memref<20000x128xf32, #tpu.memory_space<hbm>> -> memref<20000x128xf32, #tpu.memory_space<hbm>>
    tpu.wait_indirect_dma semaphore(%arg13 : memref<!tpu.dma_semaphore, #tpu.memory_space<semaphore_mem>>) src(%dma_wait3A_1110 : memref<20000x128xf32, #tpu.memory_space<hbm>>) dst(%dma_wait3A_1104 : memref<64x128xf32, #tpu.memory_space<vmem>>)
    %dma_start3A_1111 = arith.constant 2 : i32
    %dma_start3A_1112 = arith.constant 38 : i32
    %dma_start3A_1113 = arith.constant 0 : i32
    %dma_start3A_1114 = arith.constant 0 : i32
    %dma_start3A_1115 = tpu.memref_slice %arg9[%dma_start3A_1111, %dma_start3A_1113, %dma_start3A_1114] : memref<4x64x128xf32, #tpu.memory_space<vmem>> -> memref<1x64x128xf32, #tpu.memory_space<vmem>>
    %dma_start3A_1116 = tpu.memref_squeeze %dma_start3A_1115 : memref<1x64x128xf32, #tpu.memory_space<vmem>> -> memref<64x128xf32, #tpu.memory_space<vmem>>
    %dma_start3A_1117 = arith.constant 0 : i32
    %dma_start3A_1118 = tpu.memref_slice %arg8[%dma_start3A_1112, %dma_start3A_1117] : memref<40x64xi32, #tpu.memory_space<vmem>> -> memref<1x64xi32, #tpu.memory_space<vmem>>
    %dma_start3A_1119 = tpu.memref_squeeze %dma_start3A_1118 : memref<1x64xi32, #tpu.memory_space<vmem>> -> memref<64xi32, #tpu.memory_space<vmem>>
    %dma_start3A_1120 = arith.constant 0 : i32
    %dma_start3A_1121 = arith.constant 0 : i32
    %dma_start3A_1122 = tpu.memref_slice %arg10[%dma_start3A_1120, %dma_start3A_1121] : memref<10008x128xf32, #tpu.memory_space<vmem_shared>> -> memref<10008x128xf32, #tpu.memory_space<vmem_shared>>
    tpu.enqueue_indirect_dma source(%dma_start3A_1116 : memref<64x128xf32, #tpu.memory_space<vmem>>) target(%dma_start3A_1122 : memref<10008x128xf32, #tpu.memory_space<vmem_shared>>) offsets(%dma_start3A_1119 : memref<64xi32, #tpu.memory_space<vmem>>) semaphore(%arg17 : memref<!tpu.dma_semaphore, #tpu.memory_space<semaphore_mem>>) {add = true}
    %dma_wait3A_1123 = arith.constant 1 : i32
    %dma_wait3A_1124 = arith.constant 0 : i32
    %dma_wait3A_1125 = arith.constant 0 : i32
    %dma_wait3A_1126 = arith.constant 0 : i32
    %dma_wait3A_1127 = tpu.memref_slice %arg9[%dma_wait3A_1123, %dma_wait3A_1125, %dma_wait3A_1126] : memref<4x64x128xf32, #tpu.memory_space<vmem>> -> memref<1x64x128xf32, #tpu.memory_space<vmem>>
    %dma_wait3A_1128 = tpu.memref_squeeze %dma_wait3A_1127 : memref<1x64x128xf32, #tpu.memory_space<vmem>> -> memref<64x128xf32, #tpu.memory_space<vmem>>
    %dma_wait3A_1129 = arith.constant 0 : i32
    %dma_wait3A_1130 = tpu.memref_slice %arg8[%dma_wait3A_1124, %dma_wait3A_1129] : memref<40x64xi32, #tpu.memory_space<vmem>> -> memref<1x64xi32, #tpu.memory_space<vmem>>
    %dma_wait3A_1131 = tpu.memref_squeeze %dma_wait3A_1130 : memref<1x64xi32, #tpu.memory_space<vmem>> -> memref<64xi32, #tpu.memory_space<vmem>>
    %dma_wait3A_1132 = arith.constant 0 : i32
    %dma_wait3A_1133 = arith.constant 0 : i32
    %dma_wait3A_1134 = tpu.memref_slice %arg10[%dma_wait3A_1132, %dma_wait3A_1133] : memref<10008x128xf32, #tpu.memory_space<vmem_shared>> -> memref<10008x128xf32, #tpu.memory_space<vmem_shared>>
    tpu.wait_indirect_dma semaphore(%arg16 : memref<!tpu.dma_semaphore, #tpu.memory_space<semaphore_mem>>) src(%dma_wait3A_1128 : memref<64x128xf32, #tpu.memory_space<vmem>>) dst(%dma_wait3A_1134 : memref<10008x128xf32, #tpu.memory_space<vmem_shared>>)
    %dma_wait3A_1135 = arith.constant 0 : i32
    %dma_wait3A_1136 = arith.constant 3 : i32
    %dma_wait3A_1137 = arith.constant 0 : i32
    %dma_wait3A_1138 = arith.constant 0 : i32
    %dma_wait3A_1139 = tpu.memref_slice %arg9[%dma_wait3A_1136, %dma_wait3A_1137, %dma_wait3A_1138] : memref<4x64x128xf32, #tpu.memory_space<vmem>> -> memref<1x64x128xf32, #tpu.memory_space<vmem>>
    %dma_wait3A_1140 = tpu.memref_squeeze %dma_wait3A_1139 : memref<1x64x128xf32, #tpu.memory_space<vmem>> -> memref<64x128xf32, #tpu.memory_space<vmem>>
    %dma_wait3A_1141 = arith.constant 0 : i32
    %dma_wait3A_1142 = tpu.memref_slice %arg7[%dma_wait3A_1135, %dma_wait3A_1141] : memref<40x64xi32, #tpu.memory_space<vmem>> -> memref<1x64xi32, #tpu.memory_space<vmem>>
    %dma_wait3A_1143 = tpu.memref_squeeze %dma_wait3A_1142 : memref<1x64xi32, #tpu.memory_space<vmem>> -> memref<64xi32, #tpu.memory_space<vmem>>
    %dma_wait3A_1144 = arith.constant 0 : i32
    %dma_wait3A_1145 = arith.constant 0 : i32
    %dma_wait3A_1146 = tpu.memref_slice %arg2[%dma_wait3A_1144, %dma_wait3A_1145] : memref<20000x128xf32, #tpu.memory_space<hbm>> -> memref<20000x128xf32, #tpu.memory_space<hbm>>
    tpu.wait_indirect_dma semaphore(%arg14 : memref<!tpu.dma_semaphore, #tpu.memory_space<semaphore_mem>>) src(%dma_wait3A_1146 : memref<20000x128xf32, #tpu.memory_space<hbm>>) dst(%dma_wait3A_1140 : memref<64x128xf32, #tpu.memory_space<vmem>>)
    %dma_start3A_1147 = arith.constant 3 : i32
    %dma_start3A_1148 = arith.constant 39 : i32
    %dma_start3A_1149 = arith.constant 0 : i32
    %dma_start3A_1150 = arith.constant 0 : i32
    %dma_start3A_1151 = tpu.memref_slice %arg9[%dma_start3A_1147, %dma_start3A_1149, %dma_start3A_1150] : memref<4x64x128xf32, #tpu.memory_space<vmem>> -> memref<1x64x128xf32, #tpu.memory_space<vmem>>
    %dma_start3A_1152 = tpu.memref_squeeze %dma_start3A_1151 : memref<1x64x128xf32, #tpu.memory_space<vmem>> -> memref<64x128xf32, #tpu.memory_space<vmem>>
    %dma_start3A_1153 = arith.constant 0 : i32
    %dma_start3A_1154 = tpu.memref_slice %arg8[%dma_start3A_1148, %dma_start3A_1153] : memref<40x64xi32, #tpu.memory_space<vmem>> -> memref<1x64xi32, #tpu.memory_space<vmem>>
    %dma_start3A_1155 = tpu.memref_squeeze %dma_start3A_1154 : memref<1x64xi32, #tpu.memory_space<vmem>> -> memref<64xi32, #tpu.memory_space<vmem>>
    %dma_start3A_1156 = arith.constant 0 : i32
    %dma_start3A_1157 = arith.constant 0 : i32
    %dma_start3A_1158 = tpu.memref_slice %arg10[%dma_start3A_1156, %dma_start3A_1157] : memref<10008x128xf32, #tpu.memory_space<vmem_shared>> -> memref<10008x128xf32, #tpu.memory_space<vmem_shared>>
    tpu.enqueue_indirect_dma source(%dma_start3A_1152 : memref<64x128xf32, #tpu.memory_space<vmem>>) target(%dma_start3A_1158 : memref<10008x128xf32, #tpu.memory_space<vmem_shared>>) offsets(%dma_start3A_1155 : memref<64xi32, #tpu.memory_space<vmem>>) semaphore(%arg18 : memref<!tpu.dma_semaphore, #tpu.memory_space<semaphore_mem>>) {add = true}
    %dma_wait3A_1159 = arith.constant 2 : i32
    %dma_wait3A_1160 = arith.constant 0 : i32
    %dma_wait3A_1161 = arith.constant 0 : i32
    %dma_wait3A_1162 = arith.constant 0 : i32
    %dma_wait3A_1163 = tpu.memref_slice %arg9[%dma_wait3A_1159, %dma_wait3A_1161, %dma_wait3A_1162] : memref<4x64x128xf32, #tpu.memory_space<vmem>> -> memref<1x64x128xf32, #tpu.memory_space<vmem>>
    %dma_wait3A_1164 = tpu.memref_squeeze %dma_wait3A_1163 : memref<1x64x128xf32, #tpu.memory_space<vmem>> -> memref<64x128xf32, #tpu.memory_space<vmem>>
    %dma_wait3A_1165 = arith.constant 0 : i32
    %dma_wait3A_1166 = tpu.memref_slice %arg8[%dma_wait3A_1160, %dma_wait3A_1165] : memref<40x64xi32, #tpu.memory_space<vmem>> -> memref<1x64xi32, #tpu.memory_space<vmem>>
    %dma_wait3A_1167 = tpu.memref_squeeze %dma_wait3A_1166 : memref<1x64xi32, #tpu.memory_space<vmem>> -> memref<64xi32, #tpu.memory_space<vmem>>
    %dma_wait3A_1168 = arith.constant 0 : i32
    %dma_wait3A_1169 = arith.constant 0 : i32
    %dma_wait3A_1170 = tpu.memref_slice %arg10[%dma_wait3A_1168, %dma_wait3A_1169] : memref<10008x128xf32, #tpu.memory_space<vmem_shared>> -> memref<10008x128xf32, #tpu.memory_space<vmem_shared>>
    tpu.wait_indirect_dma semaphore(%arg17 : memref<!tpu.dma_semaphore, #tpu.memory_space<semaphore_mem>>) src(%dma_wait3A_1164 : memref<64x128xf32, #tpu.memory_space<vmem>>) dst(%dma_wait3A_1170 : memref<10008x128xf32, #tpu.memory_space<vmem_shared>>)
    %dma_wait3A_1171 = arith.constant 3 : i32
    %dma_wait3A_1172 = arith.constant 0 : i32
    %dma_wait3A_1173 = arith.constant 0 : i32
    %dma_wait3A_1174 = arith.constant 0 : i32
    %dma_wait3A_1175 = tpu.memref_slice %arg9[%dma_wait3A_1171, %dma_wait3A_1173, %dma_wait3A_1174] : memref<4x64x128xf32, #tpu.memory_space<vmem>> -> memref<1x64x128xf32, #tpu.memory_space<vmem>>
    %dma_wait3A_1176 = tpu.memref_squeeze %dma_wait3A_1175 : memref<1x64x128xf32, #tpu.memory_space<vmem>> -> memref<64x128xf32, #tpu.memory_space<vmem>>
    %dma_wait3A_1177 = arith.constant 0 : i32
    %dma_wait3A_1178 = tpu.memref_slice %arg8[%dma_wait3A_1172, %dma_wait3A_1177] : memref<40x64xi32, #tpu.memory_space<vmem>> -> memref<1x64xi32, #tpu.memory_space<vmem>>
    %dma_wait3A_1179 = tpu.memref_squeeze %dma_wait3A_1178 : memref<1x64xi32, #tpu.memory_space<vmem>> -> memref<64xi32, #tpu.memory_space<vmem>>
    %dma_wait3A_1180 = arith.constant 0 : i32
    %dma_wait3A_1181 = arith.constant 0 : i32
    %dma_wait3A_1182 = tpu.memref_slice %arg10[%dma_wait3A_1180, %dma_wait3A_1181] : memref<10008x128xf32, #tpu.memory_space<vmem_shared>> -> memref<10008x128xf32, #tpu.memory_space<vmem_shared>>
    tpu.wait_indirect_dma semaphore(%arg18 : memref<!tpu.dma_semaphore, #tpu.memory_space<semaphore_mem>>) src(%dma_wait3A_1176 : memref<64x128xf32, #tpu.memory_space<vmem>>) dst(%dma_wait3A_1182 : memref<10008x128xf32, #tpu.memory_space<vmem_shared>>)
    %mul3A_1183 = arith.constant 160 : i32
    %mul3A_1184 = arith.muli %arg1, %mul3A_1183 : i32
    %add3A_1185 = arith.constant 120 : i32
    %add3A_1186 = arith.addi %mul3A_1184, %add3A_1185 : i32
    "tpu.region"() ({
      %run_scoped3A = tpu.sem_alloc : memref<!tpu.dma_semaphore, #tpu.memory_space<semaphore_mem>>
      %dma_start3A_1583 = arith.constant 0 : i32
      %dma_start3A_1584 = tpu.memref_slice %arg4[%arg0, %add3A_1186, %dma_start3A_1583] : memref<2x2560x64xi32, #tpu.memory_space<hbm>> -> memref<1x40x64xi32, #tpu.memory_space<hbm>>
      %dma_start3A_1585 = tpu.memref_squeeze %dma_start3A_1584 : memref<1x40x64xi32, #tpu.memory_space<hbm>> -> memref<40x64xi32, #tpu.memory_space<hbm>>
      %dma_start3A_1586 = arith.constant 0 : i32
      %dma_start3A_1587 = tpu.memref_slice %arg4[%arg0, %add3A_1186, %dma_start3A_1586] : memref<2x2560x64xi32, #tpu.memory_space<hbm>> -> memref<1x40x64xi32, #tpu.memory_space<hbm>>
      %dma_start3A_1588 = tpu.memref_squeeze %dma_start3A_1587 : memref<1x40x64xi32, #tpu.memory_space<hbm>> -> memref<40x64xi32, #tpu.memory_space<hbm>>
      tpu.enqueue_dma source(%dma_start3A_1588 : memref<40x64xi32, #tpu.memory_space<hbm>>) target(%arg7 : memref<40x64xi32, #tpu.memory_space<vmem>>) target_semaphore(%run_scoped3A : memref<!tpu.dma_semaphore, #tpu.memory_space<semaphore_mem>>)
      %dma_wait3A_1589 = arith.constant 0 : i32
      %dma_wait3A_1590 = tpu.memref_slice %arg4[%arg0, %add3A_1186, %dma_wait3A_1589] : memref<2x2560x64xi32, #tpu.memory_space<hbm>> -> memref<1x40x64xi32, #tpu.memory_space<hbm>>
      %dma_wait3A_1591 = tpu.memref_squeeze %dma_wait3A_1590 : memref<1x40x64xi32, #tpu.memory_space<hbm>> -> memref<40x64xi32, #tpu.memory_space<hbm>>
      %dma_wait3A_1592 = arith.constant 0 : i32
      %dma_wait3A_1593 = tpu.memref_slice %arg4[%arg0, %add3A_1186, %dma_wait3A_1592] : memref<2x2560x64xi32, #tpu.memory_space<hbm>> -> memref<1x40x64xi32, #tpu.memory_space<hbm>>
      %dma_wait3A_1594 = tpu.memref_squeeze %dma_wait3A_1593 : memref<1x40x64xi32, #tpu.memory_space<hbm>> -> memref<40x64xi32, #tpu.memory_space<hbm>>
      tpu.wait_dma2 semaphore(%run_scoped3A : memref<!tpu.dma_semaphore, #tpu.memory_space<semaphore_mem>>) src(%dma_wait3A_1594 : memref<40x64xi32, #tpu.memory_space<hbm>>) dst(%arg7 : memref<40x64xi32, #tpu.memory_space<vmem>>)
      tpu.yield
    }) : () -> ()
    "tpu.region"() ({
      %run_scoped3A = tpu.sem_alloc : memref<!tpu.dma_semaphore, #tpu.memory_space<semaphore_mem>>
      %dma_start3A_1583 = arith.constant 0 : i32
      %dma_start3A_1584 = tpu.memref_slice %arg5[%add3A_1186, %dma_start3A_1583] : memref<2560x64xi32, #tpu.memory_space<hbm>> -> memref<40x64xi32, #tpu.memory_space<hbm>>
      %dma_start3A_1585 = arith.constant 0 : i32
      %dma_start3A_1586 = tpu.memref_slice %arg5[%add3A_1186, %dma_start3A_1585] : memref<2560x64xi32, #tpu.memory_space<hbm>> -> memref<40x64xi32, #tpu.memory_space<hbm>>
      tpu.enqueue_dma source(%dma_start3A_1586 : memref<40x64xi32, #tpu.memory_space<hbm>>) target(%arg8 : memref<40x64xi32, #tpu.memory_space<vmem>>) target_semaphore(%run_scoped3A : memref<!tpu.dma_semaphore, #tpu.memory_space<semaphore_mem>>)
      %dma_wait3A_1587 = arith.constant 0 : i32
      %dma_wait3A_1588 = tpu.memref_slice %arg5[%add3A_1186, %dma_wait3A_1587] : memref<2560x64xi32, #tpu.memory_space<hbm>> -> memref<40x64xi32, #tpu.memory_space<hbm>>
      %dma_wait3A_1589 = arith.constant 0 : i32
      %dma_wait3A_1590 = tpu.memref_slice %arg5[%add3A_1186, %dma_wait3A_1589] : memref<2560x64xi32, #tpu.memory_space<hbm>> -> memref<40x64xi32, #tpu.memory_space<hbm>>
      tpu.wait_dma2 semaphore(%run_scoped3A : memref<!tpu.dma_semaphore, #tpu.memory_space<semaphore_mem>>) src(%dma_wait3A_1590 : memref<40x64xi32, #tpu.memory_space<hbm>>) dst(%arg8 : memref<40x64xi32, #tpu.memory_space<vmem>>)
      tpu.yield
    }) : () -> ()
    %dma_start3A_1187 = arith.constant 0 : i32
    %dma_start3A_1188 = arith.constant 0 : i32
    %dma_start3A_1189 = arith.constant 0 : i32
    %dma_start3A_1190 = arith.constant 0 : i32
    %dma_start3A_1191 = tpu.memref_slice %arg9[%dma_start3A_1188, %dma_start3A_1189, %dma_start3A_1190] : memref<4x64x128xf32, #tpu.memory_space<vmem>> -> memref<1x64x128xf32, #tpu.memory_space<vmem>>
    %dma_start3A_1192 = tpu.memref_squeeze %dma_start3A_1191 : memref<1x64x128xf32, #tpu.memory_space<vmem>> -> memref<64x128xf32, #tpu.memory_space<vmem>>
    %dma_start3A_1193 = arith.constant 0 : i32
    %dma_start3A_1194 = tpu.memref_slice %arg7[%dma_start3A_1187, %dma_start3A_1193] : memref<40x64xi32, #tpu.memory_space<vmem>> -> memref<1x64xi32, #tpu.memory_space<vmem>>
    %dma_start3A_1195 = tpu.memref_squeeze %dma_start3A_1194 : memref<1x64xi32, #tpu.memory_space<vmem>> -> memref<64xi32, #tpu.memory_space<vmem>>
    %dma_start3A_1196 = arith.constant 0 : i32
    %dma_start3A_1197 = arith.constant 0 : i32
    %dma_start3A_1198 = tpu.memref_slice %arg2[%dma_start3A_1196, %dma_start3A_1197] : memref<20000x128xf32, #tpu.memory_space<hbm>> -> memref<20000x128xf32, #tpu.memory_space<hbm>>
    tpu.enqueue_indirect_dma source(%dma_start3A_1198 : memref<20000x128xf32, #tpu.memory_space<hbm>>) target(%dma_start3A_1192 : memref<64x128xf32, #tpu.memory_space<vmem>>) offsets(%dma_start3A_1195 : memref<64xi32, #tpu.memory_space<vmem>>) semaphore(%arg11 : memref<!tpu.dma_semaphore, #tpu.memory_space<semaphore_mem>>)
    %dma_start3A_1199 = arith.constant 1 : i32
    %dma_start3A_1200 = arith.constant 1 : i32
    %dma_start3A_1201 = arith.constant 0 : i32
    %dma_start3A_1202 = arith.constant 0 : i32
    %dma_start3A_1203 = tpu.memref_slice %arg9[%dma_start3A_1200, %dma_start3A_1201, %dma_start3A_1202] : memref<4x64x128xf32, #tpu.memory_space<vmem>> -> memref<1x64x128xf32, #tpu.memory_space<vmem>>
    %dma_start3A_1204 = tpu.memref_squeeze %dma_start3A_1203 : memref<1x64x128xf32, #tpu.memory_space<vmem>> -> memref<64x128xf32, #tpu.memory_space<vmem>>
    %dma_start3A_1205 = arith.constant 0 : i32
    %dma_start3A_1206 = tpu.memref_slice %arg7[%dma_start3A_1199, %dma_start3A_1205] : memref<40x64xi32, #tpu.memory_space<vmem>> -> memref<1x64xi32, #tpu.memory_space<vmem>>
    %dma_start3A_1207 = tpu.memref_squeeze %dma_start3A_1206 : memref<1x64xi32, #tpu.memory_space<vmem>> -> memref<64xi32, #tpu.memory_space<vmem>>
    %dma_start3A_1208 = arith.constant 0 : i32
    %dma_start3A_1209 = arith.constant 0 : i32
    %dma_start3A_1210 = tpu.memref_slice %arg2[%dma_start3A_1208, %dma_start3A_1209] : memref<20000x128xf32, #tpu.memory_space<hbm>> -> memref<20000x128xf32, #tpu.memory_space<hbm>>
    tpu.enqueue_indirect_dma source(%dma_start3A_1210 : memref<20000x128xf32, #tpu.memory_space<hbm>>) target(%dma_start3A_1204 : memref<64x128xf32, #tpu.memory_space<vmem>>) offsets(%dma_start3A_1207 : memref<64xi32, #tpu.memory_space<vmem>>) semaphore(%arg12 : memref<!tpu.dma_semaphore, #tpu.memory_space<semaphore_mem>>)
    %dma_start3A_1211 = arith.constant 2 : i32
    %dma_start3A_1212 = arith.constant 2 : i32
    %dma_start3A_1213 = arith.constant 0 : i32
    %dma_start3A_1214 = arith.constant 0 : i32
    %dma_start3A_1215 = tpu.memref_slice %arg9[%dma_start3A_1212, %dma_start3A_1213, %dma_start3A_1214] : memref<4x64x128xf32, #tpu.memory_space<vmem>> -> memref<1x64x128xf32, #tpu.memory_space<vmem>>
    %dma_start3A_1216 = tpu.memref_squeeze %dma_start3A_1215 : memref<1x64x128xf32, #tpu.memory_space<vmem>> -> memref<64x128xf32, #tpu.memory_space<vmem>>
    %dma_start3A_1217 = arith.constant 0 : i32
    %dma_start3A_1218 = tpu.memref_slice %arg7[%dma_start3A_1211, %dma_start3A_1217] : memref<40x64xi32, #tpu.memory_space<vmem>> -> memref<1x64xi32, #tpu.memory_space<vmem>>
    %dma_start3A_1219 = tpu.memref_squeeze %dma_start3A_1218 : memref<1x64xi32, #tpu.memory_space<vmem>> -> memref<64xi32, #tpu.memory_space<vmem>>
    %dma_start3A_1220 = arith.constant 0 : i32
    %dma_start3A_1221 = arith.constant 0 : i32
    %dma_start3A_1222 = tpu.memref_slice %arg2[%dma_start3A_1220, %dma_start3A_1221] : memref<20000x128xf32, #tpu.memory_space<hbm>> -> memref<20000x128xf32, #tpu.memory_space<hbm>>
    tpu.enqueue_indirect_dma source(%dma_start3A_1222 : memref<20000x128xf32, #tpu.memory_space<hbm>>) target(%dma_start3A_1216 : memref<64x128xf32, #tpu.memory_space<vmem>>) offsets(%dma_start3A_1219 : memref<64xi32, #tpu.memory_space<vmem>>) semaphore(%arg13 : memref<!tpu.dma_semaphore, #tpu.memory_space<semaphore_mem>>)
    %dma_wait3A_1223 = arith.constant 0 : i32
    %dma_wait3A_1224 = arith.constant 0 : i32
    %dma_wait3A_1225 = arith.constant 0 : i32
    %dma_wait3A_1226 = arith.constant 0 : i32
    %dma_wait3A_1227 = tpu.memref_slice %arg9[%dma_wait3A_1224, %dma_wait3A_1225, %dma_wait3A_1226] : memref<4x64x128xf32, #tpu.memory_space<vmem>> -> memref<1x64x128xf32, #tpu.memory_space<vmem>>
    %dma_wait3A_1228 = tpu.memref_squeeze %dma_wait3A_1227 : memref<1x64x128xf32, #tpu.memory_space<vmem>> -> memref<64x128xf32, #tpu.memory_space<vmem>>
    %dma_wait3A_1229 = arith.constant 0 : i32
    %dma_wait3A_1230 = tpu.memref_slice %arg7[%dma_wait3A_1223, %dma_wait3A_1229] : memref<40x64xi32, #tpu.memory_space<vmem>> -> memref<1x64xi32, #tpu.memory_space<vmem>>
    %dma_wait3A_1231 = tpu.memref_squeeze %dma_wait3A_1230 : memref<1x64xi32, #tpu.memory_space<vmem>> -> memref<64xi32, #tpu.memory_space<vmem>>
    %dma_wait3A_1232 = arith.constant 0 : i32
    %dma_wait3A_1233 = arith.constant 0 : i32
    %dma_wait3A_1234 = tpu.memref_slice %arg2[%dma_wait3A_1232, %dma_wait3A_1233] : memref<20000x128xf32, #tpu.memory_space<hbm>> -> memref<20000x128xf32, #tpu.memory_space<hbm>>
    tpu.wait_indirect_dma semaphore(%arg11 : memref<!tpu.dma_semaphore, #tpu.memory_space<semaphore_mem>>) src(%dma_wait3A_1234 : memref<20000x128xf32, #tpu.memory_space<hbm>>) dst(%dma_wait3A_1228 : memref<64x128xf32, #tpu.memory_space<vmem>>)
    %dma_start3A_1235 = arith.constant 0 : i32
    %dma_start3A_1236 = arith.constant 0 : i32
    %dma_start3A_1237 = arith.constant 0 : i32
    %dma_start3A_1238 = arith.constant 0 : i32
    %dma_start3A_1239 = tpu.memref_slice %arg9[%dma_start3A_1235, %dma_start3A_1237, %dma_start3A_1238] : memref<4x64x128xf32, #tpu.memory_space<vmem>> -> memref<1x64x128xf32, #tpu.memory_space<vmem>>
    %dma_start3A_1240 = tpu.memref_squeeze %dma_start3A_1239 : memref<1x64x128xf32, #tpu.memory_space<vmem>> -> memref<64x128xf32, #tpu.memory_space<vmem>>
    %dma_start3A_1241 = arith.constant 0 : i32
    %dma_start3A_1242 = tpu.memref_slice %arg8[%dma_start3A_1236, %dma_start3A_1241] : memref<40x64xi32, #tpu.memory_space<vmem>> -> memref<1x64xi32, #tpu.memory_space<vmem>>
    %dma_start3A_1243 = tpu.memref_squeeze %dma_start3A_1242 : memref<1x64xi32, #tpu.memory_space<vmem>> -> memref<64xi32, #tpu.memory_space<vmem>>
    %dma_start3A_1244 = arith.constant 0 : i32
    %dma_start3A_1245 = arith.constant 0 : i32
    %dma_start3A_1246 = tpu.memref_slice %arg10[%dma_start3A_1244, %dma_start3A_1245] : memref<10008x128xf32, #tpu.memory_space<vmem_shared>> -> memref<10008x128xf32, #tpu.memory_space<vmem_shared>>
    tpu.enqueue_indirect_dma source(%dma_start3A_1240 : memref<64x128xf32, #tpu.memory_space<vmem>>) target(%dma_start3A_1246 : memref<10008x128xf32, #tpu.memory_space<vmem_shared>>) offsets(%dma_start3A_1243 : memref<64xi32, #tpu.memory_space<vmem>>) semaphore(%arg15 : memref<!tpu.dma_semaphore, #tpu.memory_space<semaphore_mem>>) {add = true}
    %dma_start3A_1247 = arith.constant 3 : i32
    %dma_start3A_1248 = arith.constant 3 : i32
    %dma_start3A_1249 = arith.constant 0 : i32
    %dma_start3A_1250 = arith.constant 0 : i32
    %dma_start3A_1251 = tpu.memref_slice %arg9[%dma_start3A_1248, %dma_start3A_1249, %dma_start3A_1250] : memref<4x64x128xf32, #tpu.memory_space<vmem>> -> memref<1x64x128xf32, #tpu.memory_space<vmem>>
    %dma_start3A_1252 = tpu.memref_squeeze %dma_start3A_1251 : memref<1x64x128xf32, #tpu.memory_space<vmem>> -> memref<64x128xf32, #tpu.memory_space<vmem>>
    %dma_start3A_1253 = arith.constant 0 : i32
    %dma_start3A_1254 = tpu.memref_slice %arg7[%dma_start3A_1247, %dma_start3A_1253] : memref<40x64xi32, #tpu.memory_space<vmem>> -> memref<1x64xi32, #tpu.memory_space<vmem>>
    %dma_start3A_1255 = tpu.memref_squeeze %dma_start3A_1254 : memref<1x64xi32, #tpu.memory_space<vmem>> -> memref<64xi32, #tpu.memory_space<vmem>>
    %dma_start3A_1256 = arith.constant 0 : i32
    %dma_start3A_1257 = arith.constant 0 : i32
    %dma_start3A_1258 = tpu.memref_slice %arg2[%dma_start3A_1256, %dma_start3A_1257] : memref<20000x128xf32, #tpu.memory_space<hbm>> -> memref<20000x128xf32, #tpu.memory_space<hbm>>
    tpu.enqueue_indirect_dma source(%dma_start3A_1258 : memref<20000x128xf32, #tpu.memory_space<hbm>>) target(%dma_start3A_1252 : memref<64x128xf32, #tpu.memory_space<vmem>>) offsets(%dma_start3A_1255 : memref<64xi32, #tpu.memory_space<vmem>>) semaphore(%arg14 : memref<!tpu.dma_semaphore, #tpu.memory_space<semaphore_mem>>)
    %dma_wait3A_1259 = arith.constant 0 : i32
    %dma_wait3A_1260 = arith.constant 1 : i32
    %dma_wait3A_1261 = arith.constant 0 : i32
    %dma_wait3A_1262 = arith.constant 0 : i32
    %dma_wait3A_1263 = tpu.memref_slice %arg9[%dma_wait3A_1260, %dma_wait3A_1261, %dma_wait3A_1262] : memref<4x64x128xf32, #tpu.memory_space<vmem>> -> memref<1x64x128xf32, #tpu.memory_space<vmem>>
    %dma_wait3A_1264 = tpu.memref_squeeze %dma_wait3A_1263 : memref<1x64x128xf32, #tpu.memory_space<vmem>> -> memref<64x128xf32, #tpu.memory_space<vmem>>
    %dma_wait3A_1265 = arith.constant 0 : i32
    %dma_wait3A_1266 = tpu.memref_slice %arg7[%dma_wait3A_1259, %dma_wait3A_1265] : memref<40x64xi32, #tpu.memory_space<vmem>> -> memref<1x64xi32, #tpu.memory_space<vmem>>
    %dma_wait3A_1267 = tpu.memref_squeeze %dma_wait3A_1266 : memref<1x64xi32, #tpu.memory_space<vmem>> -> memref<64xi32, #tpu.memory_space<vmem>>
    %dma_wait3A_1268 = arith.constant 0 : i32
    %dma_wait3A_1269 = arith.constant 0 : i32
    %dma_wait3A_1270 = tpu.memref_slice %arg2[%dma_wait3A_1268, %dma_wait3A_1269] : memref<20000x128xf32, #tpu.memory_space<hbm>> -> memref<20000x128xf32, #tpu.memory_space<hbm>>
    tpu.wait_indirect_dma semaphore(%arg12 : memref<!tpu.dma_semaphore, #tpu.memory_space<semaphore_mem>>) src(%dma_wait3A_1270 : memref<20000x128xf32, #tpu.memory_space<hbm>>) dst(%dma_wait3A_1264 : memref<64x128xf32, #tpu.memory_space<vmem>>)
    %dma_start3A_1271 = arith.constant 1 : i32
    %dma_start3A_1272 = arith.constant 1 : i32
    %dma_start3A_1273 = arith.constant 0 : i32
    %dma_start3A_1274 = arith.constant 0 : i32
    %dma_start3A_1275 = tpu.memref_slice %arg9[%dma_start3A_1271, %dma_start3A_1273, %dma_start3A_1274] : memref<4x64x128xf32, #tpu.memory_space<vmem>> -> memref<1x64x128xf32, #tpu.memory_space<vmem>>
    %dma_start3A_1276 = tpu.memref_squeeze %dma_start3A_1275 : memref<1x64x128xf32, #tpu.memory_space<vmem>> -> memref<64x128xf32, #tpu.memory_space<vmem>>
    %dma_start3A_1277 = arith.constant 0 : i32
    %dma_start3A_1278 = tpu.memref_slice %arg8[%dma_start3A_1272, %dma_start3A_1277] : memref<40x64xi32, #tpu.memory_space<vmem>> -> memref<1x64xi32, #tpu.memory_space<vmem>>
    %dma_start3A_1279 = tpu.memref_squeeze %dma_start3A_1278 : memref<1x64xi32, #tpu.memory_space<vmem>> -> memref<64xi32, #tpu.memory_space<vmem>>
    %dma_start3A_1280 = arith.constant 0 : i32
    %dma_start3A_1281 = arith.constant 0 : i32
    %dma_start3A_1282 = tpu.memref_slice %arg10[%dma_start3A_1280, %dma_start3A_1281] : memref<10008x128xf32, #tpu.memory_space<vmem_shared>> -> memref<10008x128xf32, #tpu.memory_space<vmem_shared>>
    tpu.enqueue_indirect_dma source(%dma_start3A_1276 : memref<64x128xf32, #tpu.memory_space<vmem>>) target(%dma_start3A_1282 : memref<10008x128xf32, #tpu.memory_space<vmem_shared>>) offsets(%dma_start3A_1279 : memref<64xi32, #tpu.memory_space<vmem>>) semaphore(%arg16 : memref<!tpu.dma_semaphore, #tpu.memory_space<semaphore_mem>>) {add = true}
    %dma_wait3A_1283 = arith.constant 0 : i32
    %dma_wait3A_1284 = arith.constant 0 : i32
    %dma_wait3A_1285 = arith.constant 0 : i32
    %dma_wait3A_1286 = arith.constant 0 : i32
    %dma_wait3A_1287 = tpu.memref_slice %arg9[%dma_wait3A_1283, %dma_wait3A_1285, %dma_wait3A_1286] : memref<4x64x128xf32, #tpu.memory_space<vmem>> -> memref<1x64x128xf32, #tpu.memory_space<vmem>>
    %dma_wait3A_1288 = tpu.memref_squeeze %dma_wait3A_1287 : memref<1x64x128xf32, #tpu.memory_space<vmem>> -> memref<64x128xf32, #tpu.memory_space<vmem>>
    %dma_wait3A_1289 = arith.constant 0 : i32
    %dma_wait3A_1290 = tpu.memref_slice %arg8[%dma_wait3A_1284, %dma_wait3A_1289] : memref<40x64xi32, #tpu.memory_space<vmem>> -> memref<1x64xi32, #tpu.memory_space<vmem>>
    %dma_wait3A_1291 = tpu.memref_squeeze %dma_wait3A_1290 : memref<1x64xi32, #tpu.memory_space<vmem>> -> memref<64xi32, #tpu.memory_space<vmem>>
    %dma_wait3A_1292 = arith.constant 0 : i32
    %dma_wait3A_1293 = arith.constant 0 : i32
    %dma_wait3A_1294 = tpu.memref_slice %arg10[%dma_wait3A_1292, %dma_wait3A_1293] : memref<10008x128xf32, #tpu.memory_space<vmem_shared>> -> memref<10008x128xf32, #tpu.memory_space<vmem_shared>>
    tpu.wait_indirect_dma semaphore(%arg15 : memref<!tpu.dma_semaphore, #tpu.memory_space<semaphore_mem>>) src(%dma_wait3A_1288 : memref<64x128xf32, #tpu.memory_space<vmem>>) dst(%dma_wait3A_1294 : memref<10008x128xf32, #tpu.memory_space<vmem_shared>>)
    %dma_start3A_1295 = arith.constant 4 : i32
    %dma_start3A_1296 = arith.constant 0 : i32
    %dma_start3A_1297 = arith.constant 0 : i32
    %dma_start3A_1298 = arith.constant 0 : i32
    %dma_start3A_1299 = tpu.memref_slice %arg9[%dma_start3A_1296, %dma_start3A_1297, %dma_start3A_1298] : memref<4x64x128xf32, #tpu.memory_space<vmem>> -> memref<1x64x128xf32, #tpu.memory_space<vmem>>
    %dma_start3A_1300 = tpu.memref_squeeze %dma_start3A_1299 : memref<1x64x128xf32, #tpu.memory_space<vmem>> -> memref<64x128xf32, #tpu.memory_space<vmem>>
    %dma_start3A_1301 = arith.constant 0 : i32
    %dma_start3A_1302 = tpu.memref_slice %arg7[%dma_start3A_1295, %dma_start3A_1301] : memref<40x64xi32, #tpu.memory_space<vmem>> -> memref<1x64xi32, #tpu.memory_space<vmem>>
    %dma_start3A_1303 = tpu.memref_squeeze %dma_start3A_1302 : memref<1x64xi32, #tpu.memory_space<vmem>> -> memref<64xi32, #tpu.memory_space<vmem>>
    %dma_start3A_1304 = arith.constant 0 : i32
    %dma_start3A_1305 = arith.constant 0 : i32
    %dma_start3A_1306 = tpu.memref_slice %arg2[%dma_start3A_1304, %dma_start3A_1305] : memref<20000x128xf32, #tpu.memory_space<hbm>> -> memref<20000x128xf32, #tpu.memory_space<hbm>>
    tpu.enqueue_indirect_dma source(%dma_start3A_1306 : memref<20000x128xf32, #tpu.memory_space<hbm>>) target(%dma_start3A_1300 : memref<64x128xf32, #tpu.memory_space<vmem>>) offsets(%dma_start3A_1303 : memref<64xi32, #tpu.memory_space<vmem>>) semaphore(%arg11 : memref<!tpu.dma_semaphore, #tpu.memory_space<semaphore_mem>>)
    %dma_wait3A_1307 = arith.constant 0 : i32
    %dma_wait3A_1308 = arith.constant 2 : i32
    %dma_wait3A_1309 = arith.constant 0 : i32
    %dma_wait3A_1310 = arith.constant 0 : i32
    %dma_wait3A_1311 = tpu.memref_slice %arg9[%dma_wait3A_1308, %dma_wait3A_1309, %dma_wait3A_1310] : memref<4x64x128xf32, #tpu.memory_space<vmem>> -> memref<1x64x128xf32, #tpu.memory_space<vmem>>
    %dma_wait3A_1312 = tpu.memref_squeeze %dma_wait3A_1311 : memref<1x64x128xf32, #tpu.memory_space<vmem>> -> memref<64x128xf32, #tpu.memory_space<vmem>>
    %dma_wait3A_1313 = arith.constant 0 : i32
    %dma_wait3A_1314 = tpu.memref_slice %arg7[%dma_wait3A_1307, %dma_wait3A_1313] : memref<40x64xi32, #tpu.memory_space<vmem>> -> memref<1x64xi32, #tpu.memory_space<vmem>>
    %dma_wait3A_1315 = tpu.memref_squeeze %dma_wait3A_1314 : memref<1x64xi32, #tpu.memory_space<vmem>> -> memref<64xi32, #tpu.memory_space<vmem>>
    %dma_wait3A_1316 = arith.constant 0 : i32
    %dma_wait3A_1317 = arith.constant 0 : i32
    %dma_wait3A_1318 = tpu.memref_slice %arg2[%dma_wait3A_1316, %dma_wait3A_1317] : memref<20000x128xf32, #tpu.memory_space<hbm>> -> memref<20000x128xf32, #tpu.memory_space<hbm>>
    tpu.wait_indirect_dma semaphore(%arg13 : memref<!tpu.dma_semaphore, #tpu.memory_space<semaphore_mem>>) src(%dma_wait3A_1318 : memref<20000x128xf32, #tpu.memory_space<hbm>>) dst(%dma_wait3A_1312 : memref<64x128xf32, #tpu.memory_space<vmem>>)
    %dma_start3A_1319 = arith.constant 2 : i32
    %dma_start3A_1320 = arith.constant 2 : i32
    %dma_start3A_1321 = arith.constant 0 : i32
    %dma_start3A_1322 = arith.constant 0 : i32
    %dma_start3A_1323 = tpu.memref_slice %arg9[%dma_start3A_1319, %dma_start3A_1321, %dma_start3A_1322] : memref<4x64x128xf32, #tpu.memory_space<vmem>> -> memref<1x64x128xf32, #tpu.memory_space<vmem>>
    %dma_start3A_1324 = tpu.memref_squeeze %dma_start3A_1323 : memref<1x64x128xf32, #tpu.memory_space<vmem>> -> memref<64x128xf32, #tpu.memory_space<vmem>>
    %dma_start3A_1325 = arith.constant 0 : i32
    %dma_start3A_1326 = tpu.memref_slice %arg8[%dma_start3A_1320, %dma_start3A_1325] : memref<40x64xi32, #tpu.memory_space<vmem>> -> memref<1x64xi32, #tpu.memory_space<vmem>>
    %dma_start3A_1327 = tpu.memref_squeeze %dma_start3A_1326 : memref<1x64xi32, #tpu.memory_space<vmem>> -> memref<64xi32, #tpu.memory_space<vmem>>
    %dma_start3A_1328 = arith.constant 0 : i32
    %dma_start3A_1329 = arith.constant 0 : i32
    %dma_start3A_1330 = tpu.memref_slice %arg10[%dma_start3A_1328, %dma_start3A_1329] : memref<10008x128xf32, #tpu.memory_space<vmem_shared>> -> memref<10008x128xf32, #tpu.memory_space<vmem_shared>>
    tpu.enqueue_indirect_dma source(%dma_start3A_1324 : memref<64x128xf32, #tpu.memory_space<vmem>>) target(%dma_start3A_1330 : memref<10008x128xf32, #tpu.memory_space<vmem_shared>>) offsets(%dma_start3A_1327 : memref<64xi32, #tpu.memory_space<vmem>>) semaphore(%arg17 : memref<!tpu.dma_semaphore, #tpu.memory_space<semaphore_mem>>) {add = true}
    %dma_wait3A_1331 = arith.constant 1 : i32
    %dma_wait3A_1332 = arith.constant 0 : i32
    %dma_wait3A_1333 = arith.constant 0 : i32
    %dma_wait3A_1334 = arith.constant 0 : i32
    %dma_wait3A_1335 = tpu.memref_slice %arg9[%dma_wait3A_1331, %dma_wait3A_1333, %dma_wait3A_1334] : memref<4x64x128xf32, #tpu.memory_space<vmem>> -> memref<1x64x128xf32, #tpu.memory_space<vmem>>
    %dma_wait3A_1336 = tpu.memref_squeeze %dma_wait3A_1335 : memref<1x64x128xf32, #tpu.memory_space<vmem>> -> memref<64x128xf32, #tpu.memory_space<vmem>>
    %dma_wait3A_1337 = arith.constant 0 : i32
    %dma_wait3A_1338 = tpu.memref_slice %arg8[%dma_wait3A_1332, %dma_wait3A_1337] : memref<40x64xi32, #tpu.memory_space<vmem>> -> memref<1x64xi32, #tpu.memory_space<vmem>>
    %dma_wait3A_1339 = tpu.memref_squeeze %dma_wait3A_1338 : memref<1x64xi32, #tpu.memory_space<vmem>> -> memref<64xi32, #tpu.memory_space<vmem>>
    %dma_wait3A_1340 = arith.constant 0 : i32
    %dma_wait3A_1341 = arith.constant 0 : i32
    %dma_wait3A_1342 = tpu.memref_slice %arg10[%dma_wait3A_1340, %dma_wait3A_1341] : memref<10008x128xf32, #tpu.memory_space<vmem_shared>> -> memref<10008x128xf32, #tpu.memory_space<vmem_shared>>
    tpu.wait_indirect_dma semaphore(%arg16 : memref<!tpu.dma_semaphore, #tpu.memory_space<semaphore_mem>>) src(%dma_wait3A_1336 : memref<64x128xf32, #tpu.memory_space<vmem>>) dst(%dma_wait3A_1342 : memref<10008x128xf32, #tpu.memory_space<vmem_shared>>)
    %dma_start3A_1343 = arith.constant 5 : i32
    %dma_start3A_1344 = arith.constant 1 : i32
    %dma_start3A_1345 = arith.constant 0 : i32
    %dma_start3A_1346 = arith.constant 0 : i32
    %dma_start3A_1347 = tpu.memref_slice %arg9[%dma_start3A_1344, %dma_start3A_1345, %dma_start3A_1346] : memref<4x64x128xf32, #tpu.memory_space<vmem>> -> memref<1x64x128xf32, #tpu.memory_space<vmem>>
    %dma_start3A_1348 = tpu.memref_squeeze %dma_start3A_1347 : memref<1x64x128xf32, #tpu.memory_space<vmem>> -> memref<64x128xf32, #tpu.memory_space<vmem>>
    %dma_start3A_1349 = arith.constant 0 : i32
    %dma_start3A_1350 = tpu.memref_slice %arg7[%dma_start3A_1343, %dma_start3A_1349] : memref<40x64xi32, #tpu.memory_space<vmem>> -> memref<1x64xi32, #tpu.memory_space<vmem>>
    %dma_start3A_1351 = tpu.memref_squeeze %dma_start3A_1350 : memref<1x64xi32, #tpu.memory_space<vmem>> -> memref<64xi32, #tpu.memory_space<vmem>>
    %dma_start3A_1352 = arith.constant 0 : i32
    %dma_start3A_1353 = arith.constant 0 : i32
    %dma_start3A_1354 = tpu.memref_slice %arg2[%dma_start3A_1352, %dma_start3A_1353] : memref<20000x128xf32, #tpu.memory_space<hbm>> -> memref<20000x128xf32, #tpu.memory_space<hbm>>
    tpu.enqueue_indirect_dma source(%dma_start3A_1354 : memref<20000x128xf32, #tpu.memory_space<hbm>>) target(%dma_start3A_1348 : memref<64x128xf32, #tpu.memory_space<vmem>>) offsets(%dma_start3A_1351 : memref<64xi32, #tpu.memory_space<vmem>>) semaphore(%arg12 : memref<!tpu.dma_semaphore, #tpu.memory_space<semaphore_mem>>)
    %dma_wait3A_1355 = arith.constant 0 : i32
    %dma_wait3A_1356 = arith.constant 3 : i32
    %dma_wait3A_1357 = arith.constant 0 : i32
    %dma_wait3A_1358 = arith.constant 0 : i32
    %dma_wait3A_1359 = tpu.memref_slice %arg9[%dma_wait3A_1356, %dma_wait3A_1357, %dma_wait3A_1358] : memref<4x64x128xf32, #tpu.memory_space<vmem>> -> memref<1x64x128xf32, #tpu.memory_space<vmem>>
    %dma_wait3A_1360 = tpu.memref_squeeze %dma_wait3A_1359 : memref<1x64x128xf32, #tpu.memory_space<vmem>> -> memref<64x128xf32, #tpu.memory_space<vmem>>
    %dma_wait3A_1361 = arith.constant 0 : i32
    %dma_wait3A_1362 = tpu.memref_slice %arg7[%dma_wait3A_1355, %dma_wait3A_1361] : memref<40x64xi32, #tpu.memory_space<vmem>> -> memref<1x64xi32, #tpu.memory_space<vmem>>
    %dma_wait3A_1363 = tpu.memref_squeeze %dma_wait3A_1362 : memref<1x64xi32, #tpu.memory_space<vmem>> -> memref<64xi32, #tpu.memory_space<vmem>>
    %dma_wait3A_1364 = arith.constant 0 : i32
    %dma_wait3A_1365 = arith.constant 0 : i32
    %dma_wait3A_1366 = tpu.memref_slice %arg2[%dma_wait3A_1364, %dma_wait3A_1365] : memref<20000x128xf32, #tpu.memory_space<hbm>> -> memref<20000x128xf32, #tpu.memory_space<hbm>>
    tpu.wait_indirect_dma semaphore(%arg14 : memref<!tpu.dma_semaphore, #tpu.memory_space<semaphore_mem>>) src(%dma_wait3A_1366 : memref<20000x128xf32, #tpu.memory_space<hbm>>) dst(%dma_wait3A_1360 : memref<64x128xf32, #tpu.memory_space<vmem>>)
    %dma_start3A_1367 = arith.constant 3 : i32
    %dma_start3A_1368 = arith.constant 3 : i32
    %dma_start3A_1369 = arith.constant 0 : i32
    %dma_start3A_1370 = arith.constant 0 : i32
    %dma_start3A_1371 = tpu.memref_slice %arg9[%dma_start3A_1367, %dma_start3A_1369, %dma_start3A_1370] : memref<4x64x128xf32, #tpu.memory_space<vmem>> -> memref<1x64x128xf32, #tpu.memory_space<vmem>>
    %dma_start3A_1372 = tpu.memref_squeeze %dma_start3A_1371 : memref<1x64x128xf32, #tpu.memory_space<vmem>> -> memref<64x128xf32, #tpu.memory_space<vmem>>
    %dma_start3A_1373 = arith.constant 0 : i32
    %dma_start3A_1374 = tpu.memref_slice %arg8[%dma_start3A_1368, %dma_start3A_1373] : memref<40x64xi32, #tpu.memory_space<vmem>> -> memref<1x64xi32, #tpu.memory_space<vmem>>
    %dma_start3A_1375 = tpu.memref_squeeze %dma_start3A_1374 : memref<1x64xi32, #tpu.memory_space<vmem>> -> memref<64xi32, #tpu.memory_space<vmem>>
    %dma_start3A_1376 = arith.constant 0 : i32
    %dma_start3A_1377 = arith.constant 0 : i32
    %dma_start3A_1378 = tpu.memref_slice %arg10[%dma_start3A_1376, %dma_start3A_1377] : memref<10008x128xf32, #tpu.memory_space<vmem_shared>> -> memref<10008x128xf32, #tpu.memory_space<vmem_shared>>
    tpu.enqueue_indirect_dma source(%dma_start3A_1372 : memref<64x128xf32, #tpu.memory_space<vmem>>) target(%dma_start3A_1378 : memref<10008x128xf32, #tpu.memory_space<vmem_shared>>) offsets(%dma_start3A_1375 : memref<64xi32, #tpu.memory_space<vmem>>) semaphore(%arg18 : memref<!tpu.dma_semaphore, #tpu.memory_space<semaphore_mem>>) {add = true}
    %dma_wait3A_1379 = arith.constant 2 : i32
    %dma_wait3A_1380 = arith.constant 0 : i32
    %dma_wait3A_1381 = arith.constant 0 : i32
    %dma_wait3A_1382 = arith.constant 0 : i32
    %dma_wait3A_1383 = tpu.memref_slice %arg9[%dma_wait3A_1379, %dma_wait3A_1381, %dma_wait3A_1382] : memref<4x64x128xf32, #tpu.memory_space<vmem>> -> memref<1x64x128xf32, #tpu.memory_space<vmem>>
    %dma_wait3A_1384 = tpu.memref_squeeze %dma_wait3A_1383 : memref<1x64x128xf32, #tpu.memory_space<vmem>> -> memref<64x128xf32, #tpu.memory_space<vmem>>
    %dma_wait3A_1385 = arith.constant 0 : i32
    %dma_wait3A_1386 = tpu.memref_slice %arg8[%dma_wait3A_1380, %dma_wait3A_1385] : memref<40x64xi32, #tpu.memory_space<vmem>> -> memref<1x64xi32, #tpu.memory_space<vmem>>
    %dma_wait3A_1387 = tpu.memref_squeeze %dma_wait3A_1386 : memref<1x64xi32, #tpu.memory_space<vmem>> -> memref<64xi32, #tpu.memory_space<vmem>>
    %dma_wait3A_1388 = arith.constant 0 : i32
    %dma_wait3A_1389 = arith.constant 0 : i32
    %dma_wait3A_1390 = tpu.memref_slice %arg10[%dma_wait3A_1388, %dma_wait3A_1389] : memref<10008x128xf32, #tpu.memory_space<vmem_shared>> -> memref<10008x128xf32, #tpu.memory_space<vmem_shared>>
    tpu.wait_indirect_dma semaphore(%arg17 : memref<!tpu.dma_semaphore, #tpu.memory_space<semaphore_mem>>) src(%dma_wait3A_1384 : memref<64x128xf32, #tpu.memory_space<vmem>>) dst(%dma_wait3A_1390 : memref<10008x128xf32, #tpu.memory_space<vmem_shared>>)
    %dma_start3A_1391 = arith.constant 6 : i32
    %dma_start3A_1392 = arith.constant 2 : i32
    %dma_start3A_1393 = arith.constant 0 : i32
    %dma_start3A_1394 = arith.constant 0 : i32
    %dma_start3A_1395 = tpu.memref_slice %arg9[%dma_start3A_1392, %dma_start3A_1393, %dma_start3A_1394] : memref<4x64x128xf32, #tpu.memory_space<vmem>> -> memref<1x64x128xf32, #tpu.memory_space<vmem>>
    %dma_start3A_1396 = tpu.memref_squeeze %dma_start3A_1395 : memref<1x64x128xf32, #tpu.memory_space<vmem>> -> memref<64x128xf32, #tpu.memory_space<vmem>>
    %dma_start3A_1397 = arith.constant 0 : i32
    %dma_start3A_1398 = tpu.memref_slice %arg7[%dma_start3A_1391, %dma_start3A_1397] : memref<40x64xi32, #tpu.memory_space<vmem>> -> memref<1x64xi32, #tpu.memory_space<vmem>>
    %dma_start3A_1399 = tpu.memref_squeeze %dma_start3A_1398 : memref<1x64xi32, #tpu.memory_space<vmem>> -> memref<64xi32, #tpu.memory_space<vmem>>
    %dma_start3A_1400 = arith.constant 0 : i32
    %dma_start3A_1401 = arith.constant 0 : i32
    %dma_start3A_1402 = tpu.memref_slice %arg2[%dma_start3A_1400, %dma_start3A_1401] : memref<20000x128xf32, #tpu.memory_space<hbm>> -> memref<20000x128xf32, #tpu.memory_space<hbm>>
    tpu.enqueue_indirect_dma source(%dma_start3A_1402 : memref<20000x128xf32, #tpu.memory_space<hbm>>) target(%dma_start3A_1396 : memref<64x128xf32, #tpu.memory_space<vmem>>) offsets(%dma_start3A_1399 : memref<64xi32, #tpu.memory_space<vmem>>) semaphore(%arg13 : memref<!tpu.dma_semaphore, #tpu.memory_space<semaphore_mem>>)
    %scan3A_1403 = arith.constant 0 : i32
    %scan3A_1404 = arith.constant 1 : i32
    %scan3A_1405 = arith.constant 8 : i32
    %scan3A_1406 = arith.addi %scan3A_1404, %scan3A_1405 : i32
    %scan3A_1407 = arith.constant 1 : i32
    scf.for %scan3A_1583 = %scan3A_1404 to %scan3A_1406 step %scan3A_1407  : i32 {
      %mul3A_1584 = arith.constant 4 : i32
      %mul3A_1585 = arith.muli %scan3A_1583, %mul3A_1584 : i32
      %add3A_1586 = arith.constant 0 : i32
      %add3A_1587 = arith.addi %mul3A_1585, %add3A_1586 : i32
      %dma_wait3A_1588 = arith.constant 0 : i32
      %dma_wait3A_1589 = arith.constant 0 : i32
      %dma_wait3A_1590 = arith.constant 0 : i32
      %dma_wait3A_1591 = arith.constant 0 : i32
      %dma_wait3A_1592 = tpu.memref_slice %arg9[%dma_wait3A_1589, %dma_wait3A_1590, %dma_wait3A_1591] : memref<4x64x128xf32, #tpu.memory_space<vmem>> -> memref<1x64x128xf32, #tpu.memory_space<vmem>>
      %dma_wait3A_1593 = tpu.memref_squeeze %dma_wait3A_1592 : memref<1x64x128xf32, #tpu.memory_space<vmem>> -> memref<64x128xf32, #tpu.memory_space<vmem>>
      %dma_wait3A_1594 = arith.constant 0 : i32
      %dma_wait3A_1595 = tpu.memref_slice %arg7[%dma_wait3A_1588, %dma_wait3A_1594] : memref<40x64xi32, #tpu.memory_space<vmem>> -> memref<1x64xi32, #tpu.memory_space<vmem>>
      %dma_wait3A_1596 = tpu.memref_squeeze %dma_wait3A_1595 : memref<1x64xi32, #tpu.memory_space<vmem>> -> memref<64xi32, #tpu.memory_space<vmem>>
      %dma_wait3A_1597 = arith.constant 0 : i32
      %dma_wait3A_1598 = arith.constant 0 : i32
      %dma_wait3A_1599 = tpu.memref_slice %arg2[%dma_wait3A_1597, %dma_wait3A_1598] : memref<20000x128xf32, #tpu.memory_space<hbm>> -> memref<20000x128xf32, #tpu.memory_space<hbm>>
      tpu.wait_indirect_dma semaphore(%arg11 : memref<!tpu.dma_semaphore, #tpu.memory_space<semaphore_mem>>) src(%dma_wait3A_1599 : memref<20000x128xf32, #tpu.memory_space<hbm>>) dst(%dma_wait3A_1593 : memref<64x128xf32, #tpu.memory_space<vmem>>)
      %dma_start3A_1600 = arith.constant 0 : i32
      %dma_start3A_1601 = arith.constant 0 : i32
      %dma_start3A_1602 = arith.constant 0 : i32
      %dma_start3A_1603 = tpu.memref_slice %arg9[%dma_start3A_1600, %dma_start3A_1601, %dma_start3A_1602] : memref<4x64x128xf32, #tpu.memory_space<vmem>> -> memref<1x64x128xf32, #tpu.memory_space<vmem>>
      %dma_start3A_1604 = tpu.memref_squeeze %dma_start3A_1603 : memref<1x64x128xf32, #tpu.memory_space<vmem>> -> memref<64x128xf32, #tpu.memory_space<vmem>>
      %dma_start3A_1605 = arith.constant 0 : i32
      %dma_start3A_1606 = tpu.memref_slice %arg8[%add3A_1587, %dma_start3A_1605] : memref<40x64xi32, #tpu.memory_space<vmem>> -> memref<1x64xi32, #tpu.memory_space<vmem>>
      %dma_start3A_1607 = tpu.memref_squeeze %dma_start3A_1606 : memref<1x64xi32, #tpu.memory_space<vmem>> -> memref<64xi32, #tpu.memory_space<vmem>>
      %dma_start3A_1608 = arith.constant 0 : i32
      %dma_start3A_1609 = arith.constant 0 : i32
      %dma_start3A_1610 = tpu.memref_slice %arg10[%dma_start3A_1608, %dma_start3A_1609] : memref<10008x128xf32, #tpu.memory_space<vmem_shared>> -> memref<10008x128xf32, #tpu.memory_space<vmem_shared>>
      tpu.enqueue_indirect_dma source(%dma_start3A_1604 : memref<64x128xf32, #tpu.memory_space<vmem>>) target(%dma_start3A_1610 : memref<10008x128xf32, #tpu.memory_space<vmem_shared>>) offsets(%dma_start3A_1607 : memref<64xi32, #tpu.memory_space<vmem>>) semaphore(%arg15 : memref<!tpu.dma_semaphore, #tpu.memory_space<semaphore_mem>>) {add = true}
      %dma_wait3A_1611 = arith.constant 3 : i32
      %dma_wait3A_1612 = arith.constant 0 : i32
      %dma_wait3A_1613 = arith.constant 0 : i32
      %dma_wait3A_1614 = arith.constant 0 : i32
      %dma_wait3A_1615 = tpu.memref_slice %arg9[%dma_wait3A_1611, %dma_wait3A_1613, %dma_wait3A_1614] : memref<4x64x128xf32, #tpu.memory_space<vmem>> -> memref<1x64x128xf32, #tpu.memory_space<vmem>>
      %dma_wait3A_1616 = tpu.memref_squeeze %dma_wait3A_1615 : memref<1x64x128xf32, #tpu.memory_space<vmem>> -> memref<64x128xf32, #tpu.memory_space<vmem>>
      %dma_wait3A_1617 = arith.constant 0 : i32
      %dma_wait3A_1618 = tpu.memref_slice %arg8[%dma_wait3A_1612, %dma_wait3A_1617] : memref<40x64xi32, #tpu.memory_space<vmem>> -> memref<1x64xi32, #tpu.memory_space<vmem>>
      %dma_wait3A_1619 = tpu.memref_squeeze %dma_wait3A_1618 : memref<1x64xi32, #tpu.memory_space<vmem>> -> memref<64xi32, #tpu.memory_space<vmem>>
      %dma_wait3A_1620 = arith.constant 0 : i32
      %dma_wait3A_1621 = arith.constant 0 : i32
      %dma_wait3A_1622 = tpu.memref_slice %arg10[%dma_wait3A_1620, %dma_wait3A_1621] : memref<10008x128xf32, #tpu.memory_space<vmem_shared>> -> memref<10008x128xf32, #tpu.memory_space<vmem_shared>>
      tpu.wait_indirect_dma semaphore(%arg18 : memref<!tpu.dma_semaphore, #tpu.memory_space<semaphore_mem>>) src(%dma_wait3A_1616 : memref<64x128xf32, #tpu.memory_space<vmem>>) dst(%dma_wait3A_1622 : memref<10008x128xf32, #tpu.memory_space<vmem_shared>>)
      %add3A_1623 = arith.constant 3 : i32
      %add3A_1624 = arith.addi %add3A_1587, %add3A_1623 : i32
      %dma_start3A_1625 = arith.constant 3 : i32
      %dma_start3A_1626 = arith.constant 0 : i32
      %dma_start3A_1627 = arith.constant 0 : i32
      %dma_start3A_1628 = tpu.memref_slice %arg9[%dma_start3A_1625, %dma_start3A_1626, %dma_start3A_1627] : memref<4x64x128xf32, #tpu.memory_space<vmem>> -> memref<1x64x128xf32, #tpu.memory_space<vmem>>
      %dma_start3A_1629 = tpu.memref_squeeze %dma_start3A_1628 : memref<1x64x128xf32, #tpu.memory_space<vmem>> -> memref<64x128xf32, #tpu.memory_space<vmem>>
      %dma_start3A_1630 = arith.constant 0 : i32
      %dma_start3A_1631 = tpu.memref_slice %arg7[%add3A_1624, %dma_start3A_1630] : memref<40x64xi32, #tpu.memory_space<vmem>> -> memref<1x64xi32, #tpu.memory_space<vmem>>
      %dma_start3A_1632 = tpu.memref_squeeze %dma_start3A_1631 : memref<1x64xi32, #tpu.memory_space<vmem>> -> memref<64xi32, #tpu.memory_space<vmem>>
      %dma_start3A_1633 = arith.constant 0 : i32
      %dma_start3A_1634 = arith.constant 0 : i32
      %dma_start3A_1635 = tpu.memref_slice %arg2[%dma_start3A_1633, %dma_start3A_1634] : memref<20000x128xf32, #tpu.memory_space<hbm>> -> memref<20000x128xf32, #tpu.memory_space<hbm>>
      tpu.enqueue_indirect_dma source(%dma_start3A_1635 : memref<20000x128xf32, #tpu.memory_space<hbm>>) target(%dma_start3A_1629 : memref<64x128xf32, #tpu.memory_space<vmem>>) offsets(%dma_start3A_1632 : memref<64xi32, #tpu.memory_space<vmem>>) semaphore(%arg14 : memref<!tpu.dma_semaphore, #tpu.memory_space<semaphore_mem>>)
      %mul3A_1636 = arith.constant 4 : i32
      %mul3A_1637 = arith.muli %scan3A_1583, %mul3A_1636 : i32
      %add3A_1638 = arith.constant 1 : i32
      %add3A_1639 = arith.addi %mul3A_1637, %add3A_1638 : i32
      %dma_wait3A_1640 = arith.constant 0 : i32
      %dma_wait3A_1641 = arith.constant 1 : i32
      %dma_wait3A_1642 = arith.constant 0 : i32
      %dma_wait3A_1643 = arith.constant 0 : i32
      %dma_wait3A_1644 = tpu.memref_slice %arg9[%dma_wait3A_1641, %dma_wait3A_1642, %dma_wait3A_1643] : memref<4x64x128xf32, #tpu.memory_space<vmem>> -> memref<1x64x128xf32, #tpu.memory_space<vmem>>
      %dma_wait3A_1645 = tpu.memref_squeeze %dma_wait3A_1644 : memref<1x64x128xf32, #tpu.memory_space<vmem>> -> memref<64x128xf32, #tpu.memory_space<vmem>>
      %dma_wait3A_1646 = arith.constant 0 : i32
      %dma_wait3A_1647 = tpu.memref_slice %arg7[%dma_wait3A_1640, %dma_wait3A_1646] : memref<40x64xi32, #tpu.memory_space<vmem>> -> memref<1x64xi32, #tpu.memory_space<vmem>>
      %dma_wait3A_1648 = tpu.memref_squeeze %dma_wait3A_1647 : memref<1x64xi32, #tpu.memory_space<vmem>> -> memref<64xi32, #tpu.memory_space<vmem>>
      %dma_wait3A_1649 = arith.constant 0 : i32
      %dma_wait3A_1650 = arith.constant 0 : i32
      %dma_wait3A_1651 = tpu.memref_slice %arg2[%dma_wait3A_1649, %dma_wait3A_1650] : memref<20000x128xf32, #tpu.memory_space<hbm>> -> memref<20000x128xf32, #tpu.memory_space<hbm>>
      tpu.wait_indirect_dma semaphore(%arg12 : memref<!tpu.dma_semaphore, #tpu.memory_space<semaphore_mem>>) src(%dma_wait3A_1651 : memref<20000x128xf32, #tpu.memory_space<hbm>>) dst(%dma_wait3A_1645 : memref<64x128xf32, #tpu.memory_space<vmem>>)
      %dma_start3A_1652 = arith.constant 1 : i32
      %dma_start3A_1653 = arith.constant 0 : i32
      %dma_start3A_1654 = arith.constant 0 : i32
      %dma_start3A_1655 = tpu.memref_slice %arg9[%dma_start3A_1652, %dma_start3A_1653, %dma_start3A_1654] : memref<4x64x128xf32, #tpu.memory_space<vmem>> -> memref<1x64x128xf32, #tpu.memory_space<vmem>>
      %dma_start3A_1656 = tpu.memref_squeeze %dma_start3A_1655 : memref<1x64x128xf32, #tpu.memory_space<vmem>> -> memref<64x128xf32, #tpu.memory_space<vmem>>
      %dma_start3A_1657 = arith.constant 0 : i32
      %dma_start3A_1658 = tpu.memref_slice %arg8[%add3A_1639, %dma_start3A_1657] : memref<40x64xi32, #tpu.memory_space<vmem>> -> memref<1x64xi32, #tpu.memory_space<vmem>>
      %dma_start3A_1659 = tpu.memref_squeeze %dma_start3A_1658 : memref<1x64xi32, #tpu.memory_space<vmem>> -> memref<64xi32, #tpu.memory_space<vmem>>
      %dma_start3A_1660 = arith.constant 0 : i32
      %dma_start3A_1661 = arith.constant 0 : i32
      %dma_start3A_1662 = tpu.memref_slice %arg10[%dma_start3A_1660, %dma_start3A_1661] : memref<10008x128xf32, #tpu.memory_space<vmem_shared>> -> memref<10008x128xf32, #tpu.memory_space<vmem_shared>>
      tpu.enqueue_indirect_dma source(%dma_start3A_1656 : memref<64x128xf32, #tpu.memory_space<vmem>>) target(%dma_start3A_1662 : memref<10008x128xf32, #tpu.memory_space<vmem_shared>>) offsets(%dma_start3A_1659 : memref<64xi32, #tpu.memory_space<vmem>>) semaphore(%arg16 : memref<!tpu.dma_semaphore, #tpu.memory_space<semaphore_mem>>) {add = true}
      %dma_wait3A_1663 = arith.constant 0 : i32
      %dma_wait3A_1664 = arith.constant 0 : i32
      %dma_wait3A_1665 = arith.constant 0 : i32
      %dma_wait3A_1666 = arith.constant 0 : i32
      %dma_wait3A_1667 = tpu.memref_slice %arg9[%dma_wait3A_1663, %dma_wait3A_1665, %dma_wait3A_1666] : memref<4x64x128xf32, #tpu.memory_space<vmem>> -> memref<1x64x128xf32, #tpu.memory_space<vmem>>
      %dma_wait3A_1668 = tpu.memref_squeeze %dma_wait3A_1667 : memref<1x64x128xf32, #tpu.memory_space<vmem>> -> memref<64x128xf32, #tpu.memory_space<vmem>>
      %dma_wait3A_1669 = arith.constant 0 : i32
      %dma_wait3A_1670 = tpu.memref_slice %arg8[%dma_wait3A_1664, %dma_wait3A_1669] : memref<40x64xi32, #tpu.memory_space<vmem>> -> memref<1x64xi32, #tpu.memory_space<vmem>>
      %dma_wait3A_1671 = tpu.memref_squeeze %dma_wait3A_1670 : memref<1x64xi32, #tpu.memory_space<vmem>> -> memref<64xi32, #tpu.memory_space<vmem>>
      %dma_wait3A_1672 = arith.constant 0 : i32
      %dma_wait3A_1673 = arith.constant 0 : i32
      %dma_wait3A_1674 = tpu.memref_slice %arg10[%dma_wait3A_1672, %dma_wait3A_1673] : memref<10008x128xf32, #tpu.memory_space<vmem_shared>> -> memref<10008x128xf32, #tpu.memory_space<vmem_shared>>
      tpu.wait_indirect_dma semaphore(%arg15 : memref<!tpu.dma_semaphore, #tpu.memory_space<semaphore_mem>>) src(%dma_wait3A_1668 : memref<64x128xf32, #tpu.memory_space<vmem>>) dst(%dma_wait3A_1674 : memref<10008x128xf32, #tpu.memory_space<vmem_shared>>)
      %add3A_1675 = arith.constant 3 : i32
      %add3A_1676 = arith.addi %add3A_1639, %add3A_1675 : i32
      %dma_start3A_1677 = arith.constant 0 : i32
      %dma_start3A_1678 = arith.constant 0 : i32
      %dma_start3A_1679 = arith.constant 0 : i32
      %dma_start3A_1680 = tpu.memref_slice %arg9[%dma_start3A_1677, %dma_start3A_1678, %dma_start3A_1679] : memref<4x64x128xf32, #tpu.memory_space<vmem>> -> memref<1x64x128xf32, #tpu.memory_space<vmem>>
      %dma_start3A_1681 = tpu.memref_squeeze %dma_start3A_1680 : memref<1x64x128xf32, #tpu.memory_space<vmem>> -> memref<64x128xf32, #tpu.memory_space<vmem>>
      %dma_start3A_1682 = arith.constant 0 : i32
      %dma_start3A_1683 = tpu.memref_slice %arg7[%add3A_1676, %dma_start3A_1682] : memref<40x64xi32, #tpu.memory_space<vmem>> -> memref<1x64xi32, #tpu.memory_space<vmem>>
      %dma_start3A_1684 = tpu.memref_squeeze %dma_start3A_1683 : memref<1x64xi32, #tpu.memory_space<vmem>> -> memref<64xi32, #tpu.memory_space<vmem>>
      %dma_start3A_1685 = arith.constant 0 : i32
      %dma_start3A_1686 = arith.constant 0 : i32
      %dma_start3A_1687 = tpu.memref_slice %arg2[%dma_start3A_1685, %dma_start3A_1686] : memref<20000x128xf32, #tpu.memory_space<hbm>> -> memref<20000x128xf32, #tpu.memory_space<hbm>>
      tpu.enqueue_indirect_dma source(%dma_start3A_1687 : memref<20000x128xf32, #tpu.memory_space<hbm>>) target(%dma_start3A_1681 : memref<64x128xf32, #tpu.memory_space<vmem>>) offsets(%dma_start3A_1684 : memref<64xi32, #tpu.memory_space<vmem>>) semaphore(%arg11 : memref<!tpu.dma_semaphore, #tpu.memory_space<semaphore_mem>>)
      %mul3A_1688 = arith.constant 4 : i32
      %mul3A_1689 = arith.muli %scan3A_1583, %mul3A_1688 : i32
      %add3A_1690 = arith.constant 2 : i32
      %add3A_1691 = arith.addi %mul3A_1689, %add3A_1690 : i32
      %dma_wait3A_1692 = arith.constant 0 : i32
      %dma_wait3A_1693 = arith.constant 2 : i32
      %dma_wait3A_1694 = arith.constant 0 : i32
      %dma_wait3A_1695 = arith.constant 0 : i32
      %dma_wait3A_1696 = tpu.memref_slice %arg9[%dma_wait3A_1693, %dma_wait3A_1694, %dma_wait3A_1695] : memref<4x64x128xf32, #tpu.memory_space<vmem>> -> memref<1x64x128xf32, #tpu.memory_space<vmem>>
      %dma_wait3A_1697 = tpu.memref_squeeze %dma_wait3A_1696 : memref<1x64x128xf32, #tpu.memory_space<vmem>> -> memref<64x128xf32, #tpu.memory_space<vmem>>
      %dma_wait3A_1698 = arith.constant 0 : i32
      %dma_wait3A_1699 = tpu.memref_slice %arg7[%dma_wait3A_1692, %dma_wait3A_1698] : memref<40x64xi32, #tpu.memory_space<vmem>> -> memref<1x64xi32, #tpu.memory_space<vmem>>
      %dma_wait3A_1700 = tpu.memref_squeeze %dma_wait3A_1699 : memref<1x64xi32, #tpu.memory_space<vmem>> -> memref<64xi32, #tpu.memory_space<vmem>>
      %dma_wait3A_1701 = arith.constant 0 : i32
      %dma_wait3A_1702 = arith.constant 0 : i32
      %dma_wait3A_1703 = tpu.memref_slice %arg2[%dma_wait3A_1701, %dma_wait3A_1702] : memref<20000x128xf32, #tpu.memory_space<hbm>> -> memref<20000x128xf32, #tpu.memory_space<hbm>>
      tpu.wait_indirect_dma semaphore(%arg13 : memref<!tpu.dma_semaphore, #tpu.memory_space<semaphore_mem>>) src(%dma_wait3A_1703 : memref<20000x128xf32, #tpu.memory_space<hbm>>) dst(%dma_wait3A_1697 : memref<64x128xf32, #tpu.memory_space<vmem>>)
      %dma_start3A_1704 = arith.constant 2 : i32
      %dma_start3A_1705 = arith.constant 0 : i32
      %dma_start3A_1706 = arith.constant 0 : i32
      %dma_start3A_1707 = tpu.memref_slice %arg9[%dma_start3A_1704, %dma_start3A_1705, %dma_start3A_1706] : memref<4x64x128xf32, #tpu.memory_space<vmem>> -> memref<1x64x128xf32, #tpu.memory_space<vmem>>
      %dma_start3A_1708 = tpu.memref_squeeze %dma_start3A_1707 : memref<1x64x128xf32, #tpu.memory_space<vmem>> -> memref<64x128xf32, #tpu.memory_space<vmem>>
      %dma_start3A_1709 = arith.constant 0 : i32
      %dma_start3A_1710 = tpu.memref_slice %arg8[%add3A_1691, %dma_start3A_1709] : memref<40x64xi32, #tpu.memory_space<vmem>> -> memref<1x64xi32, #tpu.memory_space<vmem>>
      %dma_start3A_1711 = tpu.memref_squeeze %dma_start3A_1710 : memref<1x64xi32, #tpu.memory_space<vmem>> -> memref<64xi32, #tpu.memory_space<vmem>>
      %dma_start3A_1712 = arith.constant 0 : i32
      %dma_start3A_1713 = arith.constant 0 : i32
      %dma_start3A_1714 = tpu.memref_slice %arg10[%dma_start3A_1712, %dma_start3A_1713] : memref<10008x128xf32, #tpu.memory_space<vmem_shared>> -> memref<10008x128xf32, #tpu.memory_space<vmem_shared>>
      tpu.enqueue_indirect_dma source(%dma_start3A_1708 : memref<64x128xf32, #tpu.memory_space<vmem>>) target(%dma_start3A_1714 : memref<10008x128xf32, #tpu.memory_space<vmem_shared>>) offsets(%dma_start3A_1711 : memref<64xi32, #tpu.memory_space<vmem>>) semaphore(%arg17 : memref<!tpu.dma_semaphore, #tpu.memory_space<semaphore_mem>>) {add = true}
      %dma_wait3A_1715 = arith.constant 1 : i32
      %dma_wait3A_1716 = arith.constant 0 : i32
      %dma_wait3A_1717 = arith.constant 0 : i32
      %dma_wait3A_1718 = arith.constant 0 : i32
      %dma_wait3A_1719 = tpu.memref_slice %arg9[%dma_wait3A_1715, %dma_wait3A_1717, %dma_wait3A_1718] : memref<4x64x128xf32, #tpu.memory_space<vmem>> -> memref<1x64x128xf32, #tpu.memory_space<vmem>>
      %dma_wait3A_1720 = tpu.memref_squeeze %dma_wait3A_1719 : memref<1x64x128xf32, #tpu.memory_space<vmem>> -> memref<64x128xf32, #tpu.memory_space<vmem>>
      %dma_wait3A_1721 = arith.constant 0 : i32
      %dma_wait3A_1722 = tpu.memref_slice %arg8[%dma_wait3A_1716, %dma_wait3A_1721] : memref<40x64xi32, #tpu.memory_space<vmem>> -> memref<1x64xi32, #tpu.memory_space<vmem>>
      %dma_wait3A_1723 = tpu.memref_squeeze %dma_wait3A_1722 : memref<1x64xi32, #tpu.memory_space<vmem>> -> memref<64xi32, #tpu.memory_space<vmem>>
      %dma_wait3A_1724 = arith.constant 0 : i32
      %dma_wait3A_1725 = arith.constant 0 : i32
      %dma_wait3A_1726 = tpu.memref_slice %arg10[%dma_wait3A_1724, %dma_wait3A_1725] : memref<10008x128xf32, #tpu.memory_space<vmem_shared>> -> memref<10008x128xf32, #tpu.memory_space<vmem_shared>>
      tpu.wait_indirect_dma semaphore(%arg16 : memref<!tpu.dma_semaphore, #tpu.memory_space<semaphore_mem>>) src(%dma_wait3A_1720 : memref<64x128xf32, #tpu.memory_space<vmem>>) dst(%dma_wait3A_1726 : memref<10008x128xf32, #tpu.memory_space<vmem_shared>>)
      %add3A_1727 = arith.constant 3 : i32
      %add3A_1728 = arith.addi %add3A_1691, %add3A_1727 : i32
      %dma_start3A_1729 = arith.constant 1 : i32
      %dma_start3A_1730 = arith.constant 0 : i32
      %dma_start3A_1731 = arith.constant 0 : i32
      %dma_start3A_1732 = tpu.memref_slice %arg9[%dma_start3A_1729, %dma_start3A_1730, %dma_start3A_1731] : memref<4x64x128xf32, #tpu.memory_space<vmem>> -> memref<1x64x128xf32, #tpu.memory_space<vmem>>
      %dma_start3A_1733 = tpu.memref_squeeze %dma_start3A_1732 : memref<1x64x128xf32, #tpu.memory_space<vmem>> -> memref<64x128xf32, #tpu.memory_space<vmem>>
      %dma_start3A_1734 = arith.constant 0 : i32
      %dma_start3A_1735 = tpu.memref_slice %arg7[%add3A_1728, %dma_start3A_1734] : memref<40x64xi32, #tpu.memory_space<vmem>> -> memref<1x64xi32, #tpu.memory_space<vmem>>
      %dma_start3A_1736 = tpu.memref_squeeze %dma_start3A_1735 : memref<1x64xi32, #tpu.memory_space<vmem>> -> memref<64xi32, #tpu.memory_space<vmem>>
      %dma_start3A_1737 = arith.constant 0 : i32
      %dma_start3A_1738 = arith.constant 0 : i32
      %dma_start3A_1739 = tpu.memref_slice %arg2[%dma_start3A_1737, %dma_start3A_1738] : memref<20000x128xf32, #tpu.memory_space<hbm>> -> memref<20000x128xf32, #tpu.memory_space<hbm>>
      tpu.enqueue_indirect_dma source(%dma_start3A_1739 : memref<20000x128xf32, #tpu.memory_space<hbm>>) target(%dma_start3A_1733 : memref<64x128xf32, #tpu.memory_space<vmem>>) offsets(%dma_start3A_1736 : memref<64xi32, #tpu.memory_space<vmem>>) semaphore(%arg12 : memref<!tpu.dma_semaphore, #tpu.memory_space<semaphore_mem>>)
      %mul3A_1740 = arith.constant 4 : i32
      %mul3A_1741 = arith.muli %scan3A_1583, %mul3A_1740 : i32
      %add3A_1742 = arith.constant 3 : i32
      %add3A_1743 = arith.addi %mul3A_1741, %add3A_1742 : i32
      %dma_wait3A_1744 = arith.constant 0 : i32
      %dma_wait3A_1745 = arith.constant 3 : i32
      %dma_wait3A_1746 = arith.constant 0 : i32
      %dma_wait3A_1747 = arith.constant 0 : i32
      %dma_wait3A_1748 = tpu.memref_slice %arg9[%dma_wait3A_1745, %dma_wait3A_1746, %dma_wait3A_1747] : memref<4x64x128xf32, #tpu.memory_space<vmem>> -> memref<1x64x128xf32, #tpu.memory_space<vmem>>
      %dma_wait3A_1749 = tpu.memref_squeeze %dma_wait3A_1748 : memref<1x64x128xf32, #tpu.memory_space<vmem>> -> memref<64x128xf32, #tpu.memory_space<vmem>>
      %dma_wait3A_1750 = arith.constant 0 : i32
      %dma_wait3A_1751 = tpu.memref_slice %arg7[%dma_wait3A_1744, %dma_wait3A_1750] : memref<40x64xi32, #tpu.memory_space<vmem>> -> memref<1x64xi32, #tpu.memory_space<vmem>>
      %dma_wait3A_1752 = tpu.memref_squeeze %dma_wait3A_1751 : memref<1x64xi32, #tpu.memory_space<vmem>> -> memref<64xi32, #tpu.memory_space<vmem>>
      %dma_wait3A_1753 = arith.constant 0 : i32
      %dma_wait3A_1754 = arith.constant 0 : i32
      %dma_wait3A_1755 = tpu.memref_slice %arg2[%dma_wait3A_1753, %dma_wait3A_1754] : memref<20000x128xf32, #tpu.memory_space<hbm>> -> memref<20000x128xf32, #tpu.memory_space<hbm>>
      tpu.wait_indirect_dma semaphore(%arg14 : memref<!tpu.dma_semaphore, #tpu.memory_space<semaphore_mem>>) src(%dma_wait3A_1755 : memref<20000x128xf32, #tpu.memory_space<hbm>>) dst(%dma_wait3A_1749 : memref<64x128xf32, #tpu.memory_space<vmem>>)
      %dma_start3A_1756 = arith.constant 3 : i32
      %dma_start3A_1757 = arith.constant 0 : i32
      %dma_start3A_1758 = arith.constant 0 : i32
      %dma_start3A_1759 = tpu.memref_slice %arg9[%dma_start3A_1756, %dma_start3A_1757, %dma_start3A_1758] : memref<4x64x128xf32, #tpu.memory_space<vmem>> -> memref<1x64x128xf32, #tpu.memory_space<vmem>>
      %dma_start3A_1760 = tpu.memref_squeeze %dma_start3A_1759 : memref<1x64x128xf32, #tpu.memory_space<vmem>> -> memref<64x128xf32, #tpu.memory_space<vmem>>
      %dma_start3A_1761 = arith.constant 0 : i32
      %dma_start3A_1762 = tpu.memref_slice %arg8[%add3A_1743, %dma_start3A_1761] : memref<40x64xi32, #tpu.memory_space<vmem>> -> memref<1x64xi32, #tpu.memory_space<vmem>>
      %dma_start3A_1763 = tpu.memref_squeeze %dma_start3A_1762 : memref<1x64xi32, #tpu.memory_space<vmem>> -> memref<64xi32, #tpu.memory_space<vmem>>
      %dma_start3A_1764 = arith.constant 0 : i32
      %dma_start3A_1765 = arith.constant 0 : i32
      %dma_start3A_1766 = tpu.memref_slice %arg10[%dma_start3A_1764, %dma_start3A_1765] : memref<10008x128xf32, #tpu.memory_space<vmem_shared>> -> memref<10008x128xf32, #tpu.memory_space<vmem_shared>>
      tpu.enqueue_indirect_dma source(%dma_start3A_1760 : memref<64x128xf32, #tpu.memory_space<vmem>>) target(%dma_start3A_1766 : memref<10008x128xf32, #tpu.memory_space<vmem_shared>>) offsets(%dma_start3A_1763 : memref<64xi32, #tpu.memory_space<vmem>>) semaphore(%arg18 : memref<!tpu.dma_semaphore, #tpu.memory_space<semaphore_mem>>) {add = true}
      %dma_wait3A_1767 = arith.constant 2 : i32
      %dma_wait3A_1768 = arith.constant 0 : i32
      %dma_wait3A_1769 = arith.constant 0 : i32
      %dma_wait3A_1770 = arith.constant 0 : i32
      %dma_wait3A_1771 = tpu.memref_slice %arg9[%dma_wait3A_1767, %dma_wait3A_1769, %dma_wait3A_1770] : memref<4x64x128xf32, #tpu.memory_space<vmem>> -> memref<1x64x128xf32, #tpu.memory_space<vmem>>
      %dma_wait3A_1772 = tpu.memref_squeeze %dma_wait3A_1771 : memref<1x64x128xf32, #tpu.memory_space<vmem>> -> memref<64x128xf32, #tpu.memory_space<vmem>>
      %dma_wait3A_1773 = arith.constant 0 : i32
      %dma_wait3A_1774 = tpu.memref_slice %arg8[%dma_wait3A_1768, %dma_wait3A_1773] : memref<40x64xi32, #tpu.memory_space<vmem>> -> memref<1x64xi32, #tpu.memory_space<vmem>>
      %dma_wait3A_1775 = tpu.memref_squeeze %dma_wait3A_1774 : memref<1x64xi32, #tpu.memory_space<vmem>> -> memref<64xi32, #tpu.memory_space<vmem>>
      %dma_wait3A_1776 = arith.constant 0 : i32
      %dma_wait3A_1777 = arith.constant 0 : i32
      %dma_wait3A_1778 = tpu.memref_slice %arg10[%dma_wait3A_1776, %dma_wait3A_1777] : memref<10008x128xf32, #tpu.memory_space<vmem_shared>> -> memref<10008x128xf32, #tpu.memory_space<vmem_shared>>
      tpu.wait_indirect_dma semaphore(%arg17 : memref<!tpu.dma_semaphore, #tpu.memory_space<semaphore_mem>>) src(%dma_wait3A_1772 : memref<64x128xf32, #tpu.memory_space<vmem>>) dst(%dma_wait3A_1778 : memref<10008x128xf32, #tpu.memory_space<vmem_shared>>)
      %add3A_1779 = arith.constant 3 : i32
      %add3A_1780 = arith.addi %add3A_1743, %add3A_1779 : i32
      %dma_start3A_1781 = arith.constant 2 : i32
      %dma_start3A_1782 = arith.constant 0 : i32
      %dma_start3A_1783 = arith.constant 0 : i32
      %dma_start3A_1784 = tpu.memref_slice %arg9[%dma_start3A_1781, %dma_start3A_1782, %dma_start3A_1783] : memref<4x64x128xf32, #tpu.memory_space<vmem>> -> memref<1x64x128xf32, #tpu.memory_space<vmem>>
      %dma_start3A_1785 = tpu.memref_squeeze %dma_start3A_1784 : memref<1x64x128xf32, #tpu.memory_space<vmem>> -> memref<64x128xf32, #tpu.memory_space<vmem>>
      %dma_start3A_1786 = arith.constant 0 : i32
      %dma_start3A_1787 = tpu.memref_slice %arg7[%add3A_1780, %dma_start3A_1786] : memref<40x64xi32, #tpu.memory_space<vmem>> -> memref<1x64xi32, #tpu.memory_space<vmem>>
      %dma_start3A_1788 = tpu.memref_squeeze %dma_start3A_1787 : memref<1x64xi32, #tpu.memory_space<vmem>> -> memref<64xi32, #tpu.memory_space<vmem>>
      %dma_start3A_1789 = arith.constant 0 : i32
      %dma_start3A_1790 = arith.constant 0 : i32
      %dma_start3A_1791 = tpu.memref_slice %arg2[%dma_start3A_1789, %dma_start3A_1790] : memref<20000x128xf32, #tpu.memory_space<hbm>> -> memref<20000x128xf32, #tpu.memory_space<hbm>>
      tpu.enqueue_indirect_dma source(%dma_start3A_1791 : memref<20000x128xf32, #tpu.memory_space<hbm>>) target(%dma_start3A_1785 : memref<64x128xf32, #tpu.memory_space<vmem>>) offsets(%dma_start3A_1788 : memref<64xi32, #tpu.memory_space<vmem>>) semaphore(%arg13 : memref<!tpu.dma_semaphore, #tpu.memory_space<semaphore_mem>>)
    }
    %scan3A_1408 = arith.constant 8 : i32
    %dma_wait3A_1409 = arith.constant 0 : i32
    %dma_wait3A_1410 = arith.constant 0 : i32
    %dma_wait3A_1411 = arith.constant 0 : i32
    %dma_wait3A_1412 = arith.constant 0 : i32
    %dma_wait3A_1413 = tpu.memref_slice %arg9[%dma_wait3A_1410, %dma_wait3A_1411, %dma_wait3A_1412] : memref<4x64x128xf32, #tpu.memory_space<vmem>> -> memref<1x64x128xf32, #tpu.memory_space<vmem>>
    %dma_wait3A_1414 = tpu.memref_squeeze %dma_wait3A_1413 : memref<1x64x128xf32, #tpu.memory_space<vmem>> -> memref<64x128xf32, #tpu.memory_space<vmem>>
    %dma_wait3A_1415 = arith.constant 0 : i32
    %dma_wait3A_1416 = tpu.memref_slice %arg7[%dma_wait3A_1409, %dma_wait3A_1415] : memref<40x64xi32, #tpu.memory_space<vmem>> -> memref<1x64xi32, #tpu.memory_space<vmem>>
    %dma_wait3A_1417 = tpu.memref_squeeze %dma_wait3A_1416 : memref<1x64xi32, #tpu.memory_space<vmem>> -> memref<64xi32, #tpu.memory_space<vmem>>
    %dma_wait3A_1418 = arith.constant 0 : i32
    %dma_wait3A_1419 = arith.constant 0 : i32
    %dma_wait3A_1420 = tpu.memref_slice %arg2[%dma_wait3A_1418, %dma_wait3A_1419] : memref<20000x128xf32, #tpu.memory_space<hbm>> -> memref<20000x128xf32, #tpu.memory_space<hbm>>
    tpu.wait_indirect_dma semaphore(%arg11 : memref<!tpu.dma_semaphore, #tpu.memory_space<semaphore_mem>>) src(%dma_wait3A_1420 : memref<20000x128xf32, #tpu.memory_space<hbm>>) dst(%dma_wait3A_1414 : memref<64x128xf32, #tpu.memory_space<vmem>>)
    %dma_start3A_1421 = arith.constant 0 : i32
    %dma_start3A_1422 = arith.constant 36 : i32
    %dma_start3A_1423 = arith.constant 0 : i32
    %dma_start3A_1424 = arith.constant 0 : i32
    %dma_start3A_1425 = tpu.memref_slice %arg9[%dma_start3A_1421, %dma_start3A_1423, %dma_start3A_1424] : memref<4x64x128xf32, #tpu.memory_space<vmem>> -> memref<1x64x128xf32, #tpu.memory_space<vmem>>
    %dma_start3A_1426 = tpu.memref_squeeze %dma_start3A_1425 : memref<1x64x128xf32, #tpu.memory_space<vmem>> -> memref<64x128xf32, #tpu.memory_space<vmem>>
    %dma_start3A_1427 = arith.constant 0 : i32
    %dma_start3A_1428 = tpu.memref_slice %arg8[%dma_start3A_1422, %dma_start3A_1427] : memref<40x64xi32, #tpu.memory_space<vmem>> -> memref<1x64xi32, #tpu.memory_space<vmem>>
    %dma_start3A_1429 = tpu.memref_squeeze %dma_start3A_1428 : memref<1x64xi32, #tpu.memory_space<vmem>> -> memref<64xi32, #tpu.memory_space<vmem>>
    %dma_start3A_1430 = arith.constant 0 : i32
    %dma_start3A_1431 = arith.constant 0 : i32
    %dma_start3A_1432 = tpu.memref_slice %arg10[%dma_start3A_1430, %dma_start3A_1431] : memref<10008x128xf32, #tpu.memory_space<vmem_shared>> -> memref<10008x128xf32, #tpu.memory_space<vmem_shared>>
    tpu.enqueue_indirect_dma source(%dma_start3A_1426 : memref<64x128xf32, #tpu.memory_space<vmem>>) target(%dma_start3A_1432 : memref<10008x128xf32, #tpu.memory_space<vmem_shared>>) offsets(%dma_start3A_1429 : memref<64xi32, #tpu.memory_space<vmem>>) semaphore(%arg15 : memref<!tpu.dma_semaphore, #tpu.memory_space<semaphore_mem>>) {add = true}
    %dma_wait3A_1433 = arith.constant 3 : i32
    %dma_wait3A_1434 = arith.constant 0 : i32
    %dma_wait3A_1435 = arith.constant 0 : i32
    %dma_wait3A_1436 = arith.constant 0 : i32
    %dma_wait3A_1437 = tpu.memref_slice %arg9[%dma_wait3A_1433, %dma_wait3A_1435, %dma_wait3A_1436] : memref<4x64x128xf32, #tpu.memory_space<vmem>> -> memref<1x64x128xf32, #tpu.memory_space<vmem>>
    %dma_wait3A_1438 = tpu.memref_squeeze %dma_wait3A_1437 : memref<1x64x128xf32, #tpu.memory_space<vmem>> -> memref<64x128xf32, #tpu.memory_space<vmem>>
    %dma_wait3A_1439 = arith.constant 0 : i32
    %dma_wait3A_1440 = tpu.memref_slice %arg8[%dma_wait3A_1434, %dma_wait3A_1439] : memref<40x64xi32, #tpu.memory_space<vmem>> -> memref<1x64xi32, #tpu.memory_space<vmem>>
    %dma_wait3A_1441 = tpu.memref_squeeze %dma_wait3A_1440 : memref<1x64xi32, #tpu.memory_space<vmem>> -> memref<64xi32, #tpu.memory_space<vmem>>
    %dma_wait3A_1442 = arith.constant 0 : i32
    %dma_wait3A_1443 = arith.constant 0 : i32
    %dma_wait3A_1444 = tpu.memref_slice %arg10[%dma_wait3A_1442, %dma_wait3A_1443] : memref<10008x128xf32, #tpu.memory_space<vmem_shared>> -> memref<10008x128xf32, #tpu.memory_space<vmem_shared>>
    tpu.wait_indirect_dma semaphore(%arg18 : memref<!tpu.dma_semaphore, #tpu.memory_space<semaphore_mem>>) src(%dma_wait3A_1438 : memref<64x128xf32, #tpu.memory_space<vmem>>) dst(%dma_wait3A_1444 : memref<10008x128xf32, #tpu.memory_space<vmem_shared>>)
    %dma_start3A_1445 = arith.constant 39 : i32
    %dma_start3A_1446 = arith.constant 3 : i32
    %dma_start3A_1447 = arith.constant 0 : i32
    %dma_start3A_1448 = arith.constant 0 : i32
    %dma_start3A_1449 = tpu.memref_slice %arg9[%dma_start3A_1446, %dma_start3A_1447, %dma_start3A_1448] : memref<4x64x128xf32, #tpu.memory_space<vmem>> -> memref<1x64x128xf32, #tpu.memory_space<vmem>>
    %dma_start3A_1450 = tpu.memref_squeeze %dma_start3A_1449 : memref<1x64x128xf32, #tpu.memory_space<vmem>> -> memref<64x128xf32, #tpu.memory_space<vmem>>
    %dma_start3A_1451 = arith.constant 0 : i32
    %dma_start3A_1452 = tpu.memref_slice %arg7[%dma_start3A_1445, %dma_start3A_1451] : memref<40x64xi32, #tpu.memory_space<vmem>> -> memref<1x64xi32, #tpu.memory_space<vmem>>
    %dma_start3A_1453 = tpu.memref_squeeze %dma_start3A_1452 : memref<1x64xi32, #tpu.memory_space<vmem>> -> memref<64xi32, #tpu.memory_space<vmem>>
    %dma_start3A_1454 = arith.constant 0 : i32
    %dma_start3A_1455 = arith.constant 0 : i32
    %dma_start3A_1456 = tpu.memref_slice %arg2[%dma_start3A_1454, %dma_start3A_1455] : memref<20000x128xf32, #tpu.memory_space<hbm>> -> memref<20000x128xf32, #tpu.memory_space<hbm>>
    tpu.enqueue_indirect_dma source(%dma_start3A_1456 : memref<20000x128xf32, #tpu.memory_space<hbm>>) target(%dma_start3A_1450 : memref<64x128xf32, #tpu.memory_space<vmem>>) offsets(%dma_start3A_1453 : memref<64xi32, #tpu.memory_space<vmem>>) semaphore(%arg14 : memref<!tpu.dma_semaphore, #tpu.memory_space<semaphore_mem>>)
    %dma_wait3A_1457 = arith.constant 0 : i32
    %dma_wait3A_1458 = arith.constant 1 : i32
    %dma_wait3A_1459 = arith.constant 0 : i32
    %dma_wait3A_1460 = arith.constant 0 : i32
    %dma_wait3A_1461 = tpu.memref_slice %arg9[%dma_wait3A_1458, %dma_wait3A_1459, %dma_wait3A_1460] : memref<4x64x128xf32, #tpu.memory_space<vmem>> -> memref<1x64x128xf32, #tpu.memory_space<vmem>>
    %dma_wait3A_1462 = tpu.memref_squeeze %dma_wait3A_1461 : memref<1x64x128xf32, #tpu.memory_space<vmem>> -> memref<64x128xf32, #tpu.memory_space<vmem>>
    %dma_wait3A_1463 = arith.constant 0 : i32
    %dma_wait3A_1464 = tpu.memref_slice %arg7[%dma_wait3A_1457, %dma_wait3A_1463] : memref<40x64xi32, #tpu.memory_space<vmem>> -> memref<1x64xi32, #tpu.memory_space<vmem>>
    %dma_wait3A_1465 = tpu.memref_squeeze %dma_wait3A_1464 : memref<1x64xi32, #tpu.memory_space<vmem>> -> memref<64xi32, #tpu.memory_space<vmem>>
    %dma_wait3A_1466 = arith.constant 0 : i32
    %dma_wait3A_1467 = arith.constant 0 : i32
    %dma_wait3A_1468 = tpu.memref_slice %arg2[%dma_wait3A_1466, %dma_wait3A_1467] : memref<20000x128xf32, #tpu.memory_space<hbm>> -> memref<20000x128xf32, #tpu.memory_space<hbm>>
    tpu.wait_indirect_dma semaphore(%arg12 : memref<!tpu.dma_semaphore, #tpu.memory_space<semaphore_mem>>) src(%dma_wait3A_1468 : memref<20000x128xf32, #tpu.memory_space<hbm>>) dst(%dma_wait3A_1462 : memref<64x128xf32, #tpu.memory_space<vmem>>)
    %dma_start3A_1469 = arith.constant 1 : i32
    %dma_start3A_1470 = arith.constant 37 : i32
    %dma_start3A_1471 = arith.constant 0 : i32
    %dma_start3A_1472 = arith.constant 0 : i32
    %dma_start3A_1473 = tpu.memref_slice %arg9[%dma_start3A_1469, %dma_start3A_1471, %dma_start3A_1472] : memref<4x64x128xf32, #tpu.memory_space<vmem>> -> memref<1x64x128xf32, #tpu.memory_space<vmem>>
    %dma_start3A_1474 = tpu.memref_squeeze %dma_start3A_1473 : memref<1x64x128xf32, #tpu.memory_space<vmem>> -> memref<64x128xf32, #tpu.memory_space<vmem>>
    %dma_start3A_1475 = arith.constant 0 : i32
    %dma_start3A_1476 = tpu.memref_slice %arg8[%dma_start3A_1470, %dma_start3A_1475] : memref<40x64xi32, #tpu.memory_space<vmem>> -> memref<1x64xi32, #tpu.memory_space<vmem>>
    %dma_start3A_1477 = tpu.memref_squeeze %dma_start3A_1476 : memref<1x64xi32, #tpu.memory_space<vmem>> -> memref<64xi32, #tpu.memory_space<vmem>>
    %dma_start3A_1478 = arith.constant 0 : i32
    %dma_start3A_1479 = arith.constant 0 : i32
    %dma_start3A_1480 = tpu.memref_slice %arg10[%dma_start3A_1478, %dma_start3A_1479] : memref<10008x128xf32, #tpu.memory_space<vmem_shared>> -> memref<10008x128xf32, #tpu.memory_space<vmem_shared>>
    tpu.enqueue_indirect_dma source(%dma_start3A_1474 : memref<64x128xf32, #tpu.memory_space<vmem>>) target(%dma_start3A_1480 : memref<10008x128xf32, #tpu.memory_space<vmem_shared>>) offsets(%dma_start3A_1477 : memref<64xi32, #tpu.memory_space<vmem>>) semaphore(%arg16 : memref<!tpu.dma_semaphore, #tpu.memory_space<semaphore_mem>>) {add = true}
    %dma_wait3A_1481 = arith.constant 0 : i32
    %dma_wait3A_1482 = arith.constant 0 : i32
    %dma_wait3A_1483 = arith.constant 0 : i32
    %dma_wait3A_1484 = arith.constant 0 : i32
    %dma_wait3A_1485 = tpu.memref_slice %arg9[%dma_wait3A_1481, %dma_wait3A_1483, %dma_wait3A_1484] : memref<4x64x128xf32, #tpu.memory_space<vmem>> -> memref<1x64x128xf32, #tpu.memory_space<vmem>>
    %dma_wait3A_1486 = tpu.memref_squeeze %dma_wait3A_1485 : memref<1x64x128xf32, #tpu.memory_space<vmem>> -> memref<64x128xf32, #tpu.memory_space<vmem>>
    %dma_wait3A_1487 = arith.constant 0 : i32
    %dma_wait3A_1488 = tpu.memref_slice %arg8[%dma_wait3A_1482, %dma_wait3A_1487] : memref<40x64xi32, #tpu.memory_space<vmem>> -> memref<1x64xi32, #tpu.memory_space<vmem>>
    %dma_wait3A_1489 = tpu.memref_squeeze %dma_wait3A_1488 : memref<1x64xi32, #tpu.memory_space<vmem>> -> memref<64xi32, #tpu.memory_space<vmem>>
    %dma_wait3A_1490 = arith.constant 0 : i32
    %dma_wait3A_1491 = arith.constant 0 : i32
    %dma_wait3A_1492 = tpu.memref_slice %arg10[%dma_wait3A_1490, %dma_wait3A_1491] : memref<10008x128xf32, #tpu.memory_space<vmem_shared>> -> memref<10008x128xf32, #tpu.memory_space<vmem_shared>>
    tpu.wait_indirect_dma semaphore(%arg15 : memref<!tpu.dma_semaphore, #tpu.memory_space<semaphore_mem>>) src(%dma_wait3A_1486 : memref<64x128xf32, #tpu.memory_space<vmem>>) dst(%dma_wait3A_1492 : memref<10008x128xf32, #tpu.memory_space<vmem_shared>>)
    %dma_wait3A_1493 = arith.constant 0 : i32
    %dma_wait3A_1494 = arith.constant 2 : i32
    %dma_wait3A_1495 = arith.constant 0 : i32
    %dma_wait3A_1496 = arith.constant 0 : i32
    %dma_wait3A_1497 = tpu.memref_slice %arg9[%dma_wait3A_1494, %dma_wait3A_1495, %dma_wait3A_1496] : memref<4x64x128xf32, #tpu.memory_space<vmem>> -> memref<1x64x128xf32, #tpu.memory_space<vmem>>
    %dma_wait3A_1498 = tpu.memref_squeeze %dma_wait3A_1497 : memref<1x64x128xf32, #tpu.memory_space<vmem>> -> memref<64x128xf32, #tpu.memory_space<vmem>>
    %dma_wait3A_1499 = arith.constant 0 : i32
    %dma_wait3A_1500 = tpu.memref_slice %arg7[%dma_wait3A_1493, %dma_wait3A_1499] : memref<40x64xi32, #tpu.memory_space<vmem>> -> memref<1x64xi32, #tpu.memory_space<vmem>>
    %dma_wait3A_1501 = tpu.memref_squeeze %dma_wait3A_1500 : memref<1x64xi32, #tpu.memory_space<vmem>> -> memref<64xi32, #tpu.memory_space<vmem>>
    %dma_wait3A_1502 = arith.constant 0 : i32
    %dma_wait3A_1503 = arith.constant 0 : i32
    %dma_wait3A_1504 = tpu.memref_slice %arg2[%dma_wait3A_1502, %dma_wait3A_1503] : memref<20000x128xf32, #tpu.memory_space<hbm>> -> memref<20000x128xf32, #tpu.memory_space<hbm>>
    tpu.wait_indirect_dma semaphore(%arg13 : memref<!tpu.dma_semaphore, #tpu.memory_space<semaphore_mem>>) src(%dma_wait3A_1504 : memref<20000x128xf32, #tpu.memory_space<hbm>>) dst(%dma_wait3A_1498 : memref<64x128xf32, #tpu.memory_space<vmem>>)
    %dma_start3A_1505 = arith.constant 2 : i32
    %dma_start3A_1506 = arith.constant 38 : i32
    %dma_start3A_1507 = arith.constant 0 : i32
    %dma_start3A_1508 = arith.constant 0 : i32
    %dma_start3A_1509 = tpu.memref_slice %arg9[%dma_start3A_1505, %dma_start3A_1507, %dma_start3A_1508] : memref<4x64x128xf32, #tpu.memory_space<vmem>> -> memref<1x64x128xf32, #tpu.memory_space<vmem>>
    %dma_start3A_1510 = tpu.memref_squeeze %dma_start3A_1509 : memref<1x64x128xf32, #tpu.memory_space<vmem>> -> memref<64x128xf32, #tpu.memory_space<vmem>>
    %dma_start3A_1511 = arith.constant 0 : i32
    %dma_start3A_1512 = tpu.memref_slice %arg8[%dma_start3A_1506, %dma_start3A_1511] : memref<40x64xi32, #tpu.memory_space<vmem>> -> memref<1x64xi32, #tpu.memory_space<vmem>>
    %dma_start3A_1513 = tpu.memref_squeeze %dma_start3A_1512 : memref<1x64xi32, #tpu.memory_space<vmem>> -> memref<64xi32, #tpu.memory_space<vmem>>
    %dma_start3A_1514 = arith.constant 0 : i32
    %dma_start3A_1515 = arith.constant 0 : i32
    %dma_start3A_1516 = tpu.memref_slice %arg10[%dma_start3A_1514, %dma_start3A_1515] : memref<10008x128xf32, #tpu.memory_space<vmem_shared>> -> memref<10008x128xf32, #tpu.memory_space<vmem_shared>>
    tpu.enqueue_indirect_dma source(%dma_start3A_1510 : memref<64x128xf32, #tpu.memory_space<vmem>>) target(%dma_start3A_1516 : memref<10008x128xf32, #tpu.memory_space<vmem_shared>>) offsets(%dma_start3A_1513 : memref<64xi32, #tpu.memory_space<vmem>>) semaphore(%arg17 : memref<!tpu.dma_semaphore, #tpu.memory_space<semaphore_mem>>) {add = true}
    %dma_wait3A_1517 = arith.constant 1 : i32
    %dma_wait3A_1518 = arith.constant 0 : i32
    %dma_wait3A_1519 = arith.constant 0 : i32
    %dma_wait3A_1520 = arith.constant 0 : i32
    %dma_wait3A_1521 = tpu.memref_slice %arg9[%dma_wait3A_1517, %dma_wait3A_1519, %dma_wait3A_1520] : memref<4x64x128xf32, #tpu.memory_space<vmem>> -> memref<1x64x128xf32, #tpu.memory_space<vmem>>
    %dma_wait3A_1522 = tpu.memref_squeeze %dma_wait3A_1521 : memref<1x64x128xf32, #tpu.memory_space<vmem>> -> memref<64x128xf32, #tpu.memory_space<vmem>>
    %dma_wait3A_1523 = arith.constant 0 : i32
    %dma_wait3A_1524 = tpu.memref_slice %arg8[%dma_wait3A_1518, %dma_wait3A_1523] : memref<40x64xi32, #tpu.memory_space<vmem>> -> memref<1x64xi32, #tpu.memory_space<vmem>>
    %dma_wait3A_1525 = tpu.memref_squeeze %dma_wait3A_1524 : memref<1x64xi32, #tpu.memory_space<vmem>> -> memref<64xi32, #tpu.memory_space<vmem>>
    %dma_wait3A_1526 = arith.constant 0 : i32
    %dma_wait3A_1527 = arith.constant 0 : i32
    %dma_wait3A_1528 = tpu.memref_slice %arg10[%dma_wait3A_1526, %dma_wait3A_1527] : memref<10008x128xf32, #tpu.memory_space<vmem_shared>> -> memref<10008x128xf32, #tpu.memory_space<vmem_shared>>
    tpu.wait_indirect_dma semaphore(%arg16 : memref<!tpu.dma_semaphore, #tpu.memory_space<semaphore_mem>>) src(%dma_wait3A_1522 : memref<64x128xf32, #tpu.memory_space<vmem>>) dst(%dma_wait3A_1528 : memref<10008x128xf32, #tpu.memory_space<vmem_shared>>)
    %dma_wait3A_1529 = arith.constant 0 : i32
    %dma_wait3A_1530 = arith.constant 3 : i32
    %dma_wait3A_1531 = arith.constant 0 : i32
    %dma_wait3A_1532 = arith.constant 0 : i32
    %dma_wait3A_1533 = tpu.memref_slice %arg9[%dma_wait3A_1530, %dma_wait3A_1531, %dma_wait3A_1532] : memref<4x64x128xf32, #tpu.memory_space<vmem>> -> memref<1x64x128xf32, #tpu.memory_space<vmem>>
    %dma_wait3A_1534 = tpu.memref_squeeze %dma_wait3A_1533 : memref<1x64x128xf32, #tpu.memory_space<vmem>> -> memref<64x128xf32, #tpu.memory_space<vmem>>
    %dma_wait3A_1535 = arith.constant 0 : i32
    %dma_wait3A_1536 = tpu.memref_slice %arg7[%dma_wait3A_1529, %dma_wait3A_1535] : memref<40x64xi32, #tpu.memory_space<vmem>> -> memref<1x64xi32, #tpu.memory_space<vmem>>
    %dma_wait3A_1537 = tpu.memref_squeeze %dma_wait3A_1536 : memref<1x64xi32, #tpu.memory_space<vmem>> -> memref<64xi32, #tpu.memory_space<vmem>>
    %dma_wait3A_1538 = arith.constant 0 : i32
    %dma_wait3A_1539 = arith.constant 0 : i32
    %dma_wait3A_1540 = tpu.memref_slice %arg2[%dma_wait3A_1538, %dma_wait3A_1539] : memref<20000x128xf32, #tpu.memory_space<hbm>> -> memref<20000x128xf32, #tpu.memory_space<hbm>>
    tpu.wait_indirect_dma semaphore(%arg14 : memref<!tpu.dma_semaphore, #tpu.memory_space<semaphore_mem>>) src(%dma_wait3A_1540 : memref<20000x128xf32, #tpu.memory_space<hbm>>) dst(%dma_wait3A_1534 : memref<64x128xf32, #tpu.memory_space<vmem>>)
    %dma_start3A_1541 = arith.constant 3 : i32
    %dma_start3A_1542 = arith.constant 39 : i32
    %dma_start3A_1543 = arith.constant 0 : i32
    %dma_start3A_1544 = arith.constant 0 : i32
    %dma_start3A_1545 = tpu.memref_slice %arg9[%dma_start3A_1541, %dma_start3A_1543, %dma_start3A_1544] : memref<4x64x128xf32, #tpu.memory_space<vmem>> -> memref<1x64x128xf32, #tpu.memory_space<vmem>>
    %dma_start3A_1546 = tpu.memref_squeeze %dma_start3A_1545 : memref<1x64x128xf32, #tpu.memory_space<vmem>> -> memref<64x128xf32, #tpu.memory_space<vmem>>
    %dma_start3A_1547 = arith.constant 0 : i32
    %dma_start3A_1548 = tpu.memref_slice %arg8[%dma_start3A_1542, %dma_start3A_1547] : memref<40x64xi32, #tpu.memory_space<vmem>> -> memref<1x64xi32, #tpu.memory_space<vmem>>
    %dma_start3A_1549 = tpu.memref_squeeze %dma_start3A_1548 : memref<1x64xi32, #tpu.memory_space<vmem>> -> memref<64xi32, #tpu.memory_space<vmem>>
    %dma_start3A_1550 = arith.constant 0 : i32
    %dma_start3A_1551 = arith.constant 0 : i32
    %dma_start3A_1552 = tpu.memref_slice %arg10[%dma_start3A_1550, %dma_start3A_1551] : memref<10008x128xf32, #tpu.memory_space<vmem_shared>> -> memref<10008x128xf32, #tpu.memory_space<vmem_shared>>
    tpu.enqueue_indirect_dma source(%dma_start3A_1546 : memref<64x128xf32, #tpu.memory_space<vmem>>) target(%dma_start3A_1552 : memref<10008x128xf32, #tpu.memory_space<vmem_shared>>) offsets(%dma_start3A_1549 : memref<64xi32, #tpu.memory_space<vmem>>) semaphore(%arg18 : memref<!tpu.dma_semaphore, #tpu.memory_space<semaphore_mem>>) {add = true}
    %dma_wait3A_1553 = arith.constant 2 : i32
    %dma_wait3A_1554 = arith.constant 0 : i32
    %dma_wait3A_1555 = arith.constant 0 : i32
    %dma_wait3A_1556 = arith.constant 0 : i32
    %dma_wait3A_1557 = tpu.memref_slice %arg9[%dma_wait3A_1553, %dma_wait3A_1555, %dma_wait3A_1556] : memref<4x64x128xf32, #tpu.memory_space<vmem>> -> memref<1x64x128xf32, #tpu.memory_space<vmem>>
    %dma_wait3A_1558 = tpu.memref_squeeze %dma_wait3A_1557 : memref<1x64x128xf32, #tpu.memory_space<vmem>> -> memref<64x128xf32, #tpu.memory_space<vmem>>
    %dma_wait3A_1559 = arith.constant 0 : i32
    %dma_wait3A_1560 = tpu.memref_slice %arg8[%dma_wait3A_1554, %dma_wait3A_1559] : memref<40x64xi32, #tpu.memory_space<vmem>> -> memref<1x64xi32, #tpu.memory_space<vmem>>
    %dma_wait3A_1561 = tpu.memref_squeeze %dma_wait3A_1560 : memref<1x64xi32, #tpu.memory_space<vmem>> -> memref<64xi32, #tpu.memory_space<vmem>>
    %dma_wait3A_1562 = arith.constant 0 : i32
    %dma_wait3A_1563 = arith.constant 0 : i32
    %dma_wait3A_1564 = tpu.memref_slice %arg10[%dma_wait3A_1562, %dma_wait3A_1563] : memref<10008x128xf32, #tpu.memory_space<vmem_shared>> -> memref<10008x128xf32, #tpu.memory_space<vmem_shared>>
    tpu.wait_indirect_dma semaphore(%arg17 : memref<!tpu.dma_semaphore, #tpu.memory_space<semaphore_mem>>) src(%dma_wait3A_1558 : memref<64x128xf32, #tpu.memory_space<vmem>>) dst(%dma_wait3A_1564 : memref<10008x128xf32, #tpu.memory_space<vmem_shared>>)
    %dma_wait3A_1565 = arith.constant 3 : i32
    %dma_wait3A_1566 = arith.constant 0 : i32
    %dma_wait3A_1567 = arith.constant 0 : i32
    %dma_wait3A_1568 = arith.constant 0 : i32
    %dma_wait3A_1569 = tpu.memref_slice %arg9[%dma_wait3A_1565, %dma_wait3A_1567, %dma_wait3A_1568] : memref<4x64x128xf32, #tpu.memory_space<vmem>> -> memref<1x64x128xf32, #tpu.memory_space<vmem>>
    %dma_wait3A_1570 = tpu.memref_squeeze %dma_wait3A_1569 : memref<1x64x128xf32, #tpu.memory_space<vmem>> -> memref<64x128xf32, #tpu.memory_space<vmem>>
    %dma_wait3A_1571 = arith.constant 0 : i32
    %dma_wait3A_1572 = tpu.memref_slice %arg8[%dma_wait3A_1566, %dma_wait3A_1571] : memref<40x64xi32, #tpu.memory_space<vmem>> -> memref<1x64xi32, #tpu.memory_space<vmem>>
    %dma_wait3A_1573 = tpu.memref_squeeze %dma_wait3A_1572 : memref<1x64xi32, #tpu.memory_space<vmem>> -> memref<64xi32, #tpu.memory_space<vmem>>
    %dma_wait3A_1574 = arith.constant 0 : i32
    %dma_wait3A_1575 = arith.constant 0 : i32
    %dma_wait3A_1576 = tpu.memref_slice %arg10[%dma_wait3A_1574, %dma_wait3A_1575] : memref<10008x128xf32, #tpu.memory_space<vmem_shared>> -> memref<10008x128xf32, #tpu.memory_space<vmem_shared>>
    tpu.wait_indirect_dma semaphore(%arg18 : memref<!tpu.dma_semaphore, #tpu.memory_space<semaphore_mem>>) src(%dma_wait3A_1570 : memref<64x128xf32, #tpu.memory_space<vmem>>) dst(%dma_wait3A_1576 : memref<10008x128xf32, #tpu.memory_space<vmem_shared>>)
    %barrier3A_1577 = arith.constant 0 : index
    tpu.barrier barrier_id(%barrier3A_1577)
    "tpu.region"() ({
      %run_scoped3A = tpu.sem_alloc : memref<!tpu.dma_semaphore, #tpu.memory_space<semaphore_mem>>
      %dma_start3A_1583 = arith.constant 0 : i32
      %dma_start3A_1584 = tpu.memref_slice %arg6[%arg0, %mul3A_0, %dma_start3A_1583] : memref<2x10000x128xf32, #tpu.memory_space<hbm>> -> memref<1x624x128xf32, #tpu.memory_space<hbm>>
      %dma_start3A_1585 = tpu.memref_squeeze %dma_start3A_1584 : memref<1x624x128xf32, #tpu.memory_space<hbm>> -> memref<624x128xf32, #tpu.memory_space<hbm>>
      %dma_start3A_1586 = arith.constant 0 : i32
      %dma_start3A_1587 = tpu.memref_slice %arg10[%mul3A_0, %dma_start3A_1586] : memref<10008x128xf32, #tpu.memory_space<vmem_shared>> -> memref<624x128xf32, #tpu.memory_space<vmem_shared>>
      tpu.enqueue_dma source(%dma_start3A_1587 : memref<624x128xf32, #tpu.memory_space<vmem_shared>>) target(%dma_start3A_1585 : memref<624x128xf32, #tpu.memory_space<hbm>>) target_semaphore(%run_scoped3A : memref<!tpu.dma_semaphore, #tpu.memory_space<semaphore_mem>>)
      %dma_wait3A_1588 = arith.constant 0 : i32
      %dma_wait3A_1589 = tpu.memref_slice %arg6[%arg0, %mul3A_0, %dma_wait3A_1588] : memref<2x10000x128xf32, #tpu.memory_space<hbm>> -> memref<1x624x128xf32, #tpu.memory_space<hbm>>
      %dma_wait3A_1590 = tpu.memref_squeeze %dma_wait3A_1589 : memref<1x624x128xf32, #tpu.memory_space<hbm>> -> memref<624x128xf32, #tpu.memory_space<hbm>>
      %dma_wait3A_1591 = arith.constant 0 : i32
      %dma_wait3A_1592 = tpu.memref_slice %arg10[%mul3A_0, %dma_wait3A_1591] : memref<10008x128xf32, #tpu.memory_space<vmem_shared>> -> memref<624x128xf32, #tpu.memory_space<vmem_shared>>
      tpu.wait_dma2 semaphore(%run_scoped3A : memref<!tpu.dma_semaphore, #tpu.memory_space<semaphore_mem>>) src(%dma_wait3A_1592 : memref<624x128xf32, #tpu.memory_space<vmem_shared>>) dst(%dma_wait3A_1590 : memref<624x128xf32, #tpu.memory_space<hbm>>)
      tpu.yield
    }) : () -> ()
    %eq3A_1578 = arith.constant 0 : i32
    %eq3A_1579 = arith.cmpi eq, %arg1, %eq3A_1578 : i32
    %convert_element_type3A_1580 = arith.extui %eq3A_1579 : i1 to i32
    %cond3A_1581 = arith.constant 0 : i32
    %cond3A_1582 = arith.cmpi ne, %convert_element_type3A_1580, %cond3A_1581 : i32
    scf.if %cond3A_1582 {
      "tpu.region"() ({
        %run_scoped3A = tpu.sem_alloc : memref<!tpu.dma_semaphore, #tpu.memory_space<semaphore_mem>>
        %dma_start3A_1583 = arith.constant 9984 : i32
        %dma_start3A_1584 = arith.constant 0 : i32
        %dma_start3A_1585 = tpu.memref_slice %arg6[%arg0, %dma_start3A_1583, %dma_start3A_1584] : memref<2x10000x128xf32, #tpu.memory_space<hbm>> -> memref<1x16x128xf32, #tpu.memory_space<hbm>>
        %dma_start3A_1586 = tpu.memref_squeeze %dma_start3A_1585 : memref<1x16x128xf32, #tpu.memory_space<hbm>> -> memref<16x128xf32, #tpu.memory_space<hbm>>
        %dma_start3A_1587 = arith.constant 9984 : i32
        %dma_start3A_1588 = arith.constant 0 : i32
        %dma_start3A_1589 = tpu.memref_slice %arg10[%dma_start3A_1587, %dma_start3A_1588] : memref<10008x128xf32, #tpu.memory_space<vmem_shared>> -> memref<16x128xf32, #tpu.memory_space<vmem_shared>>
        tpu.enqueue_dma source(%dma_start3A_1589 : memref<16x128xf32, #tpu.memory_space<vmem_shared>>) target(%dma_start3A_1586 : memref<16x128xf32, #tpu.memory_space<hbm>>) target_semaphore(%run_scoped3A : memref<!tpu.dma_semaphore, #tpu.memory_space<semaphore_mem>>)
        %dma_wait3A_1590 = arith.constant 9984 : i32
        %dma_wait3A_1591 = arith.constant 0 : i32
        %dma_wait3A_1592 = tpu.memref_slice %arg6[%arg0, %dma_wait3A_1590, %dma_wait3A_1591] : memref<2x10000x128xf32, #tpu.memory_space<hbm>> -> memref<1x16x128xf32, #tpu.memory_space<hbm>>
        %dma_wait3A_1593 = tpu.memref_squeeze %dma_wait3A_1592 : memref<1x16x128xf32, #tpu.memory_space<hbm>> -> memref<16x128xf32, #tpu.memory_space<hbm>>
        %dma_wait3A_1594 = arith.constant 9984 : i32
        %dma_wait3A_1595 = arith.constant 0 : i32
        %dma_wait3A_1596 = tpu.memref_slice %arg10[%dma_wait3A_1594, %dma_wait3A_1595] : memref<10008x128xf32, #tpu.memory_space<vmem_shared>> -> memref<16x128xf32, #tpu.memory_space<vmem_shared>>
        tpu.wait_dma2 semaphore(%run_scoped3A : memref<!tpu.dma_semaphore, #tpu.memory_space<semaphore_mem>>) src(%dma_wait3A_1596 : memref<16x128xf32, #tpu.memory_space<vmem_shared>>) dst(%dma_wait3A_1593 : memref<16x128xf32, #tpu.memory_space<hbm>>)
        tpu.yield
      }) : () -> ()
    } else {
    }
    return
  }
}

module attributes {stable_mosaic.version = 14 : i64} {
  func.func @_tc_body(%arg0: i32, %arg1: memref<2x2000x128xf32, #tpu.memory_space<vmem>>, %arg2: memref<256x256xf32, #tpu.memory_space<vmem>>, %arg3: memref<1x256xf32, #tpu.memory_space<vmem>>, %arg4: memref<256x512xf32, #tpu.memory_space<vmem>>, %arg5: memref<1x512xf32, #tpu.memory_space<vmem>>, %arg6: memref<512x256xf32, #tpu.memory_space<vmem>>, %arg7: memref<1x256xf32, #tpu.memory_space<vmem>>, %arg8: memref<2000x256xf32, #tpu.memory_space<vmem>>, %arg9: memref<2000x256xf32, #tpu.memory_space<vmem>>) attributes {dimension_semantics = [#tpu.dimension_semantics<arbitrary>], iteration_bounds = array<i64: 5>, scalar_prefetch = 0 : i64, scratch_operands = 0 : i64, tpu.core_type = #tpu.core_type<tc>, window_params = [{transform_indices = @transform_0, window_bounds = array<i64: 2, 2000, 128>}, {pipeline_mode = #tpu.pipeline_mode<synchronous>, transform_indices = @transform_1, window_bounds = array<i64: 256, 256>}, {pipeline_mode = #tpu.pipeline_mode<synchronous>, transform_indices = @transform_2, window_bounds = array<i64: 1, 256>}, {pipeline_mode = #tpu.pipeline_mode<synchronous>, transform_indices = @transform_3, window_bounds = array<i64: 256, 512>}, {pipeline_mode = #tpu.pipeline_mode<synchronous>, transform_indices = @transform_4, window_bounds = array<i64: 1, 512>}, {pipeline_mode = #tpu.pipeline_mode<synchronous>, transform_indices = @transform_5, window_bounds = array<i64: 512, 256>}, {pipeline_mode = #tpu.pipeline_mode<synchronous>, transform_indices = @transform_6, window_bounds = array<i64: 1, 256>}, {transform_indices = @transform_7, window_bounds = array<i64: 2000, 256>}, {transform_indices = @transform_8, window_bounds = array<i64: 2000, 256>}]} {
    %get3A = arith.constant 0 : index
    %get3A_0 = arith.constant 0 : index
    %get3A_1 = arith.constant 0 : index
    %get3A_2 = vector.load %arg1[%get3A, %get3A_0, %get3A_1] : memref<2x2000x128xf32, #tpu.memory_space<vmem>>, vector<1x2000x128xf32>
    %get3A_3 = vector.shape_cast %get3A_2 : vector<1x2000x128xf32> to vector<2000x128xf32>
    %get3A_4 = arith.constant 1 : index
    %get3A_5 = arith.constant 0 : index
    %get3A_6 = arith.constant 0 : index
    %get3A_7 = vector.load %arg1[%get3A_4, %get3A_5, %get3A_6] : memref<2x2000x128xf32, #tpu.memory_space<vmem>>, vector<1x2000x128xf32>
    %get3A_8 = vector.shape_cast %get3A_7 : vector<1x2000x128xf32> to vector<2000x128xf32>
    %get3A_9 = arith.constant 0 : index
    %get3A_10 = arith.constant 0 : index
    %get3A_11 = vector.load %arg2[%get3A_9, %get3A_10] : memref<256x256xf32, #tpu.memory_space<vmem>>, vector<128x256xf32>
    %dot_general3A = arith.constant dense<0.000000e+00> : vector<2000x256xf32>
    %dot_general3A_12 = tpu.matmul %get3A_3, %get3A_11, %dot_general3A {dimension_numbers = #tpu.dot_dimension_numbers<[1], [0], [0], [1], [0, 0, 1, 1], [], []>, transpose_lhs_hint = false} : vector<2000x128xf32>, vector<128x256xf32>, vector<2000x256xf32> -> vector<2000x256xf32>
    %get3A_13 = arith.constant 128 : index
    %get3A_14 = arith.constant 0 : index
    %get3A_15 = vector.load %arg2[%get3A_13, %get3A_14] : memref<256x256xf32, #tpu.memory_space<vmem>>, vector<128x256xf32>
    %dot_general3A_16 = arith.constant dense<0.000000e+00> : vector<2000x256xf32>
    %dot_general3A_17 = tpu.matmul %get3A_8, %get3A_15, %dot_general3A_16 {dimension_numbers = #tpu.dot_dimension_numbers<[1], [0], [0], [1], [0, 0, 1, 1], [], []>, transpose_lhs_hint = false} : vector<2000x128xf32>, vector<128x256xf32>, vector<2000x256xf32> -> vector<2000x256xf32>
    %add3A = arith.addf %dot_general3A_12, %dot_general3A_17 : vector<2000x256xf32>
    %get3A_18 = arith.constant 0 : index
    %get3A_19 = arith.constant 0 : index
    %get3A_20 = vector.load %arg3[%get3A_18, %get3A_19] : memref<1x256xf32, #tpu.memory_space<vmem>>, vector<1x256xf32>
    %add3A_21 = vector.broadcast %get3A_20 : vector<1x256xf32> to vector<2000x256xf32>
    %add3A_22 = arith.addf %add3A, %add3A_21 : vector<2000x256xf32>
    %max3A = arith.constant 0.000000e+00 : f32
    %max3A_23 = vector.broadcast %max3A : f32 to vector<2000x256xf32>
    %max3A_24 = arith.maximumf %add3A_22, %max3A_23 : vector<2000x256xf32>
    %swap3A = arith.constant 0 : index
    %swap3A_25 = arith.constant 0 : index
    %swap3A_26 = vector.load %arg8[%swap3A, %swap3A_25] : memref<2000x256xf32, #tpu.memory_space<vmem>>, vector<2000x256xf32>
    tpu.vector_store %arg8[%swap3A, %swap3A_25], %max3A_24 {strides = array<i32>} : memref<2000x256xf32, #tpu.memory_space<vmem>>, vector<2000x256xf32>,
    %get3A_27 = arith.constant 0 : index
    %get3A_28 = arith.constant 0 : index
    %get3A_29 = vector.load %arg4[%get3A_27, %get3A_28] : memref<256x512xf32, #tpu.memory_space<vmem>>, vector<256x512xf32>
    %dot_general3A_30 = arith.constant dense<0.000000e+00> : vector<2000x512xf32>
    %dot_general3A_31 = tpu.matmul %max3A_24, %get3A_29, %dot_general3A_30 {dimension_numbers = #tpu.dot_dimension_numbers<[1], [0], [0], [1], [0, 0, 1, 1], [], []>, transpose_lhs_hint = false} : vector<2000x256xf32>, vector<256x512xf32>, vector<2000x512xf32> -> vector<2000x512xf32>
    %get3A_32 = arith.constant 0 : index
    %get3A_33 = arith.constant 0 : index
    %get3A_34 = vector.load %arg5[%get3A_32, %get3A_33] : memref<1x512xf32, #tpu.memory_space<vmem>>, vector<1x512xf32>
    %add3A_35 = vector.broadcast %get3A_34 : vector<1x512xf32> to vector<2000x512xf32>
    %add3A_36 = arith.addf %dot_general3A_31, %add3A_35 : vector<2000x512xf32>
    %ge3A = arith.constant 0.000000e+00 : f32
    %ge3A_37 = vector.broadcast %ge3A : f32 to vector<2000x512xf32>
    %ge3A_38 = arith.cmpf oge, %add3A_36, %ge3A_37 : vector<2000x512xf32>
    %mul3A = arith.constant 0.00999999977 : f32
    %mul3A_39 = vector.broadcast %mul3A : f32 to vector<2000x512xf32>
    %mul3A_40 = arith.mulf %mul3A_39, %add3A_36 : vector<2000x512xf32>
    %select_n3A = arith.select %ge3A_38, %add3A_36, %mul3A_40 : vector<2000x512xi1>, vector<2000x512xf32>
    %get3A_41 = arith.constant 0 : index
    %get3A_42 = arith.constant 0 : index
    %get3A_43 = vector.load %arg6[%get3A_41, %get3A_42] : memref<512x256xf32, #tpu.memory_space<vmem>>, vector<512x256xf32>
    %dot_general3A_44 = arith.constant dense<0.000000e+00> : vector<2000x256xf32>
    %dot_general3A_45 = tpu.matmul %select_n3A, %get3A_43, %dot_general3A_44 {dimension_numbers = #tpu.dot_dimension_numbers<[1], [0], [0], [1], [0, 0, 1, 1], [], []>, transpose_lhs_hint = false} : vector<2000x512xf32>, vector<512x256xf32>, vector<2000x256xf32> -> vector<2000x256xf32>
    %get3A_46 = arith.constant 0 : index
    %get3A_47 = arith.constant 0 : index
    %get3A_48 = vector.load %arg7[%get3A_46, %get3A_47] : memref<1x256xf32, #tpu.memory_space<vmem>>, vector<1x256xf32>
    %add3A_49 = vector.broadcast %get3A_48 : vector<1x256xf32> to vector<2000x256xf32>
    %add3A_50 = arith.addf %dot_general3A_45, %add3A_49 : vector<2000x256xf32>
    %swap3A_51 = arith.constant 0 : index
    %swap3A_52 = arith.constant 0 : index
    %swap3A_53 = vector.load %arg9[%swap3A_51, %swap3A_52] : memref<2000x256xf32, #tpu.memory_space<vmem>>, vector<2000x256xf32>
    tpu.vector_store %arg9[%swap3A_51, %swap3A_52], %add3A_50 {strides = array<i32>} : memref<2000x256xf32, #tpu.memory_space<vmem>>, vector<2000x256xf32>,
    return
  }
  func.func @transform_0(%arg0: i32) -> (i32, i32, i32) {
    %c0_i32 = arith.constant 0 : i32
    %c0_i32_0 = arith.constant 0 : i32
    %c0_i32_1 = arith.constant 0 : i32
    return %c0_i32, %arg0, %c0_i32_0 : i32, i32, i32
  }
  func.func @transform_1(%arg0: i32) -> (i32, i32) {
    %c0_i32 = arith.constant 0 : i32
    %c0_i32_0 = arith.constant 0 : i32
    %c0_i32_1 = arith.constant 0 : i32
    return %c0_i32, %c0_i32_0 : i32, i32
  }
  func.func @transform_2(%arg0: i32) -> (i32, i32) {
    %c0_i32 = arith.constant 0 : i32
    %c0_i32_0 = arith.constant 0 : i32
    %c0_i32_1 = arith.constant 0 : i32
    return %c0_i32, %c0_i32_0 : i32, i32
  }
  func.func @transform_3(%arg0: i32) -> (i32, i32) {
    %c0_i32 = arith.constant 0 : i32
    %c0_i32_0 = arith.constant 0 : i32
    %c0_i32_1 = arith.constant 0 : i32
    return %c0_i32, %c0_i32_0 : i32, i32
  }
  func.func @transform_4(%arg0: i32) -> (i32, i32) {
    %c0_i32 = arith.constant 0 : i32
    %c0_i32_0 = arith.constant 0 : i32
    %c0_i32_1 = arith.constant 0 : i32
    return %c0_i32, %c0_i32_0 : i32, i32
  }
  func.func @transform_5(%arg0: i32) -> (i32, i32) {
    %c0_i32 = arith.constant 0 : i32
    %c0_i32_0 = arith.constant 0 : i32
    %c0_i32_1 = arith.constant 0 : i32
    return %c0_i32, %c0_i32_0 : i32, i32
  }
  func.func @transform_6(%arg0: i32) -> (i32, i32) {
    %c0_i32 = arith.constant 0 : i32
    %c0_i32_0 = arith.constant 0 : i32
    %c0_i32_1 = arith.constant 0 : i32
    return %c0_i32, %c0_i32_0 : i32, i32
  }
  func.func @transform_7(%arg0: i32) -> (i32, i32) {
    %c0_i32 = arith.constant 0 : i32
    %c0_i32_0 = arith.constant 0 : i32
    return %arg0, %c0_i32 : i32, i32
  }
  func.func @transform_8(%arg0: i32) -> (i32, i32) {
    %c0_i32 = arith.constant 0 : i32
    %c0_i32_0 = arith.constant 0 : i32
    return %arg0, %c0_i32 : i32, i32
  }
}

</mosaic_0001>

<sc_bundles>
// kernel: kernel.4.cloned.1.call-start
scs
__scs_entry_jumppad:
0x0: {  	(pc) =	sbr.rel $0x88, $3  }
0x1: {  	(tag) =	ssettag $0x0;
	lr =	simm.s32 $0x1  }
0x2: {  	[smem:$0x3F99] =	sst lr;
	_ =	strace $0xD0000000  }
0x3: {  	_ = 	snop  }
0x4: {  	_ = 	snop  }
0x5: {  	_ = 	snop  }
0x6: {  	_ = 	snop  }
0x7: {  	_ = 	snop  }
__scs_overlays_trampoline_lowered:
0x8: {  	[smem:$0x3FA8] =	sst s0  }
0x9: {  	[smem:$0x3FA9] =	sst s1  }
0xa: {  	[smem:$0x3FAA] =	sst s2  }
0xb: {  	[smem:$0x3FAB] =	sst s3  }
0xc: {  	[smem:$0x3FAC] =	sst s4  }
0xd: {  	[smem:$0x3FAD] =	sst s5  }
0xe: {  	[smem:$0x3FAE] =	sst s6  }
0xf: {  	[smem:$0x3FAF] =	sst s7  }
0x10: {  	[smem:$0x3FB0] =	sst s8  }
0x11: {  	[smem:$0x3FB1] =	sst s9;
	s0 =	simm.s32 @!p0 $0x0  }
0x12: {  	s1 =	sld [smem:$0x3F97];
	s0 =	simm.s32 @p0 $0x1  }
0x13: {  	[smem:$0x3FB2] =	sst s0;
	s0 =	simm.s32 @!p1 $0x0  }
0x14: {  	s2 =	sld [smem:$0x3F96];
	s0 =	simm.s32 @p1 $0x1  }
0x15: {  	[smem:$0x3FB3] =	sst s0;
	s0 =	simm.s32 @!p2 $0x0  }
0x16: {  	s3 =	sld [smem:$0x3FDB];
	s0 =	simm.s32 @p2 $0x1  }
0x17: {  	s4 =	simm.s32 $0x1BF5;
	[smem:$0x3FB5] =	sst s0  }
0x18: {  	s0 =	sld [smem:$0x3F98];
	_ =	swait.ge [sflag:s4], $0x0  }
0x19: {  	s7 =	sld [smem:$0x3F99]  }
0x1a: {  	s8 =	sadd.s32 $0xFFFFE003, lr  }
0x1b: {  	s9 =	sadd.s32 $0xFFFFFEF7, lr;
	s5 =	simm.s32 $0xFFFFFFFF;
	p2 =	slt.u32 s8, $0xFFFFF086  }
0x1c: {  	p1 =	slt.u32 s9, $0xF7A;
	s5 =	simm.s32 @!p2 $0x0  }
0x1d: {  	s5 =	simm.s32 @p1 $0x1;
	p0 =	seq.s32 s7, s2  }
0x1e: {  	s7 =	smul.u32 @!p0 $0xF7A, s2;
	p2 =	seq.s32 @!p0 s5, $0x0  }
0x1f: {  	s9 =	smul.u32 $0xF7A, s1;
	s8 =	simm.s32 @!p0 $0x1BF5;
	p2 =	por !p2, p0  }
0x20: {  	[sflag:s8] =	ssyncset.s32 @!p0 $0xFFFFF086;
	s6 =	sadd.s32 @!p0 s3, s7;
	s7 =	simm.s32 @!p0 $0x108  }
0x21: {  	s3 =	sadd.s32 s3, s9;
	s6 =	sadd.s32 @!p0 $0x88, s6;
	s7 =	simm.s32 @p2 $0x1082  }
0x22: {  	[simem:s7], [sflag:s8] =	dma.local @!p0 [hbm:s6], $0xF7A  }
0x23: {  	s9 =	sor.u32 $0xD0000000, s2;
	s6 =	simm.s32 $0x108;
	_ =	swait.ge @!p0 [sflag:s8], $0x0  }
0x24: {  	s3 =	sadd.s32 $0x88, s3;
	s6 =	simm.s32 @!p1 $0x1082;
	[sflag:s4] =	ssyncset.s32 $0xFFFFF086  }
0x25: {  	[simem:s6], [sflag:s4] =	dma.local [hbm:s3], $0xF7A  }
0x26: {  	[smem:$0x3F99] =	sst s1;
	(tag) =	ssettag s2;
	_ =	strace s9  }
0x27: {  	s1 =	sld [smem:$0x3FA9]  }
0x28: {  	s2 =	sld [smem:$0x3FAA]  }
0x29: {  	s4 =	sld [smem:$0x3FAC]  }
0x2a: {  	p0 =	seq.s32 s5, $0x0;
	s5 =	sld [smem:$0x3FAD]  }
0x2b: {  	s6 =	sld [smem:$0x3FAE]  }
0x2c: {  	s7 =	sld [smem:$0x3FAF]  }
0x2d: {  	s3 =	simm.s32 $0x108;
	s8 =	sld [smem:$0x3FB0]  }
0x2e: {  	s3 =	simm.s32 @!p0 $0x1082;
	s9 =	sld [smem:$0x3FB1]  }
0x2f: {  	lr =	sadd.s32 s0, s3;
	s0 =	sld [smem:$0x3FA8]  }
0x30: {  	s3 =	sld [smem:$0x3FAB]  }
0x31: {  	[smem:$0x3FB4] =	sst s10  }
0x32: {  	s10 =	sld [smem:$0x3FB2];
	_ =	sdelay $0x3  }
0x33: {  	p0 =	seq.s32 s10, $0x1;
	s10 =	sld [smem:$0x3FB4];
	_ =	sdelay $0x3  }
0x34: {  	[smem:$0x3FB4] =	sst s10  }
0x35: {  	s10 =	sld [smem:$0x3FB3];
	_ =	sdelay $0x3  }
0x36: {  	p1 =	seq.s32 s10, $0x1;
	s10 =	sld [smem:$0x3FB4];
	_ =	sdelay $0x3  }
0x37: {  	[smem:$0x3FB4] =	sst s10  }
0x38: {  	s10 =	sld [smem:$0x3FB5]  }
0x39: {  	_ = 	snop;
	(pc) =	sbr.ind lr, $3  }
0x3a: {  	_ = 	snop  }
0x3b: {  	_ = 	snop  }
0x3c: {  	p2 =	seq.s32 s10, $0x1;
	s10 =	sld [smem:$0x3FB4]  }
0x3d: {  	_ =	shalt  }
0x3e: {  	_ =	shalt  }
0x3f: {  	_ =	shalt  }
0x40: {  	_ =	shalt  }
0x41: {  	_ =	shalt  }
0x42: {  	_ =	shalt  }
0x43: {  	_ =	shalt  }
0x44: {  	_ =	shalt  }
0x45: {  	_ =	shalt  }
0x46: {  	_ =	shalt  }
0x47: {  	_ =	shalt  }
0x48: {  	_ =	shalt  }
0x49: {  	_ =	shalt  }
0x4a: {  	_ =	shalt  }
0x4b: {  	_ =	shalt  }
0x4c: {  	_ =	shalt  }
0x4d: {  	_ =	shalt  }
0x4e: {  	_ =	shalt  }
0x4f: {  	_ =	shalt  }
0x50: {  	_ =	shalt  }
0x51: {  	_ =	shalt  }
0x52: {  	_ =	shalt  }
0x53: {  	_ =	shalt  }
0x54: {  	_ =	shalt  }
0x55: {  	_ =	shalt  }
0x56: {  	_ =	shalt  }
0x57: {  	_ =	shalt  }
0x58: {  	_ =	shalt  }
0x59: {  	_ =	shalt  }
0x5a: {  	_ =	shalt  }
0x5b: {  	_ =	shalt  }
0x5c: {  	_ =	shalt  }
0x5d: {  	_ =	shalt  }
0x5e: {  	_ =	shalt  }
0x5f: {  	_ =	shalt  }
0x60: {  	_ =	shalt  }
0x61: {  	_ =	shalt  }
0x62: {  	_ =	shalt  }
0x63: {  	_ =	shalt  }
0x64: {  	_ =	shalt  }
0x65: {  	_ =	shalt  }
0x66: {  	_ =	shalt  }
0x67: {  	_ =	shalt  }
0x68: {  	_ =	shalt  }
0x69: {  	_ =	shalt  }
0x6a: {  	_ =	shalt  }
0x6b: {  	_ =	shalt  }
0x6c: {  	_ =	shalt  }
0x6d: {  	_ =	shalt  }
0x6e: {  	_ =	shalt  }
0x6f: {  	_ =	shalt  }
0x70: {  	_ =	shalt  }
0x71: {  	_ =	shalt  }
0x72: {  	_ =	shalt  }
0x73: {  	_ =	shalt  }
0x74: {  	_ =	shalt  }
0x75: {  	_ =	shalt  }
0x76: {  	_ =	shalt  }
0x77: {  	_ =	shalt  }
0x78: {  	_ =	shalt  }
0x79: {  	_ =	shalt  }
0x7a: {  	_ =	shalt  }
0x7b: {  	_ =	shalt  }
0x7c: {  	_ =	shalt  }
0x7d: {  	_ =	shalt  }
0x7e: {  	_ =	shalt  }
0x7f: {  	_ =	shalt  }
0x80: {  	_ =	shalt  }
0x81: {  	_ =	shalt  }
0x82: {  	_ =	shalt  }
0x83: {  	_ =	shalt  }
0x84: {  	_ =	shalt  }
0x85: {  	_ =	shalt  }
0x86: {  	_ =	shalt  }
0x87: {  	_ =	shalt  }
.Lfunc_end0:
.L_simem_size_0:
called_computation_lowered:
.L_overlay_start_0:
0x88: {  	s2 =	sld [smem:$0x3FD9]  }
0x89: {  	s3 =	sld [smem:$0x3FFE];
	_ =	sdelay $0x1  }
0x8a: {  	s1 =	srdreg.scid  }
0x8b: {  	s0 =	sand.u32 $0x1, s1  }
0x8c: {  	s14 =	sshll.u32 s0, $0xA;
	s2 =	sadd.s32 s3, s2  }
0x8d: {  	s2 =	sadd.s32 s2, s14  }
0x8e: {  	[smem:$0x3FC0] =	sst s2  }
0x8f: {  	_ = 	snop  }
0x90: {  	s2 =	sld [smem:$0x3FD0];
	_ =	sdelay $0x2  }
0x91: {  	s4 =	simm.s32 $0xA;
	s5 =	simm.s32 $0x10;
	s15 =	sld [smem:$0x3FC9]  }
0x92: {  	[smem:s5], [sflag:s4] =	dma.local [hbm:s2], $0x1  }
0x93: {  	_ =	swait.eq [sflag:s4], $0x1  }
0x94: {  	[sflag:s4] =	ssyncset.done $0x0  }
0x95: {  	s16 =	sld [smem:$0x10];
	[sflag:s4] =	ssyncadd.s32 $0xFFFFFFFF  }
0x96: {  	s17 =	sld [smem:$0x11];
	(tm) =	ssettm $0x1  }
0x97: {  	s18 =	sld [smem:$0x3FFB];
	_ =	sdelay $0x3  }
0x98: {  	_ =	strace s18  }
0x99: {  	s5 =	sld [smem:$0x3FFC];
	_ =	sdelay $0x3  }
0x9a: {  	_ =	strace s5  }
0x9b: {  	s5 =	sld [smem:$0x3FFD];
	_ =	sdelay $0x3  }
0x9c: {  	_ =	strace s5  }
0x9d: {  	_ =	strace $0x8FFFFFFF  }
0x9e: {  	s19 =	sld [smem:$0x3FDB];
	_ =	sdelay $0x1  }
0x9f: {  	s6 =	simm.s32 $_scs_section_size  }
0xa0: {  	s7 =	simm.s32 $_size__tile_overlayer_lowered;
	s8 =	simm.s32 $_tile_overlayer_lowered  }
0xa1: {  	s22 =	simm.s32 $0x1BFF;
	s21 =	sshll.u32 s8, $0x1;
	s5 =	sadd.s32 s6, s19  }
0xa2: {  	s9 =	simm.s32 $0x0;
	s20 =	sshll.u32 s7, $0x1;
	s7 =	sadd.s32 s21, s5  }
0xa3: {  	[timem:s9], [sflag:s22] =	dma.local [hbm:s7], s20  }
0xa4: {  	_ =	swait.ge [sflag:s22], s20  }
0xa5: {  	s6 =	ssub.s32 $0x0, s20;
	[sflag:s22] =	ssyncset.done $0x0  }
0xa6: {  	[sflag:s22] =	ssyncadd.s32 s6;
	_ =	sdelay $0x1  }
0xa7: {  	s23 =	simm.s32 $0x1B8B  }
0xa8: {  	_ =	swait.ge [sflag:s23], $0x1  }
0xa9: {  	[sflag:s23] =	ssyncset.done $0x0  }
0xaa: {  	s25 =	simm.s32 $0x1B8E;
	s24 =	sld [smem:$0x3FFE];
	[sflag:s23] =	ssyncadd.s32 $0xFFFFFFFF  }
0xab: {  	s26 =	simm.s32 $execute0_lowered;
	[smem:$0x3FD2] =	sst s25  }
0xac: {  	s7 =	sshll.u32 s26, $0x1;
	_ =	strace $0x80000046;
	[dreg:$0x1] =	wrdreg $0xFFFFFFFF  }
0xad: {  	s28 =	simm.s32 $_size_execute0_lowered;
	s5 =	sadd.s32 s5, s7;
	[dreg:$0x0] =	wrdreg $0x0  }
0xae: {  	s7 =	sshll.u32 s28, $0x1;
	[dreg:$0x2] =	wrdreg s5  }
0xaf: {  	[dreg:$0x3] =	wrdreg s7  }
0xb0: {  	[dreg:$0x4] =	wrdreg $0xC0  }
0xb1: {  	_ =	task [dreg:s9], $0x5FFFF  }
0xb2: {  	[dreg:$0x1] =	wrdreg $0xFFFFFFFF  }
0xb3: {  	[dreg:$0x0] =	wrdreg $0x60  }
0xb4: {  	[dreg:$0x2] =	wrdreg s17  }
0xb5: {  	[dreg:$0x3] =	wrdreg s15  }
0xb6: {  	[dreg:$0x4] =	wrdreg s24  }
0xb7: {  	[dreg:$0x5] =	wrdreg s16  }
0xb8: {  	[dreg:$0x6] =	wrdreg $0xA8000  }
0xb9: {  	[dreg:$0x7] =	wrdreg $0x9  }
0xba: {  	_ =	task.clear_ibuf [dreg:s9], $0x8FFFF;
	_ =	strace $0x90000046  }
0xbb: {  	s29 =	simm.s32 $0x9;
	_ =	strace $0x80000048  }
0xbc: {  	_ =	swait.ge [sflag:s29], $0x1  }
0xbd: {  	[sflag:s29] =	ssyncadd.s32 $0xFFFFFFFF  }
0xbe: {  	_ =	strace $0x90000048  }
0xbf: {  	_ =	sfence  }
0xc0: {  	s30 =	sld [smem:$0x0];
	_ =	sdelay $0x2  }
0xc1: {  	s31 =	sshll.u32 s1, $0xD;
	s1 =	sshrl.u32 s1, $0x2  }
0xc2: {  	s3 =	sand.u32 $0x4000, s31;
	s1 =	sadd.s32 s1, s30  }
0xc3: {  	s0 =	sor.u32 s3, s0;
	s1 =	sshll.u32 s1, $0x11  }
0xc4: {  	s0 =	sor.u32 s1, s0  }
0xc5: {  	s0 =	sadd.s32 $0x8F2B, s0  }
0xc6: {  	[sflag:s0] =	ssyncadd.remote.s32 $0x1  }
0xc7: {  	_ =	sfence.sel $0xFFFF  }
0xc8: {  	[dreg:$0x0] =	wrdreg $0xFFFFFFFF;
	(pc) =	sbr.abs _section_cstart, $3  }
0xc9: {  	[dreg:$0x1] =	wrdreg $0xFFFFFFFF  }
0xca: {  	_ =	task.clear_ibuf [dreg:s9], $0x2FFFF;
	_ =	strace $0x9FFFFFFF  }
0xcb: {  	(tm) =	ssettm $0x7FFFFFFF  }
tec
execute0_lowered:
.L_overlay_start_1:
0x0: {  	(tag) =	ssettag $0x1  }
0x1: {  	s1 =	rddreg [dreg:$0x0]  }
0x2: {  	s0 =	rddreg [dreg:$0x1]  }
0x3: {  	s3 =	rddreg [dreg:$0x2]  }
0x4: {  	s4 =	rddreg [dreg:$0x3]  }
0x5: {  	s2 =	rddreg [dreg:$0x4];
	s5 =	simm.s32 $0x0  }
0x6: {  	s19 =	srdreg.scid;
	s7 =	stileid.u32;
	s28 =	simm.s32 $0x4800  }
0x7: {  	s29 =	simm.s32 $0x6800;
	s30 =	simm.s32 $0x1;
	s31 =	simm.s32 $0x2780  }
0x8: {  	[smem:$0x7FF] =	sst s5;
	s5 =	sand.u32 $0x1, s19;
	s9 =	smul.u32 $0x4E000, s7  }
0x9: {  	s8 =	sadd.s32 $0xB200, s3;
	s3 =	sadd.s32 $0x1200, s3;
	s11 =	smul.u32 $0x27000, s7  }
0xa: {  	s24 =	sshll.u32 s7, $0x6;
	s12 =	smul.u32 $0x5000, s7;
	s13 =	sadd.s32 $0x138000, s2  }
0xb: {  	p0 =	sne.s32 s7, $0x0;
	_ =	strace $0x80000047;
	s6 =	ssub.s32 $0x2, s5  }
0xc: {  	s21 =	sshll.u32 s5, $0xA;
	s23 =	smul.u32 $0x50000, s5;
	s25 =	sshll.u32 s5, $0x7  }
0xd: {  	[dreg:$0x8] =	wrdreg s13;
	s5 =	smul.u32 $0x138800, s5;
	s10 =	sshrl.u32 s6, $0x1  }
0xe: {  	s20 =	sshrl.u32 s9, $0x2;
	s22 =	sor.u32 s21, s11;
	s14 =	sadd.s32 $0x1400, s12  }
0xf: {  	s15 =	sshrl.u32 s12, $0x3;
	s19 =	sadd.s32 $0x2800, s12;
	s21 =	smul.u32 $0x13800, s7  }
0x10: {  	s7 =	simm.s32 $0x5;
	s10 =	ssub.s32 s6, s10;
	s6 =	sadd.s32 s20, s2  }
0x11: {  	s26 =	sadd.s32 s12, s23;
	s16 =	sadd.s32 s23, s14;
	s11 =	sshrl.u32 s14, $0x3  }
0x12: {  	s20 =	sadd.s32 s23, s19;
	s12 =	sadd.s32 $0x3C00, s12;
	[dreg:$0x6] =	wrdreg s6  }
0x13: {  	s6 =	sshrl.u32 s22, $0x3;
	s13 =	sshrl.u32 s26, $0x3;
	s17 =	sshrl.u32 s16, $0x3  }
0x14: {  	s18 =	sadd.s32 s3, s11;
	s11 =	sshrl.u32 s20, $0x3;
	s9 =	sadd.s32 s23, s12  }
0x15: {  	s23 =	sadd.s32 s21, s5;
	s5 =	sshrl.u32 s5, $0x3;
	s26 =	smax.u32 s10, $0x1  }
0x16: {  	s20 =	simm.s32 $0x8;
	s21 =	simm.s32 $0x80;
	s6 =	sadd.s32 s0, s6  }
0x17: {  	s0 =	sadd.s32 s25, s0;
	[dreg:$0xd] =	wrdreg s18;
	s11 =	sadd.s32 s8, s11  }
0x18: {  	s9 =	sshrl.u32 s9, $0x3;
	s25 =	sadd.s32 s4, s5;
	[dreg:$0x14] =	wrdreg s26  }
0x19: {  	s26 =	simm.s32 $0x2800;
	s18 =	simm.s32 $0x1380;
	[dreg:$0x7] =	wrdreg s6  }
0x1a: {  	s5 =	simm.s32 $0x0;
	s0 =	sadd.s32 $0x4E000, s0;
	[dreg:$0xe] =	wrdreg s11  }
0x1b: {  	s6 =	sor.u32 $0x1C09, s24;
	s22 =	sadd.s32 s8, s9;
	[dreg:$0x9] =	wrdreg s0  }
0x1c: {  	s24 =	sshrl.u32 s12, $0x3;
	s0 =	sadd.s32 s8, s13;
	[dreg:$0x10] =	wrdreg s22  }
0x1d: {  	s9 =	simm.s32 $0x3;
	[dreg:$0xa] =	wrdreg s0;
	s0 =	sadd.s32 s3, s15  }
0x1e: {  	s11 =	simm.s32 $0x6;
	[dreg:$0xb] =	wrdreg s0;
	s0 =	sadd.s32 s8, s17  }
0x1f: {  	s22 =	simm.s32 $0x100;
	[dreg:$0xc] =	wrdreg s0;
	s0 =	sshrl.u32 s19, $0x3  }
0x20: {  	s13 =	simm.s32 $0x4;
	s15 =	simm.s32 $0x7;
	s0 =	sadd.s32 s3, s0  }
0x21: {  	s19 =	simm.s32 $0x2680;
	s3 =	sadd.s32 s3, s24;
	[dreg:$0xf] =	wrdreg s0  }
0x22: {  	s24 =	simm.s32 $0x1400;
	s0 =	sshrl.u32 s23, $0x3;
	[dreg:$0x11] =	wrdreg s3  }
0x23: {  	s23 =	simm.s32 $0x9;
	s3 =	simm.s32 $0x2700;
	s0 =	sadd.s32 s4, s0  }
0x24: {  	s4 =	simm.s32 $0x2;
	[dreg:$0x12] =	wrdreg s0;
	s0 =	sadd.s32 $0x27000, s25  }
0x25: {  	s25 =	simm.s32 $0x40;
	[dreg:$0x13] =	wrdreg s0;
	s0 =	simm.s32 $0x8800  }
.LBB2_1:
0x26: {  	s8 =	rddreg [dreg:$0x6]  }
0x27: {  	s10 =	rddreg [dreg:$0x7];
	s8 =	sshrl.u32 s8, $0x3  }
0x28: {  	[spmem:s8@s21], [sflag:s6] =	dma.strided [hbm:s10@s22], $0x2700, s20, $0x10   }
0x29: {  	s12 =	simm.s32 @!p0 $0x8;
	s14 =	simm.s32 @!p0 $0x80;
	_ =	swait.ge [sflag:s23], $0x2700  }
0x2a: {  	s16 =	simm.s32 @!p0 $0x100;
	[sflag:s23] =	ssyncset.done $0x0;
	s10 =	rddreg [dreg:$0x8]  }
0x2b: {  	s17 =	rddreg [dreg:$0x9];
	[sflag:s23] =	ssyncadd.s32 $0xFFFFD900;
	s10 =	sshrl.u32 @!p0 s10, $0x3  }
0x2c: {  	[spmem:s10@s14], [sflag:s6] =	dma.strided @!p0 [hbm:s17@s16], $0x100, s12, $0x10   }
0x2d: {  	s12 =	simm.s32 @!p0 $0x9  }
0x2e: {  	_ =	swait.ge @!p0 [sflag:s12], $0x100  }
0x2f: {  	[sflag:s12] =	ssyncset.done @!p0 $0x0  }
0x30: {  	[sflag:s12] =	ssyncadd.s32 @!p0 $0xFFFFFF00  }
0x31: {  	[bflag:$0x0] =	sbarrier.arrive $0xFFFF  }
0x32: {  	s12 =	simm.s32 $0x0;
	s16 =	rddreg [dreg:$0xa]  }
0x33: {  	[tilespmem:s12], [sflag:$0x9] =	stream.linear.gather [hbm4b:s16+s12], $0x1400, $0x38;
	[tilespmem:$0x1E0C0] =	vst v63  }
0x34: {  	_ =	swait.ge [sflag:s23], $0x1400  }
0x35: {  	[sflag:s23] =	ssyncset.done $0x0  }
0x36: {  	s17 =	rddreg [dreg:$0xb];
	[sflag:s23] =	ssyncadd.s32 $0xFFFFEC00  }
0x37: {  	[tilespmem:s24], [sflag:$0x9] =	stream.linear.gather [hbm4b:s17+s12], $0x1400, $0x38;
	[tilespmem:$0x1E0C0] =	vst v63  }
0x38: {  	_ =	swait.ge [sflag:s23], $0x1400  }
0x39: {  	[sflag:s23] =	ssyncset.done $0x0  }
0x3a: {  	[sflag:s23] =	ssyncadd.s32 $0xFFFFEC00  }
0x3b: {  	[tilespmem:s26], [sflag:$0x1] =	stream.indirect.gather [hbm4b:s1+s25], $0x80, s12, s25, $0xb8;
	[tilespmem:$0x1E0C0] =	vst v63  }
0x3c: {  	_ = 	snop  }
0x3d: {  	[tilespmem:s28], [sflag:$0x2] =	stream.indirect.gather [hbm4b:s1+s25], $0x80, s21, s25, $0xb8;
	[tilespmem:$0x1E0C0] =	vst v63  }
0x3e: {  	_ = 	snop  }
0x3f: {  	[tilespmem:s29], [sflag:$0x3] =	stream.indirect.gather [hbm4b:s1+s25], $0x80, s22, s25, $0xb8;
	[tilespmem:$0x1E0C0] =	vst v63  }
0x40: {  	_ =	swait.ge [sflag:s30], $0x2000  }
0x41: {  	[sflag:s30] =	ssyncset.done $0x0  }
0x42: {  	[sflag:s30] =	ssyncadd.s32 $0xFFFFE000  }
0x43: {  	[spmem:s2] =	stream.indirect.scatter.add.f32 [tilespmem:s26], [sflag:$0x5], $0x80, s24, s25, $0xb8;
	[tilespmem:$0x1E0C0] =	vst v63  }
0x44: {  	s17 =	simm.s32 $0x180  }
0x45: {  	[tilespmem:s0], [sflag:$0x4] =	stream.indirect.gather [hbm4b:s1+s25], $0x80, s17, s25, $0xb8;
	[tilespmem:$0x1E0C0] =	vst v63  }
0x46: {  	_ =	swait.ge [sflag:s4], $0x2000  }
0x47: {  	[sflag:s4] =	ssyncset.done $0x0  }
0x48: {  	s16 =	simm.s32 $0x1480;
	[sflag:s4] =	ssyncadd.s32 $0xFFFFE000  }
0x49: {  	[spmem:s2] =	stream.indirect.scatter.add.f32 [tilespmem:s28], [sflag:$0x6], $0x80, s16, s25, $0xb8;
	[tilespmem:$0x1E0C0] =	vst v63  }
0x4a: {  	_ =	swait.ge [sflag:s7], $0x2000  }
0x4b: {  	[sflag:s7] =	ssyncset.done $0x0  }
0x4c: {  	s14 =	simm.s32 $0x200;
	[sflag:s7] =	ssyncadd.s32 $0xFFFFE000  }
0x4d: {  	[tilespmem:s26], [sflag:$0x1] =	stream.indirect.gather [hbm4b:s1+s25], $0x80, s14, s25, $0xb8;
	[tilespmem:$0x1E0C0] =	vst v63  }
0x4e: {  	_ =	swait.ge [sflag:s9], $0x2000  }
0x4f: {  	[sflag:s9] =	ssyncset.done $0x0  }
0x50: {  	s16 =	simm.s32 $0x1500;
	[sflag:s9] =	ssyncadd.s32 $0xFFFFE000  }
0x51: {  	[spmem:s2] =	stream.indirect.scatter.add.f32 [tilespmem:s29], [sflag:$0x7], $0x80, s16, s25, $0xb8;
	[tilespmem:$0x1E0C0] =	vst v63  }
0x52: {  	_ =	swait.ge [sflag:s11], $0x2000  }
0x53: {  	[sflag:s11] =	ssyncset.done $0x0  }
0x54: {  	s14 =	simm.s32 $0x280;
	[sflag:s11] =	ssyncadd.s32 $0xFFFFE000  }
0x55: {  	[tilespmem:s28], [sflag:$0x2] =	stream.indirect.gather [hbm4b:s1+s25], $0x80, s14, s25, $0xb8;
	[tilespmem:$0x1E0C0] =	vst v63  }
0x56: {  	_ =	swait.ge [sflag:s13], $0x2000  }
0x57: {  	[sflag:s13] =	ssyncset.done $0x0  }
0x58: {  	s16 =	simm.s32 $0x1580;
	[sflag:s13] =	ssyncadd.s32 $0xFFFFE000  }
0x59: {  	[spmem:s2] =	stream.indirect.scatter.add.f32 [tilespmem:s0], [sflag:$0x8], $0x80, s16, s25, $0xb8;
	[tilespmem:$0x1E0C0] =	vst v63  }
0x5a: {  	_ =	swait.ge [sflag:s15], $0x2000  }
0x5b: {  	[sflag:s15] =	ssyncset.done $0x0  }
0x5c: {  	s14 =	simm.s32 $0x300;
	[sflag:s15] =	ssyncadd.s32 $0xFFFFE000  }
0x5d: {  	[tilespmem:s29], [sflag:$0x3] =	stream.indirect.gather [hbm4b:s1+s25], $0x80, s14, s25, $0xb8;
	[tilespmem:$0x1E0C0] =	vst v63  }
0x5e: {  	_ =	swait.ge [sflag:s30], $0x2000  }
0x5f: {  	[sflag:s30] =	ssyncset.done $0x0  }
0x60: {  	s16 =	simm.s32 $0x1600;
	[sflag:s30] =	ssyncadd.s32 $0xFFFFE000  }
0x61: {  	[spmem:s2] =	stream.indirect.scatter.add.f32 [tilespmem:s26], [sflag:$0x5], $0x80, s16, s25, $0xb8;
	[tilespmem:$0x1E0C0] =	vst v63  }
0x62: {  	_ =	swait.ge [sflag:s20], $0x2000  }
0x63: {  	[sflag:s20] =	ssyncset.done $0x0  }
0x64: {  	s14 =	simm.s32 $0x380;
	[sflag:s20] =	ssyncadd.s32 $0xFFFFE000  }
0x65: {  	[tilespmem:s0], [sflag:$0x4] =	stream.indirect.gather [hbm4b:s1+s25], $0x80, s14, s25, $0xb8;
	[tilespmem:$0x1E0C0] =	vst v63  }
0x66: {  	_ =	swait.ge [sflag:s4], $0x2000  }
0x67: {  	[sflag:s4] =	ssyncset.done $0x0  }
0x68: {  	s16 =	simm.s32 $0x1680;
	[sflag:s4] =	ssyncadd.s32 $0xFFFFE000  }
0x69: {  	[spmem:s2] =	stream.indirect.scatter.add.f32 [tilespmem:s28], [sflag:$0x6], $0x80, s16, s25, $0xb8;
	[tilespmem:$0x1E0C0] =	vst v63  }
0x6a: {  	_ =	swait.ge [sflag:s7], $0x2000  }
0x6b: {  	[sflag:s7] =	ssyncset.done $0x0  }
0x6c: {  	s14 =	simm.s32 $0x400;
	[sflag:s7] =	ssyncadd.s32 $0xFFFFE000  }
0x6d: {  	[tilespmem:s26], [sflag:$0x1] =	stream.indirect.gather [hbm4b:s1+s25], $0x80, s14, s25, $0xb8;
	[tilespmem:$0x1E0C0] =	vst v63  }
0x6e: {  	_ =	swait.ge [sflag:s9], $0x2000  }
0x6f: {  	[sflag:s9] =	ssyncset.done $0x0  }
0x70: {  	s16 =	simm.s32 $0x1700;
	[sflag:s9] =	ssyncadd.s32 $0xFFFFE000  }
0x71: {  	[spmem:s2] =	stream.indirect.scatter.add.f32 [tilespmem:s29], [sflag:$0x7], $0x80, s16, s25, $0xb8;
	[tilespmem:$0x1E0C0] =	vst v63  }
0x72: {  	_ =	swait.ge [sflag:s11], $0x2000  }
0x73: {  	[sflag:s11] =	ssyncset.done $0x0  }
0x74: {  	s14 =	simm.s32 $0x480;
	[sflag:s11] =	ssyncadd.s32 $0xFFFFE000  }
0x75: {  	[tilespmem:s28], [sflag:$0x2] =	stream.indirect.gather [hbm4b:s1+s25], $0x80, s14, s25, $0xb8;
	[tilespmem:$0x1E0C0] =	vst v63  }
0x76: {  	_ =	swait.ge [sflag:s13], $0x2000  }
0x77: {  	[sflag:s13] =	ssyncset.done $0x0  }
0x78: {  	s16 =	simm.s32 $0x1780;
	[sflag:s13] =	ssyncadd.s32 $0xFFFFE000  }
0x79: {  	[spmem:s2] =	stream.indirect.scatter.add.f32 [tilespmem:s0], [sflag:$0x8], $0x80, s16, s25, $0xb8;
	[tilespmem:$0x1E0C0] =	vst v63  }
0x7a: {  	_ =	swait.ge [sflag:s15], $0x2000  }
0x7b: {  	[sflag:s15] =	ssyncset.done $0x0  }
0x7c: {  	s12 =	simm.s32 $0x800;
	s14 =	simm.s32 $0x500;
	[sflag:s15] =	ssyncadd.s32 $0xFFFFE000  }
.LBB2_2:
0x7d: {  	[tilespmem:s29], [sflag:$0x3] =	stream.indirect.gather [hbm4b:s1+s25], $0x80, s14, s25, $0xb8;
	[tilespmem:$0x1E0C0] =	vst v63  }
0x7e: {  	s14 =	smov.u32 s12  }
0x7f: {  	p1 =	sne.s32 s12, $0x3800;
	s12 =	sadd.s32 $0x800, s12;
	_ =	swait.ge [sflag:s30], $0x2000  }
0x80: {  	s14 =	sshra.s32 s14, $0x2;
	[sflag:s30] =	ssyncset.done $0x0  }
0x81: {  	s16 =	sadd.s32 $0x1600, s14;
	[sflag:s30] =	ssyncadd.s32 $0xFFFFE000  }
0x82: {  	[spmem:s2] =	stream.indirect.scatter.add.f32 [tilespmem:s26], [sflag:$0x5], $0x80, s16, s25, $0xb8;
	[tilespmem:$0x1E0C0] =	vst v63  }
0x83: {  	_ =	swait.ge [sflag:s20], $0x2000  }
0x84: {  	[sflag:s20] =	ssyncset.done $0x0  }
0x85: {  	s16 =	sadd.s32 $0x380, s14;
	[sflag:s20] =	ssyncadd.s32 $0xFFFFE000  }
0x86: {  	[tilespmem:s0], [sflag:$0x4] =	stream.indirect.gather [hbm4b:s1+s25], $0x80, s16, s25, $0xb8;
	[tilespmem:$0x1E0C0] =	vst v63  }
0x87: {  	_ =	swait.ge [sflag:s4], $0x2000  }
0x88: {  	[sflag:s4] =	ssyncset.done $0x0  }
0x89: {  	s16 =	sadd.s32 $0x1680, s14;
	[sflag:s4] =	ssyncadd.s32 $0xFFFFE000  }
0x8a: {  	[spmem:s2] =	stream.indirect.scatter.add.f32 [tilespmem:s28], [sflag:$0x6], $0x80, s16, s25, $0xb8;
	[tilespmem:$0x1E0C0] =	vst v63  }
0x8b: {  	_ =	swait.ge [sflag:s7], $0x2000  }
0x8c: {  	[sflag:s7] =	ssyncset.done $0x0  }
0x8d: {  	s16 =	sadd.s32 $0x400, s14;
	[sflag:s7] =	ssyncadd.s32 $0xFFFFE000  }
0x8e: {  	[tilespmem:s26], [sflag:$0x1] =	stream.indirect.gather [hbm4b:s1+s25], $0x80, s16, s25, $0xb8;
	[tilespmem:$0x1E0C0] =	vst v63  }
0x8f: {  	_ =	swait.ge [sflag:s9], $0x2000  }
0x90: {  	[sflag:s9] =	ssyncset.done $0x0  }
0x91: {  	s16 =	sadd.s32 $0x1700, s14;
	[sflag:s9] =	ssyncadd.s32 $0xFFFFE000  }
0x92: {  	[spmem:s2] =	stream.indirect.scatter.add.f32 [tilespmem:s29], [sflag:$0x7], $0x80, s16, s25, $0xb8;
	[tilespmem:$0x1E0C0] =	vst v63  }
0x93: {  	_ =	swait.ge [sflag:s11], $0x2000  }
0x94: {  	[sflag:s11] =	ssyncset.done $0x0  }
0x95: {  	s16 =	sadd.s32 $0x480, s14;
	[sflag:s11] =	ssyncadd.s32 $0xFFFFE000  }
0x96: {  	[tilespmem:s28], [sflag:$0x2] =	stream.indirect.gather [hbm4b:s1+s25], $0x80, s16, s25, $0xb8;
	[tilespmem:$0x1E0C0] =	vst v63  }
0x97: {  	_ =	swait.ge [sflag:s13], $0x2000  }
0x98: {  	[sflag:s13] =	ssyncset.done $0x0  }
.Ltmp0:
0x99: {  	s16 =	sadd.s32 $0x1780, s14;
	[sflag:s13] =	ssyncadd.s32 $0xFFFFE000;
	(pc) =	sbr.rel @p1 .LBB2_2-.Ltmp0, $4  }
0x9a: {  	[spmem:s2] =	stream.indirect.scatter.add.f32 [tilespmem:s0], [sflag:$0x8], $0x80, s16, s25, $0xb8;
	[tilespmem:$0x1E0C0] =	vst v63  }
0x9b: {  	_ =	swait.ge [sflag:s15], $0x2000  }
0x9c: {  	[sflag:s15] =	ssyncset.done $0x0  }
0x9d: {  	s14 =	sadd.s32 $0x500, s14;
	[sflag:s15] =	ssyncadd.s32 $0xFFFFE000  }
0x9e: {  	[tilespmem:s29], [sflag:$0x3] =	stream.indirect.gather [hbm4b:s1+s25], $0x80, s14, s25, $0xb8;
	[tilespmem:$0x1E0C0] =	vst v63  }
0x9f: {  	_ =	swait.ge [sflag:s30], $0x2000  }
0xa0: {  	[sflag:s30] =	ssyncset.done $0x0  }
0xa1: {  	s12 =	simm.s32 $0x2600;
	[sflag:s30] =	ssyncadd.s32 $0xFFFFE000  }
0xa2: {  	[spmem:s2] =	stream.indirect.scatter.add.f32 [tilespmem:s26], [sflag:$0x5], $0x80, s12, s25, $0xb8;
	[tilespmem:$0x1E0C0] =	vst v63  }
0xa3: {  	_ =	swait.ge [sflag:s20], $0x2000  }
0xa4: {  	[sflag:s20] =	ssyncset.done $0x0  }
0xa5: {  	[sflag:s20] =	ssyncadd.s32 $0xFFFFE000  }
0xa6: {  	[tilespmem:s0], [sflag:$0x4] =	stream.indirect.gather [hbm4b:s1+s25], $0x80, s18, s25, $0xb8;
	[tilespmem:$0x1E0C0] =	vst v63  }
0xa7: {  	_ =	swait.ge [sflag:s4], $0x2000  }
0xa8: {  	[sflag:s4] =	ssyncset.done $0x0  }
0xa9: {  	[sflag:s4] =	ssyncadd.s32 $0xFFFFE000  }
0xaa: {  	[spmem:s2] =	stream.indirect.scatter.add.f32 [tilespmem:s28], [sflag:$0x6], $0x80, s19, s25, $0xb8;
	[tilespmem:$0x1E0C0] =	vst v63  }
0xab: {  	_ =	swait.ge [sflag:s7], $0x2000  }
0xac: {  	[sflag:s7] =	ssyncset.done $0x0  }
0xad: {  	[sflag:s7] =	ssyncadd.s32 $0xFFFFE000  }
0xae: {  	_ =	swait.ge [sflag:s9], $0x2000  }
0xaf: {  	[sflag:s9] =	ssyncset.done $0x0  }
0xb0: {  	[sflag:s9] =	ssyncadd.s32 $0xFFFFE000  }
0xb1: {  	[spmem:s2] =	stream.indirect.scatter.add.f32 [tilespmem:s29], [sflag:$0x7], $0x80, s3, s25, $0xb8;
	[tilespmem:$0x1E0C0] =	vst v63  }
0xb2: {  	_ =	swait.ge [sflag:s11], $0x2000  }
0xb3: {  	[sflag:s11] =	ssyncset.done $0x0  }
0xb4: {  	[sflag:s11] =	ssyncadd.s32 $0xFFFFE000  }
0xb5: {  	_ =	swait.ge [sflag:s13], $0x2000  }
0xb6: {  	[sflag:s13] =	ssyncset.done $0x0  }
0xb7: {  	[sflag:s13] =	ssyncadd.s32 $0xFFFFE000  }
0xb8: {  	[spmem:s2] =	stream.indirect.scatter.add.f32 [tilespmem:s0], [sflag:$0x8], $0x80, s31, s25, $0xb8;
	[tilespmem:$0x1E0C0] =	vst v63  }
0xb9: {  	_ =	swait.ge [sflag:s15], $0x2000  }
0xba: {  	[sflag:s15] =	ssyncset.done $0x0  }
0xbb: {  	[sflag:s15] =	ssyncadd.s32 $0xFFFFE000  }
0xbc: {  	_ =	swait.ge [sflag:s20], $0x2000  }
0xbd: {  	[sflag:s20] =	ssyncset.done $0x0  }
0xbe: {  	s12 =	simm.s32 $0x0;
	s16 =	rddreg [dreg:$0xc];
	[sflag:s20] =	ssyncadd.s32 $0xFFFFE000  }
0xbf: {  	[tilespmem:s12], [sflag:$0x9] =	stream.linear.gather [hbm4b:s16+s12], $0x1400, $0x38;
	[tilespmem:$0x1E0C0] =	vst v63  }
0xc0: {  	_ =	swait.ge [sflag:s23], $0x1400  }
0xc1: {  	[sflag:s23] =	ssyncset.done $0x0  }
0xc2: {  	s16 =	rddreg [dreg:$0xd];
	[sflag:s23] =	ssyncadd.s32 $0xFFFFEC00  }
0xc3: {  	[tilespmem:s24], [sflag:$0x9] =	stream.linear.gather [hbm4b:s16+s12], $0x1400, $0x38;
	[tilespmem:$0x1E0C0] =	vst v63  }
0xc4: {  	_ =	swait.ge [sflag:s23], $0x1400  }
0xc5: {  	[sflag:s23] =	ssyncset.done $0x0  }
0xc6: {  	[sflag:s23] =	ssyncadd.s32 $0xFFFFEC00  }
0xc7: {  	[tilespmem:s26], [sflag:$0x1] =	stream.indirect.gather [hbm4b:s1+s25], $0x80, s12, s25, $0xb8;
	[tilespmem:$0x1E0C0] =	vst v63  }
0xc8: {  	_ = 	snop  }
0xc9: {  	[tilespmem:s28], [sflag:$0x2] =	stream.indirect.gather [hbm4b:s1+s25], $0x80, s21, s25, $0xb8;
	[tilespmem:$0x1E0C0] =	vst v63  }
0xca: {  	_ = 	snop  }
0xcb: {  	[tilespmem:s29], [sflag:$0x3] =	stream.indirect.gather [hbm4b:s1+s25], $0x80, s22, s25, $0xb8;
	[tilespmem:$0x1E0C0] =	vst v63  }
0xcc: {  	_ =	swait.ge [sflag:s30], $0x2000  }
0xcd: {  	[sflag:s30] =	ssyncset.done $0x0  }
0xce: {  	[sflag:s30] =	ssyncadd.s32 $0xFFFFE000  }
0xcf: {  	[spmem:s2] =	stream.indirect.scatter.add.f32 [tilespmem:s26], [sflag:$0x5], $0x80, s24, s25, $0xb8;
	[tilespmem:$0x1E0C0] =	vst v63  }
0xd0: {  	_ = 	snop  }
0xd1: {  	[tilespmem:s0], [sflag:$0x4] =	stream.indirect.gather [hbm4b:s1+s25], $0x80, s17, s25, $0xb8;
	[tilespmem:$0x1E0C0] =	vst v63  }
0xd2: {  	_ =	swait.ge [sflag:s4], $0x2000  }
0xd3: {  	[sflag:s4] =	ssyncset.done $0x0  }
0xd4: {  	s16 =	simm.s32 $0x1480;
	[sflag:s4] =	ssyncadd.s32 $0xFFFFE000  }
0xd5: {  	[spmem:s2] =	stream.indirect.scatter.add.f32 [tilespmem:s28], [sflag:$0x6], $0x80, s16, s25, $0xb8;
	[tilespmem:$0x1E0C0] =	vst v63  }
0xd6: {  	_ =	swait.ge [sflag:s7], $0x2000  }
0xd7: {  	[sflag:s7] =	ssyncset.done $0x0  }
0xd8: {  	s14 =	simm.s32 $0x200;
	[sflag:s7] =	ssyncadd.s32 $0xFFFFE000  }
0xd9: {  	[tilespmem:s26], [sflag:$0x1] =	stream.indirect.gather [hbm4b:s1+s25], $0x80, s14, s25, $0xb8;
	[tilespmem:$0x1E0C0] =	vst v63  }
0xda: {  	_ =	swait.ge [sflag:s9], $0x2000  }
0xdb: {  	[sflag:s9] =	ssyncset.done $0x0  }
0xdc: {  	s16 =	simm.s32 $0x1500;
	[sflag:s9] =	ssyncadd.s32 $0xFFFFE000  }
0xdd: {  	[spmem:s2] =	stream.indirect.scatter.add.f32 [tilespmem:s29], [sflag:$0x7], $0x80, s16, s25, $0xb8;
	[tilespmem:$0x1E0C0] =	vst v63  }
0xde: {  	_ =	swait.ge [sflag:s11], $0x2000  }
0xdf: {  	[sflag:s11] =	ssyncset.done $0x0  }
0xe0: {  	s14 =	simm.s32 $0x280;
	[sflag:s11] =	ssyncadd.s32 $0xFFFFE000  }
0xe1: {  	[tilespmem:s28], [sflag:$0x2] =	stream.indirect.gather [hbm4b:s1+s25], $0x80, s14, s25, $0xb8;
	[tilespmem:$0x1E0C0] =	vst v63  }
0xe2: {  	_ =	swait.ge [sflag:s13], $0x2000  }
0xe3: {  	[sflag:s13] =	ssyncset.done $0x0  }
0xe4: {  	s16 =	simm.s32 $0x1580;
	[sflag:s13] =	ssyncadd.s32 $0xFFFFE000  }
0xe5: {  	[spmem:s2] =	stream.indirect.scatter.add.f32 [tilespmem:s0], [sflag:$0x8], $0x80, s16, s25, $0xb8;
	[tilespmem:$0x1E0C0] =	vst v63  }
0xe6: {  	_ =	swait.ge [sflag:s15], $0x2000  }
0xe7: {  	[sflag:s15] =	ssyncset.done $0x0  }
0xe8: {  	s14 =	simm.s32 $0x300;
	[sflag:s15] =	ssyncadd.s32 $0xFFFFE000  }
0xe9: {  	[tilespmem:s29], [sflag:$0x3] =	stream.indirect.gather [hbm4b:s1+s25], $0x80, s14, s25, $0xb8;
	[tilespmem:$0x1E0C0] =	vst v63  }
0xea: {  	_ =	swait.ge [sflag:s30], $0x2000  }
0xeb: {  	[sflag:s30] =	ssyncset.done $0x0  }
0xec: {  	s16 =	simm.s32 $0x1600;
	[sflag:s30] =	ssyncadd.s32 $0xFFFFE000  }
0xed: {  	[spmem:s2] =	stream.indirect.scatter.add.f32 [tilespmem:s26], [sflag:$0x5], $0x80, s16, s25, $0xb8;
	[tilespmem:$0x1E0C0] =	vst v63  }
0xee: {  	_ =	swait.ge [sflag:s20], $0x2000  }
0xef: {  	[sflag:s20] =	ssyncset.done $0x0  }
0xf0: {  	s14 =	simm.s32 $0x380;
	[sflag:s20] =	ssyncadd.s32 $0xFFFFE000  }
0xf1: {  	[tilespmem:s0], [sflag:$0x4] =	stream.indirect.gather [hbm4b:s1+s25], $0x80, s14, s25, $0xb8;
	[tilespmem:$0x1E0C0] =	vst v63  }
0xf2: {  	_ =	swait.ge [sflag:s4], $0x2000  }
0xf3: {  	[sflag:s4] =	ssyncset.done $0x0  }
0xf4: {  	s16 =	simm.s32 $0x1680;
	[sflag:s4] =	ssyncadd.s32 $0xFFFFE000  }
0xf5: {  	[spmem:s2] =	stream.indirect.scatter.add.f32 [tilespmem:s28], [sflag:$0x6], $0x80, s16, s25, $0xb8;
	[tilespmem:$0x1E0C0] =	vst v63  }
0xf6: {  	_ =	swait.ge [sflag:s7], $0x2000  }
0xf7: {  	[sflag:s7] =	ssyncset.done $0x0  }
0xf8: {  	s14 =	simm.s32 $0x400;
	[sflag:s7] =	ssyncadd.s32 $0xFFFFE000  }
0xf9: {  	[tilespmem:s26], [sflag:$0x1] =	stream.indirect.gather [hbm4b:s1+s25], $0x80, s14, s25, $0xb8;
	[tilespmem:$0x1E0C0] =	vst v63  }
0xfa: {  	_ =	swait.ge [sflag:s9], $0x2000  }
0xfb: {  	[sflag:s9] =	ssyncset.done $0x0  }
0xfc: {  	s16 =	simm.s32 $0x1700;
	[sflag:s9] =	ssyncadd.s32 $0xFFFFE000  }
0xfd: {  	[spmem:s2] =	stream.indirect.scatter.add.f32 [tilespmem:s29], [sflag:$0x7], $0x80, s16, s25, $0xb8;
	[tilespmem:$0x1E0C0] =	vst v63  }
0xfe: {  	_ =	swait.ge [sflag:s11], $0x2000  }
0xff: {  	[sflag:s11] =	ssyncset.done $0x0  }
0x100: {  	s14 =	simm.s32 $0x480;
	[sflag:s11] =	ssyncadd.s32 $0xFFFFE000  }
0x101: {  	[tilespmem:s28], [sflag:$0x2] =	stream.indirect.gather [hbm4b:s1+s25], $0x80, s14, s25, $0xb8;
	[tilespmem:$0x1E0C0] =	vst v63  }
0x102: {  	_ =	swait.ge [sflag:s13], $0x2000  }
0x103: {  	[sflag:s13] =	ssyncset.done $0x0  }
0x104: {  	s16 =	simm.s32 $0x1780;
	[sflag:s13] =	ssyncadd.s32 $0xFFFFE000  }
0x105: {  	[spmem:s2] =	stream.indirect.scatter.add.f32 [tilespmem:s0], [sflag:$0x8], $0x80, s16, s25, $0xb8;
	[tilespmem:$0x1E0C0] =	vst v63  }
0x106: {  	_ =	swait.ge [sflag:s15], $0x2000  }
0x107: {  	[sflag:s15] =	ssyncset.done $0x0  }
0x108: {  	s12 =	simm.s32 $0x800;
	s14 =	simm.s32 $0x500;
	[sflag:s15] =	ssyncadd.s32 $0xFFFFE000  }
.LBB2_4:
0x109: {  	[tilespmem:s29], [sflag:$0x3] =	stream.indirect.gather [hbm4b:s1+s25], $0x80, s14, s25, $0xb8;
	[tilespmem:$0x1E0C0] =	vst v63  }
0x10a: {  	s14 =	smov.u32 s12  }
0x10b: {  	p1 =	sne.s32 s12, $0x3800;
	s12 =	sadd.s32 $0x800, s12;
	_ =	swait.ge [sflag:s30], $0x2000  }
0x10c: {  	s14 =	sshra.s32 s14, $0x2;
	[sflag:s30] =	ssyncset.done $0x0  }
0x10d: {  	s16 =	sadd.s32 $0x1600, s14;
	[sflag:s30] =	ssyncadd.s32 $0xFFFFE000  }
0x10e: {  	[spmem:s2] =	stream.indirect.scatter.add.f32 [tilespmem:s26], [sflag:$0x5], $0x80, s16, s25, $0xb8;
	[tilespmem:$0x1E0C0] =	vst v63  }
0x10f: {  	_ =	swait.ge [sflag:s20], $0x2000  }
0x110: {  	[sflag:s20] =	ssyncset.done $0x0  }
0x111: {  	s16 =	sadd.s32 $0x380, s14;
	[sflag:s20] =	ssyncadd.s32 $0xFFFFE000  }
0x112: {  	[tilespmem:s0], [sflag:$0x4] =	stream.indirect.gather [hbm4b:s1+s25], $0x80, s16, s25, $0xb8;
	[tilespmem:$0x1E0C0] =	vst v63  }
0x113: {  	_ =	swait.ge [sflag:s4], $0x2000  }
0x114: {  	[sflag:s4] =	ssyncset.done $0x0  }
0x115: {  	s16 =	sadd.s32 $0x1680, s14;
	[sflag:s4] =	ssyncadd.s32 $0xFFFFE000  }
0x116: {  	[spmem:s2] =	stream.indirect.scatter.add.f32 [tilespmem:s28], [sflag:$0x6], $0x80, s16, s25, $0xb8;
	[tilespmem:$0x1E0C0] =	vst v63  }
0x117: {  	_ =	swait.ge [sflag:s7], $0x2000  }
0x118: {  	[sflag:s7] =	ssyncset.done $0x0  }
0x119: {  	s16 =	sadd.s32 $0x400, s14;
	[sflag:s7] =	ssyncadd.s32 $0xFFFFE000  }
0x11a: {  	[tilespmem:s26], [sflag:$0x1] =	stream.indirect.gather [hbm4b:s1+s25], $0x80, s16, s25, $0xb8;
	[tilespmem:$0x1E0C0] =	vst v63  }
0x11b: {  	_ =	swait.ge [sflag:s9], $0x2000  }
0x11c: {  	[sflag:s9] =	ssyncset.done $0x0  }
0x11d: {  	s16 =	sadd.s32 $0x1700, s14;
	[sflag:s9] =	ssyncadd.s32 $0xFFFFE000  }
0x11e: {  	[spmem:s2] =	stream.indirect.scatter.add.f32 [tilespmem:s29], [sflag:$0x7], $0x80, s16, s25, $0xb8;
	[tilespmem:$0x1E0C0] =	vst v63  }
0x11f: {  	_ =	swait.ge [sflag:s11], $0x2000  }
0x120: {  	[sflag:s11] =	ssyncset.done $0x0  }
0x121: {  	s16 =	sadd.s32 $0x480, s14;
	[sflag:s11] =	ssyncadd.s32 $0xFFFFE000  }
0x122: {  	[tilespmem:s28], [sflag:$0x2] =	stream.indirect.gather [hbm4b:s1+s25], $0x80, s16, s25, $0xb8;
	[tilespmem:$0x1E0C0] =	vst v63  }
0x123: {  	_ =	swait.ge [sflag:s13], $0x2000  }
0x124: {  	[sflag:s13] =	ssyncset.done $0x0  }
.Ltmp1:
0x125: {  	s16 =	sadd.s32 $0x1780, s14;
	[sflag:s13] =	ssyncadd.s32 $0xFFFFE000;
	(pc) =	sbr.rel @p1 .LBB2_4-.Ltmp1, $4  }
0x126: {  	[spmem:s2] =	stream.indirect.scatter.add.f32 [tilespmem:s0], [sflag:$0x8], $0x80, s16, s25, $0xb8;
	[tilespmem:$0x1E0C0] =	vst v63  }
0x127: {  	_ =	swait.ge [sflag:s15], $0x2000  }
0x128: {  	[sflag:s15] =	ssyncset.done $0x0  }
0x129: {  	s14 =	sadd.s32 $0x500, s14;
	[sflag:s15] =	ssyncadd.s32 $0xFFFFE000  }
0x12a: {  	[tilespmem:s29], [sflag:$0x3] =	stream.indirect.gather [hbm4b:s1+s25], $0x80, s14, s25, $0xb8;
	[tilespmem:$0x1E0C0] =	vst v63  }
0x12b: {  	_ =	swait.ge [sflag:s30], $0x2000  }
0x12c: {  	[sflag:s30] =	ssyncset.done $0x0  }
0x12d: {  	s12 =	simm.s32 $0x2600;
	[sflag:s30] =	ssyncadd.s32 $0xFFFFE000  }
0x12e: {  	[spmem:s2] =	stream.indirect.scatter.add.f32 [tilespmem:s26], [sflag:$0x5], $0x80, s12, s25, $0xb8;
	[tilespmem:$0x1E0C0] =	vst v63  }
0x12f: {  	_ =	swait.ge [sflag:s20], $0x2000  }
0x130: {  	[sflag:s20] =	ssyncset.done $0x0  }
0x131: {  	[sflag:s20] =	ssyncadd.s32 $0xFFFFE000  }
0x132: {  	[tilespmem:s0], [sflag:$0x4] =	stream.indirect.gather [hbm4b:s1+s25], $0x80, s18, s25, $0xb8;
	[tilespmem:$0x1E0C0] =	vst v63  }
0x133: {  	_ =	swait.ge [sflag:s4], $0x2000  }
0x134: {  	[sflag:s4] =	ssyncset.done $0x0  }
0x135: {  	[sflag:s4] =	ssyncadd.s32 $0xFFFFE000  }
0x136: {  	[spmem:s2] =	stream.indirect.scatter.add.f32 [tilespmem:s28], [sflag:$0x6], $0x80, s19, s25, $0xb8;
	[tilespmem:$0x1E0C0] =	vst v63  }
0x137: {  	_ =	swait.ge [sflag:s7], $0x2000  }
0x138: {  	[sflag:s7] =	ssyncset.done $0x0  }
0x139: {  	[sflag:s7] =	ssyncadd.s32 $0xFFFFE000  }
0x13a: {  	_ =	swait.ge [sflag:s9], $0x2000  }
0x13b: {  	[sflag:s9] =	ssyncset.done $0x0  }
0x13c: {  	[sflag:s9] =	ssyncadd.s32 $0xFFFFE000  }
0x13d: {  	[spmem:s2] =	stream.indirect.scatter.add.f32 [tilespmem:s29], [sflag:$0x7], $0x80, s3, s25, $0xb8;
	[tilespmem:$0x1E0C0] =	vst v63  }
0x13e: {  	_ =	swait.ge [sflag:s11], $0x2000  }
0x13f: {  	[sflag:s11] =	ssyncset.done $0x0  }
0x140: {  	[sflag:s11] =	ssyncadd.s32 $0xFFFFE000  }
0x141: {  	_ =	swait.ge [sflag:s13], $0x2000  }
0x142: {  	[sflag:s13] =	ssyncset.done $0x0  }
0x143: {  	[sflag:s13] =	ssyncadd.s32 $0xFFFFE000  }
0x144: {  	[spmem:s2] =	stream.indirect.scatter.add.f32 [tilespmem:s0], [sflag:$0x8], $0x80, s31, s25, $0xb8;
	[tilespmem:$0x1E0C0] =	vst v63  }
0x145: {  	_ =	swait.ge [sflag:s15], $0x2000  }
0x146: {  	[sflag:s15] =	ssyncset.done $0x0  }
0x147: {  	[sflag:s15] =	ssyncadd.s32 $0xFFFFE000  }
0x148: {  	_ =	swait.ge [sflag:s20], $0x2000  }
0x149: {  	[sflag:s20] =	ssyncset.done $0x0  }
0x14a: {  	s12 =	simm.s32 $0x0;
	s16 =	rddreg [dreg:$0xe];
	[sflag:s20] =	ssyncadd.s32 $0xFFFFE000  }
0x14b: {  	[tilespmem:s12], [sflag:$0x9] =	stream.linear.gather [hbm4b:s16+s12], $0x1400, $0x38;
	[tilespmem:$0x1E0C0] =	vst v63  }
0x14c: {  	_ =	swait.ge [sflag:s23], $0x1400  }
0x14d: {  	[sflag:s23] =	ssyncset.done $0x0  }
0x14e: {  	s16 =	rddreg [dreg:$0xf];
	[sflag:s23] =	ssyncadd.s32 $0xFFFFEC00  }
0x14f: {  	[tilespmem:s24], [sflag:$0x9] =	stream.linear.gather [hbm4b:s16+s12], $0x1400, $0x38;
	[tilespmem:$0x1E0C0] =	vst v63  }
0x150: {  	_ =	swait.ge [sflag:s23], $0x1400  }
0x151: {  	[sflag:s23] =	ssyncset.done $0x0  }
0x152: {  	[sflag:s23] =	ssyncadd.s32 $0xFFFFEC00  }
0x153: {  	[tilespmem:s26], [sflag:$0x1] =	stream.indirect.gather [hbm4b:s1+s25], $0x80, s12, s25, $0xb8;
	[tilespmem:$0x1E0C0] =	vst v63  }
0x154: {  	_ = 	snop  }
0x155: {  	[tilespmem:s28], [sflag:$0x2] =	stream.indirect.gather [hbm4b:s1+s25], $0x80, s21, s25, $0xb8;
	[tilespmem:$0x1E0C0] =	vst v63  }
0x156: {  	_ = 	snop  }
0x157: {  	[tilespmem:s29], [sflag:$0x3] =	stream.indirect.gather [hbm4b:s1+s25], $0x80, s22, s25, $0xb8;
	[tilespmem:$0x1E0C0] =	vst v63  }
0x158: {  	_ =	swait.ge [sflag:s30], $0x2000  }
0x159: {  	[sflag:s30] =	ssyncset.done $0x0  }
0x15a: {  	[sflag:s30] =	ssyncadd.s32 $0xFFFFE000  }
0x15b: {  	[spmem:s2] =	stream.indirect.scatter.add.f32 [tilespmem:s26], [sflag:$0x5], $0x80, s24, s25, $0xb8;
	[tilespmem:$0x1E0C0] =	vst v63  }
0x15c: {  	_ = 	snop  }
0x15d: {  	[tilespmem:s0], [sflag:$0x4] =	stream.indirect.gather [hbm4b:s1+s25], $0x80, s17, s25, $0xb8;
	[tilespmem:$0x1E0C0] =	vst v63  }
0x15e: {  	_ =	swait.ge [sflag:s4], $0x2000  }
0x15f: {  	[sflag:s4] =	ssyncset.done $0x0  }
0x160: {  	s16 =	simm.s32 $0x1480;
	[sflag:s4] =	ssyncadd.s32 $0xFFFFE000  }
0x161: {  	[spmem:s2] =	stream.indirect.scatter.add.f32 [tilespmem:s28], [sflag:$0x6], $0x80, s16, s25, $0xb8;
	[tilespmem:$0x1E0C0] =	vst v63  }
0x162: {  	_ =	swait.ge [sflag:s7], $0x2000  }
0x163: {  	[sflag:s7] =	ssyncset.done $0x0  }
0x164: {  	s14 =	simm.s32 $0x200;
	[sflag:s7] =	ssyncadd.s32 $0xFFFFE000  }
0x165: {  	[tilespmem:s26], [sflag:$0x1] =	stream.indirect.gather [hbm4b:s1+s25], $0x80, s14, s25, $0xb8;
	[tilespmem:$0x1E0C0] =	vst v63  }
0x166: {  	_ =	swait.ge [sflag:s9], $0x2000  }
0x167: {  	[sflag:s9] =	ssyncset.done $0x0  }
0x168: {  	s16 =	simm.s32 $0x1500;
	[sflag:s9] =	ssyncadd.s32 $0xFFFFE000  }
0x169: {  	[spmem:s2] =	stream.indirect.scatter.add.f32 [tilespmem:s29], [sflag:$0x7], $0x80, s16, s25, $0xb8;
	[tilespmem:$0x1E0C0] =	vst v63  }
0x16a: {  	_ =	swait.ge [sflag:s11], $0x2000  }
0x16b: {  	[sflag:s11] =	ssyncset.done $0x0  }
0x16c: {  	s14 =	simm.s32 $0x280;
	[sflag:s11] =	ssyncadd.s32 $0xFFFFE000  }
0x16d: {  	[tilespmem:s28], [sflag:$0x2] =	stream.indirect.gather [hbm4b:s1+s25], $0x80, s14, s25, $0xb8;
	[tilespmem:$0x1E0C0] =	vst v63  }
0x16e: {  	_ =	swait.ge [sflag:s13], $0x2000  }
0x16f: {  	[sflag:s13] =	ssyncset.done $0x0  }
0x170: {  	s16 =	simm.s32 $0x1580;
	[sflag:s13] =	ssyncadd.s32 $0xFFFFE000  }
0x171: {  	[spmem:s2] =	stream.indirect.scatter.add.f32 [tilespmem:s0], [sflag:$0x8], $0x80, s16, s25, $0xb8;
	[tilespmem:$0x1E0C0] =	vst v63  }
0x172: {  	_ =	swait.ge [sflag:s15], $0x2000  }
0x173: {  	[sflag:s15] =	ssyncset.done $0x0  }
0x174: {  	s14 =	simm.s32 $0x300;
	[sflag:s15] =	ssyncadd.s32 $0xFFFFE000  }
0x175: {  	[tilespmem:s29], [sflag:$0x3] =	stream.indirect.gather [hbm4b:s1+s25], $0x80, s14, s25, $0xb8;
	[tilespmem:$0x1E0C0] =	vst v63  }
0x176: {  	_ =	swait.ge [sflag:s30], $0x2000  }
0x177: {  	[sflag:s30] =	ssyncset.done $0x0  }
0x178: {  	s16 =	simm.s32 $0x1600;
	[sflag:s30] =	ssyncadd.s32 $0xFFFFE000  }
0x179: {  	[spmem:s2] =	stream.indirect.scatter.add.f32 [tilespmem:s26], [sflag:$0x5], $0x80, s16, s25, $0xb8;
	[tilespmem:$0x1E0C0] =	vst v63  }
0x17a: {  	_ =	swait.ge [sflag:s20], $0x2000  }
0x17b: {  	[sflag:s20] =	ssyncset.done $0x0  }
0x17c: {  	s14 =	simm.s32 $0x380;
	[sflag:s20] =	ssyncadd.s32 $0xFFFFE000  }
0x17d: {  	[tilespmem:s0], [sflag:$0x4] =	stream.indirect.gather [hbm4b:s1+s25], $0x80, s14, s25, $0xb8;
	[tilespmem:$0x1E0C0] =	vst v63  }
0x17e: {  	_ =	swait.ge [sflag:s4], $0x2000  }
0x17f: {  	[sflag:s4] =	ssyncset.done $0x0  }
0x180: {  	s16 =	simm.s32 $0x1680;
	[sflag:s4] =	ssyncadd.s32 $0xFFFFE000  }
0x181: {  	[spmem:s2] =	stream.indirect.scatter.add.f32 [tilespmem:s28], [sflag:$0x6], $0x80, s16, s25, $0xb8;
	[tilespmem:$0x1E0C0] =	vst v63  }
0x182: {  	_ =	swait.ge [sflag:s7], $0x2000  }
0x183: {  	[sflag:s7] =	ssyncset.done $0x0  }
0x184: {  	s14 =	simm.s32 $0x400;
	[sflag:s7] =	ssyncadd.s32 $0xFFFFE000  }
0x185: {  	[tilespmem:s26], [sflag:$0x1] =	stream.indirect.gather [hbm4b:s1+s25], $0x80, s14, s25, $0xb8;
	[tilespmem:$0x1E0C0] =	vst v63  }
0x186: {  	_ =	swait.ge [sflag:s9], $0x2000  }
0x187: {  	[sflag:s9] =	ssyncset.done $0x0  }
0x188: {  	s16 =	simm.s32 $0x1700;
	[sflag:s9] =	ssyncadd.s32 $0xFFFFE000  }
0x189: {  	[spmem:s2] =	stream.indirect.scatter.add.f32 [tilespmem:s29], [sflag:$0x7], $0x80, s16, s25, $0xb8;
	[tilespmem:$0x1E0C0] =	vst v63  }
0x18a: {  	_ =	swait.ge [sflag:s11], $0x2000  }
0x18b: {  	[sflag:s11] =	ssyncset.done $0x0  }
0x18c: {  	s14 =	simm.s32 $0x480;
	[sflag:s11] =	ssyncadd.s32 $0xFFFFE000  }
0x18d: {  	[tilespmem:s28], [sflag:$0x2] =	stream.indirect.gather [hbm4b:s1+s25], $0x80, s14, s25, $0xb8;
	[tilespmem:$0x1E0C0] =	vst v63  }
0x18e: {  	_ =	swait.ge [sflag:s13], $0x2000  }
0x18f: {  	[sflag:s13] =	ssyncset.done $0x0  }
0x190: {  	s16 =	simm.s32 $0x1780;
	[sflag:s13] =	ssyncadd.s32 $0xFFFFE000  }
0x191: {  	[spmem:s2] =	stream.indirect.scatter.add.f32 [tilespmem:s0], [sflag:$0x8], $0x80, s16, s25, $0xb8;
	[tilespmem:$0x1E0C0] =	vst v63  }
0x192: {  	_ =	swait.ge [sflag:s15], $0x2000  }
0x193: {  	[sflag:s15] =	ssyncset.done $0x0  }
0x194: {  	s12 =	simm.s32 $0x800;
	s14 =	simm.s32 $0x500;
	[sflag:s15] =	ssyncadd.s32 $0xFFFFE000  }
.LBB2_6:
0x195: {  	[tilespmem:s29], [sflag:$0x3] =	stream.indirect.gather [hbm4b:s1+s25], $0x80, s14, s25, $0xb8;
	[tilespmem:$0x1E0C0] =	vst v63  }
0x196: {  	s14 =	smov.u32 s12  }
0x197: {  	p1 =	sne.s32 s12, $0x3800;
	s12 =	sadd.s32 $0x800, s12;
	_ =	swait.ge [sflag:s30], $0x2000  }
0x198: {  	s14 =	sshra.s32 s14, $0x2;
	[sflag:s30] =	ssyncset.done $0x0  }
0x199: {  	s16 =	sadd.s32 $0x1600, s14;
	[sflag:s30] =	ssyncadd.s32 $0xFFFFE000  }
0x19a: {  	[spmem:s2] =	stream.indirect.scatter.add.f32 [tilespmem:s26], [sflag:$0x5], $0x80, s16, s25, $0xb8;
	[tilespmem:$0x1E0C0] =	vst v63  }
0x19b: {  	_ =	swait.ge [sflag:s20], $0x2000  }
0x19c: {  	[sflag:s20] =	ssyncset.done $0x0  }
0x19d: {  	s16 =	sadd.s32 $0x380, s14;
	[sflag:s20] =	ssyncadd.s32 $0xFFFFE000  }
0x19e: {  	[tilespmem:s0], [sflag:$0x4] =	stream.indirect.gather [hbm4b:s1+s25], $0x80, s16, s25, $0xb8;
	[tilespmem:$0x1E0C0] =	vst v63  }
0x19f: {  	_ =	swait.ge [sflag:s4], $0x2000  }
0x1a0: {  	[sflag:s4] =	ssyncset.done $0x0  }
0x1a1: {  	s16 =	sadd.s32 $0x1680, s14;
	[sflag:s4] =	ssyncadd.s32 $0xFFFFE000  }
0x1a2: {  	[spmem:s2] =	stream.indirect.scatter.add.f32 [tilespmem:s28], [sflag:$0x6], $0x80, s16, s25, $0xb8;
	[tilespmem:$0x1E0C0] =	vst v63  }
0x1a3: {  	_ =	swait.ge [sflag:s7], $0x2000  }
0x1a4: {  	[sflag:s7] =	ssyncset.done $0x0  }
0x1a5: {  	s16 =	sadd.s32 $0x400, s14;
	[sflag:s7] =	ssyncadd.s32 $0xFFFFE000  }
0x1a6: {  	[tilespmem:s26], [sflag:$0x1] =	stream.indirect.gather [hbm4b:s1+s25], $0x80, s16, s25, $0xb8;
	[tilespmem:$0x1E0C0] =	vst v63  }
0x1a7: {  	_ =	swait.ge [sflag:s9], $0x2000  }
0x1a8: {  	[sflag:s9] =	ssyncset.done $0x0  }
0x1a9: {  	s16 =	sadd.s32 $0x1700, s14;
	[sflag:s9] =	ssyncadd.s32 $0xFFFFE000  }
0x1aa: {  	[spmem:s2] =	stream.indirect.scatter.add.f32 [tilespmem:s29], [sflag:$0x7], $0x80, s16, s25, $0xb8;
	[tilespmem:$0x1E0C0] =	vst v63  }
0x1ab: {  	_ =	swait.ge [sflag:s11], $0x2000  }
0x1ac: {  	[sflag:s11] =	ssyncset.done $0x0  }
0x1ad: {  	s16 =	sadd.s32 $0x480, s14;
	[sflag:s11] =	ssyncadd.s32 $0xFFFFE000  }
0x1ae: {  	[tilespmem:s28], [sflag:$0x2] =	stream.indirect.gather [hbm4b:s1+s25], $0x80, s16, s25, $0xb8;
	[tilespmem:$0x1E0C0] =	vst v63  }
0x1af: {  	_ =	swait.ge [sflag:s13], $0x2000  }
0x1b0: {  	[sflag:s13] =	ssyncset.done $0x0  }
.Ltmp2:
0x1b1: {  	s16 =	sadd.s32 $0x1780, s14;
	[sflag:s13] =	ssyncadd.s32 $0xFFFFE000;
	(pc) =	sbr.rel @p1 .LBB2_6-.Ltmp2, $4  }
0x1b2: {  	[spmem:s2] =	stream.indirect.scatter.add.f32 [tilespmem:s0], [sflag:$0x8], $0x80, s16, s25, $0xb8;
	[tilespmem:$0x1E0C0] =	vst v63  }
0x1b3: {  	_ =	swait.ge [sflag:s15], $0x2000  }
0x1b4: {  	[sflag:s15] =	ssyncset.done $0x0  }
0x1b5: {  	s14 =	sadd.s32 $0x500, s14;
	[sflag:s15] =	ssyncadd.s32 $0xFFFFE000  }
0x1b6: {  	[tilespmem:s29], [sflag:$0x3] =	stream.indirect.gather [hbm4b:s1+s25], $0x80, s14, s25, $0xb8;
	[tilespmem:$0x1E0C0] =	vst v63  }
0x1b7: {  	_ =	swait.ge [sflag:s30], $0x2000  }
0x1b8: {  	[sflag:s30] =	ssyncset.done $0x0  }
0x1b9: {  	s12 =	simm.s32 $0x2600;
	[sflag:s30] =	ssyncadd.s32 $0xFFFFE000  }
0x1ba: {  	[spmem:s2] =	stream.indirect.scatter.add.f32 [tilespmem:s26], [sflag:$0x5], $0x80, s12, s25, $0xb8;
	[tilespmem:$0x1E0C0] =	vst v63  }
0x1bb: {  	_ =	swait.ge [sflag:s20], $0x2000  }
0x1bc: {  	[sflag:s20] =	ssyncset.done $0x0  }
0x1bd: {  	[sflag:s20] =	ssyncadd.s32 $0xFFFFE000  }
0x1be: {  	[tilespmem:s0], [sflag:$0x4] =	stream.indirect.gather [hbm4b:s1+s25], $0x80, s18, s25, $0xb8;
	[tilespmem:$0x1E0C0] =	vst v63  }
0x1bf: {  	_ =	swait.ge [sflag:s4], $0x2000  }
0x1c0: {  	[sflag:s4] =	ssyncset.done $0x0  }
0x1c1: {  	[sflag:s4] =	ssyncadd.s32 $0xFFFFE000  }
0x1c2: {  	[spmem:s2] =	stream.indirect.scatter.add.f32 [tilespmem:s28], [sflag:$0x6], $0x80, s19, s25, $0xb8;
	[tilespmem:$0x1E0C0] =	vst v63  }
0x1c3: {  	_ =	swait.ge [sflag:s7], $0x2000  }
0x1c4: {  	[sflag:s7] =	ssyncset.done $0x0  }
0x1c5: {  	[sflag:s7] =	ssyncadd.s32 $0xFFFFE000  }
0x1c6: {  	_ =	swait.ge [sflag:s9], $0x2000  }
0x1c7: {  	[sflag:s9] =	ssyncset.done $0x0  }
0x1c8: {  	[sflag:s9] =	ssyncadd.s32 $0xFFFFE000  }
0x1c9: {  	[spmem:s2] =	stream.indirect.scatter.add.f32 [tilespmem:s29], [sflag:$0x7], $0x80, s3, s25, $0xb8;
	[tilespmem:$0x1E0C0] =	vst v63  }
0x1ca: {  	_ =	swait.ge [sflag:s11], $0x2000  }
0x1cb: {  	[sflag:s11] =	ssyncset.done $0x0  }
0x1cc: {  	[sflag:s11] =	ssyncadd.s32 $0xFFFFE000  }
0x1cd: {  	_ =	swait.ge [sflag:s13], $0x2000  }
0x1ce: {  	[sflag:s13] =	ssyncset.done $0x0  }
0x1cf: {  	[sflag:s13] =	ssyncadd.s32 $0xFFFFE000  }
0x1d0: {  	[spmem:s2] =	stream.indirect.scatter.add.f32 [tilespmem:s0], [sflag:$0x8], $0x80, s31, s25, $0xb8;
	[tilespmem:$0x1E0C0] =	vst v63  }
0x1d1: {  	_ =	swait.ge [sflag:s15], $0x2000  }
0x1d2: {  	[sflag:s15] =	ssyncset.done $0x0  }
0x1d3: {  	[sflag:s15] =	ssyncadd.s32 $0xFFFFE000  }
0x1d4: {  	_ =	swait.ge [sflag:s20], $0x2000  }
0x1d5: {  	[sflag:s20] =	ssyncset.done $0x0  }
0x1d6: {  	s12 =	simm.s32 $0x0;
	s16 =	rddreg [dreg:$0x10];
	[sflag:s20] =	ssyncadd.s32 $0xFFFFE000  }
0x1d7: {  	[tilespmem:s12], [sflag:$0x9] =	stream.linear.gather [hbm4b:s16+s12], $0x1400, $0x38;
	[tilespmem:$0x1E0C0] =	vst v63  }
0x1d8: {  	_ =	swait.ge [sflag:s23], $0x1400  }
0x1d9: {  	[sflag:s23] =	ssyncset.done $0x0  }
0x1da: {  	s16 =	rddreg [dreg:$0x11];
	[sflag:s23] =	ssyncadd.s32 $0xFFFFEC00  }
0x1db: {  	[tilespmem:s24], [sflag:$0x9] =	stream.linear.gather [hbm4b:s16+s12], $0x1400, $0x38;
	[tilespmem:$0x1E0C0] =	vst v63  }
0x1dc: {  	_ =	swait.ge [sflag:s23], $0x1400  }
0x1dd: {  	[sflag:s23] =	ssyncset.done $0x0  }
0x1de: {  	[sflag:s23] =	ssyncadd.s32 $0xFFFFEC00  }
0x1df: {  	[tilespmem:s26], [sflag:$0x1] =	stream.indirect.gather [hbm4b:s1+s25], $0x80, s12, s25, $0xb8;
	[tilespmem:$0x1E0C0] =	vst v63  }
0x1e0: {  	_ = 	snop  }
0x1e1: {  	[tilespmem:s28], [sflag:$0x2] =	stream.indirect.gather [hbm4b:s1+s25], $0x80, s21, s25, $0xb8;
	[tilespmem:$0x1E0C0] =	vst v63  }
0x1e2: {  	_ = 	snop  }
0x1e3: {  	[tilespmem:s29], [sflag:$0x3] =	stream.indirect.gather [hbm4b:s1+s25], $0x80, s22, s25, $0xb8;
	[tilespmem:$0x1E0C0] =	vst v63  }
0x1e4: {  	_ =	swait.ge [sflag:s30], $0x2000  }
0x1e5: {  	[sflag:s30] =	ssyncset.done $0x0  }
0x1e6: {  	[sflag:s30] =	ssyncadd.s32 $0xFFFFE000  }
0x1e7: {  	[spmem:s2] =	stream.indirect.scatter.add.f32 [tilespmem:s26], [sflag:$0x5], $0x80, s24, s25, $0xb8;
	[tilespmem:$0x1E0C0] =	vst v63  }
0x1e8: {  	_ = 	snop  }
0x1e9: {  	[tilespmem:s0], [sflag:$0x4] =	stream.indirect.gather [hbm4b:s1+s25], $0x80, s17, s25, $0xb8;
	[tilespmem:$0x1E0C0] =	vst v63  }
0x1ea: {  	_ =	swait.ge [sflag:s4], $0x2000  }
0x1eb: {  	[sflag:s4] =	ssyncset.done $0x0  }
0x1ec: {  	s17 =	simm.s32 $0x1480;
	[sflag:s4] =	ssyncadd.s32 $0xFFFFE000  }
0x1ed: {  	[spmem:s2] =	stream.indirect.scatter.add.f32 [tilespmem:s28], [sflag:$0x6], $0x80, s17, s25, $0xb8;
	[tilespmem:$0x1E0C0] =	vst v63  }
0x1ee: {  	_ =	swait.ge [sflag:s7], $0x2000  }
0x1ef: {  	[sflag:s7] =	ssyncset.done $0x0  }
0x1f0: {  	s14 =	simm.s32 $0x200;
	[sflag:s7] =	ssyncadd.s32 $0xFFFFE000  }
0x1f1: {  	[tilespmem:s26], [sflag:$0x1] =	stream.indirect.gather [hbm4b:s1+s25], $0x80, s14, s25, $0xb8;
	[tilespmem:$0x1E0C0] =	vst v63  }
0x1f2: {  	_ =	swait.ge [sflag:s9], $0x2000  }
0x1f3: {  	[sflag:s9] =	ssyncset.done $0x0  }
0x1f4: {  	s16 =	simm.s32 $0x1500;
	[sflag:s9] =	ssyncadd.s32 $0xFFFFE000  }
0x1f5: {  	[spmem:s2] =	stream.indirect.scatter.add.f32 [tilespmem:s29], [sflag:$0x7], $0x80, s16, s25, $0xb8;
	[tilespmem:$0x1E0C0] =	vst v63  }
0x1f6: {  	_ =	swait.ge [sflag:s11], $0x2000  }
0x1f7: {  	[sflag:s11] =	ssyncset.done $0x0  }
0x1f8: {  	s17 =	simm.s32 $0x280;
	[sflag:s11] =	ssyncadd.s32 $0xFFFFE000  }
0x1f9: {  	[tilespmem:s28], [sflag:$0x2] =	stream.indirect.gather [hbm4b:s1+s25], $0x80, s17, s25, $0xb8;
	[tilespmem:$0x1E0C0] =	vst v63  }
0x1fa: {  	_ =	swait.ge [sflag:s13], $0x2000  }
0x1fb: {  	[sflag:s13] =	ssyncset.done $0x0  }
0x1fc: {  	s14 =	simm.s32 $0x1580;
	[sflag:s13] =	ssyncadd.s32 $0xFFFFE000  }
0x1fd: {  	[spmem:s2] =	stream.indirect.scatter.add.f32 [tilespmem:s0], [sflag:$0x8], $0x80, s14, s25, $0xb8;
	[tilespmem:$0x1E0C0] =	vst v63  }
0x1fe: {  	_ =	swait.ge [sflag:s15], $0x2000  }
0x1ff: {  	[sflag:s15] =	ssyncset.done $0x0  }
0x200: {  	s16 =	simm.s32 $0x300;
	[sflag:s15] =	ssyncadd.s32 $0xFFFFE000  }
0x201: {  	[tilespmem:s29], [sflag:$0x3] =	stream.indirect.gather [hbm4b:s1+s25], $0x80, s16, s25, $0xb8;
	[tilespmem:$0x1E0C0] =	vst v63  }
0x202: {  	_ =	swait.ge [sflag:s30], $0x2000  }
0x203: {  	[sflag:s30] =	ssyncset.done $0x0  }
0x204: {  	s17 =	simm.s32 $0x1600;
	[sflag:s30] =	ssyncadd.s32 $0xFFFFE000  }
0x205: {  	[spmem:s2] =	stream.indirect.scatter.add.f32 [tilespmem:s26], [sflag:$0x5], $0x80, s17, s25, $0xb8;
	[tilespmem:$0x1E0C0] =	vst v63  }
0x206: {  	_ =	swait.ge [sflag:s20], $0x2000  }
0x207: {  	[sflag:s20] =	ssyncset.done $0x0  }
0x208: {  	s14 =	simm.s32 $0x380;
	[sflag:s20] =	ssyncadd.s32 $0xFFFFE000  }
0x209: {  	[tilespmem:s0], [sflag:$0x4] =	stream.indirect.gather [hbm4b:s1+s25], $0x80, s14, s25, $0xb8;
	[tilespmem:$0x1E0C0] =	vst v63  }
0x20a: {  	_ =	swait.ge [sflag:s4], $0x2000  }
0x20b: {  	[sflag:s4] =	ssyncset.done $0x0  }
0x20c: {  	s16 =	simm.s32 $0x1680;
	[sflag:s4] =	ssyncadd.s32 $0xFFFFE000  }
0x20d: {  	[spmem:s2] =	stream.indirect.scatter.add.f32 [tilespmem:s28], [sflag:$0x6], $0x80, s16, s25, $0xb8;
	[tilespmem:$0x1E0C0] =	vst v63  }
0x20e: {  	_ =	swait.ge [sflag:s7], $0x2000  }
0x20f: {  	[sflag:s7] =	ssyncset.done $0x0  }
0x210: {  	s17 =	simm.s32 $0x400;
	[sflag:s7] =	ssyncadd.s32 $0xFFFFE000  }
0x211: {  	[tilespmem:s26], [sflag:$0x1] =	stream.indirect.gather [hbm4b:s1+s25], $0x80, s17, s25, $0xb8;
	[tilespmem:$0x1E0C0] =	vst v63  }
0x212: {  	_ =	swait.ge [sflag:s9], $0x2000  }
0x213: {  	[sflag:s9] =	ssyncset.done $0x0  }
0x214: {  	s14 =	simm.s32 $0x1700;
	[sflag:s9] =	ssyncadd.s32 $0xFFFFE000  }
0x215: {  	[spmem:s2] =	stream.indirect.scatter.add.f32 [tilespmem:s29], [sflag:$0x7], $0x80, s14, s25, $0xb8;
	[tilespmem:$0x1E0C0] =	vst v63  }
0x216: {  	_ =	swait.ge [sflag:s11], $0x2000  }
0x217: {  	[sflag:s11] =	ssyncset.done $0x0  }
0x218: {  	s16 =	simm.s32 $0x480;
	[sflag:s11] =	ssyncadd.s32 $0xFFFFE000  }
0x219: {  	[tilespmem:s28], [sflag:$0x2] =	stream.indirect.gather [hbm4b:s1+s25], $0x80, s16, s25, $0xb8;
	[tilespmem:$0x1E0C0] =	vst v63  }
0x21a: {  	_ =	swait.ge [sflag:s13], $0x2000  }
0x21b: {  	[sflag:s13] =	ssyncset.done $0x0  }
0x21c: {  	s17 =	simm.s32 $0x1780;
	[sflag:s13] =	ssyncadd.s32 $0xFFFFE000  }
0x21d: {  	[spmem:s2] =	stream.indirect.scatter.add.f32 [tilespmem:s0], [sflag:$0x8], $0x80, s17, s25, $0xb8;
	[tilespmem:$0x1E0C0] =	vst v63  }
0x21e: {  	_ =	swait.ge [sflag:s15], $0x2000  }
0x21f: {  	[sflag:s15] =	ssyncset.done $0x0  }
0x220: {  	s12 =	simm.s32 $0x800;
	s14 =	simm.s32 $0x500;
	[sflag:s15] =	ssyncadd.s32 $0xFFFFE000  }
.LBB2_8:
0x221: {  	[tilespmem:s29], [sflag:$0x3] =	stream.indirect.gather [hbm4b:s1+s25], $0x80, s14, s25, $0xb8;
	[tilespmem:$0x1E0C0] =	vst v63  }
0x222: {  	s14 =	smov.u32 s12  }
0x223: {  	p1 =	sne.s32 s12, $0x3800;
	s12 =	sadd.s32 $0x800, s12;
	_ =	swait.ge [sflag:s30], $0x2000  }
0x224: {  	s14 =	sshra.s32 s14, $0x2;
	[sflag:s30] =	ssyncset.done $0x0  }
0x225: {  	s16 =	sadd.s32 $0x1600, s14;
	[sflag:s30] =	ssyncadd.s32 $0xFFFFE000  }
0x226: {  	[spmem:s2] =	stream.indirect.scatter.add.f32 [tilespmem:s26], [sflag:$0x5], $0x80, s16, s25, $0xb8;
	[tilespmem:$0x1E0C0] =	vst v63  }
0x227: {  	_ =	swait.ge [sflag:s20], $0x2000  }
0x228: {  	[sflag:s20] =	ssyncset.done $0x0  }
0x229: {  	s16 =	sadd.s32 $0x380, s14;
	[sflag:s20] =	ssyncadd.s32 $0xFFFFE000  }
0x22a: {  	[tilespmem:s0], [sflag:$0x4] =	stream.indirect.gather [hbm4b:s1+s25], $0x80, s16, s25, $0xb8;
	[tilespmem:$0x1E0C0] =	vst v63  }
0x22b: {  	_ =	swait.ge [sflag:s4], $0x2000  }
0x22c: {  	[sflag:s4] =	ssyncset.done $0x0  }
0x22d: {  	s16 =	sadd.s32 $0x1680, s14;
	[sflag:s4] =	ssyncadd.s32 $0xFFFFE000  }
0x22e: {  	[spmem:s2] =	stream.indirect.scatter.add.f32 [tilespmem:s28], [sflag:$0x6], $0x80, s16, s25, $0xb8;
	[tilespmem:$0x1E0C0] =	vst v63  }
0x22f: {  	_ =	swait.ge [sflag:s7], $0x2000  }
0x230: {  	[sflag:s7] =	ssyncset.done $0x0  }
0x231: {  	s16 =	sadd.s32 $0x400, s14;
	[sflag:s7] =	ssyncadd.s32 $0xFFFFE000  }
0x232: {  	[tilespmem:s26], [sflag:$0x1] =	stream.indirect.gather [hbm4b:s1+s25], $0x80, s16, s25, $0xb8;
	[tilespmem:$0x1E0C0] =	vst v63  }
0x233: {  	_ =	swait.ge [sflag:s9], $0x2000  }
0x234: {  	[sflag:s9] =	ssyncset.done $0x0  }
0x235: {  	s16 =	sadd.s32 $0x1700, s14;
	[sflag:s9] =	ssyncadd.s32 $0xFFFFE000  }
0x236: {  	[spmem:s2] =	stream.indirect.scatter.add.f32 [tilespmem:s29], [sflag:$0x7], $0x80, s16, s25, $0xb8;
	[tilespmem:$0x1E0C0] =	vst v63  }
0x237: {  	_ =	swait.ge [sflag:s11], $0x2000  }
0x238: {  	[sflag:s11] =	ssyncset.done $0x0  }
0x239: {  	s16 =	sadd.s32 $0x480, s14;
	[sflag:s11] =	ssyncadd.s32 $0xFFFFE000  }
0x23a: {  	[tilespmem:s28], [sflag:$0x2] =	stream.indirect.gather [hbm4b:s1+s25], $0x80, s16, s25, $0xb8;
	[tilespmem:$0x1E0C0] =	vst v63  }
0x23b: {  	_ =	swait.ge [sflag:s13], $0x2000  }
0x23c: {  	[sflag:s13] =	ssyncset.done $0x0  }
.Ltmp3:
0x23d: {  	s16 =	sadd.s32 $0x1780, s14;
	[sflag:s13] =	ssyncadd.s32 $0xFFFFE000;
	(pc) =	sbr.rel @p1 .LBB2_8-.Ltmp3, $4  }
0x23e: {  	[spmem:s2] =	stream.indirect.scatter.add.f32 [tilespmem:s0], [sflag:$0x8], $0x80, s16, s25, $0xb8;
	[tilespmem:$0x1E0C0] =	vst v63  }
0x23f: {  	_ =	swait.ge [sflag:s15], $0x2000  }
0x240: {  	[sflag:s15] =	ssyncset.done $0x0  }
0x241: {  	s14 =	sadd.s32 $0x500, s14;
	[sflag:s15] =	ssyncadd.s32 $0xFFFFE000  }
0x242: {  	[tilespmem:s29], [sflag:$0x3] =	stream.indirect.gather [hbm4b:s1+s25], $0x80, s14, s25, $0xb8;
	[tilespmem:$0x1E0C0] =	vst v63  }
0x243: {  	_ =	swait.ge [sflag:s30], $0x2000  }
0x244: {  	[sflag:s30] =	ssyncset.done $0x0  }
0x245: {  	s12 =	simm.s32 $0x2600;
	[sflag:s30] =	ssyncadd.s32 $0xFFFFE000  }
0x246: {  	[spmem:s2] =	stream.indirect.scatter.add.f32 [tilespmem:s26], [sflag:$0x5], $0x80, s12, s25, $0xb8;
	[tilespmem:$0x1E0C0] =	vst v63  }
0x247: {  	_ =	swait.ge [sflag:s20], $0x2000  }
0x248: {  	[sflag:s20] =	ssyncset.done $0x0  }
0x249: {  	[sflag:s20] =	ssyncadd.s32 $0xFFFFE000  }
0x24a: {  	[tilespmem:s0], [sflag:$0x4] =	stream.indirect.gather [hbm4b:s1+s25], $0x80, s18, s25, $0xb8;
	[tilespmem:$0x1E0C0] =	vst v63  }
0x24b: {  	_ =	swait.ge [sflag:s4], $0x2000  }
0x24c: {  	[sflag:s4] =	ssyncset.done $0x0  }
0x24d: {  	[sflag:s4] =	ssyncadd.s32 $0xFFFFE000  }
0x24e: {  	[spmem:s2] =	stream.indirect.scatter.add.f32 [tilespmem:s28], [sflag:$0x6], $0x80, s19, s25, $0xb8;
	[tilespmem:$0x1E0C0] =	vst v63  }
0x24f: {  	_ =	swait.ge [sflag:s7], $0x2000  }
0x250: {  	[sflag:s7] =	ssyncset.done $0x0  }
0x251: {  	[sflag:s7] =	ssyncadd.s32 $0xFFFFE000  }
0x252: {  	_ =	swait.ge [sflag:s9], $0x2000  }
0x253: {  	[sflag:s9] =	ssyncset.done $0x0  }
0x254: {  	[sflag:s9] =	ssyncadd.s32 $0xFFFFE000  }
0x255: {  	[spmem:s2] =	stream.indirect.scatter.add.f32 [tilespmem:s29], [sflag:$0x7], $0x80, s3, s25, $0xb8;
	[tilespmem:$0x1E0C0] =	vst v63  }
0x256: {  	_ =	swait.ge [sflag:s11], $0x2000  }
0x257: {  	[sflag:s11] =	ssyncset.done $0x0  }
0x258: {  	[sflag:s11] =	ssyncadd.s32 $0xFFFFE000  }
0x259: {  	_ =	swait.ge [sflag:s13], $0x2000  }
0x25a: {  	[sflag:s13] =	ssyncset.done $0x0  }
0x25b: {  	[sflag:s13] =	ssyncadd.s32 $0xFFFFE000  }
0x25c: {  	[spmem:s2] =	stream.indirect.scatter.add.f32 [tilespmem:s0], [sflag:$0x8], $0x80, s31, s25, $0xb8;
	[tilespmem:$0x1E0C0] =	vst v63  }
0x25d: {  	_ =	swait.ge [sflag:s15], $0x2000  }
0x25e: {  	[sflag:s15] =	ssyncset.done $0x0  }
0x25f: {  	[sflag:s15] =	ssyncadd.s32 $0xFFFFE000  }
0x260: {  	_ =	swait.ge [sflag:s20], $0x2000  }
0x261: {  	[sflag:s20] =	ssyncset.done $0x0  }
0x262: {  	[sflag:s20] =	ssyncadd.s32 $0xFFFFE000  }
0x263: {  	[bflag:$0x0] =	sbarrier.arrive $0xFFFF  }
0x264: {  	s16 =	rddreg [dreg:$0x12]  }
0x265: {  	[hbm:s16], [sflag:s6] =	dma.local [spmem:s8], $0x2700  }
0x266: {  	_ =	swait.ge [sflag:s23], $0x2700  }
0x267: {  	[sflag:s23] =	ssyncset.done $0x0  }
0x268: {  	s8 =	rddreg [dreg:$0x13];
	[sflag:s23] =	ssyncadd.s32 $0xFFFFD900  }
0x269: {  	[hbm:s8], [sflag:s6] =	dma.local @!p0 [spmem:s10], $0x100  }
0x26a: {  	s8 =	simm.s32 @!p0 $0x9  }
0x26b: {  	_ =	swait.ge @!p0 [sflag:s8], $0x100  }
0x26c: {  	s5 =	sadd.s32 $0x1, s5;
	s17 =	rddreg [dreg:$0x14]  }
0x26d: {  	p1 =	sne.s32 s5, s17  }
.Ltmp4:
0x26e: {  	_ = 	snop;
	(pc) =	sbr.rel @p1 .LBB2_1-.Ltmp4, $3  }
0x26f: {  	_ =	sdelay $0x1  }
0x270: {  	[sflag:s8] =	ssyncset.done @!p0 $0x0  }
0x271: {  	[sflag:s8] =	ssyncadd.s32 @!p0 $0xFFFFFF00  }
0x272: {  	_ =	sfence.sel $0x180000  }
0x273: {  	[bflag:$0x0] =	sbarrier.arrive $0xFFFF  }
0x274: {  	_ =	strace $0x90000047  }
0x275: {  	[bflag:$0x2] =	sbarrier.arrive $0xFFFF  }
0x276: {  	s0 =	rddreg [dreg:$0x5]  }
0x277: {  	s0 =	sadd.s32 @!p0 $0x100000, s0  }
0x278: {  	[sflag:s0] =	ssyncadd.tile.s32 @!p0 $0x1;
	_ =	shalt  }
.Lfunc_end2:
_tile_overlayer_lowered:
.L_overlay_start_2:
0x279: {  	(tag) =	ssettag $0x2  }
0x27a: {  	s0 =	rddreg [dreg:$0x0];
	s2 =	stileid.u32  }
0x27b: {  	s1 =	rddreg [dreg:$0x1];
	p0 =	sne.s32 s2, $0x0  }
0x27c: {  	s3 =	rddreg [dreg:$0x2];
	[bflag:$0x3] =	sbarrier.arrive $0xFFFF;
	s2 =	simm.s32 @!p0 $0x1C09  }
0x27d: {  	[timem:s3], [sflag:s2] =	dma.local @!p0 [hbm:s0], s1  }
0x27e: {  	s0 =	simm.s32 @!p0 $0x9  }
0x27f: {  	_ =	swait.ge @!p0 [sflag:s0], s1  }
0x280: {  	s1 =	ssub.s32 @!p0 $0x0, s1;
	[sflag:s0] =	ssyncset.done @!p0 $0x0  }
0x281: {  	[sflag:s0] =	ssyncadd.s32 @!p0 s1  }
0x282: {  	[bflag:$0x3] =	sbarrier.arrive $0xFFFF  }
0x283: {  	_ =	shalt  }

</sc_bundles>
